<compile_context>
chip_gen: v7x
topology: tpu7x:2x2x1
jax: 0.10.2.dev20260603
libtpu: 0.0.44.dev20260713+nightly
codegen_flags: <defaults>
</compile_context>

<pallas_src>
import functools

import jax
import jax.numpy as jnp
from jax import lax
from jax.experimental import pallas as pl
from jax.experimental.pallas import tpu as pltpu
from jax.experimental.pallas import tpu_sc as plsc

VOCAB_SIZE = 100
NUM_IDS = 327680
NUM_CORES = 2
NUM_SUBCORES = 16
NUM_WORKERS = NUM_CORES * NUM_SUBCORES
TOKENS_PER_WORKER = NUM_IDS // NUM_WORKERS
CHUNK_TOKENS = 512
NUM_ROUNDS = TOKENS_PER_WORKER // CHUNK_TOKENS
CHUNK_WORDS = CHUNK_TOKENS * VOCAB_SIZE
LANES = 16
UNROLL = 4
NBUF = 2
NIDX = NBUF + 1


def _sc_body(ids_hbm, out_hbm, *scratch):
    idx = list(scratch[:NIDX])
    cols = list(scratch[NIDX : NIDX + NBUF])
    sem = list(scratch[NIDX + NBUF :])

    wid = lax.axis_index("s") * NUM_CORES + lax.axis_index("c")
    tok_base = wid * TOKENS_PER_WORKER

    lane = lax.iota(jnp.int32, LANES)
    ones = jnp.full((LANES,), 1, jnp.int32)
    zeros = jnp.full((LANES,), 0, jnp.int32)

    def _zinit(buf):
        def body(i, _):
            for u in range(UNROLL):
                flat = (i * UNROLL + u) * LANES + lane
                plsc.store_scatter(
                    buf, [flat // CHUNK_TOKENS, flat % CHUNK_TOKENS], zeros
                )
            return 0

        lax.fori_loop(0, CHUNK_WORDS // (LANES * UNROLL), body, 0)

    def _scatter(buf, ids_ref, val):
        def body(j, _):
            for u in range(UNROLL):
                t = (j * UNROLL + u) * LANES
                ids16 = ids_ref[pl.ds(t, LANES)]
                plsc.store_scatter(buf, [ids16, t + lane], val)
            return 0

        lax.fori_loop(0, CHUNK_TOKENS // (LANES * UNROLL), body, 0)

    def _load_ids(r):
        tok0 = tok_base + r * CHUNK_TOKENS
        pltpu.sync_copy(ids_hbm.at[pl.ds(tok0, CHUNK_TOKENS)], idx[r % NIDX])

    def _out_slice(r):
        return out_hbm.at[:, pl.ds(tok_base + r * CHUNK_TOKENS, CHUNK_TOKENS)]

    _zinit(cols[0])
    _load_ids(0)

    pending = [None] * NBUF
    for r in range(NUM_ROUNDS):
        b = r % NBUF
        if pending[b] is not None:
            pltpu.make_async_copy(cols[b], _out_slice(pending[b]), sem[b]).wait()
            _scatter(cols[b], idx[pending[b] % NIDX], zeros)
            pending[b] = None
        elif r > 0:
            _zinit(cols[b])
        _scatter(cols[b], idx[r % NIDX], ones)
        pltpu.make_async_copy(cols[b], _out_slice(r), sem[b]).start()
        pending[b] = r
        if r + 1 < NUM_ROUNDS:
            _load_ids(r + 1)
    for b in range(NBUF):
        if pending[b] is not None:
            pltpu.make_async_copy(cols[b], _out_slice(pending[b]), sem[b]).wait()


_sc_call = functools.partial(
    pl.kernel,
    out_type=jax.ShapeDtypeStruct((VOCAB_SIZE, NUM_IDS), jnp.int32),
    mesh=plsc.VectorSubcoreMesh(core_axis_name="c", subcore_axis_name="s"),
    scratch_types=(
        [pltpu.VMEM((CHUNK_TOKENS,), jnp.int32) for _ in range(NIDX)]
        + [pltpu.VMEM((VOCAB_SIZE, CHUNK_TOKENS), jnp.int32) for _ in range(NBUF)]
        + [pltpu.SemaphoreType.DMA for _ in range(NBUF)]
    ),
    compiler_params=pltpu.CompilerParams(needs_layout_passes=False),
)(_sc_body)


def kernel(input):
    return _sc_call(input).T

# --- scband reference (transcript-rebuilt; emitter-appended) ---
"""Pipeline reference for scband-one-hots-7696581394574 (READ-ONLY COPY).

The authoritative reference and input builder live on the scoring server;
editing this copy changes nothing except your own understanding.
"""

import jax, jax.numpy as jnp
import numpy as np

VOCAB = 100
N = 327680


def setup_inputs(seed: int = 0) -> dict:
    key = jax.random.key(seed)
    # The torch module's __encode maps strings -> ids via a vocab dict.
    # Here the ids are pre-encoded integer tokens in [0, VOCAB).
    ids = jax.random.randint(key, (N,), 0, VOCAB, dtype=jnp.int32)
    return {"input": ids}


def reference(input):
    # F.one_hot(ids, num_classes=output_size) -> integer one-hot matrix.
    # lengths is None in this configuration, so no pad_sequence splitting.
    one_hots = jax.nn.one_hot(input, VOCAB, dtype=jnp.int32)
    return one_hots

if __name__ == "__main__":
    import jax
    _d = setup_inputs()
    print(jax.jit(kernel)(*tuple(_d.values())))

</pallas_src>

<mosaic_0001>
#map = affine_map<(d0, d1) -> (0)>
#map1 = affine_map<(d0, d1) -> (0, 0)>
module attributes {stable_mosaic.version = 14 : i64} {
  func.func @_sc_body(%arg0: i32, %arg1: i32, %arg2: memref<327680xi32, #tpu.memory_space<hbm>>, %arg3: memref<100x327680xi32, #tpu.memory_space<hbm>>, %arg4: memref<512xi32, #tpu.memory_space<vmem>>, %arg5: memref<512xi32, #tpu.memory_space<vmem>>, %arg6: memref<512xi32, #tpu.memory_space<vmem>>, %arg7: memref<100x512xi32, #tpu.memory_space<vmem>>, %arg8: memref<100x512xi32, #tpu.memory_space<vmem>>, %arg9: memref<!tpu.dma_semaphore, #tpu.memory_space<semaphore_mem>>, %arg10: memref<!tpu.dma_semaphore, #tpu.memory_space<semaphore_mem>>) attributes {dimension_semantics = [#tpu.dimension_semantics<core_parallel>, #tpu.dimension_semantics<subcore_parallel>], iteration_bounds = array<i64: 2, 16>, scalar_prefetch = 0 : i64, scratch_operands = 7 : i64, tpu.core_type = #tpu.core_type<sc_vector_subcore>, window_params = [{transform_indices = #map}, {transform_indices = #map1}]} {
    %mul3A = arith.constant 2 : i32
    %mul3A_0 = arith.muli %arg1, %mul3A : i32
    %add3A = arith.addi %mul3A_0, %arg0 : i32
    %mul3A_1 = arith.constant 10240 : i32
    %mul3A_2 = arith.muli %add3A, %mul3A_1 : i32
    %iota3A = tpu.iota {dimensions = array<i32: 0>} : vector<16xi32>
    %broadcast_in_dim3A = arith.constant 1 : i32
    %broadcast_in_dim3A_3 = vector.broadcast %broadcast_in_dim3A : i32 to vector<16xi32>
    %broadcast_in_dim3A_4 = arith.constant 0 : i32
    %broadcast_in_dim3A_5 = vector.broadcast %broadcast_in_dim3A_4 : i32 to vector<16xi32>
    %scan3A = arith.constant 0 : i32
    %scan3A_6 = arith.constant 0 : i32
    %scan3A_7 = arith.constant 800 : i32
    %scan3A_8 = arith.addi %scan3A_6, %scan3A_7 : i32
    %scan3A_9 = arith.constant 1 : i32
    %scan3A_10 = scf.for %scan3A_563 = %scan3A_6 to %scan3A_8 step %scan3A_9 iter_args(%scan3A_564 = %scan3A) -> (i32)  : i32 {
      %mul3A_565 = arith.constant 4 : i32
      %mul3A_566 = arith.muli %scan3A_563, %mul3A_565 : i32
      %add3A_567 = arith.constant 0 : i32
      %add3A_568 = arith.addi %mul3A_566, %add3A_567 : i32
      %mul3A_569 = arith.constant 16 : i32
      %mul3A_570 = arith.muli %add3A_568, %mul3A_569 : i32
      %add3A_571 = vector.broadcast %mul3A_570 : i32 to vector<16xi32>
      %add3A_572 = arith.addi %add3A_571, %iota3A : vector<16xi32>
      %jit3A = arith.constant 512 : i32
      %div3A = vector.broadcast %jit3A : i32 to vector<16xi32>
      %div3A_573 = arith.divsi %add3A_572, %div3A : vector<16xi32>
      %sign3A = arith.constant 0 : i32
      %sign3A_574 = vector.broadcast %sign3A : i32 to vector<16xi32>
      %sign3A_575 = arith.cmpi sgt, %add3A_572, %sign3A_574 : vector<16xi32>
      %sign3A_576 = arith.extui %sign3A_575 : vector<16xi1> to vector<16xi32>
      %sign3A_577 = arith.constant 0 : i32
      %sign3A_578 = vector.broadcast %sign3A_577 : i32 to vector<16xi32>
      %sign3A_579 = arith.cmpi slt, %add3A_572, %sign3A_578 : vector<16xi32>
      %sign3A_580 = arith.extui %sign3A_579 : vector<16xi1> to vector<16xi32>
      %sign3A_581 = arith.subi %sign3A_576, %sign3A_580 : vector<16xi32>
      %sign3A_582 = arith.constant 0 : i32
      %sign3A_583 = arith.cmpi sgt, %jit3A, %sign3A_582 : i32
      %sign3A_584 = arith.extui %sign3A_583 : i1 to i32
      %sign3A_585 = arith.constant 0 : i32
      %sign3A_586 = arith.cmpi slt, %jit3A, %sign3A_585 : i32
      %sign3A_587 = arith.extui %sign3A_586 : i1 to i32
      %sign3A_588 = arith.subi %sign3A_584, %sign3A_587 : i32
      %ne3A = vector.broadcast %sign3A_588 : i32 to vector<16xi32>
      %ne3A_589 = arith.cmpi ne, %sign3A_581, %ne3A : vector<16xi32>
      %rem3A = vector.broadcast %jit3A : i32 to vector<16xi32>
      %rem3A_590 = arith.remsi %add3A_572, %rem3A : vector<16xi32>
      %ne3A_591 = arith.constant 0 : i32
      %ne3A_592 = vector.broadcast %ne3A_591 : i32 to vector<16xi32>
      %ne3A_593 = arith.cmpi ne, %rem3A_590, %ne3A_592 : vector<16xi32>
      %and3A = arith.andi %ne3A_589, %ne3A_593 : vector<16xi1>
      %sub3A = arith.constant 1 : i32
      %sub3A_594 = vector.broadcast %sub3A : i32 to vector<16xi32>
      %sub3A_595 = arith.subi %div3A_573, %sub3A_594 : vector<16xi32>
      %select_n3A = arith.select %and3A, %sub3A_595, %div3A_573 : vector<16xi1>, vector<16xi32>
      %jit3A_596 = arith.constant 512 : i32
      %eq3A = arith.constant 0 : i32
      %eq3A_597 = arith.cmpi eq, %jit3A_596, %eq3A : i32
      %jit3A_598 = arith.constant 1 : i32
      %select_n3A_599 = arith.select %eq3A_597, %jit3A_598, %jit3A_596 : i32
      %rem3A_600 = vector.broadcast %select_n3A_599 : i32 to vector<16xi32>
      %rem3A_601 = arith.remsi %add3A_572, %rem3A_600 : vector<16xi32>
      %ne3A_602 = arith.constant 0 : i32
      %ne3A_603 = vector.broadcast %ne3A_602 : i32 to vector<16xi32>
      %ne3A_604 = arith.cmpi ne, %rem3A_601, %ne3A_603 : vector<16xi32>
      %lt3A = arith.constant 0 : i32
      %lt3A_605 = vector.broadcast %lt3A : i32 to vector<16xi32>
      %lt3A_606 = arith.cmpi slt, %rem3A_601, %lt3A_605 : vector<16xi32>
      %lt3A_607 = arith.constant 0 : i32
      %lt3A_608 = arith.cmpi slt, %select_n3A_599, %lt3A_607 : i32
      %ne3A_609 = vector.broadcast %lt3A_608 : i1 to vector<16xi1>
      %ne3A_610 = vector.broadcast %ne3A_609 : vector<16xi1> to vector<16xi1>
      %ne3A_611 = arith.xori %lt3A_606, %ne3A_610 : vector<16xi1>
      %and3A_612 = arith.andi %ne3A_611, %ne3A_604 : vector<16xi1>
      %add3A_613 = vector.broadcast %select_n3A_599 : i32 to vector<16xi32>
      %add3A_614 = arith.addi %rem3A_601, %add3A_613 : vector<16xi32>
      %select_n3A_615 = arith.select %and3A_612, %add3A_614, %rem3A_601 : vector<16xi1>, vector<16xi32>
      tpu.vector_store_idx %arg7[%select_n3A, %select_n3A_615], %broadcast_in_dim3A_5 : memref<100x512xi32, #tpu.memory_space<vmem>>[vector<16xi32>, vector<16xi32>], vector<16xi32>,
      %mul3A_616 = arith.constant 4 : i32
      %mul3A_617 = arith.muli %scan3A_563, %mul3A_616 : i32
      %add3A_618 = arith.constant 1 : i32
      %add3A_619 = arith.addi %mul3A_617, %add3A_618 : i32
      %mul3A_620 = arith.constant 16 : i32
      %mul3A_621 = arith.muli %add3A_619, %mul3A_620 : i32
      %add3A_622 = vector.broadcast %mul3A_621 : i32 to vector<16xi32>
      %add3A_623 = arith.addi %add3A_622, %iota3A : vector<16xi32>
      %jit3A_624 = arith.constant 512 : i32
      %div3A_625 = vector.broadcast %jit3A_624 : i32 to vector<16xi32>
      %div3A_626 = arith.divsi %add3A_623, %div3A_625 : vector<16xi32>
      %sign3A_627 = arith.constant 0 : i32
      %sign3A_628 = vector.broadcast %sign3A_627 : i32 to vector<16xi32>
      %sign3A_629 = arith.cmpi sgt, %add3A_623, %sign3A_628 : vector<16xi32>
      %sign3A_630 = arith.extui %sign3A_629 : vector<16xi1> to vector<16xi32>
      %sign3A_631 = arith.constant 0 : i32
      %sign3A_632 = vector.broadcast %sign3A_631 : i32 to vector<16xi32>
      %sign3A_633 = arith.cmpi slt, %add3A_623, %sign3A_632 : vector<16xi32>
      %sign3A_634 = arith.extui %sign3A_633 : vector<16xi1> to vector<16xi32>
      %sign3A_635 = arith.subi %sign3A_630, %sign3A_634 : vector<16xi32>
      %sign3A_636 = arith.constant 0 : i32
      %sign3A_637 = arith.cmpi sgt, %jit3A_624, %sign3A_636 : i32
      %sign3A_638 = arith.extui %sign3A_637 : i1 to i32
      %sign3A_639 = arith.constant 0 : i32
      %sign3A_640 = arith.cmpi slt, %jit3A_624, %sign3A_639 : i32
      %sign3A_641 = arith.extui %sign3A_640 : i1 to i32
      %sign3A_642 = arith.subi %sign3A_638, %sign3A_641 : i32
      %ne3A_643 = vector.broadcast %sign3A_642 : i32 to vector<16xi32>
      %ne3A_644 = arith.cmpi ne, %sign3A_635, %ne3A_643 : vector<16xi32>
      %rem3A_645 = vector.broadcast %jit3A_624 : i32 to vector<16xi32>
      %rem3A_646 = arith.remsi %add3A_623, %rem3A_645 : vector<16xi32>
      %ne3A_647 = arith.constant 0 : i32
      %ne3A_648 = vector.broadcast %ne3A_647 : i32 to vector<16xi32>
      %ne3A_649 = arith.cmpi ne, %rem3A_646, %ne3A_648 : vector<16xi32>
      %and3A_650 = arith.andi %ne3A_644, %ne3A_649 : vector<16xi1>
      %sub3A_651 = arith.constant 1 : i32
      %sub3A_652 = vector.broadcast %sub3A_651 : i32 to vector<16xi32>
      %sub3A_653 = arith.subi %div3A_626, %sub3A_652 : vector<16xi32>
      %select_n3A_654 = arith.select %and3A_650, %sub3A_653, %div3A_626 : vector<16xi1>, vector<16xi32>
      %jit3A_655 = arith.constant 512 : i32
      %eq3A_656 = arith.constant 0 : i32
      %eq3A_657 = arith.cmpi eq, %jit3A_655, %eq3A_656 : i32
      %jit3A_658 = arith.constant 1 : i32
      %select_n3A_659 = arith.select %eq3A_657, %jit3A_658, %jit3A_655 : i32
      %rem3A_660 = vector.broadcast %select_n3A_659 : i32 to vector<16xi32>
      %rem3A_661 = arith.remsi %add3A_623, %rem3A_660 : vector<16xi32>
      %ne3A_662 = arith.constant 0 : i32
      %ne3A_663 = vector.broadcast %ne3A_662 : i32 to vector<16xi32>
      %ne3A_664 = arith.cmpi ne, %rem3A_661, %ne3A_663 : vector<16xi32>
      %lt3A_665 = arith.constant 0 : i32
      %lt3A_666 = vector.broadcast %lt3A_665 : i32 to vector<16xi32>
      %lt3A_667 = arith.cmpi slt, %rem3A_661, %lt3A_666 : vector<16xi32>
      %lt3A_668 = arith.constant 0 : i32
      %lt3A_669 = arith.cmpi slt, %select_n3A_659, %lt3A_668 : i32
      %ne3A_670 = vector.broadcast %lt3A_669 : i1 to vector<16xi1>
      %ne3A_671 = vector.broadcast %ne3A_670 : vector<16xi1> to vector<16xi1>
      %ne3A_672 = arith.xori %lt3A_667, %ne3A_671 : vector<16xi1>
      %and3A_673 = arith.andi %ne3A_672, %ne3A_664 : vector<16xi1>
      %add3A_674 = vector.broadcast %select_n3A_659 : i32 to vector<16xi32>
      %add3A_675 = arith.addi %rem3A_661, %add3A_674 : vector<16xi32>
      %select_n3A_676 = arith.select %and3A_673, %add3A_675, %rem3A_661 : vector<16xi1>, vector<16xi32>
      tpu.vector_store_idx %arg7[%select_n3A_654, %select_n3A_676], %broadcast_in_dim3A_5 : memref<100x512xi32, #tpu.memory_space<vmem>>[vector<16xi32>, vector<16xi32>], vector<16xi32>,
      %mul3A_677 = arith.constant 4 : i32
      %mul3A_678 = arith.muli %scan3A_563, %mul3A_677 : i32
      %add3A_679 = arith.constant 2 : i32
      %add3A_680 = arith.addi %mul3A_678, %add3A_679 : i32
      %mul3A_681 = arith.constant 16 : i32
      %mul3A_682 = arith.muli %add3A_680, %mul3A_681 : i32
      %add3A_683 = vector.broadcast %mul3A_682 : i32 to vector<16xi32>
      %add3A_684 = arith.addi %add3A_683, %iota3A : vector<16xi32>
      %jit3A_685 = arith.constant 512 : i32
      %div3A_686 = vector.broadcast %jit3A_685 : i32 to vector<16xi32>
      %div3A_687 = arith.divsi %add3A_684, %div3A_686 : vector<16xi32>
      %sign3A_688 = arith.constant 0 : i32
      %sign3A_689 = vector.broadcast %sign3A_688 : i32 to vector<16xi32>
      %sign3A_690 = arith.cmpi sgt, %add3A_684, %sign3A_689 : vector<16xi32>
      %sign3A_691 = arith.extui %sign3A_690 : vector<16xi1> to vector<16xi32>
      %sign3A_692 = arith.constant 0 : i32
      %sign3A_693 = vector.broadcast %sign3A_692 : i32 to vector<16xi32>
      %sign3A_694 = arith.cmpi slt, %add3A_684, %sign3A_693 : vector<16xi32>
      %sign3A_695 = arith.extui %sign3A_694 : vector<16xi1> to vector<16xi32>
      %sign3A_696 = arith.subi %sign3A_691, %sign3A_695 : vector<16xi32>
      %sign3A_697 = arith.constant 0 : i32
      %sign3A_698 = arith.cmpi sgt, %jit3A_685, %sign3A_697 : i32
      %sign3A_699 = arith.extui %sign3A_698 : i1 to i32
      %sign3A_700 = arith.constant 0 : i32
      %sign3A_701 = arith.cmpi slt, %jit3A_685, %sign3A_700 : i32
      %sign3A_702 = arith.extui %sign3A_701 : i1 to i32
      %sign3A_703 = arith.subi %sign3A_699, %sign3A_702 : i32
      %ne3A_704 = vector.broadcast %sign3A_703 : i32 to vector<16xi32>
      %ne3A_705 = arith.cmpi ne, %sign3A_696, %ne3A_704 : vector<16xi32>
      %rem3A_706 = vector.broadcast %jit3A_685 : i32 to vector<16xi32>
      %rem3A_707 = arith.remsi %add3A_684, %rem3A_706 : vector<16xi32>
      %ne3A_708 = arith.constant 0 : i32
      %ne3A_709 = vector.broadcast %ne3A_708 : i32 to vector<16xi32>
      %ne3A_710 = arith.cmpi ne, %rem3A_707, %ne3A_709 : vector<16xi32>
      %and3A_711 = arith.andi %ne3A_705, %ne3A_710 : vector<16xi1>
      %sub3A_712 = arith.constant 1 : i32
      %sub3A_713 = vector.broadcast %sub3A_712 : i32 to vector<16xi32>
      %sub3A_714 = arith.subi %div3A_687, %sub3A_713 : vector<16xi32>
      %select_n3A_715 = arith.select %and3A_711, %sub3A_714, %div3A_687 : vector<16xi1>, vector<16xi32>
      %jit3A_716 = arith.constant 512 : i32
      %eq3A_717 = arith.constant 0 : i32
      %eq3A_718 = arith.cmpi eq, %jit3A_716, %eq3A_717 : i32
      %jit3A_719 = arith.constant 1 : i32
      %select_n3A_720 = arith.select %eq3A_718, %jit3A_719, %jit3A_716 : i32
      %rem3A_721 = vector.broadcast %select_n3A_720 : i32 to vector<16xi32>
      %rem3A_722 = arith.remsi %add3A_684, %rem3A_721 : vector<16xi32>
      %ne3A_723 = arith.constant 0 : i32
      %ne3A_724 = vector.broadcast %ne3A_723 : i32 to vector<16xi32>
      %ne3A_725 = arith.cmpi ne, %rem3A_722, %ne3A_724 : vector<16xi32>
      %lt3A_726 = arith.constant 0 : i32
      %lt3A_727 = vector.broadcast %lt3A_726 : i32 to vector<16xi32>
      %lt3A_728 = arith.cmpi slt, %rem3A_722, %lt3A_727 : vector<16xi32>
      %lt3A_729 = arith.constant 0 : i32
      %lt3A_730 = arith.cmpi slt, %select_n3A_720, %lt3A_729 : i32
      %ne3A_731 = vector.broadcast %lt3A_730 : i1 to vector<16xi1>
      %ne3A_732 = vector.broadcast %ne3A_731 : vector<16xi1> to vector<16xi1>
      %ne3A_733 = arith.xori %lt3A_728, %ne3A_732 : vector<16xi1>
      %and3A_734 = arith.andi %ne3A_733, %ne3A_725 : vector<16xi1>
      %add3A_735 = vector.broadcast %select_n3A_720 : i32 to vector<16xi32>
      %add3A_736 = arith.addi %rem3A_722, %add3A_735 : vector<16xi32>
      %select_n3A_737 = arith.select %and3A_734, %add3A_736, %rem3A_722 : vector<16xi1>, vector<16xi32>
      tpu.vector_store_idx %arg7[%select_n3A_715, %select_n3A_737], %broadcast_in_dim3A_5 : memref<100x512xi32, #tpu.memory_space<vmem>>[vector<16xi32>, vector<16xi32>], vector<16xi32>,
      %mul3A_738 = arith.constant 4 : i32
      %mul3A_739 = arith.muli %scan3A_563, %mul3A_738 : i32
      %add3A_740 = arith.constant 3 : i32
      %add3A_741 = arith.addi %mul3A_739, %add3A_740 : i32
      %mul3A_742 = arith.constant 16 : i32
      %mul3A_743 = arith.muli %add3A_741, %mul3A_742 : i32
      %add3A_744 = vector.broadcast %mul3A_743 : i32 to vector<16xi32>
      %add3A_745 = arith.addi %add3A_744, %iota3A : vector<16xi32>
      %jit3A_746 = arith.constant 512 : i32
      %div3A_747 = vector.broadcast %jit3A_746 : i32 to vector<16xi32>
      %div3A_748 = arith.divsi %add3A_745, %div3A_747 : vector<16xi32>
      %sign3A_749 = arith.constant 0 : i32
      %sign3A_750 = vector.broadcast %sign3A_749 : i32 to vector<16xi32>
      %sign3A_751 = arith.cmpi sgt, %add3A_745, %sign3A_750 : vector<16xi32>
      %sign3A_752 = arith.extui %sign3A_751 : vector<16xi1> to vector<16xi32>
      %sign3A_753 = arith.constant 0 : i32
      %sign3A_754 = vector.broadcast %sign3A_753 : i32 to vector<16xi32>
      %sign3A_755 = arith.cmpi slt, %add3A_745, %sign3A_754 : vector<16xi32>
      %sign3A_756 = arith.extui %sign3A_755 : vector<16xi1> to vector<16xi32>
      %sign3A_757 = arith.subi %sign3A_752, %sign3A_756 : vector<16xi32>
      %sign3A_758 = arith.constant 0 : i32
      %sign3A_759 = arith.cmpi sgt, %jit3A_746, %sign3A_758 : i32
      %sign3A_760 = arith.extui %sign3A_759 : i1 to i32
      %sign3A_761 = arith.constant 0 : i32
      %sign3A_762 = arith.cmpi slt, %jit3A_746, %sign3A_761 : i32
      %sign3A_763 = arith.extui %sign3A_762 : i1 to i32
      %sign3A_764 = arith.subi %sign3A_760, %sign3A_763 : i32
      %ne3A_765 = vector.broadcast %sign3A_764 : i32 to vector<16xi32>
      %ne3A_766 = arith.cmpi ne, %sign3A_757, %ne3A_765 : vector<16xi32>
      %rem3A_767 = vector.broadcast %jit3A_746 : i32 to vector<16xi32>
      %rem3A_768 = arith.remsi %add3A_745, %rem3A_767 : vector<16xi32>
      %ne3A_769 = arith.constant 0 : i32
      %ne3A_770 = vector.broadcast %ne3A_769 : i32 to vector<16xi32>
      %ne3A_771 = arith.cmpi ne, %rem3A_768, %ne3A_770 : vector<16xi32>
      %and3A_772 = arith.andi %ne3A_766, %ne3A_771 : vector<16xi1>
      %sub3A_773 = arith.constant 1 : i32
      %sub3A_774 = vector.broadcast %sub3A_773 : i32 to vector<16xi32>
      %sub3A_775 = arith.subi %div3A_748, %sub3A_774 : vector<16xi32>
      %select_n3A_776 = arith.select %and3A_772, %sub3A_775, %div3A_748 : vector<16xi1>, vector<16xi32>
      %jit3A_777 = arith.constant 512 : i32
      %eq3A_778 = arith.constant 0 : i32
      %eq3A_779 = arith.cmpi eq, %jit3A_777, %eq3A_778 : i32
      %jit3A_780 = arith.constant 1 : i32
      %select_n3A_781 = arith.select %eq3A_779, %jit3A_780, %jit3A_777 : i32
      %rem3A_782 = vector.broadcast %select_n3A_781 : i32 to vector<16xi32>
      %rem3A_783 = arith.remsi %add3A_745, %rem3A_782 : vector<16xi32>
      %ne3A_784 = arith.constant 0 : i32
      %ne3A_785 = vector.broadcast %ne3A_784 : i32 to vector<16xi32>
      %ne3A_786 = arith.cmpi ne, %rem3A_783, %ne3A_785 : vector<16xi32>
      %lt3A_787 = arith.constant 0 : i32
      %lt3A_788 = vector.broadcast %lt3A_787 : i32 to vector<16xi32>
      %lt3A_789 = arith.cmpi slt, %rem3A_783, %lt3A_788 : vector<16xi32>
      %lt3A_790 = arith.constant 0 : i32
      %lt3A_791 = arith.cmpi slt, %select_n3A_781, %lt3A_790 : i32
      %ne3A_792 = vector.broadcast %lt3A_791 : i1 to vector<16xi1>
      %ne3A_793 = vector.broadcast %ne3A_792 : vector<16xi1> to vector<16xi1>
      %ne3A_794 = arith.xori %lt3A_789, %ne3A_793 : vector<16xi1>
      %and3A_795 = arith.andi %ne3A_794, %ne3A_786 : vector<16xi1>
      %add3A_796 = vector.broadcast %select_n3A_781 : i32 to vector<16xi32>
      %add3A_797 = arith.addi %rem3A_783, %add3A_796 : vector<16xi32>
      %select_n3A_798 = arith.select %and3A_795, %add3A_797, %rem3A_783 : vector<16xi1>, vector<16xi32>
      tpu.vector_store_idx %arg7[%select_n3A_776, %select_n3A_798], %broadcast_in_dim3A_5 : memref<100x512xi32, #tpu.memory_space<vmem>>[vector<16xi32>, vector<16xi32>], vector<16xi32>,
      %scan3A_799 = arith.constant 0 : i32
      scf.yield %scan3A_799 : i32
    }
    %scan3A_11 = arith.constant 800 : i32
    %add3A_12 = arith.constant 0 : i32
    %add3A_13 = arith.addi %mul3A_2, %add3A_12 : i32
    "tpu.region"() ({
      %run_scoped3A = tpu.sem_alloc : memref<!tpu.dma_semaphore, #tpu.memory_space<semaphore_mem>>
      %dma_start3A_563 = tpu.memref_slice %arg2[%add3A_13] : memref<327680xi32, #tpu.memory_space<hbm>> -> memref<512xi32, #tpu.memory_space<hbm>>
      %dma_start3A_564 = tpu.memref_slice %arg2[%add3A_13] : memref<327680xi32, #tpu.memory_space<hbm>> -> memref<512xi32, #tpu.memory_space<hbm>>
      tpu.enqueue_dma source(%dma_start3A_564 : memref<512xi32, #tpu.memory_space<hbm>>) target(%arg4 : memref<512xi32, #tpu.memory_space<vmem>>) target_semaphore(%run_scoped3A : memref<!tpu.dma_semaphore, #tpu.memory_space<semaphore_mem>>)
      %dma_wait3A_565 = tpu.memref_slice %arg2[%add3A_13] : memref<327680xi32, #tpu.memory_space<hbm>> -> memref<512xi32, #tpu.memory_space<hbm>>
      %dma_wait3A_566 = tpu.memref_slice %arg2[%add3A_13] : memref<327680xi32, #tpu.memory_space<hbm>> -> memref<512xi32, #tpu.memory_space<hbm>>
      tpu.wait_dma2 semaphore(%run_scoped3A : memref<!tpu.dma_semaphore, #tpu.memory_space<semaphore_mem>>) src(%dma_wait3A_566 : memref<512xi32, #tpu.memory_space<hbm>>) dst(%arg4 : memref<512xi32, #tpu.memory_space<vmem>>)
      tpu.yield
    }) : () -> ()
    %scan3A_14 = arith.constant 0 : i32
    %scan3A_15 = arith.constant 0 : i32
    %scan3A_16 = arith.constant 8 : i32
    %scan3A_17 = arith.addi %scan3A_15, %scan3A_16 : i32
    %scan3A_18 = arith.constant 1 : i32
    %scan3A_19 = scf.for %scan3A_563 = %scan3A_15 to %scan3A_17 step %scan3A_18 iter_args(%scan3A_564 = %scan3A_14) -> (i32)  : i32 {
      %mul3A_565 = arith.constant 4 : i32
      %mul3A_566 = arith.muli %scan3A_563, %mul3A_565 : i32
      %add3A_567 = arith.constant 0 : i32
      %add3A_568 = arith.addi %mul3A_566, %add3A_567 : i32
      %mul3A_569 = arith.constant 16 : i32
      %mul3A_570 = arith.muli %add3A_568, %mul3A_569 : i32
      %get3A = arith.index_cast %mul3A_570 : i32 to index
      %get3A_571 = tpu.vector_load %arg4[%get3A] {strides = array<i32>} : memref<512xi32, #tpu.memory_space<vmem>>, vector<16xi32>,
      %add3A_572 = vector.broadcast %mul3A_570 : i32 to vector<16xi32>
      %add3A_573 = arith.addi %add3A_572, %iota3A : vector<16xi32>
      tpu.vector_store_idx %arg7[%get3A_571, %add3A_573], %broadcast_in_dim3A_3 : memref<100x512xi32, #tpu.memory_space<vmem>>[vector<16xi32>, vector<16xi32>], vector<16xi32>,
      %mul3A_574 = arith.constant 4 : i32
      %mul3A_575 = arith.muli %scan3A_563, %mul3A_574 : i32
      %add3A_576 = arith.constant 1 : i32
      %add3A_577 = arith.addi %mul3A_575, %add3A_576 : i32
      %mul3A_578 = arith.constant 16 : i32
      %mul3A_579 = arith.muli %add3A_577, %mul3A_578 : i32
      %get3A_580 = arith.index_cast %mul3A_579 : i32 to index
      %get3A_581 = tpu.vector_load %arg4[%get3A_580] {strides = array<i32>} : memref<512xi32, #tpu.memory_space<vmem>>, vector<16xi32>,
      %add3A_582 = vector.broadcast %mul3A_579 : i32 to vector<16xi32>
      %add3A_583 = arith.addi %add3A_582, %iota3A : vector<16xi32>
      tpu.vector_store_idx %arg7[%get3A_581, %add3A_583], %broadcast_in_dim3A_3 : memref<100x512xi32, #tpu.memory_space<vmem>>[vector<16xi32>, vector<16xi32>], vector<16xi32>,
      %mul3A_584 = arith.constant 4 : i32
      %mul3A_585 = arith.muli %scan3A_563, %mul3A_584 : i32
      %add3A_586 = arith.constant 2 : i32
      %add3A_587 = arith.addi %mul3A_585, %add3A_586 : i32
      %mul3A_588 = arith.constant 16 : i32
      %mul3A_589 = arith.muli %add3A_587, %mul3A_588 : i32
      %get3A_590 = arith.index_cast %mul3A_589 : i32 to index
      %get3A_591 = tpu.vector_load %arg4[%get3A_590] {strides = array<i32>} : memref<512xi32, #tpu.memory_space<vmem>>, vector<16xi32>,
      %add3A_592 = vector.broadcast %mul3A_589 : i32 to vector<16xi32>
      %add3A_593 = arith.addi %add3A_592, %iota3A : vector<16xi32>
      tpu.vector_store_idx %arg7[%get3A_591, %add3A_593], %broadcast_in_dim3A_3 : memref<100x512xi32, #tpu.memory_space<vmem>>[vector<16xi32>, vector<16xi32>], vector<16xi32>,
      %mul3A_594 = arith.constant 4 : i32
      %mul3A_595 = arith.muli %scan3A_563, %mul3A_594 : i32
      %add3A_596 = arith.constant 3 : i32
      %add3A_597 = arith.addi %mul3A_595, %add3A_596 : i32
      %mul3A_598 = arith.constant 16 : i32
      %mul3A_599 = arith.muli %add3A_597, %mul3A_598 : i32
      %get3A_600 = arith.index_cast %mul3A_599 : i32 to index
      %get3A_601 = tpu.vector_load %arg4[%get3A_600] {strides = array<i32>} : memref<512xi32, #tpu.memory_space<vmem>>, vector<16xi32>,
      %add3A_602 = vector.broadcast %mul3A_599 : i32 to vector<16xi32>
      %add3A_603 = arith.addi %add3A_602, %iota3A : vector<16xi32>
      tpu.vector_store_idx %arg7[%get3A_601, %add3A_603], %broadcast_in_dim3A_3 : memref<100x512xi32, #tpu.memory_space<vmem>>[vector<16xi32>, vector<16xi32>], vector<16xi32>,
      %scan3A_604 = arith.constant 0 : i32
      scf.yield %scan3A_604 : i32
    }
    %scan3A_20 = arith.constant 8 : i32
    %add3A_21 = arith.constant 0 : i32
    %add3A_22 = arith.addi %mul3A_2, %add3A_21 : i32
    %dma_start3A = arith.constant 0 : i32
    %dma_start3A_23 = tpu.memref_slice %arg3[%dma_start3A, %add3A_22] : memref<100x327680xi32, #tpu.memory_space<hbm>> -> memref<100x512xi32, #tpu.memory_space<hbm>>
    %dma_start3A_24 = arith.constant 0 : i32
    %dma_start3A_25 = tpu.memref_slice %arg3[%dma_start3A_24, %add3A_22] : memref<100x327680xi32, #tpu.memory_space<hbm>> -> memref<100x512xi32, #tpu.memory_space<hbm>>
    tpu.enqueue_dma source(%arg7 : memref<100x512xi32, #tpu.memory_space<vmem>>) target(%dma_start3A_25 : memref<100x512xi32, #tpu.memory_space<hbm>>) target_semaphore(%arg9 : memref<!tpu.dma_semaphore, #tpu.memory_space<semaphore_mem>>)
    %add3A_26 = arith.constant 512 : i32
    %add3A_27 = arith.addi %mul3A_2, %add3A_26 : i32
    "tpu.region"() ({
      %run_scoped3A = tpu.sem_alloc : memref<!tpu.dma_semaphore, #tpu.memory_space<semaphore_mem>>
      %dma_start3A_563 = tpu.memref_slice %arg2[%add3A_27] : memref<327680xi32, #tpu.memory_space<hbm>> -> memref<512xi32, #tpu.memory_space<hbm>>
      %dma_start3A_564 = tpu.memref_slice %arg2[%add3A_27] : memref<327680xi32, #tpu.memory_space<hbm>> -> memref<512xi32, #tpu.memory_space<hbm>>
      tpu.enqueue_dma source(%dma_start3A_564 : memref<512xi32, #tpu.memory_space<hbm>>) target(%arg5 : memref<512xi32, #tpu.memory_space<vmem>>) target_semaphore(%run_scoped3A : memref<!tpu.dma_semaphore, #tpu.memory_space<semaphore_mem>>)
      %dma_wait3A_565 = tpu.memref_slice %arg2[%add3A_27] : memref<327680xi32, #tpu.memory_space<hbm>> -> memref<512xi32, #tpu.memory_space<hbm>>
      %dma_wait3A_566 = tpu.memref_slice %arg2[%add3A_27] : memref<327680xi32, #tpu.memory_space<hbm>> -> memref<512xi32, #tpu.memory_space<hbm>>
      tpu.wait_dma2 semaphore(%run_scoped3A : memref<!tpu.dma_semaphore, #tpu.memory_space<semaphore_mem>>) src(%dma_wait3A_566 : memref<512xi32, #tpu.memory_space<hbm>>) dst(%arg5 : memref<512xi32, #tpu.memory_space<vmem>>)
      tpu.yield
    }) : () -> ()
    %scan3A_28 = arith.constant 0 : i32
    %scan3A_29 = arith.constant 0 : i32
    %scan3A_30 = arith.constant 800 : i32
    %scan3A_31 = arith.addi %scan3A_29, %scan3A_30 : i32
    %scan3A_32 = arith.constant 1 : i32
    %scan3A_33 = scf.for %scan3A_563 = %scan3A_29 to %scan3A_31 step %scan3A_32 iter_args(%scan3A_564 = %scan3A_28) -> (i32)  : i32 {
      %mul3A_565 = arith.constant 4 : i32
      %mul3A_566 = arith.muli %scan3A_563, %mul3A_565 : i32
      %add3A_567 = arith.constant 0 : i32
      %add3A_568 = arith.addi %mul3A_566, %add3A_567 : i32
      %mul3A_569 = arith.constant 16 : i32
      %mul3A_570 = arith.muli %add3A_568, %mul3A_569 : i32
      %add3A_571 = vector.broadcast %mul3A_570 : i32 to vector<16xi32>
      %add3A_572 = arith.addi %add3A_571, %iota3A : vector<16xi32>
      %jit3A = arith.constant 512 : i32
      %div3A = vector.broadcast %jit3A : i32 to vector<16xi32>
      %div3A_573 = arith.divsi %add3A_572, %div3A : vector<16xi32>
      %sign3A = arith.constant 0 : i32
      %sign3A_574 = vector.broadcast %sign3A : i32 to vector<16xi32>
      %sign3A_575 = arith.cmpi sgt, %add3A_572, %sign3A_574 : vector<16xi32>
      %sign3A_576 = arith.extui %sign3A_575 : vector<16xi1> to vector<16xi32>
      %sign3A_577 = arith.constant 0 : i32
      %sign3A_578 = vector.broadcast %sign3A_577 : i32 to vector<16xi32>
      %sign3A_579 = arith.cmpi slt, %add3A_572, %sign3A_578 : vector<16xi32>
      %sign3A_580 = arith.extui %sign3A_579 : vector<16xi1> to vector<16xi32>
      %sign3A_581 = arith.subi %sign3A_576, %sign3A_580 : vector<16xi32>
      %sign3A_582 = arith.constant 0 : i32
      %sign3A_583 = arith.cmpi sgt, %jit3A, %sign3A_582 : i32
      %sign3A_584 = arith.extui %sign3A_583 : i1 to i32
      %sign3A_585 = arith.constant 0 : i32
      %sign3A_586 = arith.cmpi slt, %jit3A, %sign3A_585 : i32
      %sign3A_587 = arith.extui %sign3A_586 : i1 to i32
      %sign3A_588 = arith.subi %sign3A_584, %sign3A_587 : i32
      %ne3A = vector.broadcast %sign3A_588 : i32 to vector<16xi32>
      %ne3A_589 = arith.cmpi ne, %sign3A_581, %ne3A : vector<16xi32>
      %rem3A = vector.broadcast %jit3A : i32 to vector<16xi32>
      %rem3A_590 = arith.remsi %add3A_572, %rem3A : vector<16xi32>
      %ne3A_591 = arith.constant 0 : i32
      %ne3A_592 = vector.broadcast %ne3A_591 : i32 to vector<16xi32>
      %ne3A_593 = arith.cmpi ne, %rem3A_590, %ne3A_592 : vector<16xi32>
      %and3A = arith.andi %ne3A_589, %ne3A_593 : vector<16xi1>
      %sub3A = arith.constant 1 : i32
      %sub3A_594 = vector.broadcast %sub3A : i32 to vector<16xi32>
      %sub3A_595 = arith.subi %div3A_573, %sub3A_594 : vector<16xi32>
      %select_n3A = arith.select %and3A, %sub3A_595, %div3A_573 : vector<16xi1>, vector<16xi32>
      %jit3A_596 = arith.constant 512 : i32
      %eq3A = arith.constant 0 : i32
      %eq3A_597 = arith.cmpi eq, %jit3A_596, %eq3A : i32
      %jit3A_598 = arith.constant 1 : i32
      %select_n3A_599 = arith.select %eq3A_597, %jit3A_598, %jit3A_596 : i32
      %rem3A_600 = vector.broadcast %select_n3A_599 : i32 to vector<16xi32>
      %rem3A_601 = arith.remsi %add3A_572, %rem3A_600 : vector<16xi32>
      %ne3A_602 = arith.constant 0 : i32
      %ne3A_603 = vector.broadcast %ne3A_602 : i32 to vector<16xi32>
      %ne3A_604 = arith.cmpi ne, %rem3A_601, %ne3A_603 : vector<16xi32>
      %lt3A = arith.constant 0 : i32
      %lt3A_605 = vector.broadcast %lt3A : i32 to vector<16xi32>
      %lt3A_606 = arith.cmpi slt, %rem3A_601, %lt3A_605 : vector<16xi32>
      %lt3A_607 = arith.constant 0 : i32
      %lt3A_608 = arith.cmpi slt, %select_n3A_599, %lt3A_607 : i32
      %ne3A_609 = vector.broadcast %lt3A_608 : i1 to vector<16xi1>
      %ne3A_610 = vector.broadcast %ne3A_609 : vector<16xi1> to vector<16xi1>
      %ne3A_611 = arith.xori %lt3A_606, %ne3A_610 : vector<16xi1>
      %and3A_612 = arith.andi %ne3A_611, %ne3A_604 : vector<16xi1>
      %add3A_613 = vector.broadcast %select_n3A_599 : i32 to vector<16xi32>
      %add3A_614 = arith.addi %rem3A_601, %add3A_613 : vector<16xi32>
      %select_n3A_615 = arith.select %and3A_612, %add3A_614, %rem3A_601 : vector<16xi1>, vector<16xi32>
      tpu.vector_store_idx %arg8[%select_n3A, %select_n3A_615], %broadcast_in_dim3A_5 : memref<100x512xi32, #tpu.memory_space<vmem>>[vector<16xi32>, vector<16xi32>], vector<16xi32>,
      %mul3A_616 = arith.constant 4 : i32
      %mul3A_617 = arith.muli %scan3A_563, %mul3A_616 : i32
      %add3A_618 = arith.constant 1 : i32
      %add3A_619 = arith.addi %mul3A_617, %add3A_618 : i32
      %mul3A_620 = arith.constant 16 : i32
      %mul3A_621 = arith.muli %add3A_619, %mul3A_620 : i32
      %add3A_622 = vector.broadcast %mul3A_621 : i32 to vector<16xi32>
      %add3A_623 = arith.addi %add3A_622, %iota3A : vector<16xi32>
      %jit3A_624 = arith.constant 512 : i32
      %div3A_625 = vector.broadcast %jit3A_624 : i32 to vector<16xi32>
      %div3A_626 = arith.divsi %add3A_623, %div3A_625 : vector<16xi32>
      %sign3A_627 = arith.constant 0 : i32
      %sign3A_628 = vector.broadcast %sign3A_627 : i32 to vector<16xi32>
      %sign3A_629 = arith.cmpi sgt, %add3A_623, %sign3A_628 : vector<16xi32>
      %sign3A_630 = arith.extui %sign3A_629 : vector<16xi1> to vector<16xi32>
      %sign3A_631 = arith.constant 0 : i32
      %sign3A_632 = vector.broadcast %sign3A_631 : i32 to vector<16xi32>
      %sign3A_633 = arith.cmpi slt, %add3A_623, %sign3A_632 : vector<16xi32>
      %sign3A_634 = arith.extui %sign3A_633 : vector<16xi1> to vector<16xi32>
      %sign3A_635 = arith.subi %sign3A_630, %sign3A_634 : vector<16xi32>
      %sign3A_636 = arith.constant 0 : i32
      %sign3A_637 = arith.cmpi sgt, %jit3A_624, %sign3A_636 : i32
      %sign3A_638 = arith.extui %sign3A_637 : i1 to i32
      %sign3A_639 = arith.constant 0 : i32
      %sign3A_640 = arith.cmpi slt, %jit3A_624, %sign3A_639 : i32
      %sign3A_641 = arith.extui %sign3A_640 : i1 to i32
      %sign3A_642 = arith.subi %sign3A_638, %sign3A_641 : i32
      %ne3A_643 = vector.broadcast %sign3A_642 : i32 to vector<16xi32>
      %ne3A_644 = arith.cmpi ne, %sign3A_635, %ne3A_643 : vector<16xi32>
      %rem3A_645 = vector.broadcast %jit3A_624 : i32 to vector<16xi32>
      %rem3A_646 = arith.remsi %add3A_623, %rem3A_645 : vector<16xi32>
      %ne3A_647 = arith.constant 0 : i32
      %ne3A_648 = vector.broadcast %ne3A_647 : i32 to vector<16xi32>
      %ne3A_649 = arith.cmpi ne, %rem3A_646, %ne3A_648 : vector<16xi32>
      %and3A_650 = arith.andi %ne3A_644, %ne3A_649 : vector<16xi1>
      %sub3A_651 = arith.constant 1 : i32
      %sub3A_652 = vector.broadcast %sub3A_651 : i32 to vector<16xi32>
      %sub3A_653 = arith.subi %div3A_626, %sub3A_652 : vector<16xi32>
      %select_n3A_654 = arith.select %and3A_650, %sub3A_653, %div3A_626 : vector<16xi1>, vector<16xi32>
      %jit3A_655 = arith.constant 512 : i32
      %eq3A_656 = arith.constant 0 : i32
      %eq3A_657 = arith.cmpi eq, %jit3A_655, %eq3A_656 : i32
      %jit3A_658 = arith.constant 1 : i32
      %select_n3A_659 = arith.select %eq3A_657, %jit3A_658, %jit3A_655 : i32
      %rem3A_660 = vector.broadcast %select_n3A_659 : i32 to vector<16xi32>
      %rem3A_661 = arith.remsi %add3A_623, %rem3A_660 : vector<16xi32>
      %ne3A_662 = arith.constant 0 : i32
      %ne3A_663 = vector.broadcast %ne3A_662 : i32 to vector<16xi32>
      %ne3A_664 = arith.cmpi ne, %rem3A_661, %ne3A_663 : vector<16xi32>
      %lt3A_665 = arith.constant 0 : i32
      %lt3A_666 = vector.broadcast %lt3A_665 : i32 to vector<16xi32>
      %lt3A_667 = arith.cmpi slt, %rem3A_661, %lt3A_666 : vector<16xi32>
      %lt3A_668 = arith.constant 0 : i32
      %lt3A_669 = arith.cmpi slt, %select_n3A_659, %lt3A_668 : i32
      %ne3A_670 = vector.broadcast %lt3A_669 : i1 to vector<16xi1>
      %ne3A_671 = vector.broadcast %ne3A_670 : vector<16xi1> to vector<16xi1>
      %ne3A_672 = arith.xori %lt3A_667, %ne3A_671 : vector<16xi1>
      %and3A_673 = arith.andi %ne3A_672, %ne3A_664 : vector<16xi1>
      %add3A_674 = vector.broadcast %select_n3A_659 : i32 to vector<16xi32>
      %add3A_675 = arith.addi %rem3A_661, %add3A_674 : vector<16xi32>
      %select_n3A_676 = arith.select %and3A_673, %add3A_675, %rem3A_661 : vector<16xi1>, vector<16xi32>
      tpu.vector_store_idx %arg8[%select_n3A_654, %select_n3A_676], %broadcast_in_dim3A_5 : memref<100x512xi32, #tpu.memory_space<vmem>>[vector<16xi32>, vector<16xi32>], vector<16xi32>,
      %mul3A_677 = arith.constant 4 : i32
      %mul3A_678 = arith.muli %scan3A_563, %mul3A_677 : i32
      %add3A_679 = arith.constant 2 : i32
      %add3A_680 = arith.addi %mul3A_678, %add3A_679 : i32
      %mul3A_681 = arith.constant 16 : i32
      %mul3A_682 = arith.muli %add3A_680, %mul3A_681 : i32
      %add3A_683 = vector.broadcast %mul3A_682 : i32 to vector<16xi32>
      %add3A_684 = arith.addi %add3A_683, %iota3A : vector<16xi32>
      %jit3A_685 = arith.constant 512 : i32
      %div3A_686 = vector.broadcast %jit3A_685 : i32 to vector<16xi32>
      %div3A_687 = arith.divsi %add3A_684, %div3A_686 : vector<16xi32>
      %sign3A_688 = arith.constant 0 : i32
      %sign3A_689 = vector.broadcast %sign3A_688 : i32 to vector<16xi32>
      %sign3A_690 = arith.cmpi sgt, %add3A_684, %sign3A_689 : vector<16xi32>
      %sign3A_691 = arith.extui %sign3A_690 : vector<16xi1> to vector<16xi32>
      %sign3A_692 = arith.constant 0 : i32
      %sign3A_693 = vector.broadcast %sign3A_692 : i32 to vector<16xi32>
      %sign3A_694 = arith.cmpi slt, %add3A_684, %sign3A_693 : vector<16xi32>
      %sign3A_695 = arith.extui %sign3A_694 : vector<16xi1> to vector<16xi32>
      %sign3A_696 = arith.subi %sign3A_691, %sign3A_695 : vector<16xi32>
      %sign3A_697 = arith.constant 0 : i32
      %sign3A_698 = arith.cmpi sgt, %jit3A_685, %sign3A_697 : i32
      %sign3A_699 = arith.extui %sign3A_698 : i1 to i32
      %sign3A_700 = arith.constant 0 : i32
      %sign3A_701 = arith.cmpi slt, %jit3A_685, %sign3A_700 : i32
      %sign3A_702 = arith.extui %sign3A_701 : i1 to i32
      %sign3A_703 = arith.subi %sign3A_699, %sign3A_702 : i32
      %ne3A_704 = vector.broadcast %sign3A_703 : i32 to vector<16xi32>
      %ne3A_705 = arith.cmpi ne, %sign3A_696, %ne3A_704 : vector<16xi32>
      %rem3A_706 = vector.broadcast %jit3A_685 : i32 to vector<16xi32>
      %rem3A_707 = arith.remsi %add3A_684, %rem3A_706 : vector<16xi32>
      %ne3A_708 = arith.constant 0 : i32
      %ne3A_709 = vector.broadcast %ne3A_708 : i32 to vector<16xi32>
      %ne3A_710 = arith.cmpi ne, %rem3A_707, %ne3A_709 : vector<16xi32>
      %and3A_711 = arith.andi %ne3A_705, %ne3A_710 : vector<16xi1>
      %sub3A_712 = arith.constant 1 : i32
      %sub3A_713 = vector.broadcast %sub3A_712 : i32 to vector<16xi32>
      %sub3A_714 = arith.subi %div3A_687, %sub3A_713 : vector<16xi32>
      %select_n3A_715 = arith.select %and3A_711, %sub3A_714, %div3A_687 : vector<16xi1>, vector<16xi32>
      %jit3A_716 = arith.constant 512 : i32
      %eq3A_717 = arith.constant 0 : i32
      %eq3A_718 = arith.cmpi eq, %jit3A_716, %eq3A_717 : i32
      %jit3A_719 = arith.constant 1 : i32
      %select_n3A_720 = arith.select %eq3A_718, %jit3A_719, %jit3A_716 : i32
      %rem3A_721 = vector.broadcast %select_n3A_720 : i32 to vector<16xi32>
      %rem3A_722 = arith.remsi %add3A_684, %rem3A_721 : vector<16xi32>
      %ne3A_723 = arith.constant 0 : i32
      %ne3A_724 = vector.broadcast %ne3A_723 : i32 to vector<16xi32>
      %ne3A_725 = arith.cmpi ne, %rem3A_722, %ne3A_724 : vector<16xi32>
      %lt3A_726 = arith.constant 0 : i32
      %lt3A_727 = vector.broadcast %lt3A_726 : i32 to vector<16xi32>
      %lt3A_728 = arith.cmpi slt, %rem3A_722, %lt3A_727 : vector<16xi32>
      %lt3A_729 = arith.constant 0 : i32
      %lt3A_730 = arith.cmpi slt, %select_n3A_720, %lt3A_729 : i32
      %ne3A_731 = vector.broadcast %lt3A_730 : i1 to vector<16xi1>
      %ne3A_732 = vector.broadcast %ne3A_731 : vector<16xi1> to vector<16xi1>
      %ne3A_733 = arith.xori %lt3A_728, %ne3A_732 : vector<16xi1>
      %and3A_734 = arith.andi %ne3A_733, %ne3A_725 : vector<16xi1>
      %add3A_735 = vector.broadcast %select_n3A_720 : i32 to vector<16xi32>
      %add3A_736 = arith.addi %rem3A_722, %add3A_735 : vector<16xi32>
      %select_n3A_737 = arith.select %and3A_734, %add3A_736, %rem3A_722 : vector<16xi1>, vector<16xi32>
      tpu.vector_store_idx %arg8[%select_n3A_715, %select_n3A_737], %broadcast_in_dim3A_5 : memref<100x512xi32, #tpu.memory_space<vmem>>[vector<16xi32>, vector<16xi32>], vector<16xi32>,
      %mul3A_738 = arith.constant 4 : i32
      %mul3A_739 = arith.muli %scan3A_563, %mul3A_738 : i32
      %add3A_740 = arith.constant 3 : i32
      %add3A_741 = arith.addi %mul3A_739, %add3A_740 : i32
      %mul3A_742 = arith.constant 16 : i32
      %mul3A_743 = arith.muli %add3A_741, %mul3A_742 : i32
      %add3A_744 = vector.broadcast %mul3A_743 : i32 to vector<16xi32>
      %add3A_745 = arith.addi %add3A_744, %iota3A : vector<16xi32>
      %jit3A_746 = arith.constant 512 : i32
      %div3A_747 = vector.broadcast %jit3A_746 : i32 to vector<16xi32>
      %div3A_748 = arith.divsi %add3A_745, %div3A_747 : vector<16xi32>
      %sign3A_749 = arith.constant 0 : i32
      %sign3A_750 = vector.broadcast %sign3A_749 : i32 to vector<16xi32>
      %sign3A_751 = arith.cmpi sgt, %add3A_745, %sign3A_750 : vector<16xi32>
      %sign3A_752 = arith.extui %sign3A_751 : vector<16xi1> to vector<16xi32>
      %sign3A_753 = arith.constant 0 : i32
      %sign3A_754 = vector.broadcast %sign3A_753 : i32 to vector<16xi32>
      %sign3A_755 = arith.cmpi slt, %add3A_745, %sign3A_754 : vector<16xi32>
      %sign3A_756 = arith.extui %sign3A_755 : vector<16xi1> to vector<16xi32>
      %sign3A_757 = arith.subi %sign3A_752, %sign3A_756 : vector<16xi32>
      %sign3A_758 = arith.constant 0 : i32
      %sign3A_759 = arith.cmpi sgt, %jit3A_746, %sign3A_758 : i32
      %sign3A_760 = arith.extui %sign3A_759 : i1 to i32
      %sign3A_761 = arith.constant 0 : i32
      %sign3A_762 = arith.cmpi slt, %jit3A_746, %sign3A_761 : i32
      %sign3A_763 = arith.extui %sign3A_762 : i1 to i32
      %sign3A_764 = arith.subi %sign3A_760, %sign3A_763 : i32
      %ne3A_765 = vector.broadcast %sign3A_764 : i32 to vector<16xi32>
      %ne3A_766 = arith.cmpi ne, %sign3A_757, %ne3A_765 : vector<16xi32>
      %rem3A_767 = vector.broadcast %jit3A_746 : i32 to vector<16xi32>
      %rem3A_768 = arith.remsi %add3A_745, %rem3A_767 : vector<16xi32>
      %ne3A_769 = arith.constant 0 : i32
      %ne3A_770 = vector.broadcast %ne3A_769 : i32 to vector<16xi32>
      %ne3A_771 = arith.cmpi ne, %rem3A_768, %ne3A_770 : vector<16xi32>
      %and3A_772 = arith.andi %ne3A_766, %ne3A_771 : vector<16xi1>
      %sub3A_773 = arith.constant 1 : i32
      %sub3A_774 = vector.broadcast %sub3A_773 : i32 to vector<16xi32>
      %sub3A_775 = arith.subi %div3A_748, %sub3A_774 : vector<16xi32>
      %select_n3A_776 = arith.select %and3A_772, %sub3A_775, %div3A_748 : vector<16xi1>, vector<16xi32>
      %jit3A_777 = arith.constant 512 : i32
      %eq3A_778 = arith.constant 0 : i32
      %eq3A_779 = arith.cmpi eq, %jit3A_777, %eq3A_778 : i32
      %jit3A_780 = arith.constant 1 : i32
      %select_n3A_781 = arith.select %eq3A_779, %jit3A_780, %jit3A_777 : i32
      %rem3A_782 = vector.broadcast %select_n3A_781 : i32 to vector<16xi32>
      %rem3A_783 = arith.remsi %add3A_745, %rem3A_782 : vector<16xi32>
      %ne3A_784 = arith.constant 0 : i32
      %ne3A_785 = vector.broadcast %ne3A_784 : i32 to vector<16xi32>
      %ne3A_786 = arith.cmpi ne, %rem3A_783, %ne3A_785 : vector<16xi32>
      %lt3A_787 = arith.constant 0 : i32
      %lt3A_788 = vector.broadcast %lt3A_787 : i32 to vector<16xi32>
      %lt3A_789 = arith.cmpi slt, %rem3A_783, %lt3A_788 : vector<16xi32>
      %lt3A_790 = arith.constant 0 : i32
      %lt3A_791 = arith.cmpi slt, %select_n3A_781, %lt3A_790 : i32
      %ne3A_792 = vector.broadcast %lt3A_791 : i1 to vector<16xi1>
      %ne3A_793 = vector.broadcast %ne3A_792 : vector<16xi1> to vector<16xi1>
      %ne3A_794 = arith.xori %lt3A_789, %ne3A_793 : vector<16xi1>
      %and3A_795 = arith.andi %ne3A_794, %ne3A_786 : vector<16xi1>
      %add3A_796 = vector.broadcast %select_n3A_781 : i32 to vector<16xi32>
      %add3A_797 = arith.addi %rem3A_783, %add3A_796 : vector<16xi32>
      %select_n3A_798 = arith.select %and3A_795, %add3A_797, %rem3A_783 : vector<16xi1>, vector<16xi32>
      tpu.vector_store_idx %arg8[%select_n3A_776, %select_n3A_798], %broadcast_in_dim3A_5 : memref<100x512xi32, #tpu.memory_space<vmem>>[vector<16xi32>, vector<16xi32>], vector<16xi32>,
      %scan3A_799 = arith.constant 0 : i32
      scf.yield %scan3A_799 : i32
    }
    %scan3A_34 = arith.constant 800 : i32
    %scan3A_35 = arith.constant 0 : i32
    %scan3A_36 = arith.constant 0 : i32
    %scan3A_37 = arith.constant 8 : i32
    %scan3A_38 = arith.addi %scan3A_36, %scan3A_37 : i32
    %scan3A_39 = arith.constant 1 : i32
    %scan3A_40 = scf.for %scan3A_563 = %scan3A_36 to %scan3A_38 step %scan3A_39 iter_args(%scan3A_564 = %scan3A_35) -> (i32)  : i32 {
      %mul3A_565 = arith.constant 4 : i32
      %mul3A_566 = arith.muli %scan3A_563, %mul3A_565 : i32
      %add3A_567 = arith.constant 0 : i32
      %add3A_568 = arith.addi %mul3A_566, %add3A_567 : i32
      %mul3A_569 = arith.constant 16 : i32
      %mul3A_570 = arith.muli %add3A_568, %mul3A_569 : i32
      %get3A = arith.index_cast %mul3A_570 : i32 to index
      %get3A_571 = tpu.vector_load %arg5[%get3A] {strides = array<i32>} : memref<512xi32, #tpu.memory_space<vmem>>, vector<16xi32>,
      %add3A_572 = vector.broadcast %mul3A_570 : i32 to vector<16xi32>
      %add3A_573 = arith.addi %add3A_572, %iota3A : vector<16xi32>
      tpu.vector_store_idx %arg8[%get3A_571, %add3A_573], %broadcast_in_dim3A_3 : memref<100x512xi32, #tpu.memory_space<vmem>>[vector<16xi32>, vector<16xi32>], vector<16xi32>,
      %mul3A_574 = arith.constant 4 : i32
      %mul3A_575 = arith.muli %scan3A_563, %mul3A_574 : i32
      %add3A_576 = arith.constant 1 : i32
      %add3A_577 = arith.addi %mul3A_575, %add3A_576 : i32
      %mul3A_578 = arith.constant 16 : i32
      %mul3A_579 = arith.muli %add3A_577, %mul3A_578 : i32
      %get3A_580 = arith.index_cast %mul3A_579 : i32 to index
      %get3A_581 = tpu.vector_load %arg5[%get3A_580] {strides = array<i32>} : memref<512xi32, #tpu.memory_space<vmem>>, vector<16xi32>,
      %add3A_582 = vector.broadcast %mul3A_579 : i32 to vector<16xi32>
      %add3A_583 = arith.addi %add3A_582, %iota3A : vector<16xi32>
      tpu.vector_store_idx %arg8[%get3A_581, %add3A_583], %broadcast_in_dim3A_3 : memref<100x512xi32, #tpu.memory_space<vmem>>[vector<16xi32>, vector<16xi32>], vector<16xi32>,
      %mul3A_584 = arith.constant 4 : i32
      %mul3A_585 = arith.muli %scan3A_563, %mul3A_584 : i32
      %add3A_586 = arith.constant 2 : i32
      %add3A_587 = arith.addi %mul3A_585, %add3A_586 : i32
      %mul3A_588 = arith.constant 16 : i32
      %mul3A_589 = arith.muli %add3A_587, %mul3A_588 : i32
      %get3A_590 = arith.index_cast %mul3A_589 : i32 to index
      %get3A_591 = tpu.vector_load %arg5[%get3A_590] {strides = array<i32>} : memref<512xi32, #tpu.memory_space<vmem>>, vector<16xi32>,
      %add3A_592 = vector.broadcast %mul3A_589 : i32 to vector<16xi32>
      %add3A_593 = arith.addi %add3A_592, %iota3A : vector<16xi32>
      tpu.vector_store_idx %arg8[%get3A_591, %add3A_593], %broadcast_in_dim3A_3 : memref<100x512xi32, #tpu.memory_space<vmem>>[vector<16xi32>, vector<16xi32>], vector<16xi32>,
      %mul3A_594 = arith.constant 4 : i32
      %mul3A_595 = arith.muli %scan3A_563, %mul3A_594 : i32
      %add3A_596 = arith.constant 3 : i32
      %add3A_597 = arith.addi %mul3A_595, %add3A_596 : i32
      %mul3A_598 = arith.constant 16 : i32
      %mul3A_599 = arith.muli %add3A_597, %mul3A_598 : i32
      %get3A_600 = arith.index_cast %mul3A_599 : i32 to index
      %get3A_601 = tpu.vector_load %arg5[%get3A_600] {strides = array<i32>} : memref<512xi32, #tpu.memory_space<vmem>>, vector<16xi32>,
      %add3A_602 = vector.broadcast %mul3A_599 : i32 to vector<16xi32>
      %add3A_603 = arith.addi %add3A_602, %iota3A : vector<16xi32>
      tpu.vector_store_idx %arg8[%get3A_601, %add3A_603], %broadcast_in_dim3A_3 : memref<100x512xi32, #tpu.memory_space<vmem>>[vector<16xi32>, vector<16xi32>], vector<16xi32>,
      %scan3A_604 = arith.constant 0 : i32
      scf.yield %scan3A_604 : i32
    }
    %scan3A_41 = arith.constant 8 : i32
    %add3A_42 = arith.constant 512 : i32
    %add3A_43 = arith.addi %mul3A_2, %add3A_42 : i32
    %dma_start3A_44 = arith.constant 0 : i32
    %dma_start3A_45 = tpu.memref_slice %arg3[%dma_start3A_44, %add3A_43] : memref<100x327680xi32, #tpu.memory_space<hbm>> -> memref<100x512xi32, #tpu.memory_space<hbm>>
    %dma_start3A_46 = arith.constant 0 : i32
    %dma_start3A_47 = tpu.memref_slice %arg3[%dma_start3A_46, %add3A_43] : memref<100x327680xi32, #tpu.memory_space<hbm>> -> memref<100x512xi32, #tpu.memory_space<hbm>>
    tpu.enqueue_dma source(%arg8 : memref<100x512xi32, #tpu.memory_space<vmem>>) target(%dma_start3A_47 : memref<100x512xi32, #tpu.memory_space<hbm>>) target_semaphore(%arg10 : memref<!tpu.dma_semaphore, #tpu.memory_space<semaphore_mem>>)
    %add3A_48 = arith.constant 1024 : i32
    %add3A_49 = arith.addi %mul3A_2, %add3A_48 : i32
    "tpu.region"() ({
      %run_scoped3A = tpu.sem_alloc : memref<!tpu.dma_semaphore, #tpu.memory_space<semaphore_mem>>
      %dma_start3A_563 = tpu.memref_slice %arg2[%add3A_49] : memref<327680xi32, #tpu.memory_space<hbm>> -> memref<512xi32, #tpu.memory_space<hbm>>
      %dma_start3A_564 = tpu.memref_slice %arg2[%add3A_49] : memref<327680xi32, #tpu.memory_space<hbm>> -> memref<512xi32, #tpu.memory_space<hbm>>
      tpu.enqueue_dma source(%dma_start3A_564 : memref<512xi32, #tpu.memory_space<hbm>>) target(%arg6 : memref<512xi32, #tpu.memory_space<vmem>>) target_semaphore(%run_scoped3A : memref<!tpu.dma_semaphore, #tpu.memory_space<semaphore_mem>>)
      %dma_wait3A_565 = tpu.memref_slice %arg2[%add3A_49] : memref<327680xi32, #tpu.memory_space<hbm>> -> memref<512xi32, #tpu.memory_space<hbm>>
      %dma_wait3A_566 = tpu.memref_slice %arg2[%add3A_49] : memref<327680xi32, #tpu.memory_space<hbm>> -> memref<512xi32, #tpu.memory_space<hbm>>
      tpu.wait_dma2 semaphore(%run_scoped3A : memref<!tpu.dma_semaphore, #tpu.memory_space<semaphore_mem>>) src(%dma_wait3A_566 : memref<512xi32, #tpu.memory_space<hbm>>) dst(%arg6 : memref<512xi32, #tpu.memory_space<vmem>>)
      tpu.yield
    }) : () -> ()
    %add3A_50 = arith.constant 0 : i32
    %add3A_51 = arith.addi %mul3A_2, %add3A_50 : i32
    %dma_wait3A = arith.constant 0 : i32
    %dma_wait3A_52 = tpu.memref_slice %arg3[%dma_wait3A, %add3A_51] : memref<100x327680xi32, #tpu.memory_space<hbm>> -> memref<100x512xi32, #tpu.memory_space<hbm>>
    %dma_wait3A_53 = arith.constant 0 : i32
    %dma_wait3A_54 = tpu.memref_slice %arg3[%dma_wait3A_53, %add3A_51] : memref<100x327680xi32, #tpu.memory_space<hbm>> -> memref<100x512xi32, #tpu.memory_space<hbm>>
    tpu.wait_dma2 semaphore(%arg9 : memref<!tpu.dma_semaphore, #tpu.memory_space<semaphore_mem>>) src(%arg7 : memref<100x512xi32, #tpu.memory_space<vmem>>) dst(%dma_wait3A_54 : memref<100x512xi32, #tpu.memory_space<hbm>>)
    %scan3A_55 = arith.constant 0 : i32
    %scan3A_56 = arith.constant 0 : i32
    %scan3A_57 = arith.constant 8 : i32
    %scan3A_58 = arith.addi %scan3A_56, %scan3A_57 : i32
    %scan3A_59 = arith.constant 1 : i32
    %scan3A_60 = scf.for %scan3A_563 = %scan3A_56 to %scan3A_58 step %scan3A_59 iter_args(%scan3A_564 = %scan3A_55) -> (i32)  : i32 {
      %mul3A_565 = arith.constant 4 : i32
      %mul3A_566 = arith.muli %scan3A_563, %mul3A_565 : i32
      %add3A_567 = arith.constant 0 : i32
      %add3A_568 = arith.addi %mul3A_566, %add3A_567 : i32
      %mul3A_569 = arith.constant 16 : i32
      %mul3A_570 = arith.muli %add3A_568, %mul3A_569 : i32
      %get3A = arith.index_cast %mul3A_570 : i32 to index
      %get3A_571 = tpu.vector_load %arg4[%get3A] {strides = array<i32>} : memref<512xi32, #tpu.memory_space<vmem>>, vector<16xi32>,
      %add3A_572 = vector.broadcast %mul3A_570 : i32 to vector<16xi32>
      %add3A_573 = arith.addi %add3A_572, %iota3A : vector<16xi32>
      tpu.vector_store_idx %arg7[%get3A_571, %add3A_573], %broadcast_in_dim3A_5 : memref<100x512xi32, #tpu.memory_space<vmem>>[vector<16xi32>, vector<16xi32>], vector<16xi32>,
      %mul3A_574 = arith.constant 4 : i32
      %mul3A_575 = arith.muli %scan3A_563, %mul3A_574 : i32
      %add3A_576 = arith.constant 1 : i32
      %add3A_577 = arith.addi %mul3A_575, %add3A_576 : i32
      %mul3A_578 = arith.constant 16 : i32
      %mul3A_579 = arith.muli %add3A_577, %mul3A_578 : i32
      %get3A_580 = arith.index_cast %mul3A_579 : i32 to index
      %get3A_581 = tpu.vector_load %arg4[%get3A_580] {strides = array<i32>} : memref<512xi32, #tpu.memory_space<vmem>>, vector<16xi32>,
      %add3A_582 = vector.broadcast %mul3A_579 : i32 to vector<16xi32>
      %add3A_583 = arith.addi %add3A_582, %iota3A : vector<16xi32>
      tpu.vector_store_idx %arg7[%get3A_581, %add3A_583], %broadcast_in_dim3A_5 : memref<100x512xi32, #tpu.memory_space<vmem>>[vector<16xi32>, vector<16xi32>], vector<16xi32>,
      %mul3A_584 = arith.constant 4 : i32
      %mul3A_585 = arith.muli %scan3A_563, %mul3A_584 : i32
      %add3A_586 = arith.constant 2 : i32
      %add3A_587 = arith.addi %mul3A_585, %add3A_586 : i32
      %mul3A_588 = arith.constant 16 : i32
      %mul3A_589 = arith.muli %add3A_587, %mul3A_588 : i32
      %get3A_590 = arith.index_cast %mul3A_589 : i32 to index
      %get3A_591 = tpu.vector_load %arg4[%get3A_590] {strides = array<i32>} : memref<512xi32, #tpu.memory_space<vmem>>, vector<16xi32>,
      %add3A_592 = vector.broadcast %mul3A_589 : i32 to vector<16xi32>
      %add3A_593 = arith.addi %add3A_592, %iota3A : vector<16xi32>
      tpu.vector_store_idx %arg7[%get3A_591, %add3A_593], %broadcast_in_dim3A_5 : memref<100x512xi32, #tpu.memory_space<vmem>>[vector<16xi32>, vector<16xi32>], vector<16xi32>,
      %mul3A_594 = arith.constant 4 : i32
      %mul3A_595 = arith.muli %scan3A_563, %mul3A_594 : i32
      %add3A_596 = arith.constant 3 : i32
      %add3A_597 = arith.addi %mul3A_595, %add3A_596 : i32
      %mul3A_598 = arith.constant 16 : i32
      %mul3A_599 = arith.muli %add3A_597, %mul3A_598 : i32
      %get3A_600 = arith.index_cast %mul3A_599 : i32 to index
      %get3A_601 = tpu.vector_load %arg4[%get3A_600] {strides = array<i32>} : memref<512xi32, #tpu.memory_space<vmem>>, vector<16xi32>,
      %add3A_602 = vector.broadcast %mul3A_599 : i32 to vector<16xi32>
      %add3A_603 = arith.addi %add3A_602, %iota3A : vector<16xi32>
      tpu.vector_store_idx %arg7[%get3A_601, %add3A_603], %broadcast_in_dim3A_5 : memref<100x512xi32, #tpu.memory_space<vmem>>[vector<16xi32>, vector<16xi32>], vector<16xi32>,
      %scan3A_604 = arith.constant 0 : i32
      scf.yield %scan3A_604 : i32
    }
    %scan3A_61 = arith.constant 8 : i32
    %scan3A_62 = arith.constant 0 : i32
    %scan3A_63 = arith.constant 0 : i32
    %scan3A_64 = arith.constant 8 : i32
    %scan3A_65 = arith.addi %scan3A_63, %scan3A_64 : i32
    %scan3A_66 = arith.constant 1 : i32
    %scan3A_67 = scf.for %scan3A_563 = %scan3A_63 to %scan3A_65 step %scan3A_66 iter_args(%scan3A_564 = %scan3A_62) -> (i32)  : i32 {
      %mul3A_565 = arith.constant 4 : i32
      %mul3A_566 = arith.muli %scan3A_563, %mul3A_565 : i32
      %add3A_567 = arith.constant 0 : i32
      %add3A_568 = arith.addi %mul3A_566, %add3A_567 : i32
      %mul3A_569 = arith.constant 16 : i32
      %mul3A_570 = arith.muli %add3A_568, %mul3A_569 : i32
      %get3A = arith.index_cast %mul3A_570 : i32 to index
      %get3A_571 = tpu.vector_load %arg6[%get3A] {strides = array<i32>} : memref<512xi32, #tpu.memory_space<vmem>>, vector<16xi32>,
      %add3A_572 = vector.broadcast %mul3A_570 : i32 to vector<16xi32>
      %add3A_573 = arith.addi %add3A_572, %iota3A : vector<16xi32>
      tpu.vector_store_idx %arg7[%get3A_571, %add3A_573], %broadcast_in_dim3A_3 : memref<100x512xi32, #tpu.memory_space<vmem>>[vector<16xi32>, vector<16xi32>], vector<16xi32>,
      %mul3A_574 = arith.constant 4 : i32
      %mul3A_575 = arith.muli %scan3A_563, %mul3A_574 : i32
      %add3A_576 = arith.constant 1 : i32
      %add3A_577 = arith.addi %mul3A_575, %add3A_576 : i32
      %mul3A_578 = arith.constant 16 : i32
      %mul3A_579 = arith.muli %add3A_577, %mul3A_578 : i32
      %get3A_580 = arith.index_cast %mul3A_579 : i32 to index
      %get3A_581 = tpu.vector_load %arg6[%get3A_580] {strides = array<i32>} : memref<512xi32, #tpu.memory_space<vmem>>, vector<16xi32>,
      %add3A_582 = vector.broadcast %mul3A_579 : i32 to vector<16xi32>
      %add3A_583 = arith.addi %add3A_582, %iota3A : vector<16xi32>
      tpu.vector_store_idx %arg7[%get3A_581, %add3A_583], %broadcast_in_dim3A_3 : memref<100x512xi32, #tpu.memory_space<vmem>>[vector<16xi32>, vector<16xi32>], vector<16xi32>,
      %mul3A_584 = arith.constant 4 : i32
      %mul3A_585 = arith.muli %scan3A_563, %mul3A_584 : i32
      %add3A_586 = arith.constant 2 : i32
      %add3A_587 = arith.addi %mul3A_585, %add3A_586 : i32
      %mul3A_588 = arith.constant 16 : i32
      %mul3A_589 = arith.muli %add3A_587, %mul3A_588 : i32
      %get3A_590 = arith.index_cast %mul3A_589 : i32 to index
      %get3A_591 = tpu.vector_load %arg6[%get3A_590] {strides = array<i32>} : memref<512xi32, #tpu.memory_space<vmem>>, vector<16xi32>,
      %add3A_592 = vector.broadcast %mul3A_589 : i32 to vector<16xi32>
      %add3A_593 = arith.addi %add3A_592, %iota3A : vector<16xi32>
      tpu.vector_store_idx %arg7[%get3A_591, %add3A_593], %broadcast_in_dim3A_3 : memref<100x512xi32, #tpu.memory_space<vmem>>[vector<16xi32>, vector<16xi32>], vector<16xi32>,
      %mul3A_594 = arith.constant 4 : i32
      %mul3A_595 = arith.muli %scan3A_563, %mul3A_594 : i32
      %add3A_596 = arith.constant 3 : i32
      %add3A_597 = arith.addi %mul3A_595, %add3A_596 : i32
      %mul3A_598 = arith.constant 16 : i32
      %mul3A_599 = arith.muli %add3A_597, %mul3A_598 : i32
      %get3A_600 = arith.index_cast %mul3A_599 : i32 to index
      %get3A_601 = tpu.vector_load %arg6[%get3A_600] {strides = array<i32>} : memref<512xi32, #tpu.memory_space<vmem>>, vector<16xi32>,
      %add3A_602 = vector.broadcast %mul3A_599 : i32 to vector<16xi32>
      %add3A_603 = arith.addi %add3A_602, %iota3A : vector<16xi32>
      tpu.vector_store_idx %arg7[%get3A_601, %add3A_603], %broadcast_in_dim3A_3 : memref<100x512xi32, #tpu.memory_space<vmem>>[vector<16xi32>, vector<16xi32>], vector<16xi32>,
      %scan3A_604 = arith.constant 0 : i32
      scf.yield %scan3A_604 : i32
    }
    %scan3A_68 = arith.constant 8 : i32
    %add3A_69 = arith.constant 1024 : i32
    %add3A_70 = arith.addi %mul3A_2, %add3A_69 : i32
    %dma_start3A_71 = arith.constant 0 : i32
    %dma_start3A_72 = tpu.memref_slice %arg3[%dma_start3A_71, %add3A_70] : memref<100x327680xi32, #tpu.memory_space<hbm>> -> memref<100x512xi32, #tpu.memory_space<hbm>>
    %dma_start3A_73 = arith.constant 0 : i32
    %dma_start3A_74 = tpu.memref_slice %arg3[%dma_start3A_73, %add3A_70] : memref<100x327680xi32, #tpu.memory_space<hbm>> -> memref<100x512xi32, #tpu.memory_space<hbm>>
    tpu.enqueue_dma source(%arg7 : memref<100x512xi32, #tpu.memory_space<vmem>>) target(%dma_start3A_74 : memref<100x512xi32, #tpu.memory_space<hbm>>) target_semaphore(%arg9 : memref<!tpu.dma_semaphore, #tpu.memory_space<semaphore_mem>>)
    %add3A_75 = arith.constant 1536 : i32
    %add3A_76 = arith.addi %mul3A_2, %add3A_75 : i32
    "tpu.region"() ({
      %run_scoped3A = tpu.sem_alloc : memref<!tpu.dma_semaphore, #tpu.memory_space<semaphore_mem>>
      %dma_start3A_563 = tpu.memref_slice %arg2[%add3A_76] : memref<327680xi32, #tpu.memory_space<hbm>> -> memref<512xi32, #tpu.memory_space<hbm>>
      %dma_start3A_564 = tpu.memref_slice %arg2[%add3A_76] : memref<327680xi32, #tpu.memory_space<hbm>> -> memref<512xi32, #tpu.memory_space<hbm>>
      tpu.enqueue_dma source(%dma_start3A_564 : memref<512xi32, #tpu.memory_space<hbm>>) target(%arg4 : memref<512xi32, #tpu.memory_space<vmem>>) target_semaphore(%run_scoped3A : memref<!tpu.dma_semaphore, #tpu.memory_space<semaphore_mem>>)
      %dma_wait3A_565 = tpu.memref_slice %arg2[%add3A_76] : memref<327680xi32, #tpu.memory_space<hbm>> -> memref<512xi32, #tpu.memory_space<hbm>>
      %dma_wait3A_566 = tpu.memref_slice %arg2[%add3A_76] : memref<327680xi32, #tpu.memory_space<hbm>> -> memref<512xi32, #tpu.memory_space<hbm>>
      tpu.wait_dma2 semaphore(%run_scoped3A : memref<!tpu.dma_semaphore, #tpu.memory_space<semaphore_mem>>) src(%dma_wait3A_566 : memref<512xi32, #tpu.memory_space<hbm>>) dst(%arg4 : memref<512xi32, #tpu.memory_space<vmem>>)
      tpu.yield
    }) : () -> ()
    %add3A_77 = arith.constant 512 : i32
    %add3A_78 = arith.addi %mul3A_2, %add3A_77 : i32
    %dma_wait3A_79 = arith.constant 0 : i32
    %dma_wait3A_80 = tpu.memref_slice %arg3[%dma_wait3A_79, %add3A_78] : memref<100x327680xi32, #tpu.memory_space<hbm>> -> memref<100x512xi32, #tpu.memory_space<hbm>>
    %dma_wait3A_81 = arith.constant 0 : i32
    %dma_wait3A_82 = tpu.memref_slice %arg3[%dma_wait3A_81, %add3A_78] : memref<100x327680xi32, #tpu.memory_space<hbm>> -> memref<100x512xi32, #tpu.memory_space<hbm>>
    tpu.wait_dma2 semaphore(%arg10 : memref<!tpu.dma_semaphore, #tpu.memory_space<semaphore_mem>>) src(%arg8 : memref<100x512xi32, #tpu.memory_space<vmem>>) dst(%dma_wait3A_82 : memref<100x512xi32, #tpu.memory_space<hbm>>)
    %scan3A_83 = arith.constant 0 : i32
    %scan3A_84 = arith.constant 0 : i32
    %scan3A_85 = arith.constant 8 : i32
    %scan3A_86 = arith.addi %scan3A_84, %scan3A_85 : i32
    %scan3A_87 = arith.constant 1 : i32
    %scan3A_88 = scf.for %scan3A_563 = %scan3A_84 to %scan3A_86 step %scan3A_87 iter_args(%scan3A_564 = %scan3A_83) -> (i32)  : i32 {
      %mul3A_565 = arith.constant 4 : i32
      %mul3A_566 = arith.muli %scan3A_563, %mul3A_565 : i32
      %add3A_567 = arith.constant 0 : i32
      %add3A_568 = arith.addi %mul3A_566, %add3A_567 : i32
      %mul3A_569 = arith.constant 16 : i32
      %mul3A_570 = arith.muli %add3A_568, %mul3A_569 : i32
      %get3A = arith.index_cast %mul3A_570 : i32 to index
      %get3A_571 = tpu.vector_load %arg5[%get3A] {strides = array<i32>} : memref<512xi32, #tpu.memory_space<vmem>>, vector<16xi32>,
      %add3A_572 = vector.broadcast %mul3A_570 : i32 to vector<16xi32>
      %add3A_573 = arith.addi %add3A_572, %iota3A : vector<16xi32>
      tpu.vector_store_idx %arg8[%get3A_571, %add3A_573], %broadcast_in_dim3A_5 : memref<100x512xi32, #tpu.memory_space<vmem>>[vector<16xi32>, vector<16xi32>], vector<16xi32>,
      %mul3A_574 = arith.constant 4 : i32
      %mul3A_575 = arith.muli %scan3A_563, %mul3A_574 : i32
      %add3A_576 = arith.constant 1 : i32
      %add3A_577 = arith.addi %mul3A_575, %add3A_576 : i32
      %mul3A_578 = arith.constant 16 : i32
      %mul3A_579 = arith.muli %add3A_577, %mul3A_578 : i32
      %get3A_580 = arith.index_cast %mul3A_579 : i32 to index
      %get3A_581 = tpu.vector_load %arg5[%get3A_580] {strides = array<i32>} : memref<512xi32, #tpu.memory_space<vmem>>, vector<16xi32>,
      %add3A_582 = vector.broadcast %mul3A_579 : i32 to vector<16xi32>
      %add3A_583 = arith.addi %add3A_582, %iota3A : vector<16xi32>
      tpu.vector_store_idx %arg8[%get3A_581, %add3A_583], %broadcast_in_dim3A_5 : memref<100x512xi32, #tpu.memory_space<vmem>>[vector<16xi32>, vector<16xi32>], vector<16xi32>,
      %mul3A_584 = arith.constant 4 : i32
      %mul3A_585 = arith.muli %scan3A_563, %mul3A_584 : i32
      %add3A_586 = arith.constant 2 : i32
      %add3A_587 = arith.addi %mul3A_585, %add3A_586 : i32
      %mul3A_588 = arith.constant 16 : i32
      %mul3A_589 = arith.muli %add3A_587, %mul3A_588 : i32
      %get3A_590 = arith.index_cast %mul3A_589 : i32 to index
      %get3A_591 = tpu.vector_load %arg5[%get3A_590] {strides = array<i32>} : memref<512xi32, #tpu.memory_space<vmem>>, vector<16xi32>,
      %add3A_592 = vector.broadcast %mul3A_589 : i32 to vector<16xi32>
      %add3A_593 = arith.addi %add3A_592, %iota3A : vector<16xi32>
      tpu.vector_store_idx %arg8[%get3A_591, %add3A_593], %broadcast_in_dim3A_5 : memref<100x512xi32, #tpu.memory_space<vmem>>[vector<16xi32>, vector<16xi32>], vector<16xi32>,
      %mul3A_594 = arith.constant 4 : i32
      %mul3A_595 = arith.muli %scan3A_563, %mul3A_594 : i32
      %add3A_596 = arith.constant 3 : i32
      %add3A_597 = arith.addi %mul3A_595, %add3A_596 : i32
      %mul3A_598 = arith.constant 16 : i32
      %mul3A_599 = arith.muli %add3A_597, %mul3A_598 : i32
      %get3A_600 = arith.index_cast %mul3A_599 : i32 to index
      %get3A_601 = tpu.vector_load %arg5[%get3A_600] {strides = array<i32>} : memref<512xi32, #tpu.memory_space<vmem>>, vector<16xi32>,
      %add3A_602 = vector.broadcast %mul3A_599 : i32 to vector<16xi32>
      %add3A_603 = arith.addi %add3A_602, %iota3A : vector<16xi32>
      tpu.vector_store_idx %arg8[%get3A_601, %add3A_603], %broadcast_in_dim3A_5 : memref<100x512xi32, #tpu.memory_space<vmem>>[vector<16xi32>, vector<16xi32>], vector<16xi32>,
      %scan3A_604 = arith.constant 0 : i32
      scf.yield %scan3A_604 : i32
    }
    %scan3A_89 = arith.constant 8 : i32
    %scan3A_90 = arith.constant 0 : i32
    %scan3A_91 = arith.constant 0 : i32
    %scan3A_92 = arith.constant 8 : i32
    %scan3A_93 = arith.addi %scan3A_91, %scan3A_92 : i32
    %scan3A_94 = arith.constant 1 : i32
    %scan3A_95 = scf.for %scan3A_563 = %scan3A_91 to %scan3A_93 step %scan3A_94 iter_args(%scan3A_564 = %scan3A_90) -> (i32)  : i32 {
      %mul3A_565 = arith.constant 4 : i32
      %mul3A_566 = arith.muli %scan3A_563, %mul3A_565 : i32
      %add3A_567 = arith.constant 0 : i32
      %add3A_568 = arith.addi %mul3A_566, %add3A_567 : i32
      %mul3A_569 = arith.constant 16 : i32
      %mul3A_570 = arith.muli %add3A_568, %mul3A_569 : i32
      %get3A = arith.index_cast %mul3A_570 : i32 to index
      %get3A_571 = tpu.vector_load %arg4[%get3A] {strides = array<i32>} : memref<512xi32, #tpu.memory_space<vmem>>, vector<16xi32>,
      %add3A_572 = vector.broadcast %mul3A_570 : i32 to vector<16xi32>
      %add3A_573 = arith.addi %add3A_572, %iota3A : vector<16xi32>
      tpu.vector_store_idx %arg8[%get3A_571, %add3A_573], %broadcast_in_dim3A_3 : memref<100x512xi32, #tpu.memory_space<vmem>>[vector<16xi32>, vector<16xi32>], vector<16xi32>,
      %mul3A_574 = arith.constant 4 : i32
      %mul3A_575 = arith.muli %scan3A_563, %mul3A_574 : i32
      %add3A_576 = arith.constant 1 : i32
      %add3A_577 = arith.addi %mul3A_575, %add3A_576 : i32
      %mul3A_578 = arith.constant 16 : i32
      %mul3A_579 = arith.muli %add3A_577, %mul3A_578 : i32
      %get3A_580 = arith.index_cast %mul3A_579 : i32 to index
      %get3A_581 = tpu.vector_load %arg4[%get3A_580] {strides = array<i32>} : memref<512xi32, #tpu.memory_space<vmem>>, vector<16xi32>,
      %add3A_582 = vector.broadcast %mul3A_579 : i32 to vector<16xi32>
      %add3A_583 = arith.addi %add3A_582, %iota3A : vector<16xi32>
      tpu.vector_store_idx %arg8[%get3A_581, %add3A_583], %broadcast_in_dim3A_3 : memref<100x512xi32, #tpu.memory_space<vmem>>[vector<16xi32>, vector<16xi32>], vector<16xi32>,
      %mul3A_584 = arith.constant 4 : i32
      %mul3A_585 = arith.muli %scan3A_563, %mul3A_584 : i32
      %add3A_586 = arith.constant 2 : i32
      %add3A_587 = arith.addi %mul3A_585, %add3A_586 : i32
      %mul3A_588 = arith.constant 16 : i32
      %mul3A_589 = arith.muli %add3A_587, %mul3A_588 : i32
      %get3A_590 = arith.index_cast %mul3A_589 : i32 to index
      %get3A_591 = tpu.vector_load %arg4[%get3A_590] {strides = array<i32>} : memref<512xi32, #tpu.memory_space<vmem>>, vector<16xi32>,
      %add3A_592 = vector.broadcast %mul3A_589 : i32 to vector<16xi32>
      %add3A_593 = arith.addi %add3A_592, %iota3A : vector<16xi32>
      tpu.vector_store_idx %arg8[%get3A_591, %add3A_593], %broadcast_in_dim3A_3 : memref<100x512xi32, #tpu.memory_space<vmem>>[vector<16xi32>, vector<16xi32>], vector<16xi32>,
      %mul3A_594 = arith.constant 4 : i32
      %mul3A_595 = arith.muli %scan3A_563, %mul3A_594 : i32
      %add3A_596 = arith.constant 3 : i32
      %add3A_597 = arith.addi %mul3A_595, %add3A_596 : i32
      %mul3A_598 = arith.constant 16 : i32
      %mul3A_599 = arith.muli %add3A_597, %mul3A_598 : i32
      %get3A_600 = arith.index_cast %mul3A_599 : i32 to index
      %get3A_601 = tpu.vector_load %arg4[%get3A_600] {strides = array<i32>} : memref<512xi32, #tpu.memory_space<vmem>>, vector<16xi32>,
      %add3A_602 = vector.broadcast %mul3A_599 : i32 to vector<16xi32>
      %add3A_603 = arith.addi %add3A_602, %iota3A : vector<16xi32>
      tpu.vector_store_idx %arg8[%get3A_601, %add3A_603], %broadcast_in_dim3A_3 : memref<100x512xi32, #tpu.memory_space<vmem>>[vector<16xi32>, vector<16xi32>], vector<16xi32>,
      %scan3A_604 = arith.constant 0 : i32
      scf.yield %scan3A_604 : i32
    }
    %scan3A_96 = arith.constant 8 : i32
    %add3A_97 = arith.constant 1536 : i32
    %add3A_98 = arith.addi %mul3A_2, %add3A_97 : i32
    %dma_start3A_99 = arith.constant 0 : i32
    %dma_start3A_100 = tpu.memref_slice %arg3[%dma_start3A_99, %add3A_98] : memref<100x327680xi32, #tpu.memory_space<hbm>> -> memref<100x512xi32, #tpu.memory_space<hbm>>
    %dma_start3A_101 = arith.constant 0 : i32
    %dma_start3A_102 = tpu.memref_slice %arg3[%dma_start3A_101, %add3A_98] : memref<100x327680xi32, #tpu.memory_space<hbm>> -> memref<100x512xi32, #tpu.memory_space<hbm>>
    tpu.enqueue_dma source(%arg8 : memref<100x512xi32, #tpu.memory_space<vmem>>) target(%dma_start3A_102 : memref<100x512xi32, #tpu.memory_space<hbm>>) target_semaphore(%arg10 : memref<!tpu.dma_semaphore, #tpu.memory_space<semaphore_mem>>)
    %add3A_103 = arith.constant 2048 : i32
    %add3A_104 = arith.addi %mul3A_2, %add3A_103 : i32
    "tpu.region"() ({
      %run_scoped3A = tpu.sem_alloc : memref<!tpu.dma_semaphore, #tpu.memory_space<semaphore_mem>>
      %dma_start3A_563 = tpu.memref_slice %arg2[%add3A_104] : memref<327680xi32, #tpu.memory_space<hbm>> -> memref<512xi32, #tpu.memory_space<hbm>>
      %dma_start3A_564 = tpu.memref_slice %arg2[%add3A_104] : memref<327680xi32, #tpu.memory_space<hbm>> -> memref<512xi32, #tpu.memory_space<hbm>>
      tpu.enqueue_dma source(%dma_start3A_564 : memref<512xi32, #tpu.memory_space<hbm>>) target(%arg5 : memref<512xi32, #tpu.memory_space<vmem>>) target_semaphore(%run_scoped3A : memref<!tpu.dma_semaphore, #tpu.memory_space<semaphore_mem>>)
      %dma_wait3A_565 = tpu.memref_slice %arg2[%add3A_104] : memref<327680xi32, #tpu.memory_space<hbm>> -> memref<512xi32, #tpu.memory_space<hbm>>
      %dma_wait3A_566 = tpu.memref_slice %arg2[%add3A_104] : memref<327680xi32, #tpu.memory_space<hbm>> -> memref<512xi32, #tpu.memory_space<hbm>>
      tpu.wait_dma2 semaphore(%run_scoped3A : memref<!tpu.dma_semaphore, #tpu.memory_space<semaphore_mem>>) src(%dma_wait3A_566 : memref<512xi32, #tpu.memory_space<hbm>>) dst(%arg5 : memref<512xi32, #tpu.memory_space<vmem>>)
      tpu.yield
    }) : () -> ()
    %add3A_105 = arith.constant 1024 : i32
    %add3A_106 = arith.addi %mul3A_2, %add3A_105 : i32
    %dma_wait3A_107 = arith.constant 0 : i32
    %dma_wait3A_108 = tpu.memref_slice %arg3[%dma_wait3A_107, %add3A_106] : memref<100x327680xi32, #tpu.memory_space<hbm>> -> memref<100x512xi32, #tpu.memory_space<hbm>>
    %dma_wait3A_109 = arith.constant 0 : i32
    %dma_wait3A_110 = tpu.memref_slice %arg3[%dma_wait3A_109, %add3A_106] : memref<100x327680xi32, #tpu.memory_space<hbm>> -> memref<100x512xi32, #tpu.memory_space<hbm>>
    tpu.wait_dma2 semaphore(%arg9 : memref<!tpu.dma_semaphore, #tpu.memory_space<semaphore_mem>>) src(%arg7 : memref<100x512xi32, #tpu.memory_space<vmem>>) dst(%dma_wait3A_110 : memref<100x512xi32, #tpu.memory_space<hbm>>)
    %scan3A_111 = arith.constant 0 : i32
    %scan3A_112 = arith.constant 0 : i32
    %scan3A_113 = arith.constant 8 : i32
    %scan3A_114 = arith.addi %scan3A_112, %scan3A_113 : i32
    %scan3A_115 = arith.constant 1 : i32
    %scan3A_116 = scf.for %scan3A_563 = %scan3A_112 to %scan3A_114 step %scan3A_115 iter_args(%scan3A_564 = %scan3A_111) -> (i32)  : i32 {
      %mul3A_565 = arith.constant 4 : i32
      %mul3A_566 = arith.muli %scan3A_563, %mul3A_565 : i32
      %add3A_567 = arith.constant 0 : i32
      %add3A_568 = arith.addi %mul3A_566, %add3A_567 : i32
      %mul3A_569 = arith.constant 16 : i32
      %mul3A_570 = arith.muli %add3A_568, %mul3A_569 : i32
      %get3A = arith.index_cast %mul3A_570 : i32 to index
      %get3A_571 = tpu.vector_load %arg6[%get3A] {strides = array<i32>} : memref<512xi32, #tpu.memory_space<vmem>>, vector<16xi32>,
      %add3A_572 = vector.broadcast %mul3A_570 : i32 to vector<16xi32>
      %add3A_573 = arith.addi %add3A_572, %iota3A : vector<16xi32>
      tpu.vector_store_idx %arg7[%get3A_571, %add3A_573], %broadcast_in_dim3A_5 : memref<100x512xi32, #tpu.memory_space<vmem>>[vector<16xi32>, vector<16xi32>], vector<16xi32>,
      %mul3A_574 = arith.constant 4 : i32
      %mul3A_575 = arith.muli %scan3A_563, %mul3A_574 : i32
      %add3A_576 = arith.constant 1 : i32
      %add3A_577 = arith.addi %mul3A_575, %add3A_576 : i32
      %mul3A_578 = arith.constant 16 : i32
      %mul3A_579 = arith.muli %add3A_577, %mul3A_578 : i32
      %get3A_580 = arith.index_cast %mul3A_579 : i32 to index
      %get3A_581 = tpu.vector_load %arg6[%get3A_580] {strides = array<i32>} : memref<512xi32, #tpu.memory_space<vmem>>, vector<16xi32>,
      %add3A_582 = vector.broadcast %mul3A_579 : i32 to vector<16xi32>
      %add3A_583 = arith.addi %add3A_582, %iota3A : vector<16xi32>
      tpu.vector_store_idx %arg7[%get3A_581, %add3A_583], %broadcast_in_dim3A_5 : memref<100x512xi32, #tpu.memory_space<vmem>>[vector<16xi32>, vector<16xi32>], vector<16xi32>,
      %mul3A_584 = arith.constant 4 : i32
      %mul3A_585 = arith.muli %scan3A_563, %mul3A_584 : i32
      %add3A_586 = arith.constant 2 : i32
      %add3A_587 = arith.addi %mul3A_585, %add3A_586 : i32
      %mul3A_588 = arith.constant 16 : i32
      %mul3A_589 = arith.muli %add3A_587, %mul3A_588 : i32
      %get3A_590 = arith.index_cast %mul3A_589 : i32 to index
      %get3A_591 = tpu.vector_load %arg6[%get3A_590] {strides = array<i32>} : memref<512xi32, #tpu.memory_space<vmem>>, vector<16xi32>,
      %add3A_592 = vector.broadcast %mul3A_589 : i32 to vector<16xi32>
      %add3A_593 = arith.addi %add3A_592, %iota3A : vector<16xi32>
      tpu.vector_store_idx %arg7[%get3A_591, %add3A_593], %broadcast_in_dim3A_5 : memref<100x512xi32, #tpu.memory_space<vmem>>[vector<16xi32>, vector<16xi32>], vector<16xi32>,
      %mul3A_594 = arith.constant 4 : i32
      %mul3A_595 = arith.muli %scan3A_563, %mul3A_594 : i32
      %add3A_596 = arith.constant 3 : i32
      %add3A_597 = arith.addi %mul3A_595, %add3A_596 : i32
      %mul3A_598 = arith.constant 16 : i32
      %mul3A_599 = arith.muli %add3A_597, %mul3A_598 : i32
      %get3A_600 = arith.index_cast %mul3A_599 : i32 to index
      %get3A_601 = tpu.vector_load %arg6[%get3A_600] {strides = array<i32>} : memref<512xi32, #tpu.memory_space<vmem>>, vector<16xi32>,
      %add3A_602 = vector.broadcast %mul3A_599 : i32 to vector<16xi32>
      %add3A_603 = arith.addi %add3A_602, %iota3A : vector<16xi32>
      tpu.vector_store_idx %arg7[%get3A_601, %add3A_603], %broadcast_in_dim3A_5 : memref<100x512xi32, #tpu.memory_space<vmem>>[vector<16xi32>, vector<16xi32>], vector<16xi32>,
      %scan3A_604 = arith.constant 0 : i32
      scf.yield %scan3A_604 : i32
    }
    %scan3A_117 = arith.constant 8 : i32
    %scan3A_118 = arith.constant 0 : i32
    %scan3A_119 = arith.constant 0 : i32
    %scan3A_120 = arith.constant 8 : i32
    %scan3A_121 = arith.addi %scan3A_119, %scan3A_120 : i32
    %scan3A_122 = arith.constant 1 : i32
    %scan3A_123 = scf.for %scan3A_563 = %scan3A_119 to %scan3A_121 step %scan3A_122 iter_args(%scan3A_564 = %scan3A_118) -> (i32)  : i32 {
      %mul3A_565 = arith.constant 4 : i32
      %mul3A_566 = arith.muli %scan3A_563, %mul3A_565 : i32
      %add3A_567 = arith.constant 0 : i32
      %add3A_568 = arith.addi %mul3A_566, %add3A_567 : i32
      %mul3A_569 = arith.constant 16 : i32
      %mul3A_570 = arith.muli %add3A_568, %mul3A_569 : i32
      %get3A = arith.index_cast %mul3A_570 : i32 to index
      %get3A_571 = tpu.vector_load %arg5[%get3A] {strides = array<i32>} : memref<512xi32, #tpu.memory_space<vmem>>, vector<16xi32>,
      %add3A_572 = vector.broadcast %mul3A_570 : i32 to vector<16xi32>
      %add3A_573 = arith.addi %add3A_572, %iota3A : vector<16xi32>
      tpu.vector_store_idx %arg7[%get3A_571, %add3A_573], %broadcast_in_dim3A_3 : memref<100x512xi32, #tpu.memory_space<vmem>>[vector<16xi32>, vector<16xi32>], vector<16xi32>,
      %mul3A_574 = arith.constant 4 : i32
      %mul3A_575 = arith.muli %scan3A_563, %mul3A_574 : i32
      %add3A_576 = arith.constant 1 : i32
      %add3A_577 = arith.addi %mul3A_575, %add3A_576 : i32
      %mul3A_578 = arith.constant 16 : i32
      %mul3A_579 = arith.muli %add3A_577, %mul3A_578 : i32
      %get3A_580 = arith.index_cast %mul3A_579 : i32 to index
      %get3A_581 = tpu.vector_load %arg5[%get3A_580] {strides = array<i32>} : memref<512xi32, #tpu.memory_space<vmem>>, vector<16xi32>,
      %add3A_582 = vector.broadcast %mul3A_579 : i32 to vector<16xi32>
      %add3A_583 = arith.addi %add3A_582, %iota3A : vector<16xi32>
      tpu.vector_store_idx %arg7[%get3A_581, %add3A_583], %broadcast_in_dim3A_3 : memref<100x512xi32, #tpu.memory_space<vmem>>[vector<16xi32>, vector<16xi32>], vector<16xi32>,
      %mul3A_584 = arith.constant 4 : i32
      %mul3A_585 = arith.muli %scan3A_563, %mul3A_584 : i32
      %add3A_586 = arith.constant 2 : i32
      %add3A_587 = arith.addi %mul3A_585, %add3A_586 : i32
      %mul3A_588 = arith.constant 16 : i32
      %mul3A_589 = arith.muli %add3A_587, %mul3A_588 : i32
      %get3A_590 = arith.index_cast %mul3A_589 : i32 to index
      %get3A_591 = tpu.vector_load %arg5[%get3A_590] {strides = array<i32>} : memref<512xi32, #tpu.memory_space<vmem>>, vector<16xi32>,
      %add3A_592 = vector.broadcast %mul3A_589 : i32 to vector<16xi32>
      %add3A_593 = arith.addi %add3A_592, %iota3A : vector<16xi32>
      tpu.vector_store_idx %arg7[%get3A_591, %add3A_593], %broadcast_in_dim3A_3 : memref<100x512xi32, #tpu.memory_space<vmem>>[vector<16xi32>, vector<16xi32>], vector<16xi32>,
      %mul3A_594 = arith.constant 4 : i32
      %mul3A_595 = arith.muli %scan3A_563, %mul3A_594 : i32
      %add3A_596 = arith.constant 3 : i32
      %add3A_597 = arith.addi %mul3A_595, %add3A_596 : i32
      %mul3A_598 = arith.constant 16 : i32
      %mul3A_599 = arith.muli %add3A_597, %mul3A_598 : i32
      %get3A_600 = arith.index_cast %mul3A_599 : i32 to index
      %get3A_601 = tpu.vector_load %arg5[%get3A_600] {strides = array<i32>} : memref<512xi32, #tpu.memory_space<vmem>>, vector<16xi32>,
      %add3A_602 = vector.broadcast %mul3A_599 : i32 to vector<16xi32>
      %add3A_603 = arith.addi %add3A_602, %iota3A : vector<16xi32>
      tpu.vector_store_idx %arg7[%get3A_601, %add3A_603], %broadcast_in_dim3A_3 : memref<100x512xi32, #tpu.memory_space<vmem>>[vector<16xi32>, vector<16xi32>], vector<16xi32>,
      %scan3A_604 = arith.constant 0 : i32
      scf.yield %scan3A_604 : i32
    }
    %scan3A_124 = arith.constant 8 : i32
    %add3A_125 = arith.constant 2048 : i32
    %add3A_126 = arith.addi %mul3A_2, %add3A_125 : i32
    %dma_start3A_127 = arith.constant 0 : i32
    %dma_start3A_128 = tpu.memref_slice %arg3[%dma_start3A_127, %add3A_126] : memref<100x327680xi32, #tpu.memory_space<hbm>> -> memref<100x512xi32, #tpu.memory_space<hbm>>
    %dma_start3A_129 = arith.constant 0 : i32
    %dma_start3A_130 = tpu.memref_slice %arg3[%dma_start3A_129, %add3A_126] : memref<100x327680xi32, #tpu.memory_space<hbm>> -> memref<100x512xi32, #tpu.memory_space<hbm>>
    tpu.enqueue_dma source(%arg7 : memref<100x512xi32, #tpu.memory_space<vmem>>) target(%dma_start3A_130 : memref<100x512xi32, #tpu.memory_space<hbm>>) target_semaphore(%arg9 : memref<!tpu.dma_semaphore, #tpu.memory_space<semaphore_mem>>)
    %add3A_131 = arith.constant 2560 : i32
    %add3A_132 = arith.addi %mul3A_2, %add3A_131 : i32
    "tpu.region"() ({
      %run_scoped3A = tpu.sem_alloc : memref<!tpu.dma_semaphore, #tpu.memory_space<semaphore_mem>>
      %dma_start3A_563 = tpu.memref_slice %arg2[%add3A_132] : memref<327680xi32, #tpu.memory_space<hbm>> -> memref<512xi32, #tpu.memory_space<hbm>>
      %dma_start3A_564 = tpu.memref_slice %arg2[%add3A_132] : memref<327680xi32, #tpu.memory_space<hbm>> -> memref<512xi32, #tpu.memory_space<hbm>>
      tpu.enqueue_dma source(%dma_start3A_564 : memref<512xi32, #tpu.memory_space<hbm>>) target(%arg6 : memref<512xi32, #tpu.memory_space<vmem>>) target_semaphore(%run_scoped3A : memref<!tpu.dma_semaphore, #tpu.memory_space<semaphore_mem>>)
      %dma_wait3A_565 = tpu.memref_slice %arg2[%add3A_132] : memref<327680xi32, #tpu.memory_space<hbm>> -> memref<512xi32, #tpu.memory_space<hbm>>
      %dma_wait3A_566 = tpu.memref_slice %arg2[%add3A_132] : memref<327680xi32, #tpu.memory_space<hbm>> -> memref<512xi32, #tpu.memory_space<hbm>>
      tpu.wait_dma2 semaphore(%run_scoped3A : memref<!tpu.dma_semaphore, #tpu.memory_space<semaphore_mem>>) src(%dma_wait3A_566 : memref<512xi32, #tpu.memory_space<hbm>>) dst(%arg6 : memref<512xi32, #tpu.memory_space<vmem>>)
      tpu.yield
    }) : () -> ()
    %add3A_133 = arith.constant 1536 : i32
    %add3A_134 = arith.addi %mul3A_2, %add3A_133 : i32
    %dma_wait3A_135 = arith.constant 0 : i32
    %dma_wait3A_136 = tpu.memref_slice %arg3[%dma_wait3A_135, %add3A_134] : memref<100x327680xi32, #tpu.memory_space<hbm>> -> memref<100x512xi32, #tpu.memory_space<hbm>>
    %dma_wait3A_137 = arith.constant 0 : i32
    %dma_wait3A_138 = tpu.memref_slice %arg3[%dma_wait3A_137, %add3A_134] : memref<100x327680xi32, #tpu.memory_space<hbm>> -> memref<100x512xi32, #tpu.memory_space<hbm>>
    tpu.wait_dma2 semaphore(%arg10 : memref<!tpu.dma_semaphore, #tpu.memory_space<semaphore_mem>>) src(%arg8 : memref<100x512xi32, #tpu.memory_space<vmem>>) dst(%dma_wait3A_138 : memref<100x512xi32, #tpu.memory_space<hbm>>)
    %scan3A_139 = arith.constant 0 : i32
    %scan3A_140 = arith.constant 0 : i32
    %scan3A_141 = arith.constant 8 : i32
    %scan3A_142 = arith.addi %scan3A_140, %scan3A_141 : i32
    %scan3A_143 = arith.constant 1 : i32
    %scan3A_144 = scf.for %scan3A_563 = %scan3A_140 to %scan3A_142 step %scan3A_143 iter_args(%scan3A_564 = %scan3A_139) -> (i32)  : i32 {
      %mul3A_565 = arith.constant 4 : i32
      %mul3A_566 = arith.muli %scan3A_563, %mul3A_565 : i32
      %add3A_567 = arith.constant 0 : i32
      %add3A_568 = arith.addi %mul3A_566, %add3A_567 : i32
      %mul3A_569 = arith.constant 16 : i32
      %mul3A_570 = arith.muli %add3A_568, %mul3A_569 : i32
      %get3A = arith.index_cast %mul3A_570 : i32 to index
      %get3A_571 = tpu.vector_load %arg4[%get3A] {strides = array<i32>} : memref<512xi32, #tpu.memory_space<vmem>>, vector<16xi32>,
      %add3A_572 = vector.broadcast %mul3A_570 : i32 to vector<16xi32>
      %add3A_573 = arith.addi %add3A_572, %iota3A : vector<16xi32>
      tpu.vector_store_idx %arg8[%get3A_571, %add3A_573], %broadcast_in_dim3A_5 : memref<100x512xi32, #tpu.memory_space<vmem>>[vector<16xi32>, vector<16xi32>], vector<16xi32>,
      %mul3A_574 = arith.constant 4 : i32
      %mul3A_575 = arith.muli %scan3A_563, %mul3A_574 : i32
      %add3A_576 = arith.constant 1 : i32
      %add3A_577 = arith.addi %mul3A_575, %add3A_576 : i32
      %mul3A_578 = arith.constant 16 : i32
      %mul3A_579 = arith.muli %add3A_577, %mul3A_578 : i32
      %get3A_580 = arith.index_cast %mul3A_579 : i32 to index
      %get3A_581 = tpu.vector_load %arg4[%get3A_580] {strides = array<i32>} : memref<512xi32, #tpu.memory_space<vmem>>, vector<16xi32>,
      %add3A_582 = vector.broadcast %mul3A_579 : i32 to vector<16xi32>
      %add3A_583 = arith.addi %add3A_582, %iota3A : vector<16xi32>
      tpu.vector_store_idx %arg8[%get3A_581, %add3A_583], %broadcast_in_dim3A_5 : memref<100x512xi32, #tpu.memory_space<vmem>>[vector<16xi32>, vector<16xi32>], vector<16xi32>,
      %mul3A_584 = arith.constant 4 : i32
      %mul3A_585 = arith.muli %scan3A_563, %mul3A_584 : i32
      %add3A_586 = arith.constant 2 : i32
      %add3A_587 = arith.addi %mul3A_585, %add3A_586 : i32
      %mul3A_588 = arith.constant 16 : i32
      %mul3A_589 = arith.muli %add3A_587, %mul3A_588 : i32
      %get3A_590 = arith.index_cast %mul3A_589 : i32 to index
      %get3A_591 = tpu.vector_load %arg4[%get3A_590] {strides = array<i32>} : memref<512xi32, #tpu.memory_space<vmem>>, vector<16xi32>,
      %add3A_592 = vector.broadcast %mul3A_589 : i32 to vector<16xi32>
      %add3A_593 = arith.addi %add3A_592, %iota3A : vector<16xi32>
      tpu.vector_store_idx %arg8[%get3A_591, %add3A_593], %broadcast_in_dim3A_5 : memref<100x512xi32, #tpu.memory_space<vmem>>[vector<16xi32>, vector<16xi32>], vector<16xi32>,
      %mul3A_594 = arith.constant 4 : i32
      %mul3A_595 = arith.muli %scan3A_563, %mul3A_594 : i32
      %add3A_596 = arith.constant 3 : i32
      %add3A_597 = arith.addi %mul3A_595, %add3A_596 : i32
      %mul3A_598 = arith.constant 16 : i32
      %mul3A_599 = arith.muli %add3A_597, %mul3A_598 : i32
      %get3A_600 = arith.index_cast %mul3A_599 : i32 to index
      %get3A_601 = tpu.vector_load %arg4[%get3A_600] {strides = array<i32>} : memref<512xi32, #tpu.memory_space<vmem>>, vector<16xi32>,
      %add3A_602 = vector.broadcast %mul3A_599 : i32 to vector<16xi32>
      %add3A_603 = arith.addi %add3A_602, %iota3A : vector<16xi32>
      tpu.vector_store_idx %arg8[%get3A_601, %add3A_603], %broadcast_in_dim3A_5 : memref<100x512xi32, #tpu.memory_space<vmem>>[vector<16xi32>, vector<16xi32>], vector<16xi32>,
      %scan3A_604 = arith.constant 0 : i32
      scf.yield %scan3A_604 : i32
    }
    %scan3A_145 = arith.constant 8 : i32
    %scan3A_146 = arith.constant 0 : i32
    %scan3A_147 = arith.constant 0 : i32
    %scan3A_148 = arith.constant 8 : i32
    %scan3A_149 = arith.addi %scan3A_147, %scan3A_148 : i32
    %scan3A_150 = arith.constant 1 : i32
    %scan3A_151 = scf.for %scan3A_563 = %scan3A_147 to %scan3A_149 step %scan3A_150 iter_args(%scan3A_564 = %scan3A_146) -> (i32)  : i32 {
      %mul3A_565 = arith.constant 4 : i32
      %mul3A_566 = arith.muli %scan3A_563, %mul3A_565 : i32
      %add3A_567 = arith.constant 0 : i32
      %add3A_568 = arith.addi %mul3A_566, %add3A_567 : i32
      %mul3A_569 = arith.constant 16 : i32
      %mul3A_570 = arith.muli %add3A_568, %mul3A_569 : i32
      %get3A = arith.index_cast %mul3A_570 : i32 to index
      %get3A_571 = tpu.vector_load %arg6[%get3A] {strides = array<i32>} : memref<512xi32, #tpu.memory_space<vmem>>, vector<16xi32>,
      %add3A_572 = vector.broadcast %mul3A_570 : i32 to vector<16xi32>
      %add3A_573 = arith.addi %add3A_572, %iota3A : vector<16xi32>
      tpu.vector_store_idx %arg8[%get3A_571, %add3A_573], %broadcast_in_dim3A_3 : memref<100x512xi32, #tpu.memory_space<vmem>>[vector<16xi32>, vector<16xi32>], vector<16xi32>,
      %mul3A_574 = arith.constant 4 : i32
      %mul3A_575 = arith.muli %scan3A_563, %mul3A_574 : i32
      %add3A_576 = arith.constant 1 : i32
      %add3A_577 = arith.addi %mul3A_575, %add3A_576 : i32
      %mul3A_578 = arith.constant 16 : i32
      %mul3A_579 = arith.muli %add3A_577, %mul3A_578 : i32
      %get3A_580 = arith.index_cast %mul3A_579 : i32 to index
      %get3A_581 = tpu.vector_load %arg6[%get3A_580] {strides = array<i32>} : memref<512xi32, #tpu.memory_space<vmem>>, vector<16xi32>,
      %add3A_582 = vector.broadcast %mul3A_579 : i32 to vector<16xi32>
      %add3A_583 = arith.addi %add3A_582, %iota3A : vector<16xi32>
      tpu.vector_store_idx %arg8[%get3A_581, %add3A_583], %broadcast_in_dim3A_3 : memref<100x512xi32, #tpu.memory_space<vmem>>[vector<16xi32>, vector<16xi32>], vector<16xi32>,
      %mul3A_584 = arith.constant 4 : i32
      %mul3A_585 = arith.muli %scan3A_563, %mul3A_584 : i32
      %add3A_586 = arith.constant 2 : i32
      %add3A_587 = arith.addi %mul3A_585, %add3A_586 : i32
      %mul3A_588 = arith.constant 16 : i32
      %mul3A_589 = arith.muli %add3A_587, %mul3A_588 : i32
      %get3A_590 = arith.index_cast %mul3A_589 : i32 to index
      %get3A_591 = tpu.vector_load %arg6[%get3A_590] {strides = array<i32>} : memref<512xi32, #tpu.memory_space<vmem>>, vector<16xi32>,
      %add3A_592 = vector.broadcast %mul3A_589 : i32 to vector<16xi32>
      %add3A_593 = arith.addi %add3A_592, %iota3A : vector<16xi32>
      tpu.vector_store_idx %arg8[%get3A_591, %add3A_593], %broadcast_in_dim3A_3 : memref<100x512xi32, #tpu.memory_space<vmem>>[vector<16xi32>, vector<16xi32>], vector<16xi32>,
      %mul3A_594 = arith.constant 4 : i32
      %mul3A_595 = arith.muli %scan3A_563, %mul3A_594 : i32
      %add3A_596 = arith.constant 3 : i32
      %add3A_597 = arith.addi %mul3A_595, %add3A_596 : i32
      %mul3A_598 = arith.constant 16 : i32
      %mul3A_599 = arith.muli %add3A_597, %mul3A_598 : i32
      %get3A_600 = arith.index_cast %mul3A_599 : i32 to index
      %get3A_601 = tpu.vector_load %arg6[%get3A_600] {strides = array<i32>} : memref<512xi32, #tpu.memory_space<vmem>>, vector<16xi32>,
      %add3A_602 = vector.broadcast %mul3A_599 : i32 to vector<16xi32>
      %add3A_603 = arith.addi %add3A_602, %iota3A : vector<16xi32>
      tpu.vector_store_idx %arg8[%get3A_601, %add3A_603], %broadcast_in_dim3A_3 : memref<100x512xi32, #tpu.memory_space<vmem>>[vector<16xi32>, vector<16xi32>], vector<16xi32>,
      %scan3A_604 = arith.constant 0 : i32
      scf.yield %scan3A_604 : i32
    }
    %scan3A_152 = arith.constant 8 : i32
    %add3A_153 = arith.constant 2560 : i32
    %add3A_154 = arith.addi %mul3A_2, %add3A_153 : i32
    %dma_start3A_155 = arith.constant 0 : i32
    %dma_start3A_156 = tpu.memref_slice %arg3[%dma_start3A_155, %add3A_154] : memref<100x327680xi32, #tpu.memory_space<hbm>> -> memref<100x512xi32, #tpu.memory_space<hbm>>
    %dma_start3A_157 = arith.constant 0 : i32
    %dma_start3A_158 = tpu.memref_slice %arg3[%dma_start3A_157, %add3A_154] : memref<100x327680xi32, #tpu.memory_space<hbm>> -> memref<100x512xi32, #tpu.memory_space<hbm>>
    tpu.enqueue_dma source(%arg8 : memref<100x512xi32, #tpu.memory_space<vmem>>) target(%dma_start3A_158 : memref<100x512xi32, #tpu.memory_space<hbm>>) target_semaphore(%arg10 : memref<!tpu.dma_semaphore, #tpu.memory_space<semaphore_mem>>)
    %add3A_159 = arith.constant 3072 : i32
    %add3A_160 = arith.addi %mul3A_2, %add3A_159 : i32
    "tpu.region"() ({
      %run_scoped3A = tpu.sem_alloc : memref<!tpu.dma_semaphore, #tpu.memory_space<semaphore_mem>>
      %dma_start3A_563 = tpu.memref_slice %arg2[%add3A_160] : memref<327680xi32, #tpu.memory_space<hbm>> -> memref<512xi32, #tpu.memory_space<hbm>>
      %dma_start3A_564 = tpu.memref_slice %arg2[%add3A_160] : memref<327680xi32, #tpu.memory_space<hbm>> -> memref<512xi32, #tpu.memory_space<hbm>>
      tpu.enqueue_dma source(%dma_start3A_564 : memref<512xi32, #tpu.memory_space<hbm>>) target(%arg4 : memref<512xi32, #tpu.memory_space<vmem>>) target_semaphore(%run_scoped3A : memref<!tpu.dma_semaphore, #tpu.memory_space<semaphore_mem>>)
      %dma_wait3A_565 = tpu.memref_slice %arg2[%add3A_160] : memref<327680xi32, #tpu.memory_space<hbm>> -> memref<512xi32, #tpu.memory_space<hbm>>
      %dma_wait3A_566 = tpu.memref_slice %arg2[%add3A_160] : memref<327680xi32, #tpu.memory_space<hbm>> -> memref<512xi32, #tpu.memory_space<hbm>>
      tpu.wait_dma2 semaphore(%run_scoped3A : memref<!tpu.dma_semaphore, #tpu.memory_space<semaphore_mem>>) src(%dma_wait3A_566 : memref<512xi32, #tpu.memory_space<hbm>>) dst(%arg4 : memref<512xi32, #tpu.memory_space<vmem>>)
      tpu.yield
    }) : () -> ()
    %add3A_161 = arith.constant 2048 : i32
    %add3A_162 = arith.addi %mul3A_2, %add3A_161 : i32
    %dma_wait3A_163 = arith.constant 0 : i32
    %dma_wait3A_164 = tpu.memref_slice %arg3[%dma_wait3A_163, %add3A_162] : memref<100x327680xi32, #tpu.memory_space<hbm>> -> memref<100x512xi32, #tpu.memory_space<hbm>>
    %dma_wait3A_165 = arith.constant 0 : i32
    %dma_wait3A_166 = tpu.memref_slice %arg3[%dma_wait3A_165, %add3A_162] : memref<100x327680xi32, #tpu.memory_space<hbm>> -> memref<100x512xi32, #tpu.memory_space<hbm>>
    tpu.wait_dma2 semaphore(%arg9 : memref<!tpu.dma_semaphore, #tpu.memory_space<semaphore_mem>>) src(%arg7 : memref<100x512xi32, #tpu.memory_space<vmem>>) dst(%dma_wait3A_166 : memref<100x512xi32, #tpu.memory_space<hbm>>)
    %scan3A_167 = arith.constant 0 : i32
    %scan3A_168 = arith.constant 0 : i32
    %scan3A_169 = arith.constant 8 : i32
    %scan3A_170 = arith.addi %scan3A_168, %scan3A_169 : i32
    %scan3A_171 = arith.constant 1 : i32
    %scan3A_172 = scf.for %scan3A_563 = %scan3A_168 to %scan3A_170 step %scan3A_171 iter_args(%scan3A_564 = %scan3A_167) -> (i32)  : i32 {
      %mul3A_565 = arith.constant 4 : i32
      %mul3A_566 = arith.muli %scan3A_563, %mul3A_565 : i32
      %add3A_567 = arith.constant 0 : i32
      %add3A_568 = arith.addi %mul3A_566, %add3A_567 : i32
      %mul3A_569 = arith.constant 16 : i32
      %mul3A_570 = arith.muli %add3A_568, %mul3A_569 : i32
      %get3A = arith.index_cast %mul3A_570 : i32 to index
      %get3A_571 = tpu.vector_load %arg5[%get3A] {strides = array<i32>} : memref<512xi32, #tpu.memory_space<vmem>>, vector<16xi32>,
      %add3A_572 = vector.broadcast %mul3A_570 : i32 to vector<16xi32>
      %add3A_573 = arith.addi %add3A_572, %iota3A : vector<16xi32>
      tpu.vector_store_idx %arg7[%get3A_571, %add3A_573], %broadcast_in_dim3A_5 : memref<100x512xi32, #tpu.memory_space<vmem>>[vector<16xi32>, vector<16xi32>], vector<16xi32>,
      %mul3A_574 = arith.constant 4 : i32
      %mul3A_575 = arith.muli %scan3A_563, %mul3A_574 : i32
      %add3A_576 = arith.constant 1 : i32
      %add3A_577 = arith.addi %mul3A_575, %add3A_576 : i32
      %mul3A_578 = arith.constant 16 : i32
      %mul3A_579 = arith.muli %add3A_577, %mul3A_578 : i32
      %get3A_580 = arith.index_cast %mul3A_579 : i32 to index
      %get3A_581 = tpu.vector_load %arg5[%get3A_580] {strides = array<i32>} : memref<512xi32, #tpu.memory_space<vmem>>, vector<16xi32>,
      %add3A_582 = vector.broadcast %mul3A_579 : i32 to vector<16xi32>
      %add3A_583 = arith.addi %add3A_582, %iota3A : vector<16xi32>
      tpu.vector_store_idx %arg7[%get3A_581, %add3A_583], %broadcast_in_dim3A_5 : memref<100x512xi32, #tpu.memory_space<vmem>>[vector<16xi32>, vector<16xi32>], vector<16xi32>,
      %mul3A_584 = arith.constant 4 : i32
      %mul3A_585 = arith.muli %scan3A_563, %mul3A_584 : i32
      %add3A_586 = arith.constant 2 : i32
      %add3A_587 = arith.addi %mul3A_585, %add3A_586 : i32
      %mul3A_588 = arith.constant 16 : i32
      %mul3A_589 = arith.muli %add3A_587, %mul3A_588 : i32
      %get3A_590 = arith.index_cast %mul3A_589 : i32 to index
      %get3A_591 = tpu.vector_load %arg5[%get3A_590] {strides = array<i32>} : memref<512xi32, #tpu.memory_space<vmem>>, vector<16xi32>,
      %add3A_592 = vector.broadcast %mul3A_589 : i32 to vector<16xi32>
      %add3A_593 = arith.addi %add3A_592, %iota3A : vector<16xi32>
      tpu.vector_store_idx %arg7[%get3A_591, %add3A_593], %broadcast_in_dim3A_5 : memref<100x512xi32, #tpu.memory_space<vmem>>[vector<16xi32>, vector<16xi32>], vector<16xi32>,
      %mul3A_594 = arith.constant 4 : i32
      %mul3A_595 = arith.muli %scan3A_563, %mul3A_594 : i32
      %add3A_596 = arith.constant 3 : i32
      %add3A_597 = arith.addi %mul3A_595, %add3A_596 : i32
      %mul3A_598 = arith.constant 16 : i32
      %mul3A_599 = arith.muli %add3A_597, %mul3A_598 : i32
      %get3A_600 = arith.index_cast %mul3A_599 : i32 to index
      %get3A_601 = tpu.vector_load %arg5[%get3A_600] {strides = array<i32>} : memref<512xi32, #tpu.memory_space<vmem>>, vector<16xi32>,
      %add3A_602 = vector.broadcast %mul3A_599 : i32 to vector<16xi32>
      %add3A_603 = arith.addi %add3A_602, %iota3A : vector<16xi32>
      tpu.vector_store_idx %arg7[%get3A_601, %add3A_603], %broadcast_in_dim3A_5 : memref<100x512xi32, #tpu.memory_space<vmem>>[vector<16xi32>, vector<16xi32>], vector<16xi32>,
      %scan3A_604 = arith.constant 0 : i32
      scf.yield %scan3A_604 : i32
    }
    %scan3A_173 = arith.constant 8 : i32
    %scan3A_174 = arith.constant 0 : i32
    %scan3A_175 = arith.constant 0 : i32
    %scan3A_176 = arith.constant 8 : i32
    %scan3A_177 = arith.addi %scan3A_175, %scan3A_176 : i32
    %scan3A_178 = arith.constant 1 : i32
    %scan3A_179 = scf.for %scan3A_563 = %scan3A_175 to %scan3A_177 step %scan3A_178 iter_args(%scan3A_564 = %scan3A_174) -> (i32)  : i32 {
      %mul3A_565 = arith.constant 4 : i32
      %mul3A_566 = arith.muli %scan3A_563, %mul3A_565 : i32
      %add3A_567 = arith.constant 0 : i32
      %add3A_568 = arith.addi %mul3A_566, %add3A_567 : i32
      %mul3A_569 = arith.constant 16 : i32
      %mul3A_570 = arith.muli %add3A_568, %mul3A_569 : i32
      %get3A = arith.index_cast %mul3A_570 : i32 to index
      %get3A_571 = tpu.vector_load %arg4[%get3A] {strides = array<i32>} : memref<512xi32, #tpu.memory_space<vmem>>, vector<16xi32>,
      %add3A_572 = vector.broadcast %mul3A_570 : i32 to vector<16xi32>
      %add3A_573 = arith.addi %add3A_572, %iota3A : vector<16xi32>
      tpu.vector_store_idx %arg7[%get3A_571, %add3A_573], %broadcast_in_dim3A_3 : memref<100x512xi32, #tpu.memory_space<vmem>>[vector<16xi32>, vector<16xi32>], vector<16xi32>,
      %mul3A_574 = arith.constant 4 : i32
      %mul3A_575 = arith.muli %scan3A_563, %mul3A_574 : i32
      %add3A_576 = arith.constant 1 : i32
      %add3A_577 = arith.addi %mul3A_575, %add3A_576 : i32
      %mul3A_578 = arith.constant 16 : i32
      %mul3A_579 = arith.muli %add3A_577, %mul3A_578 : i32
      %get3A_580 = arith.index_cast %mul3A_579 : i32 to index
      %get3A_581 = tpu.vector_load %arg4[%get3A_580] {strides = array<i32>} : memref<512xi32, #tpu.memory_space<vmem>>, vector<16xi32>,
      %add3A_582 = vector.broadcast %mul3A_579 : i32 to vector<16xi32>
      %add3A_583 = arith.addi %add3A_582, %iota3A : vector<16xi32>
      tpu.vector_store_idx %arg7[%get3A_581, %add3A_583], %broadcast_in_dim3A_3 : memref<100x512xi32, #tpu.memory_space<vmem>>[vector<16xi32>, vector<16xi32>], vector<16xi32>,
      %mul3A_584 = arith.constant 4 : i32
      %mul3A_585 = arith.muli %scan3A_563, %mul3A_584 : i32
      %add3A_586 = arith.constant 2 : i32
      %add3A_587 = arith.addi %mul3A_585, %add3A_586 : i32
      %mul3A_588 = arith.constant 16 : i32
      %mul3A_589 = arith.muli %add3A_587, %mul3A_588 : i32
      %get3A_590 = arith.index_cast %mul3A_589 : i32 to index
      %get3A_591 = tpu.vector_load %arg4[%get3A_590] {strides = array<i32>} : memref<512xi32, #tpu.memory_space<vmem>>, vector<16xi32>,
      %add3A_592 = vector.broadcast %mul3A_589 : i32 to vector<16xi32>
      %add3A_593 = arith.addi %add3A_592, %iota3A : vector<16xi32>
      tpu.vector_store_idx %arg7[%get3A_591, %add3A_593], %broadcast_in_dim3A_3 : memref<100x512xi32, #tpu.memory_space<vmem>>[vector<16xi32>, vector<16xi32>], vector<16xi32>,
      %mul3A_594 = arith.constant 4 : i32
      %mul3A_595 = arith.muli %scan3A_563, %mul3A_594 : i32
      %add3A_596 = arith.constant 3 : i32
      %add3A_597 = arith.addi %mul3A_595, %add3A_596 : i32
      %mul3A_598 = arith.constant 16 : i32
      %mul3A_599 = arith.muli %add3A_597, %mul3A_598 : i32
      %get3A_600 = arith.index_cast %mul3A_599 : i32 to index
      %get3A_601 = tpu.vector_load %arg4[%get3A_600] {strides = array<i32>} : memref<512xi32, #tpu.memory_space<vmem>>, vector<16xi32>,
      %add3A_602 = vector.broadcast %mul3A_599 : i32 to vector<16xi32>
      %add3A_603 = arith.addi %add3A_602, %iota3A : vector<16xi32>
      tpu.vector_store_idx %arg7[%get3A_601, %add3A_603], %broadcast_in_dim3A_3 : memref<100x512xi32, #tpu.memory_space<vmem>>[vector<16xi32>, vector<16xi32>], vector<16xi32>,
      %scan3A_604 = arith.constant 0 : i32
      scf.yield %scan3A_604 : i32
    }
    %scan3A_180 = arith.constant 8 : i32
    %add3A_181 = arith.constant 3072 : i32
    %add3A_182 = arith.addi %mul3A_2, %add3A_181 : i32
    %dma_start3A_183 = arith.constant 0 : i32
    %dma_start3A_184 = tpu.memref_slice %arg3[%dma_start3A_183, %add3A_182] : memref<100x327680xi32, #tpu.memory_space<hbm>> -> memref<100x512xi32, #tpu.memory_space<hbm>>
    %dma_start3A_185 = arith.constant 0 : i32
    %dma_start3A_186 = tpu.memref_slice %arg3[%dma_start3A_185, %add3A_182] : memref<100x327680xi32, #tpu.memory_space<hbm>> -> memref<100x512xi32, #tpu.memory_space<hbm>>
    tpu.enqueue_dma source(%arg7 : memref<100x512xi32, #tpu.memory_space<vmem>>) target(%dma_start3A_186 : memref<100x512xi32, #tpu.memory_space<hbm>>) target_semaphore(%arg9 : memref<!tpu.dma_semaphore, #tpu.memory_space<semaphore_mem>>)
    %add3A_187 = arith.constant 3584 : i32
    %add3A_188 = arith.addi %mul3A_2, %add3A_187 : i32
    "tpu.region"() ({
      %run_scoped3A = tpu.sem_alloc : memref<!tpu.dma_semaphore, #tpu.memory_space<semaphore_mem>>
      %dma_start3A_563 = tpu.memref_slice %arg2[%add3A_188] : memref<327680xi32, #tpu.memory_space<hbm>> -> memref<512xi32, #tpu.memory_space<hbm>>
      %dma_start3A_564 = tpu.memref_slice %arg2[%add3A_188] : memref<327680xi32, #tpu.memory_space<hbm>> -> memref<512xi32, #tpu.memory_space<hbm>>
      tpu.enqueue_dma source(%dma_start3A_564 : memref<512xi32, #tpu.memory_space<hbm>>) target(%arg5 : memref<512xi32, #tpu.memory_space<vmem>>) target_semaphore(%run_scoped3A : memref<!tpu.dma_semaphore, #tpu.memory_space<semaphore_mem>>)
      %dma_wait3A_565 = tpu.memref_slice %arg2[%add3A_188] : memref<327680xi32, #tpu.memory_space<hbm>> -> memref<512xi32, #tpu.memory_space<hbm>>
      %dma_wait3A_566 = tpu.memref_slice %arg2[%add3A_188] : memref<327680xi32, #tpu.memory_space<hbm>> -> memref<512xi32, #tpu.memory_space<hbm>>
      tpu.wait_dma2 semaphore(%run_scoped3A : memref<!tpu.dma_semaphore, #tpu.memory_space<semaphore_mem>>) src(%dma_wait3A_566 : memref<512xi32, #tpu.memory_space<hbm>>) dst(%arg5 : memref<512xi32, #tpu.memory_space<vmem>>)
      tpu.yield
    }) : () -> ()
    %add3A_189 = arith.constant 2560 : i32
    %add3A_190 = arith.addi %mul3A_2, %add3A_189 : i32
    %dma_wait3A_191 = arith.constant 0 : i32
    %dma_wait3A_192 = tpu.memref_slice %arg3[%dma_wait3A_191, %add3A_190] : memref<100x327680xi32, #tpu.memory_space<hbm>> -> memref<100x512xi32, #tpu.memory_space<hbm>>
    %dma_wait3A_193 = arith.constant 0 : i32
    %dma_wait3A_194 = tpu.memref_slice %arg3[%dma_wait3A_193, %add3A_190] : memref<100x327680xi32, #tpu.memory_space<hbm>> -> memref<100x512xi32, #tpu.memory_space<hbm>>
    tpu.wait_dma2 semaphore(%arg10 : memref<!tpu.dma_semaphore, #tpu.memory_space<semaphore_mem>>) src(%arg8 : memref<100x512xi32, #tpu.memory_space<vmem>>) dst(%dma_wait3A_194 : memref<100x512xi32, #tpu.memory_space<hbm>>)
    %scan3A_195 = arith.constant 0 : i32
    %scan3A_196 = arith.constant 0 : i32
    %scan3A_197 = arith.constant 8 : i32
    %scan3A_198 = arith.addi %scan3A_196, %scan3A_197 : i32
    %scan3A_199 = arith.constant 1 : i32
    %scan3A_200 = scf.for %scan3A_563 = %scan3A_196 to %scan3A_198 step %scan3A_199 iter_args(%scan3A_564 = %scan3A_195) -> (i32)  : i32 {
      %mul3A_565 = arith.constant 4 : i32
      %mul3A_566 = arith.muli %scan3A_563, %mul3A_565 : i32
      %add3A_567 = arith.constant 0 : i32
      %add3A_568 = arith.addi %mul3A_566, %add3A_567 : i32
      %mul3A_569 = arith.constant 16 : i32
      %mul3A_570 = arith.muli %add3A_568, %mul3A_569 : i32
      %get3A = arith.index_cast %mul3A_570 : i32 to index
      %get3A_571 = tpu.vector_load %arg6[%get3A] {strides = array<i32>} : memref<512xi32, #tpu.memory_space<vmem>>, vector<16xi32>,
      %add3A_572 = vector.broadcast %mul3A_570 : i32 to vector<16xi32>
      %add3A_573 = arith.addi %add3A_572, %iota3A : vector<16xi32>
      tpu.vector_store_idx %arg8[%get3A_571, %add3A_573], %broadcast_in_dim3A_5 : memref<100x512xi32, #tpu.memory_space<vmem>>[vector<16xi32>, vector<16xi32>], vector<16xi32>,
      %mul3A_574 = arith.constant 4 : i32
      %mul3A_575 = arith.muli %scan3A_563, %mul3A_574 : i32
      %add3A_576 = arith.constant 1 : i32
      %add3A_577 = arith.addi %mul3A_575, %add3A_576 : i32
      %mul3A_578 = arith.constant 16 : i32
      %mul3A_579 = arith.muli %add3A_577, %mul3A_578 : i32
      %get3A_580 = arith.index_cast %mul3A_579 : i32 to index
      %get3A_581 = tpu.vector_load %arg6[%get3A_580] {strides = array<i32>} : memref<512xi32, #tpu.memory_space<vmem>>, vector<16xi32>,
      %add3A_582 = vector.broadcast %mul3A_579 : i32 to vector<16xi32>
      %add3A_583 = arith.addi %add3A_582, %iota3A : vector<16xi32>
      tpu.vector_store_idx %arg8[%get3A_581, %add3A_583], %broadcast_in_dim3A_5 : memref<100x512xi32, #tpu.memory_space<vmem>>[vector<16xi32>, vector<16xi32>], vector<16xi32>,
      %mul3A_584 = arith.constant 4 : i32
      %mul3A_585 = arith.muli %scan3A_563, %mul3A_584 : i32
      %add3A_586 = arith.constant 2 : i32
      %add3A_587 = arith.addi %mul3A_585, %add3A_586 : i32
      %mul3A_588 = arith.constant 16 : i32
      %mul3A_589 = arith.muli %add3A_587, %mul3A_588 : i32
      %get3A_590 = arith.index_cast %mul3A_589 : i32 to index
      %get3A_591 = tpu.vector_load %arg6[%get3A_590] {strides = array<i32>} : memref<512xi32, #tpu.memory_space<vmem>>, vector<16xi32>,
      %add3A_592 = vector.broadcast %mul3A_589 : i32 to vector<16xi32>
      %add3A_593 = arith.addi %add3A_592, %iota3A : vector<16xi32>
      tpu.vector_store_idx %arg8[%get3A_591, %add3A_593], %broadcast_in_dim3A_5 : memref<100x512xi32, #tpu.memory_space<vmem>>[vector<16xi32>, vector<16xi32>], vector<16xi32>,
      %mul3A_594 = arith.constant 4 : i32
      %mul3A_595 = arith.muli %scan3A_563, %mul3A_594 : i32
      %add3A_596 = arith.constant 3 : i32
      %add3A_597 = arith.addi %mul3A_595, %add3A_596 : i32
      %mul3A_598 = arith.constant 16 : i32
      %mul3A_599 = arith.muli %add3A_597, %mul3A_598 : i32
      %get3A_600 = arith.index_cast %mul3A_599 : i32 to index
      %get3A_601 = tpu.vector_load %arg6[%get3A_600] {strides = array<i32>} : memref<512xi32, #tpu.memory_space<vmem>>, vector<16xi32>,
      %add3A_602 = vector.broadcast %mul3A_599 : i32 to vector<16xi32>
      %add3A_603 = arith.addi %add3A_602, %iota3A : vector<16xi32>
      tpu.vector_store_idx %arg8[%get3A_601, %add3A_603], %broadcast_in_dim3A_5 : memref<100x512xi32, #tpu.memory_space<vmem>>[vector<16xi32>, vector<16xi32>], vector<16xi32>,
      %scan3A_604 = arith.constant 0 : i32
      scf.yield %scan3A_604 : i32
    }
    %scan3A_201 = arith.constant 8 : i32
    %scan3A_202 = arith.constant 0 : i32
    %scan3A_203 = arith.constant 0 : i32
    %scan3A_204 = arith.constant 8 : i32
    %scan3A_205 = arith.addi %scan3A_203, %scan3A_204 : i32
    %scan3A_206 = arith.constant 1 : i32
    %scan3A_207 = scf.for %scan3A_563 = %scan3A_203 to %scan3A_205 step %scan3A_206 iter_args(%scan3A_564 = %scan3A_202) -> (i32)  : i32 {
      %mul3A_565 = arith.constant 4 : i32
      %mul3A_566 = arith.muli %scan3A_563, %mul3A_565 : i32
      %add3A_567 = arith.constant 0 : i32
      %add3A_568 = arith.addi %mul3A_566, %add3A_567 : i32
      %mul3A_569 = arith.constant 16 : i32
      %mul3A_570 = arith.muli %add3A_568, %mul3A_569 : i32
      %get3A = arith.index_cast %mul3A_570 : i32 to index
      %get3A_571 = tpu.vector_load %arg5[%get3A] {strides = array<i32>} : memref<512xi32, #tpu.memory_space<vmem>>, vector<16xi32>,
      %add3A_572 = vector.broadcast %mul3A_570 : i32 to vector<16xi32>
      %add3A_573 = arith.addi %add3A_572, %iota3A : vector<16xi32>
      tpu.vector_store_idx %arg8[%get3A_571, %add3A_573], %broadcast_in_dim3A_3 : memref<100x512xi32, #tpu.memory_space<vmem>>[vector<16xi32>, vector<16xi32>], vector<16xi32>,
      %mul3A_574 = arith.constant 4 : i32
      %mul3A_575 = arith.muli %scan3A_563, %mul3A_574 : i32
      %add3A_576 = arith.constant 1 : i32
      %add3A_577 = arith.addi %mul3A_575, %add3A_576 : i32
      %mul3A_578 = arith.constant 16 : i32
      %mul3A_579 = arith.muli %add3A_577, %mul3A_578 : i32
      %get3A_580 = arith.index_cast %mul3A_579 : i32 to index
      %get3A_581 = tpu.vector_load %arg5[%get3A_580] {strides = array<i32>} : memref<512xi32, #tpu.memory_space<vmem>>, vector<16xi32>,
      %add3A_582 = vector.broadcast %mul3A_579 : i32 to vector<16xi32>
      %add3A_583 = arith.addi %add3A_582, %iota3A : vector<16xi32>
      tpu.vector_store_idx %arg8[%get3A_581, %add3A_583], %broadcast_in_dim3A_3 : memref<100x512xi32, #tpu.memory_space<vmem>>[vector<16xi32>, vector<16xi32>], vector<16xi32>,
      %mul3A_584 = arith.constant 4 : i32
      %mul3A_585 = arith.muli %scan3A_563, %mul3A_584 : i32
      %add3A_586 = arith.constant 2 : i32
      %add3A_587 = arith.addi %mul3A_585, %add3A_586 : i32
      %mul3A_588 = arith.constant 16 : i32
      %mul3A_589 = arith.muli %add3A_587, %mul3A_588 : i32
      %get3A_590 = arith.index_cast %mul3A_589 : i32 to index
      %get3A_591 = tpu.vector_load %arg5[%get3A_590] {strides = array<i32>} : memref<512xi32, #tpu.memory_space<vmem>>, vector<16xi32>,
      %add3A_592 = vector.broadcast %mul3A_589 : i32 to vector<16xi32>
      %add3A_593 = arith.addi %add3A_592, %iota3A : vector<16xi32>
      tpu.vector_store_idx %arg8[%get3A_591, %add3A_593], %broadcast_in_dim3A_3 : memref<100x512xi32, #tpu.memory_space<vmem>>[vector<16xi32>, vector<16xi32>], vector<16xi32>,
      %mul3A_594 = arith.constant 4 : i32
      %mul3A_595 = arith.muli %scan3A_563, %mul3A_594 : i32
      %add3A_596 = arith.constant 3 : i32
      %add3A_597 = arith.addi %mul3A_595, %add3A_596 : i32
      %mul3A_598 = arith.constant 16 : i32
      %mul3A_599 = arith.muli %add3A_597, %mul3A_598 : i32
      %get3A_600 = arith.index_cast %mul3A_599 : i32 to index
      %get3A_601 = tpu.vector_load %arg5[%get3A_600] {strides = array<i32>} : memref<512xi32, #tpu.memory_space<vmem>>, vector<16xi32>,
      %add3A_602 = vector.broadcast %mul3A_599 : i32 to vector<16xi32>
      %add3A_603 = arith.addi %add3A_602, %iota3A : vector<16xi32>
      tpu.vector_store_idx %arg8[%get3A_601, %add3A_603], %broadcast_in_dim3A_3 : memref<100x512xi32, #tpu.memory_space<vmem>>[vector<16xi32>, vector<16xi32>], vector<16xi32>,
      %scan3A_604 = arith.constant 0 : i32
      scf.yield %scan3A_604 : i32
    }
    %scan3A_208 = arith.constant 8 : i32
    %add3A_209 = arith.constant 3584 : i32
    %add3A_210 = arith.addi %mul3A_2, %add3A_209 : i32
    %dma_start3A_211 = arith.constant 0 : i32
    %dma_start3A_212 = tpu.memref_slice %arg3[%dma_start3A_211, %add3A_210] : memref<100x327680xi32, #tpu.memory_space<hbm>> -> memref<100x512xi32, #tpu.memory_space<hbm>>
    %dma_start3A_213 = arith.constant 0 : i32
    %dma_start3A_214 = tpu.memref_slice %arg3[%dma_start3A_213, %add3A_210] : memref<100x327680xi32, #tpu.memory_space<hbm>> -> memref<100x512xi32, #tpu.memory_space<hbm>>
    tpu.enqueue_dma source(%arg8 : memref<100x512xi32, #tpu.memory_space<vmem>>) target(%dma_start3A_214 : memref<100x512xi32, #tpu.memory_space<hbm>>) target_semaphore(%arg10 : memref<!tpu.dma_semaphore, #tpu.memory_space<semaphore_mem>>)
    %add3A_215 = arith.constant 4096 : i32
    %add3A_216 = arith.addi %mul3A_2, %add3A_215 : i32
    "tpu.region"() ({
      %run_scoped3A = tpu.sem_alloc : memref<!tpu.dma_semaphore, #tpu.memory_space<semaphore_mem>>
      %dma_start3A_563 = tpu.memref_slice %arg2[%add3A_216] : memref<327680xi32, #tpu.memory_space<hbm>> -> memref<512xi32, #tpu.memory_space<hbm>>
      %dma_start3A_564 = tpu.memref_slice %arg2[%add3A_216] : memref<327680xi32, #tpu.memory_space<hbm>> -> memref<512xi32, #tpu.memory_space<hbm>>
      tpu.enqueue_dma source(%dma_start3A_564 : memref<512xi32, #tpu.memory_space<hbm>>) target(%arg6 : memref<512xi32, #tpu.memory_space<vmem>>) target_semaphore(%run_scoped3A : memref<!tpu.dma_semaphore, #tpu.memory_space<semaphore_mem>>)
      %dma_wait3A_565 = tpu.memref_slice %arg2[%add3A_216] : memref<327680xi32, #tpu.memory_space<hbm>> -> memref<512xi32, #tpu.memory_space<hbm>>
      %dma_wait3A_566 = tpu.memref_slice %arg2[%add3A_216] : memref<327680xi32, #tpu.memory_space<hbm>> -> memref<512xi32, #tpu.memory_space<hbm>>
      tpu.wait_dma2 semaphore(%run_scoped3A : memref<!tpu.dma_semaphore, #tpu.memory_space<semaphore_mem>>) src(%dma_wait3A_566 : memref<512xi32, #tpu.memory_space<hbm>>) dst(%arg6 : memref<512xi32, #tpu.memory_space<vmem>>)
      tpu.yield
    }) : () -> ()
    %add3A_217 = arith.constant 3072 : i32
    %add3A_218 = arith.addi %mul3A_2, %add3A_217 : i32
    %dma_wait3A_219 = arith.constant 0 : i32
    %dma_wait3A_220 = tpu.memref_slice %arg3[%dma_wait3A_219, %add3A_218] : memref<100x327680xi32, #tpu.memory_space<hbm>> -> memref<100x512xi32, #tpu.memory_space<hbm>>
    %dma_wait3A_221 = arith.constant 0 : i32
    %dma_wait3A_222 = tpu.memref_slice %arg3[%dma_wait3A_221, %add3A_218] : memref<100x327680xi32, #tpu.memory_space<hbm>> -> memref<100x512xi32, #tpu.memory_space<hbm>>
    tpu.wait_dma2 semaphore(%arg9 : memref<!tpu.dma_semaphore, #tpu.memory_space<semaphore_mem>>) src(%arg7 : memref<100x512xi32, #tpu.memory_space<vmem>>) dst(%dma_wait3A_222 : memref<100x512xi32, #tpu.memory_space<hbm>>)
    %scan3A_223 = arith.constant 0 : i32
    %scan3A_224 = arith.constant 0 : i32
    %scan3A_225 = arith.constant 8 : i32
    %scan3A_226 = arith.addi %scan3A_224, %scan3A_225 : i32
    %scan3A_227 = arith.constant 1 : i32
    %scan3A_228 = scf.for %scan3A_563 = %scan3A_224 to %scan3A_226 step %scan3A_227 iter_args(%scan3A_564 = %scan3A_223) -> (i32)  : i32 {
      %mul3A_565 = arith.constant 4 : i32
      %mul3A_566 = arith.muli %scan3A_563, %mul3A_565 : i32
      %add3A_567 = arith.constant 0 : i32
      %add3A_568 = arith.addi %mul3A_566, %add3A_567 : i32
      %mul3A_569 = arith.constant 16 : i32
      %mul3A_570 = arith.muli %add3A_568, %mul3A_569 : i32
      %get3A = arith.index_cast %mul3A_570 : i32 to index
      %get3A_571 = tpu.vector_load %arg4[%get3A] {strides = array<i32>} : memref<512xi32, #tpu.memory_space<vmem>>, vector<16xi32>,
      %add3A_572 = vector.broadcast %mul3A_570 : i32 to vector<16xi32>
      %add3A_573 = arith.addi %add3A_572, %iota3A : vector<16xi32>
      tpu.vector_store_idx %arg7[%get3A_571, %add3A_573], %broadcast_in_dim3A_5 : memref<100x512xi32, #tpu.memory_space<vmem>>[vector<16xi32>, vector<16xi32>], vector<16xi32>,
      %mul3A_574 = arith.constant 4 : i32
      %mul3A_575 = arith.muli %scan3A_563, %mul3A_574 : i32
      %add3A_576 = arith.constant 1 : i32
      %add3A_577 = arith.addi %mul3A_575, %add3A_576 : i32
      %mul3A_578 = arith.constant 16 : i32
      %mul3A_579 = arith.muli %add3A_577, %mul3A_578 : i32
      %get3A_580 = arith.index_cast %mul3A_579 : i32 to index
      %get3A_581 = tpu.vector_load %arg4[%get3A_580] {strides = array<i32>} : memref<512xi32, #tpu.memory_space<vmem>>, vector<16xi32>,
      %add3A_582 = vector.broadcast %mul3A_579 : i32 to vector<16xi32>
      %add3A_583 = arith.addi %add3A_582, %iota3A : vector<16xi32>
      tpu.vector_store_idx %arg7[%get3A_581, %add3A_583], %broadcast_in_dim3A_5 : memref<100x512xi32, #tpu.memory_space<vmem>>[vector<16xi32>, vector<16xi32>], vector<16xi32>,
      %mul3A_584 = arith.constant 4 : i32
      %mul3A_585 = arith.muli %scan3A_563, %mul3A_584 : i32
      %add3A_586 = arith.constant 2 : i32
      %add3A_587 = arith.addi %mul3A_585, %add3A_586 : i32
      %mul3A_588 = arith.constant 16 : i32
      %mul3A_589 = arith.muli %add3A_587, %mul3A_588 : i32
      %get3A_590 = arith.index_cast %mul3A_589 : i32 to index
      %get3A_591 = tpu.vector_load %arg4[%get3A_590] {strides = array<i32>} : memref<512xi32, #tpu.memory_space<vmem>>, vector<16xi32>,
      %add3A_592 = vector.broadcast %mul3A_589 : i32 to vector<16xi32>
      %add3A_593 = arith.addi %add3A_592, %iota3A : vector<16xi32>
      tpu.vector_store_idx %arg7[%get3A_591, %add3A_593], %broadcast_in_dim3A_5 : memref<100x512xi32, #tpu.memory_space<vmem>>[vector<16xi32>, vector<16xi32>], vector<16xi32>,
      %mul3A_594 = arith.constant 4 : i32
      %mul3A_595 = arith.muli %scan3A_563, %mul3A_594 : i32
      %add3A_596 = arith.constant 3 : i32
      %add3A_597 = arith.addi %mul3A_595, %add3A_596 : i32
      %mul3A_598 = arith.constant 16 : i32
      %mul3A_599 = arith.muli %add3A_597, %mul3A_598 : i32
      %get3A_600 = arith.index_cast %mul3A_599 : i32 to index
      %get3A_601 = tpu.vector_load %arg4[%get3A_600] {strides = array<i32>} : memref<512xi32, #tpu.memory_space<vmem>>, vector<16xi32>,
      %add3A_602 = vector.broadcast %mul3A_599 : i32 to vector<16xi32>
      %add3A_603 = arith.addi %add3A_602, %iota3A : vector<16xi32>
      tpu.vector_store_idx %arg7[%get3A_601, %add3A_603], %broadcast_in_dim3A_5 : memref<100x512xi32, #tpu.memory_space<vmem>>[vector<16xi32>, vector<16xi32>], vector<16xi32>,
      %scan3A_604 = arith.constant 0 : i32
      scf.yield %scan3A_604 : i32
    }
    %scan3A_229 = arith.constant 8 : i32
    %scan3A_230 = arith.constant 0 : i32
    %scan3A_231 = arith.constant 0 : i32
    %scan3A_232 = arith.constant 8 : i32
    %scan3A_233 = arith.addi %scan3A_231, %scan3A_232 : i32
    %scan3A_234 = arith.constant 1 : i32
    %scan3A_235 = scf.for %scan3A_563 = %scan3A_231 to %scan3A_233 step %scan3A_234 iter_args(%scan3A_564 = %scan3A_230) -> (i32)  : i32 {
      %mul3A_565 = arith.constant 4 : i32
      %mul3A_566 = arith.muli %scan3A_563, %mul3A_565 : i32
      %add3A_567 = arith.constant 0 : i32
      %add3A_568 = arith.addi %mul3A_566, %add3A_567 : i32
      %mul3A_569 = arith.constant 16 : i32
      %mul3A_570 = arith.muli %add3A_568, %mul3A_569 : i32
      %get3A = arith.index_cast %mul3A_570 : i32 to index
      %get3A_571 = tpu.vector_load %arg6[%get3A] {strides = array<i32>} : memref<512xi32, #tpu.memory_space<vmem>>, vector<16xi32>,
      %add3A_572 = vector.broadcast %mul3A_570 : i32 to vector<16xi32>
      %add3A_573 = arith.addi %add3A_572, %iota3A : vector<16xi32>
      tpu.vector_store_idx %arg7[%get3A_571, %add3A_573], %broadcast_in_dim3A_3 : memref<100x512xi32, #tpu.memory_space<vmem>>[vector<16xi32>, vector<16xi32>], vector<16xi32>,
      %mul3A_574 = arith.constant 4 : i32
      %mul3A_575 = arith.muli %scan3A_563, %mul3A_574 : i32
      %add3A_576 = arith.constant 1 : i32
      %add3A_577 = arith.addi %mul3A_575, %add3A_576 : i32
      %mul3A_578 = arith.constant 16 : i32
      %mul3A_579 = arith.muli %add3A_577, %mul3A_578 : i32
      %get3A_580 = arith.index_cast %mul3A_579 : i32 to index
      %get3A_581 = tpu.vector_load %arg6[%get3A_580] {strides = array<i32>} : memref<512xi32, #tpu.memory_space<vmem>>, vector<16xi32>,
      %add3A_582 = vector.broadcast %mul3A_579 : i32 to vector<16xi32>
      %add3A_583 = arith.addi %add3A_582, %iota3A : vector<16xi32>
      tpu.vector_store_idx %arg7[%get3A_581, %add3A_583], %broadcast_in_dim3A_3 : memref<100x512xi32, #tpu.memory_space<vmem>>[vector<16xi32>, vector<16xi32>], vector<16xi32>,
      %mul3A_584 = arith.constant 4 : i32
      %mul3A_585 = arith.muli %scan3A_563, %mul3A_584 : i32
      %add3A_586 = arith.constant 2 : i32
      %add3A_587 = arith.addi %mul3A_585, %add3A_586 : i32
      %mul3A_588 = arith.constant 16 : i32
      %mul3A_589 = arith.muli %add3A_587, %mul3A_588 : i32
      %get3A_590 = arith.index_cast %mul3A_589 : i32 to index
      %get3A_591 = tpu.vector_load %arg6[%get3A_590] {strides = array<i32>} : memref<512xi32, #tpu.memory_space<vmem>>, vector<16xi32>,
      %add3A_592 = vector.broadcast %mul3A_589 : i32 to vector<16xi32>
      %add3A_593 = arith.addi %add3A_592, %iota3A : vector<16xi32>
      tpu.vector_store_idx %arg7[%get3A_591, %add3A_593], %broadcast_in_dim3A_3 : memref<100x512xi32, #tpu.memory_space<vmem>>[vector<16xi32>, vector<16xi32>], vector<16xi32>,
      %mul3A_594 = arith.constant 4 : i32
      %mul3A_595 = arith.muli %scan3A_563, %mul3A_594 : i32
      %add3A_596 = arith.constant 3 : i32
      %add3A_597 = arith.addi %mul3A_595, %add3A_596 : i32
      %mul3A_598 = arith.constant 16 : i32
      %mul3A_599 = arith.muli %add3A_597, %mul3A_598 : i32
      %get3A_600 = arith.index_cast %mul3A_599 : i32 to index
      %get3A_601 = tpu.vector_load %arg6[%get3A_600] {strides = array<i32>} : memref<512xi32, #tpu.memory_space<vmem>>, vector<16xi32>,
      %add3A_602 = vector.broadcast %mul3A_599 : i32 to vector<16xi32>
      %add3A_603 = arith.addi %add3A_602, %iota3A : vector<16xi32>
      tpu.vector_store_idx %arg7[%get3A_601, %add3A_603], %broadcast_in_dim3A_3 : memref<100x512xi32, #tpu.memory_space<vmem>>[vector<16xi32>, vector<16xi32>], vector<16xi32>,
      %scan3A_604 = arith.constant 0 : i32
      scf.yield %scan3A_604 : i32
    }
    %scan3A_236 = arith.constant 8 : i32
    %add3A_237 = arith.constant 4096 : i32
    %add3A_238 = arith.addi %mul3A_2, %add3A_237 : i32
    %dma_start3A_239 = arith.constant 0 : i32
    %dma_start3A_240 = tpu.memref_slice %arg3[%dma_start3A_239, %add3A_238] : memref<100x327680xi32, #tpu.memory_space<hbm>> -> memref<100x512xi32, #tpu.memory_space<hbm>>
    %dma_start3A_241 = arith.constant 0 : i32
    %dma_start3A_242 = tpu.memref_slice %arg3[%dma_start3A_241, %add3A_238] : memref<100x327680xi32, #tpu.memory_space<hbm>> -> memref<100x512xi32, #tpu.memory_space<hbm>>
    tpu.enqueue_dma source(%arg7 : memref<100x512xi32, #tpu.memory_space<vmem>>) target(%dma_start3A_242 : memref<100x512xi32, #tpu.memory_space<hbm>>) target_semaphore(%arg9 : memref<!tpu.dma_semaphore, #tpu.memory_space<semaphore_mem>>)
    %add3A_243 = arith.constant 4608 : i32
    %add3A_244 = arith.addi %mul3A_2, %add3A_243 : i32
    "tpu.region"() ({
      %run_scoped3A = tpu.sem_alloc : memref<!tpu.dma_semaphore, #tpu.memory_space<semaphore_mem>>
      %dma_start3A_563 = tpu.memref_slice %arg2[%add3A_244] : memref<327680xi32, #tpu.memory_space<hbm>> -> memref<512xi32, #tpu.memory_space<hbm>>
      %dma_start3A_564 = tpu.memref_slice %arg2[%add3A_244] : memref<327680xi32, #tpu.memory_space<hbm>> -> memref<512xi32, #tpu.memory_space<hbm>>
      tpu.enqueue_dma source(%dma_start3A_564 : memref<512xi32, #tpu.memory_space<hbm>>) target(%arg4 : memref<512xi32, #tpu.memory_space<vmem>>) target_semaphore(%run_scoped3A : memref<!tpu.dma_semaphore, #tpu.memory_space<semaphore_mem>>)
      %dma_wait3A_565 = tpu.memref_slice %arg2[%add3A_244] : memref<327680xi32, #tpu.memory_space<hbm>> -> memref<512xi32, #tpu.memory_space<hbm>>
      %dma_wait3A_566 = tpu.memref_slice %arg2[%add3A_244] : memref<327680xi32, #tpu.memory_space<hbm>> -> memref<512xi32, #tpu.memory_space<hbm>>
      tpu.wait_dma2 semaphore(%run_scoped3A : memref<!tpu.dma_semaphore, #tpu.memory_space<semaphore_mem>>) src(%dma_wait3A_566 : memref<512xi32, #tpu.memory_space<hbm>>) dst(%arg4 : memref<512xi32, #tpu.memory_space<vmem>>)
      tpu.yield
    }) : () -> ()
    %add3A_245 = arith.constant 3584 : i32
    %add3A_246 = arith.addi %mul3A_2, %add3A_245 : i32
    %dma_wait3A_247 = arith.constant 0 : i32
    %dma_wait3A_248 = tpu.memref_slice %arg3[%dma_wait3A_247, %add3A_246] : memref<100x327680xi32, #tpu.memory_space<hbm>> -> memref<100x512xi32, #tpu.memory_space<hbm>>
    %dma_wait3A_249 = arith.constant 0 : i32
    %dma_wait3A_250 = tpu.memref_slice %arg3[%dma_wait3A_249, %add3A_246] : memref<100x327680xi32, #tpu.memory_space<hbm>> -> memref<100x512xi32, #tpu.memory_space<hbm>>
    tpu.wait_dma2 semaphore(%arg10 : memref<!tpu.dma_semaphore, #tpu.memory_space<semaphore_mem>>) src(%arg8 : memref<100x512xi32, #tpu.memory_space<vmem>>) dst(%dma_wait3A_250 : memref<100x512xi32, #tpu.memory_space<hbm>>)
    %scan3A_251 = arith.constant 0 : i32
    %scan3A_252 = arith.constant 0 : i32
    %scan3A_253 = arith.constant 8 : i32
    %scan3A_254 = arith.addi %scan3A_252, %scan3A_253 : i32
    %scan3A_255 = arith.constant 1 : i32
    %scan3A_256 = scf.for %scan3A_563 = %scan3A_252 to %scan3A_254 step %scan3A_255 iter_args(%scan3A_564 = %scan3A_251) -> (i32)  : i32 {
      %mul3A_565 = arith.constant 4 : i32
      %mul3A_566 = arith.muli %scan3A_563, %mul3A_565 : i32
      %add3A_567 = arith.constant 0 : i32
      %add3A_568 = arith.addi %mul3A_566, %add3A_567 : i32
      %mul3A_569 = arith.constant 16 : i32
      %mul3A_570 = arith.muli %add3A_568, %mul3A_569 : i32
      %get3A = arith.index_cast %mul3A_570 : i32 to index
      %get3A_571 = tpu.vector_load %arg5[%get3A] {strides = array<i32>} : memref<512xi32, #tpu.memory_space<vmem>>, vector<16xi32>,
      %add3A_572 = vector.broadcast %mul3A_570 : i32 to vector<16xi32>
      %add3A_573 = arith.addi %add3A_572, %iota3A : vector<16xi32>
      tpu.vector_store_idx %arg8[%get3A_571, %add3A_573], %broadcast_in_dim3A_5 : memref<100x512xi32, #tpu.memory_space<vmem>>[vector<16xi32>, vector<16xi32>], vector<16xi32>,
      %mul3A_574 = arith.constant 4 : i32
      %mul3A_575 = arith.muli %scan3A_563, %mul3A_574 : i32
      %add3A_576 = arith.constant 1 : i32
      %add3A_577 = arith.addi %mul3A_575, %add3A_576 : i32
      %mul3A_578 = arith.constant 16 : i32
      %mul3A_579 = arith.muli %add3A_577, %mul3A_578 : i32
      %get3A_580 = arith.index_cast %mul3A_579 : i32 to index
      %get3A_581 = tpu.vector_load %arg5[%get3A_580] {strides = array<i32>} : memref<512xi32, #tpu.memory_space<vmem>>, vector<16xi32>,
      %add3A_582 = vector.broadcast %mul3A_579 : i32 to vector<16xi32>
      %add3A_583 = arith.addi %add3A_582, %iota3A : vector<16xi32>
      tpu.vector_store_idx %arg8[%get3A_581, %add3A_583], %broadcast_in_dim3A_5 : memref<100x512xi32, #tpu.memory_space<vmem>>[vector<16xi32>, vector<16xi32>], vector<16xi32>,
      %mul3A_584 = arith.constant 4 : i32
      %mul3A_585 = arith.muli %scan3A_563, %mul3A_584 : i32
      %add3A_586 = arith.constant 2 : i32
      %add3A_587 = arith.addi %mul3A_585, %add3A_586 : i32
      %mul3A_588 = arith.constant 16 : i32
      %mul3A_589 = arith.muli %add3A_587, %mul3A_588 : i32
      %get3A_590 = arith.index_cast %mul3A_589 : i32 to index
      %get3A_591 = tpu.vector_load %arg5[%get3A_590] {strides = array<i32>} : memref<512xi32, #tpu.memory_space<vmem>>, vector<16xi32>,
      %add3A_592 = vector.broadcast %mul3A_589 : i32 to vector<16xi32>
      %add3A_593 = arith.addi %add3A_592, %iota3A : vector<16xi32>
      tpu.vector_store_idx %arg8[%get3A_591, %add3A_593], %broadcast_in_dim3A_5 : memref<100x512xi32, #tpu.memory_space<vmem>>[vector<16xi32>, vector<16xi32>], vector<16xi32>,
      %mul3A_594 = arith.constant 4 : i32
      %mul3A_595 = arith.muli %scan3A_563, %mul3A_594 : i32
      %add3A_596 = arith.constant 3 : i32
      %add3A_597 = arith.addi %mul3A_595, %add3A_596 : i32
      %mul3A_598 = arith.constant 16 : i32
      %mul3A_599 = arith.muli %add3A_597, %mul3A_598 : i32
      %get3A_600 = arith.index_cast %mul3A_599 : i32 to index
      %get3A_601 = tpu.vector_load %arg5[%get3A_600] {strides = array<i32>} : memref<512xi32, #tpu.memory_space<vmem>>, vector<16xi32>,
      %add3A_602 = vector.broadcast %mul3A_599 : i32 to vector<16xi32>
      %add3A_603 = arith.addi %add3A_602, %iota3A : vector<16xi32>
      tpu.vector_store_idx %arg8[%get3A_601, %add3A_603], %broadcast_in_dim3A_5 : memref<100x512xi32, #tpu.memory_space<vmem>>[vector<16xi32>, vector<16xi32>], vector<16xi32>,
      %scan3A_604 = arith.constant 0 : i32
      scf.yield %scan3A_604 : i32
    }
    %scan3A_257 = arith.constant 8 : i32
    %scan3A_258 = arith.constant 0 : i32
    %scan3A_259 = arith.constant 0 : i32
    %scan3A_260 = arith.constant 8 : i32
    %scan3A_261 = arith.addi %scan3A_259, %scan3A_260 : i32
    %scan3A_262 = arith.constant 1 : i32
    %scan3A_263 = scf.for %scan3A_563 = %scan3A_259 to %scan3A_261 step %scan3A_262 iter_args(%scan3A_564 = %scan3A_258) -> (i32)  : i32 {
      %mul3A_565 = arith.constant 4 : i32
      %mul3A_566 = arith.muli %scan3A_563, %mul3A_565 : i32
      %add3A_567 = arith.constant 0 : i32
      %add3A_568 = arith.addi %mul3A_566, %add3A_567 : i32
      %mul3A_569 = arith.constant 16 : i32
      %mul3A_570 = arith.muli %add3A_568, %mul3A_569 : i32
      %get3A = arith.index_cast %mul3A_570 : i32 to index
      %get3A_571 = tpu.vector_load %arg4[%get3A] {strides = array<i32>} : memref<512xi32, #tpu.memory_space<vmem>>, vector<16xi32>,
      %add3A_572 = vector.broadcast %mul3A_570 : i32 to vector<16xi32>
      %add3A_573 = arith.addi %add3A_572, %iota3A : vector<16xi32>
      tpu.vector_store_idx %arg8[%get3A_571, %add3A_573], %broadcast_in_dim3A_3 : memref<100x512xi32, #tpu.memory_space<vmem>>[vector<16xi32>, vector<16xi32>], vector<16xi32>,
      %mul3A_574 = arith.constant 4 : i32
      %mul3A_575 = arith.muli %scan3A_563, %mul3A_574 : i32
      %add3A_576 = arith.constant 1 : i32
      %add3A_577 = arith.addi %mul3A_575, %add3A_576 : i32
      %mul3A_578 = arith.constant 16 : i32
      %mul3A_579 = arith.muli %add3A_577, %mul3A_578 : i32
      %get3A_580 = arith.index_cast %mul3A_579 : i32 to index
      %get3A_581 = tpu.vector_load %arg4[%get3A_580] {strides = array<i32>} : memref<512xi32, #tpu.memory_space<vmem>>, vector<16xi32>,
      %add3A_582 = vector.broadcast %mul3A_579 : i32 to vector<16xi32>
      %add3A_583 = arith.addi %add3A_582, %iota3A : vector<16xi32>
      tpu.vector_store_idx %arg8[%get3A_581, %add3A_583], %broadcast_in_dim3A_3 : memref<100x512xi32, #tpu.memory_space<vmem>>[vector<16xi32>, vector<16xi32>], vector<16xi32>,
      %mul3A_584 = arith.constant 4 : i32
      %mul3A_585 = arith.muli %scan3A_563, %mul3A_584 : i32
      %add3A_586 = arith.constant 2 : i32
      %add3A_587 = arith.addi %mul3A_585, %add3A_586 : i32
      %mul3A_588 = arith.constant 16 : i32
      %mul3A_589 = arith.muli %add3A_587, %mul3A_588 : i32
      %get3A_590 = arith.index_cast %mul3A_589 : i32 to index
      %get3A_591 = tpu.vector_load %arg4[%get3A_590] {strides = array<i32>} : memref<512xi32, #tpu.memory_space<vmem>>, vector<16xi32>,
      %add3A_592 = vector.broadcast %mul3A_589 : i32 to vector<16xi32>
      %add3A_593 = arith.addi %add3A_592, %iota3A : vector<16xi32>
      tpu.vector_store_idx %arg8[%get3A_591, %add3A_593], %broadcast_in_dim3A_3 : memref<100x512xi32, #tpu.memory_space<vmem>>[vector<16xi32>, vector<16xi32>], vector<16xi32>,
      %mul3A_594 = arith.constant 4 : i32
      %mul3A_595 = arith.muli %scan3A_563, %mul3A_594 : i32
      %add3A_596 = arith.constant 3 : i32
      %add3A_597 = arith.addi %mul3A_595, %add3A_596 : i32
      %mul3A_598 = arith.constant 16 : i32
      %mul3A_599 = arith.muli %add3A_597, %mul3A_598 : i32
      %get3A_600 = arith.index_cast %mul3A_599 : i32 to index
      %get3A_601 = tpu.vector_load %arg4[%get3A_600] {strides = array<i32>} : memref<512xi32, #tpu.memory_space<vmem>>, vector<16xi32>,
      %add3A_602 = vector.broadcast %mul3A_599 : i32 to vector<16xi32>
      %add3A_603 = arith.addi %add3A_602, %iota3A : vector<16xi32>
      tpu.vector_store_idx %arg8[%get3A_601, %add3A_603], %broadcast_in_dim3A_3 : memref<100x512xi32, #tpu.memory_space<vmem>>[vector<16xi32>, vector<16xi32>], vector<16xi32>,
      %scan3A_604 = arith.constant 0 : i32
      scf.yield %scan3A_604 : i32
    }
    %scan3A_264 = arith.constant 8 : i32
    %add3A_265 = arith.constant 4608 : i32
    %add3A_266 = arith.addi %mul3A_2, %add3A_265 : i32
    %dma_start3A_267 = arith.constant 0 : i32
    %dma_start3A_268 = tpu.memref_slice %arg3[%dma_start3A_267, %add3A_266] : memref<100x327680xi32, #tpu.memory_space<hbm>> -> memref<100x512xi32, #tpu.memory_space<hbm>>
    %dma_start3A_269 = arith.constant 0 : i32
    %dma_start3A_270 = tpu.memref_slice %arg3[%dma_start3A_269, %add3A_266] : memref<100x327680xi32, #tpu.memory_space<hbm>> -> memref<100x512xi32, #tpu.memory_space<hbm>>
    tpu.enqueue_dma source(%arg8 : memref<100x512xi32, #tpu.memory_space<vmem>>) target(%dma_start3A_270 : memref<100x512xi32, #tpu.memory_space<hbm>>) target_semaphore(%arg10 : memref<!tpu.dma_semaphore, #tpu.memory_space<semaphore_mem>>)
    %add3A_271 = arith.constant 5120 : i32
    %add3A_272 = arith.addi %mul3A_2, %add3A_271 : i32
    "tpu.region"() ({
      %run_scoped3A = tpu.sem_alloc : memref<!tpu.dma_semaphore, #tpu.memory_space<semaphore_mem>>
      %dma_start3A_563 = tpu.memref_slice %arg2[%add3A_272] : memref<327680xi32, #tpu.memory_space<hbm>> -> memref<512xi32, #tpu.memory_space<hbm>>
      %dma_start3A_564 = tpu.memref_slice %arg2[%add3A_272] : memref<327680xi32, #tpu.memory_space<hbm>> -> memref<512xi32, #tpu.memory_space<hbm>>
      tpu.enqueue_dma source(%dma_start3A_564 : memref<512xi32, #tpu.memory_space<hbm>>) target(%arg5 : memref<512xi32, #tpu.memory_space<vmem>>) target_semaphore(%run_scoped3A : memref<!tpu.dma_semaphore, #tpu.memory_space<semaphore_mem>>)
      %dma_wait3A_565 = tpu.memref_slice %arg2[%add3A_272] : memref<327680xi32, #tpu.memory_space<hbm>> -> memref<512xi32, #tpu.memory_space<hbm>>
      %dma_wait3A_566 = tpu.memref_slice %arg2[%add3A_272] : memref<327680xi32, #tpu.memory_space<hbm>> -> memref<512xi32, #tpu.memory_space<hbm>>
      tpu.wait_dma2 semaphore(%run_scoped3A : memref<!tpu.dma_semaphore, #tpu.memory_space<semaphore_mem>>) src(%dma_wait3A_566 : memref<512xi32, #tpu.memory_space<hbm>>) dst(%arg5 : memref<512xi32, #tpu.memory_space<vmem>>)
      tpu.yield
    }) : () -> ()
    %add3A_273 = arith.constant 4096 : i32
    %add3A_274 = arith.addi %mul3A_2, %add3A_273 : i32
    %dma_wait3A_275 = arith.constant 0 : i32
    %dma_wait3A_276 = tpu.memref_slice %arg3[%dma_wait3A_275, %add3A_274] : memref<100x327680xi32, #tpu.memory_space<hbm>> -> memref<100x512xi32, #tpu.memory_space<hbm>>
    %dma_wait3A_277 = arith.constant 0 : i32
    %dma_wait3A_278 = tpu.memref_slice %arg3[%dma_wait3A_277, %add3A_274] : memref<100x327680xi32, #tpu.memory_space<hbm>> -> memref<100x512xi32, #tpu.memory_space<hbm>>
    tpu.wait_dma2 semaphore(%arg9 : memref<!tpu.dma_semaphore, #tpu.memory_space<semaphore_mem>>) src(%arg7 : memref<100x512xi32, #tpu.memory_space<vmem>>) dst(%dma_wait3A_278 : memref<100x512xi32, #tpu.memory_space<hbm>>)
    %scan3A_279 = arith.constant 0 : i32
    %scan3A_280 = arith.constant 0 : i32
    %scan3A_281 = arith.constant 8 : i32
    %scan3A_282 = arith.addi %scan3A_280, %scan3A_281 : i32
    %scan3A_283 = arith.constant 1 : i32
    %scan3A_284 = scf.for %scan3A_563 = %scan3A_280 to %scan3A_282 step %scan3A_283 iter_args(%scan3A_564 = %scan3A_279) -> (i32)  : i32 {
      %mul3A_565 = arith.constant 4 : i32
      %mul3A_566 = arith.muli %scan3A_563, %mul3A_565 : i32
      %add3A_567 = arith.constant 0 : i32
      %add3A_568 = arith.addi %mul3A_566, %add3A_567 : i32
      %mul3A_569 = arith.constant 16 : i32
      %mul3A_570 = arith.muli %add3A_568, %mul3A_569 : i32
      %get3A = arith.index_cast %mul3A_570 : i32 to index
      %get3A_571 = tpu.vector_load %arg6[%get3A] {strides = array<i32>} : memref<512xi32, #tpu.memory_space<vmem>>, vector<16xi32>,
      %add3A_572 = vector.broadcast %mul3A_570 : i32 to vector<16xi32>
      %add3A_573 = arith.addi %add3A_572, %iota3A : vector<16xi32>
      tpu.vector_store_idx %arg7[%get3A_571, %add3A_573], %broadcast_in_dim3A_5 : memref<100x512xi32, #tpu.memory_space<vmem>>[vector<16xi32>, vector<16xi32>], vector<16xi32>,
      %mul3A_574 = arith.constant 4 : i32
      %mul3A_575 = arith.muli %scan3A_563, %mul3A_574 : i32
      %add3A_576 = arith.constant 1 : i32
      %add3A_577 = arith.addi %mul3A_575, %add3A_576 : i32
      %mul3A_578 = arith.constant 16 : i32
      %mul3A_579 = arith.muli %add3A_577, %mul3A_578 : i32
      %get3A_580 = arith.index_cast %mul3A_579 : i32 to index
      %get3A_581 = tpu.vector_load %arg6[%get3A_580] {strides = array<i32>} : memref<512xi32, #tpu.memory_space<vmem>>, vector<16xi32>,
      %add3A_582 = vector.broadcast %mul3A_579 : i32 to vector<16xi32>
      %add3A_583 = arith.addi %add3A_582, %iota3A : vector<16xi32>
      tpu.vector_store_idx %arg7[%get3A_581, %add3A_583], %broadcast_in_dim3A_5 : memref<100x512xi32, #tpu.memory_space<vmem>>[vector<16xi32>, vector<16xi32>], vector<16xi32>,
      %mul3A_584 = arith.constant 4 : i32
      %mul3A_585 = arith.muli %scan3A_563, %mul3A_584 : i32
      %add3A_586 = arith.constant 2 : i32
      %add3A_587 = arith.addi %mul3A_585, %add3A_586 : i32
      %mul3A_588 = arith.constant 16 : i32
      %mul3A_589 = arith.muli %add3A_587, %mul3A_588 : i32
      %get3A_590 = arith.index_cast %mul3A_589 : i32 to index
      %get3A_591 = tpu.vector_load %arg6[%get3A_590] {strides = array<i32>} : memref<512xi32, #tpu.memory_space<vmem>>, vector<16xi32>,
      %add3A_592 = vector.broadcast %mul3A_589 : i32 to vector<16xi32>
      %add3A_593 = arith.addi %add3A_592, %iota3A : vector<16xi32>
      tpu.vector_store_idx %arg7[%get3A_591, %add3A_593], %broadcast_in_dim3A_5 : memref<100x512xi32, #tpu.memory_space<vmem>>[vector<16xi32>, vector<16xi32>], vector<16xi32>,
      %mul3A_594 = arith.constant 4 : i32
      %mul3A_595 = arith.muli %scan3A_563, %mul3A_594 : i32
      %add3A_596 = arith.constant 3 : i32
      %add3A_597 = arith.addi %mul3A_595, %add3A_596 : i32
      %mul3A_598 = arith.constant 16 : i32
      %mul3A_599 = arith.muli %add3A_597, %mul3A_598 : i32
      %get3A_600 = arith.index_cast %mul3A_599 : i32 to index
      %get3A_601 = tpu.vector_load %arg6[%get3A_600] {strides = array<i32>} : memref<512xi32, #tpu.memory_space<vmem>>, vector<16xi32>,
      %add3A_602 = vector.broadcast %mul3A_599 : i32 to vector<16xi32>
      %add3A_603 = arith.addi %add3A_602, %iota3A : vector<16xi32>
      tpu.vector_store_idx %arg7[%get3A_601, %add3A_603], %broadcast_in_dim3A_5 : memref<100x512xi32, #tpu.memory_space<vmem>>[vector<16xi32>, vector<16xi32>], vector<16xi32>,
      %scan3A_604 = arith.constant 0 : i32
      scf.yield %scan3A_604 : i32
    }
    %scan3A_285 = arith.constant 8 : i32
    %scan3A_286 = arith.constant 0 : i32
    %scan3A_287 = arith.constant 0 : i32
    %scan3A_288 = arith.constant 8 : i32
    %scan3A_289 = arith.addi %scan3A_287, %scan3A_288 : i32
    %scan3A_290 = arith.constant 1 : i32
    %scan3A_291 = scf.for %scan3A_563 = %scan3A_287 to %scan3A_289 step %scan3A_290 iter_args(%scan3A_564 = %scan3A_286) -> (i32)  : i32 {
      %mul3A_565 = arith.constant 4 : i32
      %mul3A_566 = arith.muli %scan3A_563, %mul3A_565 : i32
      %add3A_567 = arith.constant 0 : i32
      %add3A_568 = arith.addi %mul3A_566, %add3A_567 : i32
      %mul3A_569 = arith.constant 16 : i32
      %mul3A_570 = arith.muli %add3A_568, %mul3A_569 : i32
      %get3A = arith.index_cast %mul3A_570 : i32 to index
      %get3A_571 = tpu.vector_load %arg5[%get3A] {strides = array<i32>} : memref<512xi32, #tpu.memory_space<vmem>>, vector<16xi32>,
      %add3A_572 = vector.broadcast %mul3A_570 : i32 to vector<16xi32>
      %add3A_573 = arith.addi %add3A_572, %iota3A : vector<16xi32>
      tpu.vector_store_idx %arg7[%get3A_571, %add3A_573], %broadcast_in_dim3A_3 : memref<100x512xi32, #tpu.memory_space<vmem>>[vector<16xi32>, vector<16xi32>], vector<16xi32>,
      %mul3A_574 = arith.constant 4 : i32
      %mul3A_575 = arith.muli %scan3A_563, %mul3A_574 : i32
      %add3A_576 = arith.constant 1 : i32
      %add3A_577 = arith.addi %mul3A_575, %add3A_576 : i32
      %mul3A_578 = arith.constant 16 : i32
      %mul3A_579 = arith.muli %add3A_577, %mul3A_578 : i32
      %get3A_580 = arith.index_cast %mul3A_579 : i32 to index
      %get3A_581 = tpu.vector_load %arg5[%get3A_580] {strides = array<i32>} : memref<512xi32, #tpu.memory_space<vmem>>, vector<16xi32>,
      %add3A_582 = vector.broadcast %mul3A_579 : i32 to vector<16xi32>
      %add3A_583 = arith.addi %add3A_582, %iota3A : vector<16xi32>
      tpu.vector_store_idx %arg7[%get3A_581, %add3A_583], %broadcast_in_dim3A_3 : memref<100x512xi32, #tpu.memory_space<vmem>>[vector<16xi32>, vector<16xi32>], vector<16xi32>,
      %mul3A_584 = arith.constant 4 : i32
      %mul3A_585 = arith.muli %scan3A_563, %mul3A_584 : i32
      %add3A_586 = arith.constant 2 : i32
      %add3A_587 = arith.addi %mul3A_585, %add3A_586 : i32
      %mul3A_588 = arith.constant 16 : i32
      %mul3A_589 = arith.muli %add3A_587, %mul3A_588 : i32
      %get3A_590 = arith.index_cast %mul3A_589 : i32 to index
      %get3A_591 = tpu.vector_load %arg5[%get3A_590] {strides = array<i32>} : memref<512xi32, #tpu.memory_space<vmem>>, vector<16xi32>,
      %add3A_592 = vector.broadcast %mul3A_589 : i32 to vector<16xi32>
      %add3A_593 = arith.addi %add3A_592, %iota3A : vector<16xi32>
      tpu.vector_store_idx %arg7[%get3A_591, %add3A_593], %broadcast_in_dim3A_3 : memref<100x512xi32, #tpu.memory_space<vmem>>[vector<16xi32>, vector<16xi32>], vector<16xi32>,
      %mul3A_594 = arith.constant 4 : i32
      %mul3A_595 = arith.muli %scan3A_563, %mul3A_594 : i32
      %add3A_596 = arith.constant 3 : i32
      %add3A_597 = arith.addi %mul3A_595, %add3A_596 : i32
      %mul3A_598 = arith.constant 16 : i32
      %mul3A_599 = arith.muli %add3A_597, %mul3A_598 : i32
      %get3A_600 = arith.index_cast %mul3A_599 : i32 to index
      %get3A_601 = tpu.vector_load %arg5[%get3A_600] {strides = array<i32>} : memref<512xi32, #tpu.memory_space<vmem>>, vector<16xi32>,
      %add3A_602 = vector.broadcast %mul3A_599 : i32 to vector<16xi32>
      %add3A_603 = arith.addi %add3A_602, %iota3A : vector<16xi32>
      tpu.vector_store_idx %arg7[%get3A_601, %add3A_603], %broadcast_in_dim3A_3 : memref<100x512xi32, #tpu.memory_space<vmem>>[vector<16xi32>, vector<16xi32>], vector<16xi32>,
      %scan3A_604 = arith.constant 0 : i32
      scf.yield %scan3A_604 : i32
    }
    %scan3A_292 = arith.constant 8 : i32
    %add3A_293 = arith.constant 5120 : i32
    %add3A_294 = arith.addi %mul3A_2, %add3A_293 : i32
    %dma_start3A_295 = arith.constant 0 : i32
    %dma_start3A_296 = tpu.memref_slice %arg3[%dma_start3A_295, %add3A_294] : memref<100x327680xi32, #tpu.memory_space<hbm>> -> memref<100x512xi32, #tpu.memory_space<hbm>>
    %dma_start3A_297 = arith.constant 0 : i32
    %dma_start3A_298 = tpu.memref_slice %arg3[%dma_start3A_297, %add3A_294] : memref<100x327680xi32, #tpu.memory_space<hbm>> -> memref<100x512xi32, #tpu.memory_space<hbm>>
    tpu.enqueue_dma source(%arg7 : memref<100x512xi32, #tpu.memory_space<vmem>>) target(%dma_start3A_298 : memref<100x512xi32, #tpu.memory_space<hbm>>) target_semaphore(%arg9 : memref<!tpu.dma_semaphore, #tpu.memory_space<semaphore_mem>>)
    %add3A_299 = arith.constant 5632 : i32
    %add3A_300 = arith.addi %mul3A_2, %add3A_299 : i32
    "tpu.region"() ({
      %run_scoped3A = tpu.sem_alloc : memref<!tpu.dma_semaphore, #tpu.memory_space<semaphore_mem>>
      %dma_start3A_563 = tpu.memref_slice %arg2[%add3A_300] : memref<327680xi32, #tpu.memory_space<hbm>> -> memref<512xi32, #tpu.memory_space<hbm>>
      %dma_start3A_564 = tpu.memref_slice %arg2[%add3A_300] : memref<327680xi32, #tpu.memory_space<hbm>> -> memref<512xi32, #tpu.memory_space<hbm>>
      tpu.enqueue_dma source(%dma_start3A_564 : memref<512xi32, #tpu.memory_space<hbm>>) target(%arg6 : memref<512xi32, #tpu.memory_space<vmem>>) target_semaphore(%run_scoped3A : memref<!tpu.dma_semaphore, #tpu.memory_space<semaphore_mem>>)
      %dma_wait3A_565 = tpu.memref_slice %arg2[%add3A_300] : memref<327680xi32, #tpu.memory_space<hbm>> -> memref<512xi32, #tpu.memory_space<hbm>>
      %dma_wait3A_566 = tpu.memref_slice %arg2[%add3A_300] : memref<327680xi32, #tpu.memory_space<hbm>> -> memref<512xi32, #tpu.memory_space<hbm>>
      tpu.wait_dma2 semaphore(%run_scoped3A : memref<!tpu.dma_semaphore, #tpu.memory_space<semaphore_mem>>) src(%dma_wait3A_566 : memref<512xi32, #tpu.memory_space<hbm>>) dst(%arg6 : memref<512xi32, #tpu.memory_space<vmem>>)
      tpu.yield
    }) : () -> ()
    %add3A_301 = arith.constant 4608 : i32
    %add3A_302 = arith.addi %mul3A_2, %add3A_301 : i32
    %dma_wait3A_303 = arith.constant 0 : i32
    %dma_wait3A_304 = tpu.memref_slice %arg3[%dma_wait3A_303, %add3A_302] : memref<100x327680xi32, #tpu.memory_space<hbm>> -> memref<100x512xi32, #tpu.memory_space<hbm>>
    %dma_wait3A_305 = arith.constant 0 : i32
    %dma_wait3A_306 = tpu.memref_slice %arg3[%dma_wait3A_305, %add3A_302] : memref<100x327680xi32, #tpu.memory_space<hbm>> -> memref<100x512xi32, #tpu.memory_space<hbm>>
    tpu.wait_dma2 semaphore(%arg10 : memref<!tpu.dma_semaphore, #tpu.memory_space<semaphore_mem>>) src(%arg8 : memref<100x512xi32, #tpu.memory_space<vmem>>) dst(%dma_wait3A_306 : memref<100x512xi32, #tpu.memory_space<hbm>>)
    %scan3A_307 = arith.constant 0 : i32
    %scan3A_308 = arith.constant 0 : i32
    %scan3A_309 = arith.constant 8 : i32
    %scan3A_310 = arith.addi %scan3A_308, %scan3A_309 : i32
    %scan3A_311 = arith.constant 1 : i32
    %scan3A_312 = scf.for %scan3A_563 = %scan3A_308 to %scan3A_310 step %scan3A_311 iter_args(%scan3A_564 = %scan3A_307) -> (i32)  : i32 {
      %mul3A_565 = arith.constant 4 : i32
      %mul3A_566 = arith.muli %scan3A_563, %mul3A_565 : i32
      %add3A_567 = arith.constant 0 : i32
      %add3A_568 = arith.addi %mul3A_566, %add3A_567 : i32
      %mul3A_569 = arith.constant 16 : i32
      %mul3A_570 = arith.muli %add3A_568, %mul3A_569 : i32
      %get3A = arith.index_cast %mul3A_570 : i32 to index
      %get3A_571 = tpu.vector_load %arg4[%get3A] {strides = array<i32>} : memref<512xi32, #tpu.memory_space<vmem>>, vector<16xi32>,
      %add3A_572 = vector.broadcast %mul3A_570 : i32 to vector<16xi32>
      %add3A_573 = arith.addi %add3A_572, %iota3A : vector<16xi32>
      tpu.vector_store_idx %arg8[%get3A_571, %add3A_573], %broadcast_in_dim3A_5 : memref<100x512xi32, #tpu.memory_space<vmem>>[vector<16xi32>, vector<16xi32>], vector<16xi32>,
      %mul3A_574 = arith.constant 4 : i32
      %mul3A_575 = arith.muli %scan3A_563, %mul3A_574 : i32
      %add3A_576 = arith.constant 1 : i32
      %add3A_577 = arith.addi %mul3A_575, %add3A_576 : i32
      %mul3A_578 = arith.constant 16 : i32
      %mul3A_579 = arith.muli %add3A_577, %mul3A_578 : i32
      %get3A_580 = arith.index_cast %mul3A_579 : i32 to index
      %get3A_581 = tpu.vector_load %arg4[%get3A_580] {strides = array<i32>} : memref<512xi32, #tpu.memory_space<vmem>>, vector<16xi32>,
      %add3A_582 = vector.broadcast %mul3A_579 : i32 to vector<16xi32>
      %add3A_583 = arith.addi %add3A_582, %iota3A : vector<16xi32>
      tpu.vector_store_idx %arg8[%get3A_581, %add3A_583], %broadcast_in_dim3A_5 : memref<100x512xi32, #tpu.memory_space<vmem>>[vector<16xi32>, vector<16xi32>], vector<16xi32>,
      %mul3A_584 = arith.constant 4 : i32
      %mul3A_585 = arith.muli %scan3A_563, %mul3A_584 : i32
      %add3A_586 = arith.constant 2 : i32
      %add3A_587 = arith.addi %mul3A_585, %add3A_586 : i32
      %mul3A_588 = arith.constant 16 : i32
      %mul3A_589 = arith.muli %add3A_587, %mul3A_588 : i32
      %get3A_590 = arith.index_cast %mul3A_589 : i32 to index
      %get3A_591 = tpu.vector_load %arg4[%get3A_590] {strides = array<i32>} : memref<512xi32, #tpu.memory_space<vmem>>, vector<16xi32>,
      %add3A_592 = vector.broadcast %mul3A_589 : i32 to vector<16xi32>
      %add3A_593 = arith.addi %add3A_592, %iota3A : vector<16xi32>
      tpu.vector_store_idx %arg8[%get3A_591, %add3A_593], %broadcast_in_dim3A_5 : memref<100x512xi32, #tpu.memory_space<vmem>>[vector<16xi32>, vector<16xi32>], vector<16xi32>,
      %mul3A_594 = arith.constant 4 : i32
      %mul3A_595 = arith.muli %scan3A_563, %mul3A_594 : i32
      %add3A_596 = arith.constant 3 : i32
      %add3A_597 = arith.addi %mul3A_595, %add3A_596 : i32
      %mul3A_598 = arith.constant 16 : i32
      %mul3A_599 = arith.muli %add3A_597, %mul3A_598 : i32
      %get3A_600 = arith.index_cast %mul3A_599 : i32 to index
      %get3A_601 = tpu.vector_load %arg4[%get3A_600] {strides = array<i32>} : memref<512xi32, #tpu.memory_space<vmem>>, vector<16xi32>,
      %add3A_602 = vector.broadcast %mul3A_599 : i32 to vector<16xi32>
      %add3A_603 = arith.addi %add3A_602, %iota3A : vector<16xi32>
      tpu.vector_store_idx %arg8[%get3A_601, %add3A_603], %broadcast_in_dim3A_5 : memref<100x512xi32, #tpu.memory_space<vmem>>[vector<16xi32>, vector<16xi32>], vector<16xi32>,
      %scan3A_604 = arith.constant 0 : i32
      scf.yield %scan3A_604 : i32
    }
    %scan3A_313 = arith.constant 8 : i32
    %scan3A_314 = arith.constant 0 : i32
    %scan3A_315 = arith.constant 0 : i32
    %scan3A_316 = arith.constant 8 : i32
    %scan3A_317 = arith.addi %scan3A_315, %scan3A_316 : i32
    %scan3A_318 = arith.constant 1 : i32
    %scan3A_319 = scf.for %scan3A_563 = %scan3A_315 to %scan3A_317 step %scan3A_318 iter_args(%scan3A_564 = %scan3A_314) -> (i32)  : i32 {
      %mul3A_565 = arith.constant 4 : i32
      %mul3A_566 = arith.muli %scan3A_563, %mul3A_565 : i32
      %add3A_567 = arith.constant 0 : i32
      %add3A_568 = arith.addi %mul3A_566, %add3A_567 : i32
      %mul3A_569 = arith.constant 16 : i32
      %mul3A_570 = arith.muli %add3A_568, %mul3A_569 : i32
      %get3A = arith.index_cast %mul3A_570 : i32 to index
      %get3A_571 = tpu.vector_load %arg6[%get3A] {strides = array<i32>} : memref<512xi32, #tpu.memory_space<vmem>>, vector<16xi32>,
      %add3A_572 = vector.broadcast %mul3A_570 : i32 to vector<16xi32>
      %add3A_573 = arith.addi %add3A_572, %iota3A : vector<16xi32>
      tpu.vector_store_idx %arg8[%get3A_571, %add3A_573], %broadcast_in_dim3A_3 : memref<100x512xi32, #tpu.memory_space<vmem>>[vector<16xi32>, vector<16xi32>], vector<16xi32>,
      %mul3A_574 = arith.constant 4 : i32
      %mul3A_575 = arith.muli %scan3A_563, %mul3A_574 : i32
      %add3A_576 = arith.constant 1 : i32
      %add3A_577 = arith.addi %mul3A_575, %add3A_576 : i32
      %mul3A_578 = arith.constant 16 : i32
      %mul3A_579 = arith.muli %add3A_577, %mul3A_578 : i32
      %get3A_580 = arith.index_cast %mul3A_579 : i32 to index
      %get3A_581 = tpu.vector_load %arg6[%get3A_580] {strides = array<i32>} : memref<512xi32, #tpu.memory_space<vmem>>, vector<16xi32>,
      %add3A_582 = vector.broadcast %mul3A_579 : i32 to vector<16xi32>
      %add3A_583 = arith.addi %add3A_582, %iota3A : vector<16xi32>
      tpu.vector_store_idx %arg8[%get3A_581, %add3A_583], %broadcast_in_dim3A_3 : memref<100x512xi32, #tpu.memory_space<vmem>>[vector<16xi32>, vector<16xi32>], vector<16xi32>,
      %mul3A_584 = arith.constant 4 : i32
      %mul3A_585 = arith.muli %scan3A_563, %mul3A_584 : i32
      %add3A_586 = arith.constant 2 : i32
      %add3A_587 = arith.addi %mul3A_585, %add3A_586 : i32
      %mul3A_588 = arith.constant 16 : i32
      %mul3A_589 = arith.muli %add3A_587, %mul3A_588 : i32
      %get3A_590 = arith.index_cast %mul3A_589 : i32 to index
      %get3A_591 = tpu.vector_load %arg6[%get3A_590] {strides = array<i32>} : memref<512xi32, #tpu.memory_space<vmem>>, vector<16xi32>,
      %add3A_592 = vector.broadcast %mul3A_589 : i32 to vector<16xi32>
      %add3A_593 = arith.addi %add3A_592, %iota3A : vector<16xi32>
      tpu.vector_store_idx %arg8[%get3A_591, %add3A_593], %broadcast_in_dim3A_3 : memref<100x512xi32, #tpu.memory_space<vmem>>[vector<16xi32>, vector<16xi32>], vector<16xi32>,
      %mul3A_594 = arith.constant 4 : i32
      %mul3A_595 = arith.muli %scan3A_563, %mul3A_594 : i32
      %add3A_596 = arith.constant 3 : i32
      %add3A_597 = arith.addi %mul3A_595, %add3A_596 : i32
      %mul3A_598 = arith.constant 16 : i32
      %mul3A_599 = arith.muli %add3A_597, %mul3A_598 : i32
      %get3A_600 = arith.index_cast %mul3A_599 : i32 to index
      %get3A_601 = tpu.vector_load %arg6[%get3A_600] {strides = array<i32>} : memref<512xi32, #tpu.memory_space<vmem>>, vector<16xi32>,
      %add3A_602 = vector.broadcast %mul3A_599 : i32 to vector<16xi32>
      %add3A_603 = arith.addi %add3A_602, %iota3A : vector<16xi32>
      tpu.vector_store_idx %arg8[%get3A_601, %add3A_603], %broadcast_in_dim3A_3 : memref<100x512xi32, #tpu.memory_space<vmem>>[vector<16xi32>, vector<16xi32>], vector<16xi32>,
      %scan3A_604 = arith.constant 0 : i32
      scf.yield %scan3A_604 : i32
    }
    %scan3A_320 = arith.constant 8 : i32
    %add3A_321 = arith.constant 5632 : i32
    %add3A_322 = arith.addi %mul3A_2, %add3A_321 : i32
    %dma_start3A_323 = arith.constant 0 : i32
    %dma_start3A_324 = tpu.memref_slice %arg3[%dma_start3A_323, %add3A_322] : memref<100x327680xi32, #tpu.memory_space<hbm>> -> memref<100x512xi32, #tpu.memory_space<hbm>>
    %dma_start3A_325 = arith.constant 0 : i32
    %dma_start3A_326 = tpu.memref_slice %arg3[%dma_start3A_325, %add3A_322] : memref<100x327680xi32, #tpu.memory_space<hbm>> -> memref<100x512xi32, #tpu.memory_space<hbm>>
    tpu.enqueue_dma source(%arg8 : memref<100x512xi32, #tpu.memory_space<vmem>>) target(%dma_start3A_326 : memref<100x512xi32, #tpu.memory_space<hbm>>) target_semaphore(%arg10 : memref<!tpu.dma_semaphore, #tpu.memory_space<semaphore_mem>>)
    %add3A_327 = arith.constant 6144 : i32
    %add3A_328 = arith.addi %mul3A_2, %add3A_327 : i32
    "tpu.region"() ({
      %run_scoped3A = tpu.sem_alloc : memref<!tpu.dma_semaphore, #tpu.memory_space<semaphore_mem>>
      %dma_start3A_563 = tpu.memref_slice %arg2[%add3A_328] : memref<327680xi32, #tpu.memory_space<hbm>> -> memref<512xi32, #tpu.memory_space<hbm>>
      %dma_start3A_564 = tpu.memref_slice %arg2[%add3A_328] : memref<327680xi32, #tpu.memory_space<hbm>> -> memref<512xi32, #tpu.memory_space<hbm>>
      tpu.enqueue_dma source(%dma_start3A_564 : memref<512xi32, #tpu.memory_space<hbm>>) target(%arg4 : memref<512xi32, #tpu.memory_space<vmem>>) target_semaphore(%run_scoped3A : memref<!tpu.dma_semaphore, #tpu.memory_space<semaphore_mem>>)
      %dma_wait3A_565 = tpu.memref_slice %arg2[%add3A_328] : memref<327680xi32, #tpu.memory_space<hbm>> -> memref<512xi32, #tpu.memory_space<hbm>>
      %dma_wait3A_566 = tpu.memref_slice %arg2[%add3A_328] : memref<327680xi32, #tpu.memory_space<hbm>> -> memref<512xi32, #tpu.memory_space<hbm>>
      tpu.wait_dma2 semaphore(%run_scoped3A : memref<!tpu.dma_semaphore, #tpu.memory_space<semaphore_mem>>) src(%dma_wait3A_566 : memref<512xi32, #tpu.memory_space<hbm>>) dst(%arg4 : memref<512xi32, #tpu.memory_space<vmem>>)
      tpu.yield
    }) : () -> ()
    %add3A_329 = arith.constant 5120 : i32
    %add3A_330 = arith.addi %mul3A_2, %add3A_329 : i32
    %dma_wait3A_331 = arith.constant 0 : i32
    %dma_wait3A_332 = tpu.memref_slice %arg3[%dma_wait3A_331, %add3A_330] : memref<100x327680xi32, #tpu.memory_space<hbm>> -> memref<100x512xi32, #tpu.memory_space<hbm>>
    %dma_wait3A_333 = arith.constant 0 : i32
    %dma_wait3A_334 = tpu.memref_slice %arg3[%dma_wait3A_333, %add3A_330] : memref<100x327680xi32, #tpu.memory_space<hbm>> -> memref<100x512xi32, #tpu.memory_space<hbm>>
    tpu.wait_dma2 semaphore(%arg9 : memref<!tpu.dma_semaphore, #tpu.memory_space<semaphore_mem>>) src(%arg7 : memref<100x512xi32, #tpu.memory_space<vmem>>) dst(%dma_wait3A_334 : memref<100x512xi32, #tpu.memory_space<hbm>>)
    %scan3A_335 = arith.constant 0 : i32
    %scan3A_336 = arith.constant 0 : i32
    %scan3A_337 = arith.constant 8 : i32
    %scan3A_338 = arith.addi %scan3A_336, %scan3A_337 : i32
    %scan3A_339 = arith.constant 1 : i32
    %scan3A_340 = scf.for %scan3A_563 = %scan3A_336 to %scan3A_338 step %scan3A_339 iter_args(%scan3A_564 = %scan3A_335) -> (i32)  : i32 {
      %mul3A_565 = arith.constant 4 : i32
      %mul3A_566 = arith.muli %scan3A_563, %mul3A_565 : i32
      %add3A_567 = arith.constant 0 : i32
      %add3A_568 = arith.addi %mul3A_566, %add3A_567 : i32
      %mul3A_569 = arith.constant 16 : i32
      %mul3A_570 = arith.muli %add3A_568, %mul3A_569 : i32
      %get3A = arith.index_cast %mul3A_570 : i32 to index
      %get3A_571 = tpu.vector_load %arg5[%get3A] {strides = array<i32>} : memref<512xi32, #tpu.memory_space<vmem>>, vector<16xi32>,
      %add3A_572 = vector.broadcast %mul3A_570 : i32 to vector<16xi32>
      %add3A_573 = arith.addi %add3A_572, %iota3A : vector<16xi32>
      tpu.vector_store_idx %arg7[%get3A_571, %add3A_573], %broadcast_in_dim3A_5 : memref<100x512xi32, #tpu.memory_space<vmem>>[vector<16xi32>, vector<16xi32>], vector<16xi32>,
      %mul3A_574 = arith.constant 4 : i32
      %mul3A_575 = arith.muli %scan3A_563, %mul3A_574 : i32
      %add3A_576 = arith.constant 1 : i32
      %add3A_577 = arith.addi %mul3A_575, %add3A_576 : i32
      %mul3A_578 = arith.constant 16 : i32
      %mul3A_579 = arith.muli %add3A_577, %mul3A_578 : i32
      %get3A_580 = arith.index_cast %mul3A_579 : i32 to index
      %get3A_581 = tpu.vector_load %arg5[%get3A_580] {strides = array<i32>} : memref<512xi32, #tpu.memory_space<vmem>>, vector<16xi32>,
      %add3A_582 = vector.broadcast %mul3A_579 : i32 to vector<16xi32>
      %add3A_583 = arith.addi %add3A_582, %iota3A : vector<16xi32>
      tpu.vector_store_idx %arg7[%get3A_581, %add3A_583], %broadcast_in_dim3A_5 : memref<100x512xi32, #tpu.memory_space<vmem>>[vector<16xi32>, vector<16xi32>], vector<16xi32>,
      %mul3A_584 = arith.constant 4 : i32
      %mul3A_585 = arith.muli %scan3A_563, %mul3A_584 : i32
      %add3A_586 = arith.constant 2 : i32
      %add3A_587 = arith.addi %mul3A_585, %add3A_586 : i32
      %mul3A_588 = arith.constant 16 : i32
      %mul3A_589 = arith.muli %add3A_587, %mul3A_588 : i32
      %get3A_590 = arith.index_cast %mul3A_589 : i32 to index
      %get3A_591 = tpu.vector_load %arg5[%get3A_590] {strides = array<i32>} : memref<512xi32, #tpu.memory_space<vmem>>, vector<16xi32>,
      %add3A_592 = vector.broadcast %mul3A_589 : i32 to vector<16xi32>
      %add3A_593 = arith.addi %add3A_592, %iota3A : vector<16xi32>
      tpu.vector_store_idx %arg7[%get3A_591, %add3A_593], %broadcast_in_dim3A_5 : memref<100x512xi32, #tpu.memory_space<vmem>>[vector<16xi32>, vector<16xi32>], vector<16xi32>,
      %mul3A_594 = arith.constant 4 : i32
      %mul3A_595 = arith.muli %scan3A_563, %mul3A_594 : i32
      %add3A_596 = arith.constant 3 : i32
      %add3A_597 = arith.addi %mul3A_595, %add3A_596 : i32
      %mul3A_598 = arith.constant 16 : i32
      %mul3A_599 = arith.muli %add3A_597, %mul3A_598 : i32
      %get3A_600 = arith.index_cast %mul3A_599 : i32 to index
      %get3A_601 = tpu.vector_load %arg5[%get3A_600] {strides = array<i32>} : memref<512xi32, #tpu.memory_space<vmem>>, vector<16xi32>,
      %add3A_602 = vector.broadcast %mul3A_599 : i32 to vector<16xi32>
      %add3A_603 = arith.addi %add3A_602, %iota3A : vector<16xi32>
      tpu.vector_store_idx %arg7[%get3A_601, %add3A_603], %broadcast_in_dim3A_5 : memref<100x512xi32, #tpu.memory_space<vmem>>[vector<16xi32>, vector<16xi32>], vector<16xi32>,
      %scan3A_604 = arith.constant 0 : i32
      scf.yield %scan3A_604 : i32
    }
    %scan3A_341 = arith.constant 8 : i32
    %scan3A_342 = arith.constant 0 : i32
    %scan3A_343 = arith.constant 0 : i32
    %scan3A_344 = arith.constant 8 : i32
    %scan3A_345 = arith.addi %scan3A_343, %scan3A_344 : i32
    %scan3A_346 = arith.constant 1 : i32
    %scan3A_347 = scf.for %scan3A_563 = %scan3A_343 to %scan3A_345 step %scan3A_346 iter_args(%scan3A_564 = %scan3A_342) -> (i32)  : i32 {
      %mul3A_565 = arith.constant 4 : i32
      %mul3A_566 = arith.muli %scan3A_563, %mul3A_565 : i32
      %add3A_567 = arith.constant 0 : i32
      %add3A_568 = arith.addi %mul3A_566, %add3A_567 : i32
      %mul3A_569 = arith.constant 16 : i32
      %mul3A_570 = arith.muli %add3A_568, %mul3A_569 : i32
      %get3A = arith.index_cast %mul3A_570 : i32 to index
      %get3A_571 = tpu.vector_load %arg4[%get3A] {strides = array<i32>} : memref<512xi32, #tpu.memory_space<vmem>>, vector<16xi32>,
      %add3A_572 = vector.broadcast %mul3A_570 : i32 to vector<16xi32>
      %add3A_573 = arith.addi %add3A_572, %iota3A : vector<16xi32>
      tpu.vector_store_idx %arg7[%get3A_571, %add3A_573], %broadcast_in_dim3A_3 : memref<100x512xi32, #tpu.memory_space<vmem>>[vector<16xi32>, vector<16xi32>], vector<16xi32>,
      %mul3A_574 = arith.constant 4 : i32
      %mul3A_575 = arith.muli %scan3A_563, %mul3A_574 : i32
      %add3A_576 = arith.constant 1 : i32
      %add3A_577 = arith.addi %mul3A_575, %add3A_576 : i32
      %mul3A_578 = arith.constant 16 : i32
      %mul3A_579 = arith.muli %add3A_577, %mul3A_578 : i32
      %get3A_580 = arith.index_cast %mul3A_579 : i32 to index
      %get3A_581 = tpu.vector_load %arg4[%get3A_580] {strides = array<i32>} : memref<512xi32, #tpu.memory_space<vmem>>, vector<16xi32>,
      %add3A_582 = vector.broadcast %mul3A_579 : i32 to vector<16xi32>
      %add3A_583 = arith.addi %add3A_582, %iota3A : vector<16xi32>
      tpu.vector_store_idx %arg7[%get3A_581, %add3A_583], %broadcast_in_dim3A_3 : memref<100x512xi32, #tpu.memory_space<vmem>>[vector<16xi32>, vector<16xi32>], vector<16xi32>,
      %mul3A_584 = arith.constant 4 : i32
      %mul3A_585 = arith.muli %scan3A_563, %mul3A_584 : i32
      %add3A_586 = arith.constant 2 : i32
      %add3A_587 = arith.addi %mul3A_585, %add3A_586 : i32
      %mul3A_588 = arith.constant 16 : i32
      %mul3A_589 = arith.muli %add3A_587, %mul3A_588 : i32
      %get3A_590 = arith.index_cast %mul3A_589 : i32 to index
      %get3A_591 = tpu.vector_load %arg4[%get3A_590] {strides = array<i32>} : memref<512xi32, #tpu.memory_space<vmem>>, vector<16xi32>,
      %add3A_592 = vector.broadcast %mul3A_589 : i32 to vector<16xi32>
      %add3A_593 = arith.addi %add3A_592, %iota3A : vector<16xi32>
      tpu.vector_store_idx %arg7[%get3A_591, %add3A_593], %broadcast_in_dim3A_3 : memref<100x512xi32, #tpu.memory_space<vmem>>[vector<16xi32>, vector<16xi32>], vector<16xi32>,
      %mul3A_594 = arith.constant 4 : i32
      %mul3A_595 = arith.muli %scan3A_563, %mul3A_594 : i32
      %add3A_596 = arith.constant 3 : i32
      %add3A_597 = arith.addi %mul3A_595, %add3A_596 : i32
      %mul3A_598 = arith.constant 16 : i32
      %mul3A_599 = arith.muli %add3A_597, %mul3A_598 : i32
      %get3A_600 = arith.index_cast %mul3A_599 : i32 to index
      %get3A_601 = tpu.vector_load %arg4[%get3A_600] {strides = array<i32>} : memref<512xi32, #tpu.memory_space<vmem>>, vector<16xi32>,
      %add3A_602 = vector.broadcast %mul3A_599 : i32 to vector<16xi32>
      %add3A_603 = arith.addi %add3A_602, %iota3A : vector<16xi32>
      tpu.vector_store_idx %arg7[%get3A_601, %add3A_603], %broadcast_in_dim3A_3 : memref<100x512xi32, #tpu.memory_space<vmem>>[vector<16xi32>, vector<16xi32>], vector<16xi32>,
      %scan3A_604 = arith.constant 0 : i32
      scf.yield %scan3A_604 : i32
    }
    %scan3A_348 = arith.constant 8 : i32
    %add3A_349 = arith.constant 6144 : i32
    %add3A_350 = arith.addi %mul3A_2, %add3A_349 : i32
    %dma_start3A_351 = arith.constant 0 : i32
    %dma_start3A_352 = tpu.memref_slice %arg3[%dma_start3A_351, %add3A_350] : memref<100x327680xi32, #tpu.memory_space<hbm>> -> memref<100x512xi32, #tpu.memory_space<hbm>>
    %dma_start3A_353 = arith.constant 0 : i32
    %dma_start3A_354 = tpu.memref_slice %arg3[%dma_start3A_353, %add3A_350] : memref<100x327680xi32, #tpu.memory_space<hbm>> -> memref<100x512xi32, #tpu.memory_space<hbm>>
    tpu.enqueue_dma source(%arg7 : memref<100x512xi32, #tpu.memory_space<vmem>>) target(%dma_start3A_354 : memref<100x512xi32, #tpu.memory_space<hbm>>) target_semaphore(%arg9 : memref<!tpu.dma_semaphore, #tpu.memory_space<semaphore_mem>>)
    %add3A_355 = arith.constant 6656 : i32
    %add3A_356 = arith.addi %mul3A_2, %add3A_355 : i32
    "tpu.region"() ({
      %run_scoped3A = tpu.sem_alloc : memref<!tpu.dma_semaphore, #tpu.memory_space<semaphore_mem>>
      %dma_start3A_563 = tpu.memref_slice %arg2[%add3A_356] : memref<327680xi32, #tpu.memory_space<hbm>> -> memref<512xi32, #tpu.memory_space<hbm>>
      %dma_start3A_564 = tpu.memref_slice %arg2[%add3A_356] : memref<327680xi32, #tpu.memory_space<hbm>> -> memref<512xi32, #tpu.memory_space<hbm>>
      tpu.enqueue_dma source(%dma_start3A_564 : memref<512xi32, #tpu.memory_space<hbm>>) target(%arg5 : memref<512xi32, #tpu.memory_space<vmem>>) target_semaphore(%run_scoped3A : memref<!tpu.dma_semaphore, #tpu.memory_space<semaphore_mem>>)
      %dma_wait3A_565 = tpu.memref_slice %arg2[%add3A_356] : memref<327680xi32, #tpu.memory_space<hbm>> -> memref<512xi32, #tpu.memory_space<hbm>>
      %dma_wait3A_566 = tpu.memref_slice %arg2[%add3A_356] : memref<327680xi32, #tpu.memory_space<hbm>> -> memref<512xi32, #tpu.memory_space<hbm>>
      tpu.wait_dma2 semaphore(%run_scoped3A : memref<!tpu.dma_semaphore, #tpu.memory_space<semaphore_mem>>) src(%dma_wait3A_566 : memref<512xi32, #tpu.memory_space<hbm>>) dst(%arg5 : memref<512xi32, #tpu.memory_space<vmem>>)
      tpu.yield
    }) : () -> ()
    %add3A_357 = arith.constant 5632 : i32
    %add3A_358 = arith.addi %mul3A_2, %add3A_357 : i32
    %dma_wait3A_359 = arith.constant 0 : i32
    %dma_wait3A_360 = tpu.memref_slice %arg3[%dma_wait3A_359, %add3A_358] : memref<100x327680xi32, #tpu.memory_space<hbm>> -> memref<100x512xi32, #tpu.memory_space<hbm>>
    %dma_wait3A_361 = arith.constant 0 : i32
    %dma_wait3A_362 = tpu.memref_slice %arg3[%dma_wait3A_361, %add3A_358] : memref<100x327680xi32, #tpu.memory_space<hbm>> -> memref<100x512xi32, #tpu.memory_space<hbm>>
    tpu.wait_dma2 semaphore(%arg10 : memref<!tpu.dma_semaphore, #tpu.memory_space<semaphore_mem>>) src(%arg8 : memref<100x512xi32, #tpu.memory_space<vmem>>) dst(%dma_wait3A_362 : memref<100x512xi32, #tpu.memory_space<hbm>>)
    %scan3A_363 = arith.constant 0 : i32
    %scan3A_364 = arith.constant 0 : i32
    %scan3A_365 = arith.constant 8 : i32
    %scan3A_366 = arith.addi %scan3A_364, %scan3A_365 : i32
    %scan3A_367 = arith.constant 1 : i32
    %scan3A_368 = scf.for %scan3A_563 = %scan3A_364 to %scan3A_366 step %scan3A_367 iter_args(%scan3A_564 = %scan3A_363) -> (i32)  : i32 {
      %mul3A_565 = arith.constant 4 : i32
      %mul3A_566 = arith.muli %scan3A_563, %mul3A_565 : i32
      %add3A_567 = arith.constant 0 : i32
      %add3A_568 = arith.addi %mul3A_566, %add3A_567 : i32
      %mul3A_569 = arith.constant 16 : i32
      %mul3A_570 = arith.muli %add3A_568, %mul3A_569 : i32
      %get3A = arith.index_cast %mul3A_570 : i32 to index
      %get3A_571 = tpu.vector_load %arg6[%get3A] {strides = array<i32>} : memref<512xi32, #tpu.memory_space<vmem>>, vector<16xi32>,
      %add3A_572 = vector.broadcast %mul3A_570 : i32 to vector<16xi32>
      %add3A_573 = arith.addi %add3A_572, %iota3A : vector<16xi32>
      tpu.vector_store_idx %arg8[%get3A_571, %add3A_573], %broadcast_in_dim3A_5 : memref<100x512xi32, #tpu.memory_space<vmem>>[vector<16xi32>, vector<16xi32>], vector<16xi32>,
      %mul3A_574 = arith.constant 4 : i32
      %mul3A_575 = arith.muli %scan3A_563, %mul3A_574 : i32
      %add3A_576 = arith.constant 1 : i32
      %add3A_577 = arith.addi %mul3A_575, %add3A_576 : i32
      %mul3A_578 = arith.constant 16 : i32
      %mul3A_579 = arith.muli %add3A_577, %mul3A_578 : i32
      %get3A_580 = arith.index_cast %mul3A_579 : i32 to index
      %get3A_581 = tpu.vector_load %arg6[%get3A_580] {strides = array<i32>} : memref<512xi32, #tpu.memory_space<vmem>>, vector<16xi32>,
      %add3A_582 = vector.broadcast %mul3A_579 : i32 to vector<16xi32>
      %add3A_583 = arith.addi %add3A_582, %iota3A : vector<16xi32>
      tpu.vector_store_idx %arg8[%get3A_581, %add3A_583], %broadcast_in_dim3A_5 : memref<100x512xi32, #tpu.memory_space<vmem>>[vector<16xi32>, vector<16xi32>], vector<16xi32>,
      %mul3A_584 = arith.constant 4 : i32
      %mul3A_585 = arith.muli %scan3A_563, %mul3A_584 : i32
      %add3A_586 = arith.constant 2 : i32
      %add3A_587 = arith.addi %mul3A_585, %add3A_586 : i32
      %mul3A_588 = arith.constant 16 : i32
      %mul3A_589 = arith.muli %add3A_587, %mul3A_588 : i32
      %get3A_590 = arith.index_cast %mul3A_589 : i32 to index
      %get3A_591 = tpu.vector_load %arg6[%get3A_590] {strides = array<i32>} : memref<512xi32, #tpu.memory_space<vmem>>, vector<16xi32>,
      %add3A_592 = vector.broadcast %mul3A_589 : i32 to vector<16xi32>
      %add3A_593 = arith.addi %add3A_592, %iota3A : vector<16xi32>
      tpu.vector_store_idx %arg8[%get3A_591, %add3A_593], %broadcast_in_dim3A_5 : memref<100x512xi32, #tpu.memory_space<vmem>>[vector<16xi32>, vector<16xi32>], vector<16xi32>,
      %mul3A_594 = arith.constant 4 : i32
      %mul3A_595 = arith.muli %scan3A_563, %mul3A_594 : i32
      %add3A_596 = arith.constant 3 : i32
      %add3A_597 = arith.addi %mul3A_595, %add3A_596 : i32
      %mul3A_598 = arith.constant 16 : i32
      %mul3A_599 = arith.muli %add3A_597, %mul3A_598 : i32
      %get3A_600 = arith.index_cast %mul3A_599 : i32 to index
      %get3A_601 = tpu.vector_load %arg6[%get3A_600] {strides = array<i32>} : memref<512xi32, #tpu.memory_space<vmem>>, vector<16xi32>,
      %add3A_602 = vector.broadcast %mul3A_599 : i32 to vector<16xi32>
      %add3A_603 = arith.addi %add3A_602, %iota3A : vector<16xi32>
      tpu.vector_store_idx %arg8[%get3A_601, %add3A_603], %broadcast_in_dim3A_5 : memref<100x512xi32, #tpu.memory_space<vmem>>[vector<16xi32>, vector<16xi32>], vector<16xi32>,
      %scan3A_604 = arith.constant 0 : i32
      scf.yield %scan3A_604 : i32
    }
    %scan3A_369 = arith.constant 8 : i32
    %scan3A_370 = arith.constant 0 : i32
    %scan3A_371 = arith.constant 0 : i32
    %scan3A_372 = arith.constant 8 : i32
    %scan3A_373 = arith.addi %scan3A_371, %scan3A_372 : i32
    %scan3A_374 = arith.constant 1 : i32
    %scan3A_375 = scf.for %scan3A_563 = %scan3A_371 to %scan3A_373 step %scan3A_374 iter_args(%scan3A_564 = %scan3A_370) -> (i32)  : i32 {
      %mul3A_565 = arith.constant 4 : i32
      %mul3A_566 = arith.muli %scan3A_563, %mul3A_565 : i32
      %add3A_567 = arith.constant 0 : i32
      %add3A_568 = arith.addi %mul3A_566, %add3A_567 : i32
      %mul3A_569 = arith.constant 16 : i32
      %mul3A_570 = arith.muli %add3A_568, %mul3A_569 : i32
      %get3A = arith.index_cast %mul3A_570 : i32 to index
      %get3A_571 = tpu.vector_load %arg5[%get3A] {strides = array<i32>} : memref<512xi32, #tpu.memory_space<vmem>>, vector<16xi32>,
      %add3A_572 = vector.broadcast %mul3A_570 : i32 to vector<16xi32>
      %add3A_573 = arith.addi %add3A_572, %iota3A : vector<16xi32>
      tpu.vector_store_idx %arg8[%get3A_571, %add3A_573], %broadcast_in_dim3A_3 : memref<100x512xi32, #tpu.memory_space<vmem>>[vector<16xi32>, vector<16xi32>], vector<16xi32>,
      %mul3A_574 = arith.constant 4 : i32
      %mul3A_575 = arith.muli %scan3A_563, %mul3A_574 : i32
      %add3A_576 = arith.constant 1 : i32
      %add3A_577 = arith.addi %mul3A_575, %add3A_576 : i32
      %mul3A_578 = arith.constant 16 : i32
      %mul3A_579 = arith.muli %add3A_577, %mul3A_578 : i32
      %get3A_580 = arith.index_cast %mul3A_579 : i32 to index
      %get3A_581 = tpu.vector_load %arg5[%get3A_580] {strides = array<i32>} : memref<512xi32, #tpu.memory_space<vmem>>, vector<16xi32>,
      %add3A_582 = vector.broadcast %mul3A_579 : i32 to vector<16xi32>
      %add3A_583 = arith.addi %add3A_582, %iota3A : vector<16xi32>
      tpu.vector_store_idx %arg8[%get3A_581, %add3A_583], %broadcast_in_dim3A_3 : memref<100x512xi32, #tpu.memory_space<vmem>>[vector<16xi32>, vector<16xi32>], vector<16xi32>,
      %mul3A_584 = arith.constant 4 : i32
      %mul3A_585 = arith.muli %scan3A_563, %mul3A_584 : i32
      %add3A_586 = arith.constant 2 : i32
      %add3A_587 = arith.addi %mul3A_585, %add3A_586 : i32
      %mul3A_588 = arith.constant 16 : i32
      %mul3A_589 = arith.muli %add3A_587, %mul3A_588 : i32
      %get3A_590 = arith.index_cast %mul3A_589 : i32 to index
      %get3A_591 = tpu.vector_load %arg5[%get3A_590] {strides = array<i32>} : memref<512xi32, #tpu.memory_space<vmem>>, vector<16xi32>,
      %add3A_592 = vector.broadcast %mul3A_589 : i32 to vector<16xi32>
      %add3A_593 = arith.addi %add3A_592, %iota3A : vector<16xi32>
      tpu.vector_store_idx %arg8[%get3A_591, %add3A_593], %broadcast_in_dim3A_3 : memref<100x512xi32, #tpu.memory_space<vmem>>[vector<16xi32>, vector<16xi32>], vector<16xi32>,
      %mul3A_594 = arith.constant 4 : i32
      %mul3A_595 = arith.muli %scan3A_563, %mul3A_594 : i32
      %add3A_596 = arith.constant 3 : i32
      %add3A_597 = arith.addi %mul3A_595, %add3A_596 : i32
      %mul3A_598 = arith.constant 16 : i32
      %mul3A_599 = arith.muli %add3A_597, %mul3A_598 : i32
      %get3A_600 = arith.index_cast %mul3A_599 : i32 to index
      %get3A_601 = tpu.vector_load %arg5[%get3A_600] {strides = array<i32>} : memref<512xi32, #tpu.memory_space<vmem>>, vector<16xi32>,
      %add3A_602 = vector.broadcast %mul3A_599 : i32 to vector<16xi32>
      %add3A_603 = arith.addi %add3A_602, %iota3A : vector<16xi32>
      tpu.vector_store_idx %arg8[%get3A_601, %add3A_603], %broadcast_in_dim3A_3 : memref<100x512xi32, #tpu.memory_space<vmem>>[vector<16xi32>, vector<16xi32>], vector<16xi32>,
      %scan3A_604 = arith.constant 0 : i32
      scf.yield %scan3A_604 : i32
    }
    %scan3A_376 = arith.constant 8 : i32
    %add3A_377 = arith.constant 6656 : i32
    %add3A_378 = arith.addi %mul3A_2, %add3A_377 : i32
    %dma_start3A_379 = arith.constant 0 : i32
    %dma_start3A_380 = tpu.memref_slice %arg3[%dma_start3A_379, %add3A_378] : memref<100x327680xi32, #tpu.memory_space<hbm>> -> memref<100x512xi32, #tpu.memory_space<hbm>>
    %dma_start3A_381 = arith.constant 0 : i32
    %dma_start3A_382 = tpu.memref_slice %arg3[%dma_start3A_381, %add3A_378] : memref<100x327680xi32, #tpu.memory_space<hbm>> -> memref<100x512xi32, #tpu.memory_space<hbm>>
    tpu.enqueue_dma source(%arg8 : memref<100x512xi32, #tpu.memory_space<vmem>>) target(%dma_start3A_382 : memref<100x512xi32, #tpu.memory_space<hbm>>) target_semaphore(%arg10 : memref<!tpu.dma_semaphore, #tpu.memory_space<semaphore_mem>>)
    %add3A_383 = arith.constant 7168 : i32
    %add3A_384 = arith.addi %mul3A_2, %add3A_383 : i32
    "tpu.region"() ({
      %run_scoped3A = tpu.sem_alloc : memref<!tpu.dma_semaphore, #tpu.memory_space<semaphore_mem>>
      %dma_start3A_563 = tpu.memref_slice %arg2[%add3A_384] : memref<327680xi32, #tpu.memory_space<hbm>> -> memref<512xi32, #tpu.memory_space<hbm>>
      %dma_start3A_564 = tpu.memref_slice %arg2[%add3A_384] : memref<327680xi32, #tpu.memory_space<hbm>> -> memref<512xi32, #tpu.memory_space<hbm>>
      tpu.enqueue_dma source(%dma_start3A_564 : memref<512xi32, #tpu.memory_space<hbm>>) target(%arg6 : memref<512xi32, #tpu.memory_space<vmem>>) target_semaphore(%run_scoped3A : memref<!tpu.dma_semaphore, #tpu.memory_space<semaphore_mem>>)
      %dma_wait3A_565 = tpu.memref_slice %arg2[%add3A_384] : memref<327680xi32, #tpu.memory_space<hbm>> -> memref<512xi32, #tpu.memory_space<hbm>>
      %dma_wait3A_566 = tpu.memref_slice %arg2[%add3A_384] : memref<327680xi32, #tpu.memory_space<hbm>> -> memref<512xi32, #tpu.memory_space<hbm>>
      tpu.wait_dma2 semaphore(%run_scoped3A : memref<!tpu.dma_semaphore, #tpu.memory_space<semaphore_mem>>) src(%dma_wait3A_566 : memref<512xi32, #tpu.memory_space<hbm>>) dst(%arg6 : memref<512xi32, #tpu.memory_space<vmem>>)
      tpu.yield
    }) : () -> ()
    %add3A_385 = arith.constant 6144 : i32
    %add3A_386 = arith.addi %mul3A_2, %add3A_385 : i32
    %dma_wait3A_387 = arith.constant 0 : i32
    %dma_wait3A_388 = tpu.memref_slice %arg3[%dma_wait3A_387, %add3A_386] : memref<100x327680xi32, #tpu.memory_space<hbm>> -> memref<100x512xi32, #tpu.memory_space<hbm>>
    %dma_wait3A_389 = arith.constant 0 : i32
    %dma_wait3A_390 = tpu.memref_slice %arg3[%dma_wait3A_389, %add3A_386] : memref<100x327680xi32, #tpu.memory_space<hbm>> -> memref<100x512xi32, #tpu.memory_space<hbm>>
    tpu.wait_dma2 semaphore(%arg9 : memref<!tpu.dma_semaphore, #tpu.memory_space<semaphore_mem>>) src(%arg7 : memref<100x512xi32, #tpu.memory_space<vmem>>) dst(%dma_wait3A_390 : memref<100x512xi32, #tpu.memory_space<hbm>>)
    %scan3A_391 = arith.constant 0 : i32
    %scan3A_392 = arith.constant 0 : i32
    %scan3A_393 = arith.constant 8 : i32
    %scan3A_394 = arith.addi %scan3A_392, %scan3A_393 : i32
    %scan3A_395 = arith.constant 1 : i32
    %scan3A_396 = scf.for %scan3A_563 = %scan3A_392 to %scan3A_394 step %scan3A_395 iter_args(%scan3A_564 = %scan3A_391) -> (i32)  : i32 {
      %mul3A_565 = arith.constant 4 : i32
      %mul3A_566 = arith.muli %scan3A_563, %mul3A_565 : i32
      %add3A_567 = arith.constant 0 : i32
      %add3A_568 = arith.addi %mul3A_566, %add3A_567 : i32
      %mul3A_569 = arith.constant 16 : i32
      %mul3A_570 = arith.muli %add3A_568, %mul3A_569 : i32
      %get3A = arith.index_cast %mul3A_570 : i32 to index
      %get3A_571 = tpu.vector_load %arg4[%get3A] {strides = array<i32>} : memref<512xi32, #tpu.memory_space<vmem>>, vector<16xi32>,
      %add3A_572 = vector.broadcast %mul3A_570 : i32 to vector<16xi32>
      %add3A_573 = arith.addi %add3A_572, %iota3A : vector<16xi32>
      tpu.vector_store_idx %arg7[%get3A_571, %add3A_573], %broadcast_in_dim3A_5 : memref<100x512xi32, #tpu.memory_space<vmem>>[vector<16xi32>, vector<16xi32>], vector<16xi32>,
      %mul3A_574 = arith.constant 4 : i32
      %mul3A_575 = arith.muli %scan3A_563, %mul3A_574 : i32
      %add3A_576 = arith.constant 1 : i32
      %add3A_577 = arith.addi %mul3A_575, %add3A_576 : i32
      %mul3A_578 = arith.constant 16 : i32
      %mul3A_579 = arith.muli %add3A_577, %mul3A_578 : i32
      %get3A_580 = arith.index_cast %mul3A_579 : i32 to index
      %get3A_581 = tpu.vector_load %arg4[%get3A_580] {strides = array<i32>} : memref<512xi32, #tpu.memory_space<vmem>>, vector<16xi32>,
      %add3A_582 = vector.broadcast %mul3A_579 : i32 to vector<16xi32>
      %add3A_583 = arith.addi %add3A_582, %iota3A : vector<16xi32>
      tpu.vector_store_idx %arg7[%get3A_581, %add3A_583], %broadcast_in_dim3A_5 : memref<100x512xi32, #tpu.memory_space<vmem>>[vector<16xi32>, vector<16xi32>], vector<16xi32>,
      %mul3A_584 = arith.constant 4 : i32
      %mul3A_585 = arith.muli %scan3A_563, %mul3A_584 : i32
      %add3A_586 = arith.constant 2 : i32
      %add3A_587 = arith.addi %mul3A_585, %add3A_586 : i32
      %mul3A_588 = arith.constant 16 : i32
      %mul3A_589 = arith.muli %add3A_587, %mul3A_588 : i32
      %get3A_590 = arith.index_cast %mul3A_589 : i32 to index
      %get3A_591 = tpu.vector_load %arg4[%get3A_590] {strides = array<i32>} : memref<512xi32, #tpu.memory_space<vmem>>, vector<16xi32>,
      %add3A_592 = vector.broadcast %mul3A_589 : i32 to vector<16xi32>
      %add3A_593 = arith.addi %add3A_592, %iota3A : vector<16xi32>
      tpu.vector_store_idx %arg7[%get3A_591, %add3A_593], %broadcast_in_dim3A_5 : memref<100x512xi32, #tpu.memory_space<vmem>>[vector<16xi32>, vector<16xi32>], vector<16xi32>,
      %mul3A_594 = arith.constant 4 : i32
      %mul3A_595 = arith.muli %scan3A_563, %mul3A_594 : i32
      %add3A_596 = arith.constant 3 : i32
      %add3A_597 = arith.addi %mul3A_595, %add3A_596 : i32
      %mul3A_598 = arith.constant 16 : i32
      %mul3A_599 = arith.muli %add3A_597, %mul3A_598 : i32
      %get3A_600 = arith.index_cast %mul3A_599 : i32 to index
      %get3A_601 = tpu.vector_load %arg4[%get3A_600] {strides = array<i32>} : memref<512xi32, #tpu.memory_space<vmem>>, vector<16xi32>,
      %add3A_602 = vector.broadcast %mul3A_599 : i32 to vector<16xi32>
      %add3A_603 = arith.addi %add3A_602, %iota3A : vector<16xi32>
      tpu.vector_store_idx %arg7[%get3A_601, %add3A_603], %broadcast_in_dim3A_5 : memref<100x512xi32, #tpu.memory_space<vmem>>[vector<16xi32>, vector<16xi32>], vector<16xi32>,
      %scan3A_604 = arith.constant 0 : i32
      scf.yield %scan3A_604 : i32
    }
    %scan3A_397 = arith.constant 8 : i32
    %scan3A_398 = arith.constant 0 : i32
    %scan3A_399 = arith.constant 0 : i32
    %scan3A_400 = arith.constant 8 : i32
    %scan3A_401 = arith.addi %scan3A_399, %scan3A_400 : i32
    %scan3A_402 = arith.constant 1 : i32
    %scan3A_403 = scf.for %scan3A_563 = %scan3A_399 to %scan3A_401 step %scan3A_402 iter_args(%scan3A_564 = %scan3A_398) -> (i32)  : i32 {
      %mul3A_565 = arith.constant 4 : i32
      %mul3A_566 = arith.muli %scan3A_563, %mul3A_565 : i32
      %add3A_567 = arith.constant 0 : i32
      %add3A_568 = arith.addi %mul3A_566, %add3A_567 : i32
      %mul3A_569 = arith.constant 16 : i32
      %mul3A_570 = arith.muli %add3A_568, %mul3A_569 : i32
      %get3A = arith.index_cast %mul3A_570 : i32 to index
      %get3A_571 = tpu.vector_load %arg6[%get3A] {strides = array<i32>} : memref<512xi32, #tpu.memory_space<vmem>>, vector<16xi32>,
      %add3A_572 = vector.broadcast %mul3A_570 : i32 to vector<16xi32>
      %add3A_573 = arith.addi %add3A_572, %iota3A : vector<16xi32>
      tpu.vector_store_idx %arg7[%get3A_571, %add3A_573], %broadcast_in_dim3A_3 : memref<100x512xi32, #tpu.memory_space<vmem>>[vector<16xi32>, vector<16xi32>], vector<16xi32>,
      %mul3A_574 = arith.constant 4 : i32
      %mul3A_575 = arith.muli %scan3A_563, %mul3A_574 : i32
      %add3A_576 = arith.constant 1 : i32
      %add3A_577 = arith.addi %mul3A_575, %add3A_576 : i32
      %mul3A_578 = arith.constant 16 : i32
      %mul3A_579 = arith.muli %add3A_577, %mul3A_578 : i32
      %get3A_580 = arith.index_cast %mul3A_579 : i32 to index
      %get3A_581 = tpu.vector_load %arg6[%get3A_580] {strides = array<i32>} : memref<512xi32, #tpu.memory_space<vmem>>, vector<16xi32>,
      %add3A_582 = vector.broadcast %mul3A_579 : i32 to vector<16xi32>
      %add3A_583 = arith.addi %add3A_582, %iota3A : vector<16xi32>
      tpu.vector_store_idx %arg7[%get3A_581, %add3A_583], %broadcast_in_dim3A_3 : memref<100x512xi32, #tpu.memory_space<vmem>>[vector<16xi32>, vector<16xi32>], vector<16xi32>,
      %mul3A_584 = arith.constant 4 : i32
      %mul3A_585 = arith.muli %scan3A_563, %mul3A_584 : i32
      %add3A_586 = arith.constant 2 : i32
      %add3A_587 = arith.addi %mul3A_585, %add3A_586 : i32
      %mul3A_588 = arith.constant 16 : i32
      %mul3A_589 = arith.muli %add3A_587, %mul3A_588 : i32
      %get3A_590 = arith.index_cast %mul3A_589 : i32 to index
      %get3A_591 = tpu.vector_load %arg6[%get3A_590] {strides = array<i32>} : memref<512xi32, #tpu.memory_space<vmem>>, vector<16xi32>,
      %add3A_592 = vector.broadcast %mul3A_589 : i32 to vector<16xi32>
      %add3A_593 = arith.addi %add3A_592, %iota3A : vector<16xi32>
      tpu.vector_store_idx %arg7[%get3A_591, %add3A_593], %broadcast_in_dim3A_3 : memref<100x512xi32, #tpu.memory_space<vmem>>[vector<16xi32>, vector<16xi32>], vector<16xi32>,
      %mul3A_594 = arith.constant 4 : i32
      %mul3A_595 = arith.muli %scan3A_563, %mul3A_594 : i32
      %add3A_596 = arith.constant 3 : i32
      %add3A_597 = arith.addi %mul3A_595, %add3A_596 : i32
      %mul3A_598 = arith.constant 16 : i32
      %mul3A_599 = arith.muli %add3A_597, %mul3A_598 : i32
      %get3A_600 = arith.index_cast %mul3A_599 : i32 to index
      %get3A_601 = tpu.vector_load %arg6[%get3A_600] {strides = array<i32>} : memref<512xi32, #tpu.memory_space<vmem>>, vector<16xi32>,
      %add3A_602 = vector.broadcast %mul3A_599 : i32 to vector<16xi32>
      %add3A_603 = arith.addi %add3A_602, %iota3A : vector<16xi32>
      tpu.vector_store_idx %arg7[%get3A_601, %add3A_603], %broadcast_in_dim3A_3 : memref<100x512xi32, #tpu.memory_space<vmem>>[vector<16xi32>, vector<16xi32>], vector<16xi32>,
      %scan3A_604 = arith.constant 0 : i32
      scf.yield %scan3A_604 : i32
    }
    %scan3A_404 = arith.constant 8 : i32
    %add3A_405 = arith.constant 7168 : i32
    %add3A_406 = arith.addi %mul3A_2, %add3A_405 : i32
    %dma_start3A_407 = arith.constant 0 : i32
    %dma_start3A_408 = tpu.memref_slice %arg3[%dma_start3A_407, %add3A_406] : memref<100x327680xi32, #tpu.memory_space<hbm>> -> memref<100x512xi32, #tpu.memory_space<hbm>>
    %dma_start3A_409 = arith.constant 0 : i32
    %dma_start3A_410 = tpu.memref_slice %arg3[%dma_start3A_409, %add3A_406] : memref<100x327680xi32, #tpu.memory_space<hbm>> -> memref<100x512xi32, #tpu.memory_space<hbm>>
    tpu.enqueue_dma source(%arg7 : memref<100x512xi32, #tpu.memory_space<vmem>>) target(%dma_start3A_410 : memref<100x512xi32, #tpu.memory_space<hbm>>) target_semaphore(%arg9 : memref<!tpu.dma_semaphore, #tpu.memory_space<semaphore_mem>>)
    %add3A_411 = arith.constant 7680 : i32
    %add3A_412 = arith.addi %mul3A_2, %add3A_411 : i32
    "tpu.region"() ({
      %run_scoped3A = tpu.sem_alloc : memref<!tpu.dma_semaphore, #tpu.memory_space<semaphore_mem>>
      %dma_start3A_563 = tpu.memref_slice %arg2[%add3A_412] : memref<327680xi32, #tpu.memory_space<hbm>> -> memref<512xi32, #tpu.memory_space<hbm>>
      %dma_start3A_564 = tpu.memref_slice %arg2[%add3A_412] : memref<327680xi32, #tpu.memory_space<hbm>> -> memref<512xi32, #tpu.memory_space<hbm>>
      tpu.enqueue_dma source(%dma_start3A_564 : memref<512xi32, #tpu.memory_space<hbm>>) target(%arg4 : memref<512xi32, #tpu.memory_space<vmem>>) target_semaphore(%run_scoped3A : memref<!tpu.dma_semaphore, #tpu.memory_space<semaphore_mem>>)
      %dma_wait3A_565 = tpu.memref_slice %arg2[%add3A_412] : memref<327680xi32, #tpu.memory_space<hbm>> -> memref<512xi32, #tpu.memory_space<hbm>>
      %dma_wait3A_566 = tpu.memref_slice %arg2[%add3A_412] : memref<327680xi32, #tpu.memory_space<hbm>> -> memref<512xi32, #tpu.memory_space<hbm>>
      tpu.wait_dma2 semaphore(%run_scoped3A : memref<!tpu.dma_semaphore, #tpu.memory_space<semaphore_mem>>) src(%dma_wait3A_566 : memref<512xi32, #tpu.memory_space<hbm>>) dst(%arg4 : memref<512xi32, #tpu.memory_space<vmem>>)
      tpu.yield
    }) : () -> ()
    %add3A_413 = arith.constant 6656 : i32
    %add3A_414 = arith.addi %mul3A_2, %add3A_413 : i32
    %dma_wait3A_415 = arith.constant 0 : i32
    %dma_wait3A_416 = tpu.memref_slice %arg3[%dma_wait3A_415, %add3A_414] : memref<100x327680xi32, #tpu.memory_space<hbm>> -> memref<100x512xi32, #tpu.memory_space<hbm>>
    %dma_wait3A_417 = arith.constant 0 : i32
    %dma_wait3A_418 = tpu.memref_slice %arg3[%dma_wait3A_417, %add3A_414] : memref<100x327680xi32, #tpu.memory_space<hbm>> -> memref<100x512xi32, #tpu.memory_space<hbm>>
    tpu.wait_dma2 semaphore(%arg10 : memref<!tpu.dma_semaphore, #tpu.memory_space<semaphore_mem>>) src(%arg8 : memref<100x512xi32, #tpu.memory_space<vmem>>) dst(%dma_wait3A_418 : memref<100x512xi32, #tpu.memory_space<hbm>>)
    %scan3A_419 = arith.constant 0 : i32
    %scan3A_420 = arith.constant 0 : i32
    %scan3A_421 = arith.constant 8 : i32
    %scan3A_422 = arith.addi %scan3A_420, %scan3A_421 : i32
    %scan3A_423 = arith.constant 1 : i32
    %scan3A_424 = scf.for %scan3A_563 = %scan3A_420 to %scan3A_422 step %scan3A_423 iter_args(%scan3A_564 = %scan3A_419) -> (i32)  : i32 {
      %mul3A_565 = arith.constant 4 : i32
      %mul3A_566 = arith.muli %scan3A_563, %mul3A_565 : i32
      %add3A_567 = arith.constant 0 : i32
      %add3A_568 = arith.addi %mul3A_566, %add3A_567 : i32
      %mul3A_569 = arith.constant 16 : i32
      %mul3A_570 = arith.muli %add3A_568, %mul3A_569 : i32
      %get3A = arith.index_cast %mul3A_570 : i32 to index
      %get3A_571 = tpu.vector_load %arg5[%get3A] {strides = array<i32>} : memref<512xi32, #tpu.memory_space<vmem>>, vector<16xi32>,
      %add3A_572 = vector.broadcast %mul3A_570 : i32 to vector<16xi32>
      %add3A_573 = arith.addi %add3A_572, %iota3A : vector<16xi32>
      tpu.vector_store_idx %arg8[%get3A_571, %add3A_573], %broadcast_in_dim3A_5 : memref<100x512xi32, #tpu.memory_space<vmem>>[vector<16xi32>, vector<16xi32>], vector<16xi32>,
      %mul3A_574 = arith.constant 4 : i32
      %mul3A_575 = arith.muli %scan3A_563, %mul3A_574 : i32
      %add3A_576 = arith.constant 1 : i32
      %add3A_577 = arith.addi %mul3A_575, %add3A_576 : i32
      %mul3A_578 = arith.constant 16 : i32
      %mul3A_579 = arith.muli %add3A_577, %mul3A_578 : i32
      %get3A_580 = arith.index_cast %mul3A_579 : i32 to index
      %get3A_581 = tpu.vector_load %arg5[%get3A_580] {strides = array<i32>} : memref<512xi32, #tpu.memory_space<vmem>>, vector<16xi32>,
      %add3A_582 = vector.broadcast %mul3A_579 : i32 to vector<16xi32>
      %add3A_583 = arith.addi %add3A_582, %iota3A : vector<16xi32>
      tpu.vector_store_idx %arg8[%get3A_581, %add3A_583], %broadcast_in_dim3A_5 : memref<100x512xi32, #tpu.memory_space<vmem>>[vector<16xi32>, vector<16xi32>], vector<16xi32>,
      %mul3A_584 = arith.constant 4 : i32
      %mul3A_585 = arith.muli %scan3A_563, %mul3A_584 : i32
      %add3A_586 = arith.constant 2 : i32
      %add3A_587 = arith.addi %mul3A_585, %add3A_586 : i32
      %mul3A_588 = arith.constant 16 : i32
      %mul3A_589 = arith.muli %add3A_587, %mul3A_588 : i32
      %get3A_590 = arith.index_cast %mul3A_589 : i32 to index
      %get3A_591 = tpu.vector_load %arg5[%get3A_590] {strides = array<i32>} : memref<512xi32, #tpu.memory_space<vmem>>, vector<16xi32>,
      %add3A_592 = vector.broadcast %mul3A_589 : i32 to vector<16xi32>
      %add3A_593 = arith.addi %add3A_592, %iota3A : vector<16xi32>
      tpu.vector_store_idx %arg8[%get3A_591, %add3A_593], %broadcast_in_dim3A_5 : memref<100x512xi32, #tpu.memory_space<vmem>>[vector<16xi32>, vector<16xi32>], vector<16xi32>,
      %mul3A_594 = arith.constant 4 : i32
      %mul3A_595 = arith.muli %scan3A_563, %mul3A_594 : i32
      %add3A_596 = arith.constant 3 : i32
      %add3A_597 = arith.addi %mul3A_595, %add3A_596 : i32
      %mul3A_598 = arith.constant 16 : i32
      %mul3A_599 = arith.muli %add3A_597, %mul3A_598 : i32
      %get3A_600 = arith.index_cast %mul3A_599 : i32 to index
      %get3A_601 = tpu.vector_load %arg5[%get3A_600] {strides = array<i32>} : memref<512xi32, #tpu.memory_space<vmem>>, vector<16xi32>,
      %add3A_602 = vector.broadcast %mul3A_599 : i32 to vector<16xi32>
      %add3A_603 = arith.addi %add3A_602, %iota3A : vector<16xi32>
      tpu.vector_store_idx %arg8[%get3A_601, %add3A_603], %broadcast_in_dim3A_5 : memref<100x512xi32, #tpu.memory_space<vmem>>[vector<16xi32>, vector<16xi32>], vector<16xi32>,
      %scan3A_604 = arith.constant 0 : i32
      scf.yield %scan3A_604 : i32
    }
    %scan3A_425 = arith.constant 8 : i32
    %scan3A_426 = arith.constant 0 : i32
    %scan3A_427 = arith.constant 0 : i32
    %scan3A_428 = arith.constant 8 : i32
    %scan3A_429 = arith.addi %scan3A_427, %scan3A_428 : i32
    %scan3A_430 = arith.constant 1 : i32
    %scan3A_431 = scf.for %scan3A_563 = %scan3A_427 to %scan3A_429 step %scan3A_430 iter_args(%scan3A_564 = %scan3A_426) -> (i32)  : i32 {
      %mul3A_565 = arith.constant 4 : i32
      %mul3A_566 = arith.muli %scan3A_563, %mul3A_565 : i32
      %add3A_567 = arith.constant 0 : i32
      %add3A_568 = arith.addi %mul3A_566, %add3A_567 : i32
      %mul3A_569 = arith.constant 16 : i32
      %mul3A_570 = arith.muli %add3A_568, %mul3A_569 : i32
      %get3A = arith.index_cast %mul3A_570 : i32 to index
      %get3A_571 = tpu.vector_load %arg4[%get3A] {strides = array<i32>} : memref<512xi32, #tpu.memory_space<vmem>>, vector<16xi32>,
      %add3A_572 = vector.broadcast %mul3A_570 : i32 to vector<16xi32>
      %add3A_573 = arith.addi %add3A_572, %iota3A : vector<16xi32>
      tpu.vector_store_idx %arg8[%get3A_571, %add3A_573], %broadcast_in_dim3A_3 : memref<100x512xi32, #tpu.memory_space<vmem>>[vector<16xi32>, vector<16xi32>], vector<16xi32>,
      %mul3A_574 = arith.constant 4 : i32
      %mul3A_575 = arith.muli %scan3A_563, %mul3A_574 : i32
      %add3A_576 = arith.constant 1 : i32
      %add3A_577 = arith.addi %mul3A_575, %add3A_576 : i32
      %mul3A_578 = arith.constant 16 : i32
      %mul3A_579 = arith.muli %add3A_577, %mul3A_578 : i32
      %get3A_580 = arith.index_cast %mul3A_579 : i32 to index
      %get3A_581 = tpu.vector_load %arg4[%get3A_580] {strides = array<i32>} : memref<512xi32, #tpu.memory_space<vmem>>, vector<16xi32>,
      %add3A_582 = vector.broadcast %mul3A_579 : i32 to vector<16xi32>
      %add3A_583 = arith.addi %add3A_582, %iota3A : vector<16xi32>
      tpu.vector_store_idx %arg8[%get3A_581, %add3A_583], %broadcast_in_dim3A_3 : memref<100x512xi32, #tpu.memory_space<vmem>>[vector<16xi32>, vector<16xi32>], vector<16xi32>,
      %mul3A_584 = arith.constant 4 : i32
      %mul3A_585 = arith.muli %scan3A_563, %mul3A_584 : i32
      %add3A_586 = arith.constant 2 : i32
      %add3A_587 = arith.addi %mul3A_585, %add3A_586 : i32
      %mul3A_588 = arith.constant 16 : i32
      %mul3A_589 = arith.muli %add3A_587, %mul3A_588 : i32
      %get3A_590 = arith.index_cast %mul3A_589 : i32 to index
      %get3A_591 = tpu.vector_load %arg4[%get3A_590] {strides = array<i32>} : memref<512xi32, #tpu.memory_space<vmem>>, vector<16xi32>,
      %add3A_592 = vector.broadcast %mul3A_589 : i32 to vector<16xi32>
      %add3A_593 = arith.addi %add3A_592, %iota3A : vector<16xi32>
      tpu.vector_store_idx %arg8[%get3A_591, %add3A_593], %broadcast_in_dim3A_3 : memref<100x512xi32, #tpu.memory_space<vmem>>[vector<16xi32>, vector<16xi32>], vector<16xi32>,
      %mul3A_594 = arith.constant 4 : i32
      %mul3A_595 = arith.muli %scan3A_563, %mul3A_594 : i32
      %add3A_596 = arith.constant 3 : i32
      %add3A_597 = arith.addi %mul3A_595, %add3A_596 : i32
      %mul3A_598 = arith.constant 16 : i32
      %mul3A_599 = arith.muli %add3A_597, %mul3A_598 : i32
      %get3A_600 = arith.index_cast %mul3A_599 : i32 to index
      %get3A_601 = tpu.vector_load %arg4[%get3A_600] {strides = array<i32>} : memref<512xi32, #tpu.memory_space<vmem>>, vector<16xi32>,
      %add3A_602 = vector.broadcast %mul3A_599 : i32 to vector<16xi32>
      %add3A_603 = arith.addi %add3A_602, %iota3A : vector<16xi32>
      tpu.vector_store_idx %arg8[%get3A_601, %add3A_603], %broadcast_in_dim3A_3 : memref<100x512xi32, #tpu.memory_space<vmem>>[vector<16xi32>, vector<16xi32>], vector<16xi32>,
      %scan3A_604 = arith.constant 0 : i32
      scf.yield %scan3A_604 : i32
    }
    %scan3A_432 = arith.constant 8 : i32
    %add3A_433 = arith.constant 7680 : i32
    %add3A_434 = arith.addi %mul3A_2, %add3A_433 : i32
    %dma_start3A_435 = arith.constant 0 : i32
    %dma_start3A_436 = tpu.memref_slice %arg3[%dma_start3A_435, %add3A_434] : memref<100x327680xi32, #tpu.memory_space<hbm>> -> memref<100x512xi32, #tpu.memory_space<hbm>>
    %dma_start3A_437 = arith.constant 0 : i32
    %dma_start3A_438 = tpu.memref_slice %arg3[%dma_start3A_437, %add3A_434] : memref<100x327680xi32, #tpu.memory_space<hbm>> -> memref<100x512xi32, #tpu.memory_space<hbm>>
    tpu.enqueue_dma source(%arg8 : memref<100x512xi32, #tpu.memory_space<vmem>>) target(%dma_start3A_438 : memref<100x512xi32, #tpu.memory_space<hbm>>) target_semaphore(%arg10 : memref<!tpu.dma_semaphore, #tpu.memory_space<semaphore_mem>>)
    %add3A_439 = arith.constant 8192 : i32
    %add3A_440 = arith.addi %mul3A_2, %add3A_439 : i32
    "tpu.region"() ({
      %run_scoped3A = tpu.sem_alloc : memref<!tpu.dma_semaphore, #tpu.memory_space<semaphore_mem>>
      %dma_start3A_563 = tpu.memref_slice %arg2[%add3A_440] : memref<327680xi32, #tpu.memory_space<hbm>> -> memref<512xi32, #tpu.memory_space<hbm>>
      %dma_start3A_564 = tpu.memref_slice %arg2[%add3A_440] : memref<327680xi32, #tpu.memory_space<hbm>> -> memref<512xi32, #tpu.memory_space<hbm>>
      tpu.enqueue_dma source(%dma_start3A_564 : memref<512xi32, #tpu.memory_space<hbm>>) target(%arg5 : memref<512xi32, #tpu.memory_space<vmem>>) target_semaphore(%run_scoped3A : memref<!tpu.dma_semaphore, #tpu.memory_space<semaphore_mem>>)
      %dma_wait3A_565 = tpu.memref_slice %arg2[%add3A_440] : memref<327680xi32, #tpu.memory_space<hbm>> -> memref<512xi32, #tpu.memory_space<hbm>>
      %dma_wait3A_566 = tpu.memref_slice %arg2[%add3A_440] : memref<327680xi32, #tpu.memory_space<hbm>> -> memref<512xi32, #tpu.memory_space<hbm>>
      tpu.wait_dma2 semaphore(%run_scoped3A : memref<!tpu.dma_semaphore, #tpu.memory_space<semaphore_mem>>) src(%dma_wait3A_566 : memref<512xi32, #tpu.memory_space<hbm>>) dst(%arg5 : memref<512xi32, #tpu.memory_space<vmem>>)
      tpu.yield
    }) : () -> ()
    %add3A_441 = arith.constant 7168 : i32
    %add3A_442 = arith.addi %mul3A_2, %add3A_441 : i32
    %dma_wait3A_443 = arith.constant 0 : i32
    %dma_wait3A_444 = tpu.memref_slice %arg3[%dma_wait3A_443, %add3A_442] : memref<100x327680xi32, #tpu.memory_space<hbm>> -> memref<100x512xi32, #tpu.memory_space<hbm>>
    %dma_wait3A_445 = arith.constant 0 : i32
    %dma_wait3A_446 = tpu.memref_slice %arg3[%dma_wait3A_445, %add3A_442] : memref<100x327680xi32, #tpu.memory_space<hbm>> -> memref<100x512xi32, #tpu.memory_space<hbm>>
    tpu.wait_dma2 semaphore(%arg9 : memref<!tpu.dma_semaphore, #tpu.memory_space<semaphore_mem>>) src(%arg7 : memref<100x512xi32, #tpu.memory_space<vmem>>) dst(%dma_wait3A_446 : memref<100x512xi32, #tpu.memory_space<hbm>>)
    %scan3A_447 = arith.constant 0 : i32
    %scan3A_448 = arith.constant 0 : i32
    %scan3A_449 = arith.constant 8 : i32
    %scan3A_450 = arith.addi %scan3A_448, %scan3A_449 : i32
    %scan3A_451 = arith.constant 1 : i32
    %scan3A_452 = scf.for %scan3A_563 = %scan3A_448 to %scan3A_450 step %scan3A_451 iter_args(%scan3A_564 = %scan3A_447) -> (i32)  : i32 {
      %mul3A_565 = arith.constant 4 : i32
      %mul3A_566 = arith.muli %scan3A_563, %mul3A_565 : i32
      %add3A_567 = arith.constant 0 : i32
      %add3A_568 = arith.addi %mul3A_566, %add3A_567 : i32
      %mul3A_569 = arith.constant 16 : i32
      %mul3A_570 = arith.muli %add3A_568, %mul3A_569 : i32
      %get3A = arith.index_cast %mul3A_570 : i32 to index
      %get3A_571 = tpu.vector_load %arg6[%get3A] {strides = array<i32>} : memref<512xi32, #tpu.memory_space<vmem>>, vector<16xi32>,
      %add3A_572 = vector.broadcast %mul3A_570 : i32 to vector<16xi32>
      %add3A_573 = arith.addi %add3A_572, %iota3A : vector<16xi32>
      tpu.vector_store_idx %arg7[%get3A_571, %add3A_573], %broadcast_in_dim3A_5 : memref<100x512xi32, #tpu.memory_space<vmem>>[vector<16xi32>, vector<16xi32>], vector<16xi32>,
      %mul3A_574 = arith.constant 4 : i32
      %mul3A_575 = arith.muli %scan3A_563, %mul3A_574 : i32
      %add3A_576 = arith.constant 1 : i32
      %add3A_577 = arith.addi %mul3A_575, %add3A_576 : i32
      %mul3A_578 = arith.constant 16 : i32
      %mul3A_579 = arith.muli %add3A_577, %mul3A_578 : i32
      %get3A_580 = arith.index_cast %mul3A_579 : i32 to index
      %get3A_581 = tpu.vector_load %arg6[%get3A_580] {strides = array<i32>} : memref<512xi32, #tpu.memory_space<vmem>>, vector<16xi32>,
      %add3A_582 = vector.broadcast %mul3A_579 : i32 to vector<16xi32>
      %add3A_583 = arith.addi %add3A_582, %iota3A : vector<16xi32>
      tpu.vector_store_idx %arg7[%get3A_581, %add3A_583], %broadcast_in_dim3A_5 : memref<100x512xi32, #tpu.memory_space<vmem>>[vector<16xi32>, vector<16xi32>], vector<16xi32>,
      %mul3A_584 = arith.constant 4 : i32
      %mul3A_585 = arith.muli %scan3A_563, %mul3A_584 : i32
      %add3A_586 = arith.constant 2 : i32
      %add3A_587 = arith.addi %mul3A_585, %add3A_586 : i32
      %mul3A_588 = arith.constant 16 : i32
      %mul3A_589 = arith.muli %add3A_587, %mul3A_588 : i32
      %get3A_590 = arith.index_cast %mul3A_589 : i32 to index
      %get3A_591 = tpu.vector_load %arg6[%get3A_590] {strides = array<i32>} : memref<512xi32, #tpu.memory_space<vmem>>, vector<16xi32>,
      %add3A_592 = vector.broadcast %mul3A_589 : i32 to vector<16xi32>
      %add3A_593 = arith.addi %add3A_592, %iota3A : vector<16xi32>
      tpu.vector_store_idx %arg7[%get3A_591, %add3A_593], %broadcast_in_dim3A_5 : memref<100x512xi32, #tpu.memory_space<vmem>>[vector<16xi32>, vector<16xi32>], vector<16xi32>,
      %mul3A_594 = arith.constant 4 : i32
      %mul3A_595 = arith.muli %scan3A_563, %mul3A_594 : i32
      %add3A_596 = arith.constant 3 : i32
      %add3A_597 = arith.addi %mul3A_595, %add3A_596 : i32
      %mul3A_598 = arith.constant 16 : i32
      %mul3A_599 = arith.muli %add3A_597, %mul3A_598 : i32
      %get3A_600 = arith.index_cast %mul3A_599 : i32 to index
      %get3A_601 = tpu.vector_load %arg6[%get3A_600] {strides = array<i32>} : memref<512xi32, #tpu.memory_space<vmem>>, vector<16xi32>,
      %add3A_602 = vector.broadcast %mul3A_599 : i32 to vector<16xi32>
      %add3A_603 = arith.addi %add3A_602, %iota3A : vector<16xi32>
      tpu.vector_store_idx %arg7[%get3A_601, %add3A_603], %broadcast_in_dim3A_5 : memref<100x512xi32, #tpu.memory_space<vmem>>[vector<16xi32>, vector<16xi32>], vector<16xi32>,
      %scan3A_604 = arith.constant 0 : i32
      scf.yield %scan3A_604 : i32
    }
    %scan3A_453 = arith.constant 8 : i32
    %scan3A_454 = arith.constant 0 : i32
    %scan3A_455 = arith.constant 0 : i32
    %scan3A_456 = arith.constant 8 : i32
    %scan3A_457 = arith.addi %scan3A_455, %scan3A_456 : i32
    %scan3A_458 = arith.constant 1 : i32
    %scan3A_459 = scf.for %scan3A_563 = %scan3A_455 to %scan3A_457 step %scan3A_458 iter_args(%scan3A_564 = %scan3A_454) -> (i32)  : i32 {
      %mul3A_565 = arith.constant 4 : i32
      %mul3A_566 = arith.muli %scan3A_563, %mul3A_565 : i32
      %add3A_567 = arith.constant 0 : i32
      %add3A_568 = arith.addi %mul3A_566, %add3A_567 : i32
      %mul3A_569 = arith.constant 16 : i32
      %mul3A_570 = arith.muli %add3A_568, %mul3A_569 : i32
      %get3A = arith.index_cast %mul3A_570 : i32 to index
      %get3A_571 = tpu.vector_load %arg5[%get3A] {strides = array<i32>} : memref<512xi32, #tpu.memory_space<vmem>>, vector<16xi32>,
      %add3A_572 = vector.broadcast %mul3A_570 : i32 to vector<16xi32>
      %add3A_573 = arith.addi %add3A_572, %iota3A : vector<16xi32>
      tpu.vector_store_idx %arg7[%get3A_571, %add3A_573], %broadcast_in_dim3A_3 : memref<100x512xi32, #tpu.memory_space<vmem>>[vector<16xi32>, vector<16xi32>], vector<16xi32>,
      %mul3A_574 = arith.constant 4 : i32
      %mul3A_575 = arith.muli %scan3A_563, %mul3A_574 : i32
      %add3A_576 = arith.constant 1 : i32
      %add3A_577 = arith.addi %mul3A_575, %add3A_576 : i32
      %mul3A_578 = arith.constant 16 : i32
      %mul3A_579 = arith.muli %add3A_577, %mul3A_578 : i32
      %get3A_580 = arith.index_cast %mul3A_579 : i32 to index
      %get3A_581 = tpu.vector_load %arg5[%get3A_580] {strides = array<i32>} : memref<512xi32, #tpu.memory_space<vmem>>, vector<16xi32>,
      %add3A_582 = vector.broadcast %mul3A_579 : i32 to vector<16xi32>
      %add3A_583 = arith.addi %add3A_582, %iota3A : vector<16xi32>
      tpu.vector_store_idx %arg7[%get3A_581, %add3A_583], %broadcast_in_dim3A_3 : memref<100x512xi32, #tpu.memory_space<vmem>>[vector<16xi32>, vector<16xi32>], vector<16xi32>,
      %mul3A_584 = arith.constant 4 : i32
      %mul3A_585 = arith.muli %scan3A_563, %mul3A_584 : i32
      %add3A_586 = arith.constant 2 : i32
      %add3A_587 = arith.addi %mul3A_585, %add3A_586 : i32
      %mul3A_588 = arith.constant 16 : i32
      %mul3A_589 = arith.muli %add3A_587, %mul3A_588 : i32
      %get3A_590 = arith.index_cast %mul3A_589 : i32 to index
      %get3A_591 = tpu.vector_load %arg5[%get3A_590] {strides = array<i32>} : memref<512xi32, #tpu.memory_space<vmem>>, vector<16xi32>,
      %add3A_592 = vector.broadcast %mul3A_589 : i32 to vector<16xi32>
      %add3A_593 = arith.addi %add3A_592, %iota3A : vector<16xi32>
      tpu.vector_store_idx %arg7[%get3A_591, %add3A_593], %broadcast_in_dim3A_3 : memref<100x512xi32, #tpu.memory_space<vmem>>[vector<16xi32>, vector<16xi32>], vector<16xi32>,
      %mul3A_594 = arith.constant 4 : i32
      %mul3A_595 = arith.muli %scan3A_563, %mul3A_594 : i32
      %add3A_596 = arith.constant 3 : i32
      %add3A_597 = arith.addi %mul3A_595, %add3A_596 : i32
      %mul3A_598 = arith.constant 16 : i32
      %mul3A_599 = arith.muli %add3A_597, %mul3A_598 : i32
      %get3A_600 = arith.index_cast %mul3A_599 : i32 to index
      %get3A_601 = tpu.vector_load %arg5[%get3A_600] {strides = array<i32>} : memref<512xi32, #tpu.memory_space<vmem>>, vector<16xi32>,
      %add3A_602 = vector.broadcast %mul3A_599 : i32 to vector<16xi32>
      %add3A_603 = arith.addi %add3A_602, %iota3A : vector<16xi32>
      tpu.vector_store_idx %arg7[%get3A_601, %add3A_603], %broadcast_in_dim3A_3 : memref<100x512xi32, #tpu.memory_space<vmem>>[vector<16xi32>, vector<16xi32>], vector<16xi32>,
      %scan3A_604 = arith.constant 0 : i32
      scf.yield %scan3A_604 : i32
    }
    %scan3A_460 = arith.constant 8 : i32
    %add3A_461 = arith.constant 8192 : i32
    %add3A_462 = arith.addi %mul3A_2, %add3A_461 : i32
    %dma_start3A_463 = arith.constant 0 : i32
    %dma_start3A_464 = tpu.memref_slice %arg3[%dma_start3A_463, %add3A_462] : memref<100x327680xi32, #tpu.memory_space<hbm>> -> memref<100x512xi32, #tpu.memory_space<hbm>>
    %dma_start3A_465 = arith.constant 0 : i32
    %dma_start3A_466 = tpu.memref_slice %arg3[%dma_start3A_465, %add3A_462] : memref<100x327680xi32, #tpu.memory_space<hbm>> -> memref<100x512xi32, #tpu.memory_space<hbm>>
    tpu.enqueue_dma source(%arg7 : memref<100x512xi32, #tpu.memory_space<vmem>>) target(%dma_start3A_466 : memref<100x512xi32, #tpu.memory_space<hbm>>) target_semaphore(%arg9 : memref<!tpu.dma_semaphore, #tpu.memory_space<semaphore_mem>>)
    %add3A_467 = arith.constant 8704 : i32
    %add3A_468 = arith.addi %mul3A_2, %add3A_467 : i32
    "tpu.region"() ({
      %run_scoped3A = tpu.sem_alloc : memref<!tpu.dma_semaphore, #tpu.memory_space<semaphore_mem>>
      %dma_start3A_563 = tpu.memref_slice %arg2[%add3A_468] : memref<327680xi32, #tpu.memory_space<hbm>> -> memref<512xi32, #tpu.memory_space<hbm>>
      %dma_start3A_564 = tpu.memref_slice %arg2[%add3A_468] : memref<327680xi32, #tpu.memory_space<hbm>> -> memref<512xi32, #tpu.memory_space<hbm>>
      tpu.enqueue_dma source(%dma_start3A_564 : memref<512xi32, #tpu.memory_space<hbm>>) target(%arg6 : memref<512xi32, #tpu.memory_space<vmem>>) target_semaphore(%run_scoped3A : memref<!tpu.dma_semaphore, #tpu.memory_space<semaphore_mem>>)
      %dma_wait3A_565 = tpu.memref_slice %arg2[%add3A_468] : memref<327680xi32, #tpu.memory_space<hbm>> -> memref<512xi32, #tpu.memory_space<hbm>>
      %dma_wait3A_566 = tpu.memref_slice %arg2[%add3A_468] : memref<327680xi32, #tpu.memory_space<hbm>> -> memref<512xi32, #tpu.memory_space<hbm>>
      tpu.wait_dma2 semaphore(%run_scoped3A : memref<!tpu.dma_semaphore, #tpu.memory_space<semaphore_mem>>) src(%dma_wait3A_566 : memref<512xi32, #tpu.memory_space<hbm>>) dst(%arg6 : memref<512xi32, #tpu.memory_space<vmem>>)
      tpu.yield
    }) : () -> ()
    %add3A_469 = arith.constant 7680 : i32
    %add3A_470 = arith.addi %mul3A_2, %add3A_469 : i32
    %dma_wait3A_471 = arith.constant 0 : i32
    %dma_wait3A_472 = tpu.memref_slice %arg3[%dma_wait3A_471, %add3A_470] : memref<100x327680xi32, #tpu.memory_space<hbm>> -> memref<100x512xi32, #tpu.memory_space<hbm>>
    %dma_wait3A_473 = arith.constant 0 : i32
    %dma_wait3A_474 = tpu.memref_slice %arg3[%dma_wait3A_473, %add3A_470] : memref<100x327680xi32, #tpu.memory_space<hbm>> -> memref<100x512xi32, #tpu.memory_space<hbm>>
    tpu.wait_dma2 semaphore(%arg10 : memref<!tpu.dma_semaphore, #tpu.memory_space<semaphore_mem>>) src(%arg8 : memref<100x512xi32, #tpu.memory_space<vmem>>) dst(%dma_wait3A_474 : memref<100x512xi32, #tpu.memory_space<hbm>>)
    %scan3A_475 = arith.constant 0 : i32
    %scan3A_476 = arith.constant 0 : i32
    %scan3A_477 = arith.constant 8 : i32
    %scan3A_478 = arith.addi %scan3A_476, %scan3A_477 : i32
    %scan3A_479 = arith.constant 1 : i32
    %scan3A_480 = scf.for %scan3A_563 = %scan3A_476 to %scan3A_478 step %scan3A_479 iter_args(%scan3A_564 = %scan3A_475) -> (i32)  : i32 {
      %mul3A_565 = arith.constant 4 : i32
      %mul3A_566 = arith.muli %scan3A_563, %mul3A_565 : i32
      %add3A_567 = arith.constant 0 : i32
      %add3A_568 = arith.addi %mul3A_566, %add3A_567 : i32
      %mul3A_569 = arith.constant 16 : i32
      %mul3A_570 = arith.muli %add3A_568, %mul3A_569 : i32
      %get3A = arith.index_cast %mul3A_570 : i32 to index
      %get3A_571 = tpu.vector_load %arg4[%get3A] {strides = array<i32>} : memref<512xi32, #tpu.memory_space<vmem>>, vector<16xi32>,
      %add3A_572 = vector.broadcast %mul3A_570 : i32 to vector<16xi32>
      %add3A_573 = arith.addi %add3A_572, %iota3A : vector<16xi32>
      tpu.vector_store_idx %arg8[%get3A_571, %add3A_573], %broadcast_in_dim3A_5 : memref<100x512xi32, #tpu.memory_space<vmem>>[vector<16xi32>, vector<16xi32>], vector<16xi32>,
      %mul3A_574 = arith.constant 4 : i32
      %mul3A_575 = arith.muli %scan3A_563, %mul3A_574 : i32
      %add3A_576 = arith.constant 1 : i32
      %add3A_577 = arith.addi %mul3A_575, %add3A_576 : i32
      %mul3A_578 = arith.constant 16 : i32
      %mul3A_579 = arith.muli %add3A_577, %mul3A_578 : i32
      %get3A_580 = arith.index_cast %mul3A_579 : i32 to index
      %get3A_581 = tpu.vector_load %arg4[%get3A_580] {strides = array<i32>} : memref<512xi32, #tpu.memory_space<vmem>>, vector<16xi32>,
      %add3A_582 = vector.broadcast %mul3A_579 : i32 to vector<16xi32>
      %add3A_583 = arith.addi %add3A_582, %iota3A : vector<16xi32>
      tpu.vector_store_idx %arg8[%get3A_581, %add3A_583], %broadcast_in_dim3A_5 : memref<100x512xi32, #tpu.memory_space<vmem>>[vector<16xi32>, vector<16xi32>], vector<16xi32>,
      %mul3A_584 = arith.constant 4 : i32
      %mul3A_585 = arith.muli %scan3A_563, %mul3A_584 : i32
      %add3A_586 = arith.constant 2 : i32
      %add3A_587 = arith.addi %mul3A_585, %add3A_586 : i32
      %mul3A_588 = arith.constant 16 : i32
      %mul3A_589 = arith.muli %add3A_587, %mul3A_588 : i32
      %get3A_590 = arith.index_cast %mul3A_589 : i32 to index
      %get3A_591 = tpu.vector_load %arg4[%get3A_590] {strides = array<i32>} : memref<512xi32, #tpu.memory_space<vmem>>, vector<16xi32>,
      %add3A_592 = vector.broadcast %mul3A_589 : i32 to vector<16xi32>
      %add3A_593 = arith.addi %add3A_592, %iota3A : vector<16xi32>
      tpu.vector_store_idx %arg8[%get3A_591, %add3A_593], %broadcast_in_dim3A_5 : memref<100x512xi32, #tpu.memory_space<vmem>>[vector<16xi32>, vector<16xi32>], vector<16xi32>,
      %mul3A_594 = arith.constant 4 : i32
      %mul3A_595 = arith.muli %scan3A_563, %mul3A_594 : i32
      %add3A_596 = arith.constant 3 : i32
      %add3A_597 = arith.addi %mul3A_595, %add3A_596 : i32
      %mul3A_598 = arith.constant 16 : i32
      %mul3A_599 = arith.muli %add3A_597, %mul3A_598 : i32
      %get3A_600 = arith.index_cast %mul3A_599 : i32 to index
      %get3A_601 = tpu.vector_load %arg4[%get3A_600] {strides = array<i32>} : memref<512xi32, #tpu.memory_space<vmem>>, vector<16xi32>,
      %add3A_602 = vector.broadcast %mul3A_599 : i32 to vector<16xi32>
      %add3A_603 = arith.addi %add3A_602, %iota3A : vector<16xi32>
      tpu.vector_store_idx %arg8[%get3A_601, %add3A_603], %broadcast_in_dim3A_5 : memref<100x512xi32, #tpu.memory_space<vmem>>[vector<16xi32>, vector<16xi32>], vector<16xi32>,
      %scan3A_604 = arith.constant 0 : i32
      scf.yield %scan3A_604 : i32
    }
    %scan3A_481 = arith.constant 8 : i32
    %scan3A_482 = arith.constant 0 : i32
    %scan3A_483 = arith.constant 0 : i32
    %scan3A_484 = arith.constant 8 : i32
    %scan3A_485 = arith.addi %scan3A_483, %scan3A_484 : i32
    %scan3A_486 = arith.constant 1 : i32
    %scan3A_487 = scf.for %scan3A_563 = %scan3A_483 to %scan3A_485 step %scan3A_486 iter_args(%scan3A_564 = %scan3A_482) -> (i32)  : i32 {
      %mul3A_565 = arith.constant 4 : i32
      %mul3A_566 = arith.muli %scan3A_563, %mul3A_565 : i32
      %add3A_567 = arith.constant 0 : i32
      %add3A_568 = arith.addi %mul3A_566, %add3A_567 : i32
      %mul3A_569 = arith.constant 16 : i32
      %mul3A_570 = arith.muli %add3A_568, %mul3A_569 : i32
      %get3A = arith.index_cast %mul3A_570 : i32 to index
      %get3A_571 = tpu.vector_load %arg6[%get3A] {strides = array<i32>} : memref<512xi32, #tpu.memory_space<vmem>>, vector<16xi32>,
      %add3A_572 = vector.broadcast %mul3A_570 : i32 to vector<16xi32>
      %add3A_573 = arith.addi %add3A_572, %iota3A : vector<16xi32>
      tpu.vector_store_idx %arg8[%get3A_571, %add3A_573], %broadcast_in_dim3A_3 : memref<100x512xi32, #tpu.memory_space<vmem>>[vector<16xi32>, vector<16xi32>], vector<16xi32>,
      %mul3A_574 = arith.constant 4 : i32
      %mul3A_575 = arith.muli %scan3A_563, %mul3A_574 : i32
      %add3A_576 = arith.constant 1 : i32
      %add3A_577 = arith.addi %mul3A_575, %add3A_576 : i32
      %mul3A_578 = arith.constant 16 : i32
      %mul3A_579 = arith.muli %add3A_577, %mul3A_578 : i32
      %get3A_580 = arith.index_cast %mul3A_579 : i32 to index
      %get3A_581 = tpu.vector_load %arg6[%get3A_580] {strides = array<i32>} : memref<512xi32, #tpu.memory_space<vmem>>, vector<16xi32>,
      %add3A_582 = vector.broadcast %mul3A_579 : i32 to vector<16xi32>
      %add3A_583 = arith.addi %add3A_582, %iota3A : vector<16xi32>
      tpu.vector_store_idx %arg8[%get3A_581, %add3A_583], %broadcast_in_dim3A_3 : memref<100x512xi32, #tpu.memory_space<vmem>>[vector<16xi32>, vector<16xi32>], vector<16xi32>,
      %mul3A_584 = arith.constant 4 : i32
      %mul3A_585 = arith.muli %scan3A_563, %mul3A_584 : i32
      %add3A_586 = arith.constant 2 : i32
      %add3A_587 = arith.addi %mul3A_585, %add3A_586 : i32
      %mul3A_588 = arith.constant 16 : i32
      %mul3A_589 = arith.muli %add3A_587, %mul3A_588 : i32
      %get3A_590 = arith.index_cast %mul3A_589 : i32 to index
      %get3A_591 = tpu.vector_load %arg6[%get3A_590] {strides = array<i32>} : memref<512xi32, #tpu.memory_space<vmem>>, vector<16xi32>,
      %add3A_592 = vector.broadcast %mul3A_589 : i32 to vector<16xi32>
      %add3A_593 = arith.addi %add3A_592, %iota3A : vector<16xi32>
      tpu.vector_store_idx %arg8[%get3A_591, %add3A_593], %broadcast_in_dim3A_3 : memref<100x512xi32, #tpu.memory_space<vmem>>[vector<16xi32>, vector<16xi32>], vector<16xi32>,
      %mul3A_594 = arith.constant 4 : i32
      %mul3A_595 = arith.muli %scan3A_563, %mul3A_594 : i32
      %add3A_596 = arith.constant 3 : i32
      %add3A_597 = arith.addi %mul3A_595, %add3A_596 : i32
      %mul3A_598 = arith.constant 16 : i32
      %mul3A_599 = arith.muli %add3A_597, %mul3A_598 : i32
      %get3A_600 = arith.index_cast %mul3A_599 : i32 to index
      %get3A_601 = tpu.vector_load %arg6[%get3A_600] {strides = array<i32>} : memref<512xi32, #tpu.memory_space<vmem>>, vector<16xi32>,
      %add3A_602 = vector.broadcast %mul3A_599 : i32 to vector<16xi32>
      %add3A_603 = arith.addi %add3A_602, %iota3A : vector<16xi32>
      tpu.vector_store_idx %arg8[%get3A_601, %add3A_603], %broadcast_in_dim3A_3 : memref<100x512xi32, #tpu.memory_space<vmem>>[vector<16xi32>, vector<16xi32>], vector<16xi32>,
      %scan3A_604 = arith.constant 0 : i32
      scf.yield %scan3A_604 : i32
    }
    %scan3A_488 = arith.constant 8 : i32
    %add3A_489 = arith.constant 8704 : i32
    %add3A_490 = arith.addi %mul3A_2, %add3A_489 : i32
    %dma_start3A_491 = arith.constant 0 : i32
    %dma_start3A_492 = tpu.memref_slice %arg3[%dma_start3A_491, %add3A_490] : memref<100x327680xi32, #tpu.memory_space<hbm>> -> memref<100x512xi32, #tpu.memory_space<hbm>>
    %dma_start3A_493 = arith.constant 0 : i32
    %dma_start3A_494 = tpu.memref_slice %arg3[%dma_start3A_493, %add3A_490] : memref<100x327680xi32, #tpu.memory_space<hbm>> -> memref<100x512xi32, #tpu.memory_space<hbm>>
    tpu.enqueue_dma source(%arg8 : memref<100x512xi32, #tpu.memory_space<vmem>>) target(%dma_start3A_494 : memref<100x512xi32, #tpu.memory_space<hbm>>) target_semaphore(%arg10 : memref<!tpu.dma_semaphore, #tpu.memory_space<semaphore_mem>>)
    %add3A_495 = arith.constant 9216 : i32
    %add3A_496 = arith.addi %mul3A_2, %add3A_495 : i32
    "tpu.region"() ({
      %run_scoped3A = tpu.sem_alloc : memref<!tpu.dma_semaphore, #tpu.memory_space<semaphore_mem>>
      %dma_start3A_563 = tpu.memref_slice %arg2[%add3A_496] : memref<327680xi32, #tpu.memory_space<hbm>> -> memref<512xi32, #tpu.memory_space<hbm>>
      %dma_start3A_564 = tpu.memref_slice %arg2[%add3A_496] : memref<327680xi32, #tpu.memory_space<hbm>> -> memref<512xi32, #tpu.memory_space<hbm>>
      tpu.enqueue_dma source(%dma_start3A_564 : memref<512xi32, #tpu.memory_space<hbm>>) target(%arg4 : memref<512xi32, #tpu.memory_space<vmem>>) target_semaphore(%run_scoped3A : memref<!tpu.dma_semaphore, #tpu.memory_space<semaphore_mem>>)
      %dma_wait3A_565 = tpu.memref_slice %arg2[%add3A_496] : memref<327680xi32, #tpu.memory_space<hbm>> -> memref<512xi32, #tpu.memory_space<hbm>>
      %dma_wait3A_566 = tpu.memref_slice %arg2[%add3A_496] : memref<327680xi32, #tpu.memory_space<hbm>> -> memref<512xi32, #tpu.memory_space<hbm>>
      tpu.wait_dma2 semaphore(%run_scoped3A : memref<!tpu.dma_semaphore, #tpu.memory_space<semaphore_mem>>) src(%dma_wait3A_566 : memref<512xi32, #tpu.memory_space<hbm>>) dst(%arg4 : memref<512xi32, #tpu.memory_space<vmem>>)
      tpu.yield
    }) : () -> ()
    %add3A_497 = arith.constant 8192 : i32
    %add3A_498 = arith.addi %mul3A_2, %add3A_497 : i32
    %dma_wait3A_499 = arith.constant 0 : i32
    %dma_wait3A_500 = tpu.memref_slice %arg3[%dma_wait3A_499, %add3A_498] : memref<100x327680xi32, #tpu.memory_space<hbm>> -> memref<100x512xi32, #tpu.memory_space<hbm>>
    %dma_wait3A_501 = arith.constant 0 : i32
    %dma_wait3A_502 = tpu.memref_slice %arg3[%dma_wait3A_501, %add3A_498] : memref<100x327680xi32, #tpu.memory_space<hbm>> -> memref<100x512xi32, #tpu.memory_space<hbm>>
    tpu.wait_dma2 semaphore(%arg9 : memref<!tpu.dma_semaphore, #tpu.memory_space<semaphore_mem>>) src(%arg7 : memref<100x512xi32, #tpu.memory_space<vmem>>) dst(%dma_wait3A_502 : memref<100x512xi32, #tpu.memory_space<hbm>>)
    %scan3A_503 = arith.constant 0 : i32
    %scan3A_504 = arith.constant 0 : i32
    %scan3A_505 = arith.constant 8 : i32
    %scan3A_506 = arith.addi %scan3A_504, %scan3A_505 : i32
    %scan3A_507 = arith.constant 1 : i32
    %scan3A_508 = scf.for %scan3A_563 = %scan3A_504 to %scan3A_506 step %scan3A_507 iter_args(%scan3A_564 = %scan3A_503) -> (i32)  : i32 {
      %mul3A_565 = arith.constant 4 : i32
      %mul3A_566 = arith.muli %scan3A_563, %mul3A_565 : i32
      %add3A_567 = arith.constant 0 : i32
      %add3A_568 = arith.addi %mul3A_566, %add3A_567 : i32
      %mul3A_569 = arith.constant 16 : i32
      %mul3A_570 = arith.muli %add3A_568, %mul3A_569 : i32
      %get3A = arith.index_cast %mul3A_570 : i32 to index
      %get3A_571 = tpu.vector_load %arg5[%get3A] {strides = array<i32>} : memref<512xi32, #tpu.memory_space<vmem>>, vector<16xi32>,
      %add3A_572 = vector.broadcast %mul3A_570 : i32 to vector<16xi32>
      %add3A_573 = arith.addi %add3A_572, %iota3A : vector<16xi32>
      tpu.vector_store_idx %arg7[%get3A_571, %add3A_573], %broadcast_in_dim3A_5 : memref<100x512xi32, #tpu.memory_space<vmem>>[vector<16xi32>, vector<16xi32>], vector<16xi32>,
      %mul3A_574 = arith.constant 4 : i32
      %mul3A_575 = arith.muli %scan3A_563, %mul3A_574 : i32
      %add3A_576 = arith.constant 1 : i32
      %add3A_577 = arith.addi %mul3A_575, %add3A_576 : i32
      %mul3A_578 = arith.constant 16 : i32
      %mul3A_579 = arith.muli %add3A_577, %mul3A_578 : i32
      %get3A_580 = arith.index_cast %mul3A_579 : i32 to index
      %get3A_581 = tpu.vector_load %arg5[%get3A_580] {strides = array<i32>} : memref<512xi32, #tpu.memory_space<vmem>>, vector<16xi32>,
      %add3A_582 = vector.broadcast %mul3A_579 : i32 to vector<16xi32>
      %add3A_583 = arith.addi %add3A_582, %iota3A : vector<16xi32>
      tpu.vector_store_idx %arg7[%get3A_581, %add3A_583], %broadcast_in_dim3A_5 : memref<100x512xi32, #tpu.memory_space<vmem>>[vector<16xi32>, vector<16xi32>], vector<16xi32>,
      %mul3A_584 = arith.constant 4 : i32
      %mul3A_585 = arith.muli %scan3A_563, %mul3A_584 : i32
      %add3A_586 = arith.constant 2 : i32
      %add3A_587 = arith.addi %mul3A_585, %add3A_586 : i32
      %mul3A_588 = arith.constant 16 : i32
      %mul3A_589 = arith.muli %add3A_587, %mul3A_588 : i32
      %get3A_590 = arith.index_cast %mul3A_589 : i32 to index
      %get3A_591 = tpu.vector_load %arg5[%get3A_590] {strides = array<i32>} : memref<512xi32, #tpu.memory_space<vmem>>, vector<16xi32>,
      %add3A_592 = vector.broadcast %mul3A_589 : i32 to vector<16xi32>
      %add3A_593 = arith.addi %add3A_592, %iota3A : vector<16xi32>
      tpu.vector_store_idx %arg7[%get3A_591, %add3A_593], %broadcast_in_dim3A_5 : memref<100x512xi32, #tpu.memory_space<vmem>>[vector<16xi32>, vector<16xi32>], vector<16xi32>,
      %mul3A_594 = arith.constant 4 : i32
      %mul3A_595 = arith.muli %scan3A_563, %mul3A_594 : i32
      %add3A_596 = arith.constant 3 : i32
      %add3A_597 = arith.addi %mul3A_595, %add3A_596 : i32
      %mul3A_598 = arith.constant 16 : i32
      %mul3A_599 = arith.muli %add3A_597, %mul3A_598 : i32
      %get3A_600 = arith.index_cast %mul3A_599 : i32 to index
      %get3A_601 = tpu.vector_load %arg5[%get3A_600] {strides = array<i32>} : memref<512xi32, #tpu.memory_space<vmem>>, vector<16xi32>,
      %add3A_602 = vector.broadcast %mul3A_599 : i32 to vector<16xi32>
      %add3A_603 = arith.addi %add3A_602, %iota3A : vector<16xi32>
      tpu.vector_store_idx %arg7[%get3A_601, %add3A_603], %broadcast_in_dim3A_5 : memref<100x512xi32, #tpu.memory_space<vmem>>[vector<16xi32>, vector<16xi32>], vector<16xi32>,
      %scan3A_604 = arith.constant 0 : i32
      scf.yield %scan3A_604 : i32
    }
    %scan3A_509 = arith.constant 8 : i32
    %scan3A_510 = arith.constant 0 : i32
    %scan3A_511 = arith.constant 0 : i32
    %scan3A_512 = arith.constant 8 : i32
    %scan3A_513 = arith.addi %scan3A_511, %scan3A_512 : i32
    %scan3A_514 = arith.constant 1 : i32
    %scan3A_515 = scf.for %scan3A_563 = %scan3A_511 to %scan3A_513 step %scan3A_514 iter_args(%scan3A_564 = %scan3A_510) -> (i32)  : i32 {
      %mul3A_565 = arith.constant 4 : i32
      %mul3A_566 = arith.muli %scan3A_563, %mul3A_565 : i32
      %add3A_567 = arith.constant 0 : i32
      %add3A_568 = arith.addi %mul3A_566, %add3A_567 : i32
      %mul3A_569 = arith.constant 16 : i32
      %mul3A_570 = arith.muli %add3A_568, %mul3A_569 : i32
      %get3A = arith.index_cast %mul3A_570 : i32 to index
      %get3A_571 = tpu.vector_load %arg4[%get3A] {strides = array<i32>} : memref<512xi32, #tpu.memory_space<vmem>>, vector<16xi32>,
      %add3A_572 = vector.broadcast %mul3A_570 : i32 to vector<16xi32>
      %add3A_573 = arith.addi %add3A_572, %iota3A : vector<16xi32>
      tpu.vector_store_idx %arg7[%get3A_571, %add3A_573], %broadcast_in_dim3A_3 : memref<100x512xi32, #tpu.memory_space<vmem>>[vector<16xi32>, vector<16xi32>], vector<16xi32>,
      %mul3A_574 = arith.constant 4 : i32
      %mul3A_575 = arith.muli %scan3A_563, %mul3A_574 : i32
      %add3A_576 = arith.constant 1 : i32
      %add3A_577 = arith.addi %mul3A_575, %add3A_576 : i32
      %mul3A_578 = arith.constant 16 : i32
      %mul3A_579 = arith.muli %add3A_577, %mul3A_578 : i32
      %get3A_580 = arith.index_cast %mul3A_579 : i32 to index
      %get3A_581 = tpu.vector_load %arg4[%get3A_580] {strides = array<i32>} : memref<512xi32, #tpu.memory_space<vmem>>, vector<16xi32>,
      %add3A_582 = vector.broadcast %mul3A_579 : i32 to vector<16xi32>
      %add3A_583 = arith.addi %add3A_582, %iota3A : vector<16xi32>
      tpu.vector_store_idx %arg7[%get3A_581, %add3A_583], %broadcast_in_dim3A_3 : memref<100x512xi32, #tpu.memory_space<vmem>>[vector<16xi32>, vector<16xi32>], vector<16xi32>,
      %mul3A_584 = arith.constant 4 : i32
      %mul3A_585 = arith.muli %scan3A_563, %mul3A_584 : i32
      %add3A_586 = arith.constant 2 : i32
      %add3A_587 = arith.addi %mul3A_585, %add3A_586 : i32
      %mul3A_588 = arith.constant 16 : i32
      %mul3A_589 = arith.muli %add3A_587, %mul3A_588 : i32
      %get3A_590 = arith.index_cast %mul3A_589 : i32 to index
      %get3A_591 = tpu.vector_load %arg4[%get3A_590] {strides = array<i32>} : memref<512xi32, #tpu.memory_space<vmem>>, vector<16xi32>,
      %add3A_592 = vector.broadcast %mul3A_589 : i32 to vector<16xi32>
      %add3A_593 = arith.addi %add3A_592, %iota3A : vector<16xi32>
      tpu.vector_store_idx %arg7[%get3A_591, %add3A_593], %broadcast_in_dim3A_3 : memref<100x512xi32, #tpu.memory_space<vmem>>[vector<16xi32>, vector<16xi32>], vector<16xi32>,
      %mul3A_594 = arith.constant 4 : i32
      %mul3A_595 = arith.muli %scan3A_563, %mul3A_594 : i32
      %add3A_596 = arith.constant 3 : i32
      %add3A_597 = arith.addi %mul3A_595, %add3A_596 : i32
      %mul3A_598 = arith.constant 16 : i32
      %mul3A_599 = arith.muli %add3A_597, %mul3A_598 : i32
      %get3A_600 = arith.index_cast %mul3A_599 : i32 to index
      %get3A_601 = tpu.vector_load %arg4[%get3A_600] {strides = array<i32>} : memref<512xi32, #tpu.memory_space<vmem>>, vector<16xi32>,
      %add3A_602 = vector.broadcast %mul3A_599 : i32 to vector<16xi32>
      %add3A_603 = arith.addi %add3A_602, %iota3A : vector<16xi32>
      tpu.vector_store_idx %arg7[%get3A_601, %add3A_603], %broadcast_in_dim3A_3 : memref<100x512xi32, #tpu.memory_space<vmem>>[vector<16xi32>, vector<16xi32>], vector<16xi32>,
      %scan3A_604 = arith.constant 0 : i32
      scf.yield %scan3A_604 : i32
    }
    %scan3A_516 = arith.constant 8 : i32
    %add3A_517 = arith.constant 9216 : i32
    %add3A_518 = arith.addi %mul3A_2, %add3A_517 : i32
    %dma_start3A_519 = arith.constant 0 : i32
    %dma_start3A_520 = tpu.memref_slice %arg3[%dma_start3A_519, %add3A_518] : memref<100x327680xi32, #tpu.memory_space<hbm>> -> memref<100x512xi32, #tpu.memory_space<hbm>>
    %dma_start3A_521 = arith.constant 0 : i32
    %dma_start3A_522 = tpu.memref_slice %arg3[%dma_start3A_521, %add3A_518] : memref<100x327680xi32, #tpu.memory_space<hbm>> -> memref<100x512xi32, #tpu.memory_space<hbm>>
    tpu.enqueue_dma source(%arg7 : memref<100x512xi32, #tpu.memory_space<vmem>>) target(%dma_start3A_522 : memref<100x512xi32, #tpu.memory_space<hbm>>) target_semaphore(%arg9 : memref<!tpu.dma_semaphore, #tpu.memory_space<semaphore_mem>>)
    %add3A_523 = arith.constant 9728 : i32
    %add3A_524 = arith.addi %mul3A_2, %add3A_523 : i32
    "tpu.region"() ({
      %run_scoped3A = tpu.sem_alloc : memref<!tpu.dma_semaphore, #tpu.memory_space<semaphore_mem>>
      %dma_start3A_563 = tpu.memref_slice %arg2[%add3A_524] : memref<327680xi32, #tpu.memory_space<hbm>> -> memref<512xi32, #tpu.memory_space<hbm>>
      %dma_start3A_564 = tpu.memref_slice %arg2[%add3A_524] : memref<327680xi32, #tpu.memory_space<hbm>> -> memref<512xi32, #tpu.memory_space<hbm>>
      tpu.enqueue_dma source(%dma_start3A_564 : memref<512xi32, #tpu.memory_space<hbm>>) target(%arg5 : memref<512xi32, #tpu.memory_space<vmem>>) target_semaphore(%run_scoped3A : memref<!tpu.dma_semaphore, #tpu.memory_space<semaphore_mem>>)
      %dma_wait3A_565 = tpu.memref_slice %arg2[%add3A_524] : memref<327680xi32, #tpu.memory_space<hbm>> -> memref<512xi32, #tpu.memory_space<hbm>>
      %dma_wait3A_566 = tpu.memref_slice %arg2[%add3A_524] : memref<327680xi32, #tpu.memory_space<hbm>> -> memref<512xi32, #tpu.memory_space<hbm>>
      tpu.wait_dma2 semaphore(%run_scoped3A : memref<!tpu.dma_semaphore, #tpu.memory_space<semaphore_mem>>) src(%dma_wait3A_566 : memref<512xi32, #tpu.memory_space<hbm>>) dst(%arg5 : memref<512xi32, #tpu.memory_space<vmem>>)
      tpu.yield
    }) : () -> ()
    %add3A_525 = arith.constant 8704 : i32
    %add3A_526 = arith.addi %mul3A_2, %add3A_525 : i32
    %dma_wait3A_527 = arith.constant 0 : i32
    %dma_wait3A_528 = tpu.memref_slice %arg3[%dma_wait3A_527, %add3A_526] : memref<100x327680xi32, #tpu.memory_space<hbm>> -> memref<100x512xi32, #tpu.memory_space<hbm>>
    %dma_wait3A_529 = arith.constant 0 : i32
    %dma_wait3A_530 = tpu.memref_slice %arg3[%dma_wait3A_529, %add3A_526] : memref<100x327680xi32, #tpu.memory_space<hbm>> -> memref<100x512xi32, #tpu.memory_space<hbm>>
    tpu.wait_dma2 semaphore(%arg10 : memref<!tpu.dma_semaphore, #tpu.memory_space<semaphore_mem>>) src(%arg8 : memref<100x512xi32, #tpu.memory_space<vmem>>) dst(%dma_wait3A_530 : memref<100x512xi32, #tpu.memory_space<hbm>>)
    %scan3A_531 = arith.constant 0 : i32
    %scan3A_532 = arith.constant 0 : i32
    %scan3A_533 = arith.constant 8 : i32
    %scan3A_534 = arith.addi %scan3A_532, %scan3A_533 : i32
    %scan3A_535 = arith.constant 1 : i32
    %scan3A_536 = scf.for %scan3A_563 = %scan3A_532 to %scan3A_534 step %scan3A_535 iter_args(%scan3A_564 = %scan3A_531) -> (i32)  : i32 {
      %mul3A_565 = arith.constant 4 : i32
      %mul3A_566 = arith.muli %scan3A_563, %mul3A_565 : i32
      %add3A_567 = arith.constant 0 : i32
      %add3A_568 = arith.addi %mul3A_566, %add3A_567 : i32
      %mul3A_569 = arith.constant 16 : i32
      %mul3A_570 = arith.muli %add3A_568, %mul3A_569 : i32
      %get3A = arith.index_cast %mul3A_570 : i32 to index
      %get3A_571 = tpu.vector_load %arg6[%get3A] {strides = array<i32>} : memref<512xi32, #tpu.memory_space<vmem>>, vector<16xi32>,
      %add3A_572 = vector.broadcast %mul3A_570 : i32 to vector<16xi32>
      %add3A_573 = arith.addi %add3A_572, %iota3A : vector<16xi32>
      tpu.vector_store_idx %arg8[%get3A_571, %add3A_573], %broadcast_in_dim3A_5 : memref<100x512xi32, #tpu.memory_space<vmem>>[vector<16xi32>, vector<16xi32>], vector<16xi32>,
      %mul3A_574 = arith.constant 4 : i32
      %mul3A_575 = arith.muli %scan3A_563, %mul3A_574 : i32
      %add3A_576 = arith.constant 1 : i32
      %add3A_577 = arith.addi %mul3A_575, %add3A_576 : i32
      %mul3A_578 = arith.constant 16 : i32
      %mul3A_579 = arith.muli %add3A_577, %mul3A_578 : i32
      %get3A_580 = arith.index_cast %mul3A_579 : i32 to index
      %get3A_581 = tpu.vector_load %arg6[%get3A_580] {strides = array<i32>} : memref<512xi32, #tpu.memory_space<vmem>>, vector<16xi32>,
      %add3A_582 = vector.broadcast %mul3A_579 : i32 to vector<16xi32>
      %add3A_583 = arith.addi %add3A_582, %iota3A : vector<16xi32>
      tpu.vector_store_idx %arg8[%get3A_581, %add3A_583], %broadcast_in_dim3A_5 : memref<100x512xi32, #tpu.memory_space<vmem>>[vector<16xi32>, vector<16xi32>], vector<16xi32>,
      %mul3A_584 = arith.constant 4 : i32
      %mul3A_585 = arith.muli %scan3A_563, %mul3A_584 : i32
      %add3A_586 = arith.constant 2 : i32
      %add3A_587 = arith.addi %mul3A_585, %add3A_586 : i32
      %mul3A_588 = arith.constant 16 : i32
      %mul3A_589 = arith.muli %add3A_587, %mul3A_588 : i32
      %get3A_590 = arith.index_cast %mul3A_589 : i32 to index
      %get3A_591 = tpu.vector_load %arg6[%get3A_590] {strides = array<i32>} : memref<512xi32, #tpu.memory_space<vmem>>, vector<16xi32>,
      %add3A_592 = vector.broadcast %mul3A_589 : i32 to vector<16xi32>
      %add3A_593 = arith.addi %add3A_592, %iota3A : vector<16xi32>
      tpu.vector_store_idx %arg8[%get3A_591, %add3A_593], %broadcast_in_dim3A_5 : memref<100x512xi32, #tpu.memory_space<vmem>>[vector<16xi32>, vector<16xi32>], vector<16xi32>,
      %mul3A_594 = arith.constant 4 : i32
      %mul3A_595 = arith.muli %scan3A_563, %mul3A_594 : i32
      %add3A_596 = arith.constant 3 : i32
      %add3A_597 = arith.addi %mul3A_595, %add3A_596 : i32
      %mul3A_598 = arith.constant 16 : i32
      %mul3A_599 = arith.muli %add3A_597, %mul3A_598 : i32
      %get3A_600 = arith.index_cast %mul3A_599 : i32 to index
      %get3A_601 = tpu.vector_load %arg6[%get3A_600] {strides = array<i32>} : memref<512xi32, #tpu.memory_space<vmem>>, vector<16xi32>,
      %add3A_602 = vector.broadcast %mul3A_599 : i32 to vector<16xi32>
      %add3A_603 = arith.addi %add3A_602, %iota3A : vector<16xi32>
      tpu.vector_store_idx %arg8[%get3A_601, %add3A_603], %broadcast_in_dim3A_5 : memref<100x512xi32, #tpu.memory_space<vmem>>[vector<16xi32>, vector<16xi32>], vector<16xi32>,
      %scan3A_604 = arith.constant 0 : i32
      scf.yield %scan3A_604 : i32
    }
    %scan3A_537 = arith.constant 8 : i32
    %scan3A_538 = arith.constant 0 : i32
    %scan3A_539 = arith.constant 0 : i32
    %scan3A_540 = arith.constant 8 : i32
    %scan3A_541 = arith.addi %scan3A_539, %scan3A_540 : i32
    %scan3A_542 = arith.constant 1 : i32
    %scan3A_543 = scf.for %scan3A_563 = %scan3A_539 to %scan3A_541 step %scan3A_542 iter_args(%scan3A_564 = %scan3A_538) -> (i32)  : i32 {
      %mul3A_565 = arith.constant 4 : i32
      %mul3A_566 = arith.muli %scan3A_563, %mul3A_565 : i32
      %add3A_567 = arith.constant 0 : i32
      %add3A_568 = arith.addi %mul3A_566, %add3A_567 : i32
      %mul3A_569 = arith.constant 16 : i32
      %mul3A_570 = arith.muli %add3A_568, %mul3A_569 : i32
      %get3A = arith.index_cast %mul3A_570 : i32 to index
      %get3A_571 = tpu.vector_load %arg5[%get3A] {strides = array<i32>} : memref<512xi32, #tpu.memory_space<vmem>>, vector<16xi32>,
      %add3A_572 = vector.broadcast %mul3A_570 : i32 to vector<16xi32>
      %add3A_573 = arith.addi %add3A_572, %iota3A : vector<16xi32>
      tpu.vector_store_idx %arg8[%get3A_571, %add3A_573], %broadcast_in_dim3A_3 : memref<100x512xi32, #tpu.memory_space<vmem>>[vector<16xi32>, vector<16xi32>], vector<16xi32>,
      %mul3A_574 = arith.constant 4 : i32
      %mul3A_575 = arith.muli %scan3A_563, %mul3A_574 : i32
      %add3A_576 = arith.constant 1 : i32
      %add3A_577 = arith.addi %mul3A_575, %add3A_576 : i32
      %mul3A_578 = arith.constant 16 : i32
      %mul3A_579 = arith.muli %add3A_577, %mul3A_578 : i32
      %get3A_580 = arith.index_cast %mul3A_579 : i32 to index
      %get3A_581 = tpu.vector_load %arg5[%get3A_580] {strides = array<i32>} : memref<512xi32, #tpu.memory_space<vmem>>, vector<16xi32>,
      %add3A_582 = vector.broadcast %mul3A_579 : i32 to vector<16xi32>
      %add3A_583 = arith.addi %add3A_582, %iota3A : vector<16xi32>
      tpu.vector_store_idx %arg8[%get3A_581, %add3A_583], %broadcast_in_dim3A_3 : memref<100x512xi32, #tpu.memory_space<vmem>>[vector<16xi32>, vector<16xi32>], vector<16xi32>,
      %mul3A_584 = arith.constant 4 : i32
      %mul3A_585 = arith.muli %scan3A_563, %mul3A_584 : i32
      %add3A_586 = arith.constant 2 : i32
      %add3A_587 = arith.addi %mul3A_585, %add3A_586 : i32
      %mul3A_588 = arith.constant 16 : i32
      %mul3A_589 = arith.muli %add3A_587, %mul3A_588 : i32
      %get3A_590 = arith.index_cast %mul3A_589 : i32 to index
      %get3A_591 = tpu.vector_load %arg5[%get3A_590] {strides = array<i32>} : memref<512xi32, #tpu.memory_space<vmem>>, vector<16xi32>,
      %add3A_592 = vector.broadcast %mul3A_589 : i32 to vector<16xi32>
      %add3A_593 = arith.addi %add3A_592, %iota3A : vector<16xi32>
      tpu.vector_store_idx %arg8[%get3A_591, %add3A_593], %broadcast_in_dim3A_3 : memref<100x512xi32, #tpu.memory_space<vmem>>[vector<16xi32>, vector<16xi32>], vector<16xi32>,
      %mul3A_594 = arith.constant 4 : i32
      %mul3A_595 = arith.muli %scan3A_563, %mul3A_594 : i32
      %add3A_596 = arith.constant 3 : i32
      %add3A_597 = arith.addi %mul3A_595, %add3A_596 : i32
      %mul3A_598 = arith.constant 16 : i32
      %mul3A_599 = arith.muli %add3A_597, %mul3A_598 : i32
      %get3A_600 = arith.index_cast %mul3A_599 : i32 to index
      %get3A_601 = tpu.vector_load %arg5[%get3A_600] {strides = array<i32>} : memref<512xi32, #tpu.memory_space<vmem>>, vector<16xi32>,
      %add3A_602 = vector.broadcast %mul3A_599 : i32 to vector<16xi32>
      %add3A_603 = arith.addi %add3A_602, %iota3A : vector<16xi32>
      tpu.vector_store_idx %arg8[%get3A_601, %add3A_603], %broadcast_in_dim3A_3 : memref<100x512xi32, #tpu.memory_space<vmem>>[vector<16xi32>, vector<16xi32>], vector<16xi32>,
      %scan3A_604 = arith.constant 0 : i32
      scf.yield %scan3A_604 : i32
    }
    %scan3A_544 = arith.constant 8 : i32
    %add3A_545 = arith.constant 9728 : i32
    %add3A_546 = arith.addi %mul3A_2, %add3A_545 : i32
    %dma_start3A_547 = arith.constant 0 : i32
    %dma_start3A_548 = tpu.memref_slice %arg3[%dma_start3A_547, %add3A_546] : memref<100x327680xi32, #tpu.memory_space<hbm>> -> memref<100x512xi32, #tpu.memory_space<hbm>>
    %dma_start3A_549 = arith.constant 0 : i32
    %dma_start3A_550 = tpu.memref_slice %arg3[%dma_start3A_549, %add3A_546] : memref<100x327680xi32, #tpu.memory_space<hbm>> -> memref<100x512xi32, #tpu.memory_space<hbm>>
    tpu.enqueue_dma source(%arg8 : memref<100x512xi32, #tpu.memory_space<vmem>>) target(%dma_start3A_550 : memref<100x512xi32, #tpu.memory_space<hbm>>) target_semaphore(%arg10 : memref<!tpu.dma_semaphore, #tpu.memory_space<semaphore_mem>>)
    %add3A_551 = arith.constant 9216 : i32
    %add3A_552 = arith.addi %mul3A_2, %add3A_551 : i32
    %dma_wait3A_553 = arith.constant 0 : i32
    %dma_wait3A_554 = tpu.memref_slice %arg3[%dma_wait3A_553, %add3A_552] : memref<100x327680xi32, #tpu.memory_space<hbm>> -> memref<100x512xi32, #tpu.memory_space<hbm>>
    %dma_wait3A_555 = arith.constant 0 : i32
    %dma_wait3A_556 = tpu.memref_slice %arg3[%dma_wait3A_555, %add3A_552] : memref<100x327680xi32, #tpu.memory_space<hbm>> -> memref<100x512xi32, #tpu.memory_space<hbm>>
    tpu.wait_dma2 semaphore(%arg9 : memref<!tpu.dma_semaphore, #tpu.memory_space<semaphore_mem>>) src(%arg7 : memref<100x512xi32, #tpu.memory_space<vmem>>) dst(%dma_wait3A_556 : memref<100x512xi32, #tpu.memory_space<hbm>>)
    %add3A_557 = arith.constant 9728 : i32
    %add3A_558 = arith.addi %mul3A_2, %add3A_557 : i32
    %dma_wait3A_559 = arith.constant 0 : i32
    %dma_wait3A_560 = tpu.memref_slice %arg3[%dma_wait3A_559, %add3A_558] : memref<100x327680xi32, #tpu.memory_space<hbm>> -> memref<100x512xi32, #tpu.memory_space<hbm>>
    %dma_wait3A_561 = arith.constant 0 : i32
    %dma_wait3A_562 = tpu.memref_slice %arg3[%dma_wait3A_561, %add3A_558] : memref<100x327680xi32, #tpu.memory_space<hbm>> -> memref<100x512xi32, #tpu.memory_space<hbm>>
    tpu.wait_dma2 semaphore(%arg10 : memref<!tpu.dma_semaphore, #tpu.memory_space<semaphore_mem>>) src(%arg8 : memref<100x512xi32, #tpu.memory_space<vmem>>) dst(%dma_wait3A_562 : memref<100x512xi32, #tpu.memory_space<hbm>>)
    return
  }
}

</mosaic_0001>

<sc_bundles>
// kernel: kernel.3.cloned.1.call-start
scs
__scs_entry_jumppad:
0x0: {  	(pc) =	sbr.rel $0x88, $3  }
0x1: {  	(tag) =	ssettag $0x0;
	lr =	simm.s32 $0x1  }
0x2: {  	[smem:$0x3FA0] =	sst lr;
	_ =	strace $0xD0000000  }
0x3: {  	_ = 	snop  }
0x4: {  	_ = 	snop  }
0x5: {  	_ = 	snop  }
0x6: {  	_ = 	snop  }
0x7: {  	_ = 	snop  }
__scs_overlays_trampoline_lowered:
0x8: {  	[smem:$0x3FAF] =	sst s0  }
0x9: {  	[smem:$0x3FB0] =	sst s1  }
0xa: {  	[smem:$0x3FB1] =	sst s2  }
0xb: {  	[smem:$0x3FB2] =	sst s3  }
0xc: {  	[smem:$0x3FB3] =	sst s4  }
0xd: {  	[smem:$0x3FB4] =	sst s5  }
0xe: {  	[smem:$0x3FB5] =	sst s6  }
0xf: {  	[smem:$0x3FB6] =	sst s7  }
0x10: {  	[smem:$0x3FB7] =	sst s8  }
0x11: {  	[smem:$0x3FB8] =	sst s9;
	s0 =	simm.s32 @!p0 $0x0  }
0x12: {  	s1 =	sld [smem:$0x3F9E];
	s0 =	simm.s32 @p0 $0x1  }
0x13: {  	[smem:$0x3FB9] =	sst s0;
	s0 =	simm.s32 @!p1 $0x0  }
0x14: {  	s2 =	sld [smem:$0x3F9D];
	s0 =	simm.s32 @p1 $0x1  }
0x15: {  	[smem:$0x3FBA] =	sst s0;
	s0 =	simm.s32 @!p2 $0x0  }
0x16: {  	s3 =	sld [smem:$0x3FDB];
	s0 =	simm.s32 @p2 $0x1  }
0x17: {  	s4 =	simm.s32 $0x1BF5;
	[smem:$0x3FBC] =	sst s0  }
0x18: {  	s0 =	sld [smem:$0x3F9F];
	_ =	swait.ge [sflag:s4], $0x0  }
0x19: {  	s7 =	sld [smem:$0x3FA0]  }
0x1a: {  	s8 =	sadd.s32 $0xFFFFE003, lr  }
0x1b: {  	s9 =	sadd.s32 $0xFFFFFEF7, lr;
	s5 =	simm.s32 $0xFFFFFFFF;
	p2 =	slt.u32 s8, $0xFFFFF086  }
0x1c: {  	p1 =	slt.u32 s9, $0xF7A;
	s5 =	simm.s32 @!p2 $0x0  }
0x1d: {  	s5 =	simm.s32 @p1 $0x1;
	p0 =	seq.s32 s7, s2  }
0x1e: {  	s7 =	smul.u32 @!p0 $0xF7A, s2;
	p2 =	seq.s32 @!p0 s5, $0x0  }
0x1f: {  	s9 =	smul.u32 $0xF7A, s1;
	s8 =	simm.s32 @!p0 $0x1BF5;
	p2 =	por !p2, p0  }
0x20: {  	[sflag:s8] =	ssyncset.s32 @!p0 $0xFFFFF086;
	s6 =	sadd.s32 @!p0 s3, s7;
	s7 =	simm.s32 @!p0 $0x108  }
0x21: {  	s3 =	sadd.s32 s3, s9;
	s6 =	sadd.s32 @!p0 $0x88, s6;
	s7 =	simm.s32 @p2 $0x1082  }
0x22: {  	[simem:s7], [sflag:s8] =	dma.local @!p0 [hbm:s6], $0xF7A  }
0x23: {  	s9 =	sor.u32 $0xD0000000, s2;
	s6 =	simm.s32 $0x108;
	_ =	swait.ge @!p0 [sflag:s8], $0x0  }
0x24: {  	s3 =	sadd.s32 $0x88, s3;
	s6 =	simm.s32 @!p1 $0x1082;
	[sflag:s4] =	ssyncset.s32 $0xFFFFF086  }
0x25: {  	[simem:s6], [sflag:s4] =	dma.local [hbm:s3], $0xF7A  }
0x26: {  	[smem:$0x3FA0] =	sst s1;
	(tag) =	ssettag s2;
	_ =	strace s9  }
0x27: {  	s1 =	sld [smem:$0x3FB0]  }
0x28: {  	s2 =	sld [smem:$0x3FB1]  }
0x29: {  	s4 =	sld [smem:$0x3FB3]  }
0x2a: {  	p0 =	seq.s32 s5, $0x0;
	s5 =	sld [smem:$0x3FB4]  }
0x2b: {  	s6 =	sld [smem:$0x3FB5]  }
0x2c: {  	s7 =	sld [smem:$0x3FB6]  }
0x2d: {  	s3 =	simm.s32 $0x108;
	s8 =	sld [smem:$0x3FB7]  }
0x2e: {  	s3 =	simm.s32 @!p0 $0x1082;
	s9 =	sld [smem:$0x3FB8]  }
0x2f: {  	lr =	sadd.s32 s0, s3;
	s0 =	sld [smem:$0x3FAF]  }
0x30: {  	s3 =	sld [smem:$0x3FB2]  }
0x31: {  	[smem:$0x3FBB] =	sst s10  }
0x32: {  	s10 =	sld [smem:$0x3FB9];
	_ =	sdelay $0x3  }
0x33: {  	p0 =	seq.s32 s10, $0x1;
	s10 =	sld [smem:$0x3FBB];
	_ =	sdelay $0x3  }
0x34: {  	[smem:$0x3FBB] =	sst s10  }
0x35: {  	s10 =	sld [smem:$0x3FBA];
	_ =	sdelay $0x3  }
0x36: {  	p1 =	seq.s32 s10, $0x1;
	s10 =	sld [smem:$0x3FBB];
	_ =	sdelay $0x3  }
0x37: {  	[smem:$0x3FBB] =	sst s10  }
0x38: {  	s10 =	sld [smem:$0x3FBC]  }
0x39: {  	_ = 	snop;
	(pc) =	sbr.ind lr, $3  }
0x3a: {  	_ = 	snop  }
0x3b: {  	_ = 	snop  }
0x3c: {  	p2 =	seq.s32 s10, $0x1;
	s10 =	sld [smem:$0x3FBB]  }
0x3d: {  	_ =	shalt  }
0x3e: {  	_ =	shalt  }
0x3f: {  	_ =	shalt  }
0x40: {  	_ =	shalt  }
0x41: {  	_ =	shalt  }
0x42: {  	_ =	shalt  }
0x43: {  	_ =	shalt  }
0x44: {  	_ =	shalt  }
0x45: {  	_ =	shalt  }
0x46: {  	_ =	shalt  }
0x47: {  	_ =	shalt  }
0x48: {  	_ =	shalt  }
0x49: {  	_ =	shalt  }
0x4a: {  	_ =	shalt  }
0x4b: {  	_ =	shalt  }
0x4c: {  	_ =	shalt  }
0x4d: {  	_ =	shalt  }
0x4e: {  	_ =	shalt  }
0x4f: {  	_ =	shalt  }
0x50: {  	_ =	shalt  }
0x51: {  	_ =	shalt  }
0x52: {  	_ =	shalt  }
0x53: {  	_ =	shalt  }
0x54: {  	_ =	shalt  }
0x55: {  	_ =	shalt  }
0x56: {  	_ =	shalt  }
0x57: {  	_ =	shalt  }
0x58: {  	_ =	shalt  }
0x59: {  	_ =	shalt  }
0x5a: {  	_ =	shalt  }
0x5b: {  	_ =	shalt  }
0x5c: {  	_ =	shalt  }
0x5d: {  	_ =	shalt  }
0x5e: {  	_ =	shalt  }
0x5f: {  	_ =	shalt  }
0x60: {  	_ =	shalt  }
0x61: {  	_ =	shalt  }
0x62: {  	_ =	shalt  }
0x63: {  	_ =	shalt  }
0x64: {  	_ =	shalt  }
0x65: {  	_ =	shalt  }
0x66: {  	_ =	shalt  }
0x67: {  	_ =	shalt  }
0x68: {  	_ =	shalt  }
0x69: {  	_ =	shalt  }
0x6a: {  	_ =	shalt  }
0x6b: {  	_ =	shalt  }
0x6c: {  	_ =	shalt  }
0x6d: {  	_ =	shalt  }
0x6e: {  	_ =	shalt  }
0x6f: {  	_ =	shalt  }
0x70: {  	_ =	shalt  }
0x71: {  	_ =	shalt  }
0x72: {  	_ =	shalt  }
0x73: {  	_ =	shalt  }
0x74: {  	_ =	shalt  }
0x75: {  	_ =	shalt  }
0x76: {  	_ =	shalt  }
0x77: {  	_ =	shalt  }
0x78: {  	_ =	shalt  }
0x79: {  	_ =	shalt  }
0x7a: {  	_ =	shalt  }
0x7b: {  	_ =	shalt  }
0x7c: {  	_ =	shalt  }
0x7d: {  	_ =	shalt  }
0x7e: {  	_ =	shalt  }
0x7f: {  	_ =	shalt  }
0x80: {  	_ =	shalt  }
0x81: {  	_ =	shalt  }
0x82: {  	_ =	shalt  }
0x83: {  	_ =	shalt  }
0x84: {  	_ =	shalt  }
0x85: {  	_ =	shalt  }
0x86: {  	_ =	shalt  }
0x87: {  	_ =	shalt  }
.Lfunc_end0:
.L_simem_size_0:
called_computation_lowered:
.L_overlay_start_0:
0x88: {  	s2 =	sld [smem:$0x3FD9]  }
0x89: {  	s3 =	sld [smem:$0x3FFE];
	_ =	sdelay $0x1  }
0x8a: {  	s1 =	srdreg.scid  }
0x8b: {  	s0 =	sand.u32 $0x1, s1  }
0x8c: {  	s18 =	sshll.u32 s0, $0xA;
	s2 =	sadd.s32 s3, s2  }
0x8d: {  	s2 =	sadd.s32 s2, s18  }
0x8e: {  	[smem:$0x3FC7] =	sst s2  }
0x8f: {  	_ = 	snop  }
0x90: {  	s2 =	sld [smem:$0x3FC9]  }
0x91: {  	s19 =	sld [smem:$0x3FD0];
	(tm) =	ssettm $0x1  }
0x92: {  	s4 =	sld [smem:$0x3FFB];
	_ =	sdelay $0x3  }
0x93: {  	_ =	strace s4  }
0x94: {  	s4 =	sld [smem:$0x3FFC];
	_ =	sdelay $0x3  }
0x95: {  	_ =	strace s4  }
0x96: {  	s4 =	sld [smem:$0x3FFD];
	_ =	sdelay $0x3  }
0x97: {  	_ =	strace s4  }
0x98: {  	_ =	strace $0x8FFFFFFF  }
0x99: {  	s20 =	sld [smem:$0x3FDB];
	_ =	sdelay $0x1  }
0x9a: {  	s5 =	simm.s32 $_scs_section_size  }
0x9b: {  	s6 =	simm.s32 $_size__tile_overlayer_lowered;
	s7 =	simm.s32 $_tile_overlayer_lowered  }
0x9c: {  	s23 =	simm.s32 $0x1BFF;
	s22 =	sshll.u32 s7, $0x1;
	s4 =	sadd.s32 s5, s20  }
0x9d: {  	s8 =	simm.s32 $0x0;
	s21 =	sshll.u32 s6, $0x1;
	s6 =	sadd.s32 s22, s4  }
0x9e: {  	[timem:s8], [sflag:s23] =	dma.local [hbm:s6], s21  }
0x9f: {  	_ =	swait.ge [sflag:s23], s21  }
0xa0: {  	s5 =	ssub.s32 $0x0, s21;
	[sflag:s23] =	ssyncset.done $0x0  }
0xa1: {  	[sflag:s23] =	ssyncadd.s32 s5;
	_ =	sdelay $0x1  }
0xa2: {  	s24 =	simm.s32 $0x1B8B  }
0xa3: {  	_ =	swait.ge [sflag:s24], $0x1  }
0xa4: {  	[sflag:s24] =	ssyncset.done $0x0  }
0xa5: {  	s25 =	simm.s32 $0x1B8E;
	[sflag:s24] =	ssyncadd.s32 $0xFFFFFFFF  }
0xa6: {  	s26 =	simm.s32 $execute0_lowered;
	[smem:$0x3FD2] =	sst s25  }
0xa7: {  	s5 =	sshll.u32 s26, $0x1;
	_ =	strace $0x80000046;
	[dreg:$0x1] =	wrdreg $0xFFFFFFFF  }
0xa8: {  	s28 =	simm.s32 $_size_execute0_lowered;
	s4 =	sadd.s32 s4, s5;
	[dreg:$0x0] =	wrdreg $0x0  }
0xa9: {  	s5 =	sshll.u32 s28, $0x1;
	[dreg:$0x2] =	wrdreg s4  }
0xaa: {  	[dreg:$0x3] =	wrdreg s5  }
0xab: {  	[dreg:$0x4] =	wrdreg $0xC0  }
0xac: {  	_ =	task [dreg:s8], $0x5FFFF  }
0xad: {  	[dreg:$0x1] =	wrdreg $0xFFFFFFFF  }
0xae: {  	[dreg:$0x0] =	wrdreg $0x60  }
0xaf: {  	[dreg:$0x2] =	wrdreg s2  }
0xb0: {  	[dreg:$0x3] =	wrdreg s19  }
0xb1: {  	[dreg:$0x4] =	wrdreg $0x9  }
0xb2: {  	_ =	task.clear_ibuf [dreg:s8], $0x5FFFF;
	_ =	strace $0x90000046  }
0xb3: {  	s29 =	simm.s32 $0x9;
	_ =	strace $0x80000048  }
0xb4: {  	_ =	swait.ge [sflag:s29], $0x1  }
0xb5: {  	[sflag:s29] =	ssyncadd.s32 $0xFFFFFFFF  }
0xb6: {  	_ =	strace $0x90000048  }
0xb7: {  	_ =	sfence  }
0xb8: {  	s30 =	sld [smem:$0x0];
	_ =	sdelay $0x2  }
0xb9: {  	s31 =	sshll.u32 s1, $0xD;
	s1 =	sshrl.u32 s1, $0x2  }
0xba: {  	s3 =	sand.u32 $0x4000, s31;
	s1 =	sadd.s32 s1, s30  }
0xbb: {  	s0 =	sor.u32 s3, s0;
	s1 =	sshll.u32 s1, $0x11  }
0xbc: {  	s0 =	sor.u32 s1, s0  }
0xbd: {  	s0 =	sadd.s32 $0x8F2B, s0  }
0xbe: {  	[sflag:s0] =	ssyncadd.remote.s32 $0x1  }
0xbf: {  	_ =	sfence.sel $0xFFFF  }
0xc0: {  	[dreg:$0x0] =	wrdreg $0xFFFFFFFF;
	(pc) =	sbr.abs _section_cstart, $3  }
0xc1: {  	[dreg:$0x1] =	wrdreg $0xFFFFFFFF  }
0xc2: {  	_ =	task.clear_ibuf [dreg:s8], $0x2FFFF;
	_ =	strace $0x9FFFFFFF  }
0xc3: {  	(tm) =	ssettm $0x7FFFFFFF  }
tec
execute0_lowered:
.L_overlay_start_1:
0x0: {  	(tag) =	ssettag $0x1  }
0x1: {  	s0 =	srdreg.scid;
	s1 =	stileid.u32  }
0x2: {  	s2 =	sand.u32 $0x1, s0;
	s25 =	sshll.u32 s1, $0x1  }
0x3: {  	s4 =	simm.s32 $0x0;
	s0 =	sor.u32 s2, s25  }
0x4: {  	s1 =	rddreg [dreg:$0x0];
	s2 =	ssub.s32 $0x2, s2;
	s0 =	smul.u32 $0x2800, s0  }
0x5: {  	[smem:$0x7FF] =	sst s4;
	s26 =	sshrl.u32 s2, $0x1  }
0x6: {  	s11 =	ssub.s32 s2, s26;
	s3 =	sshrl.u32 s0, $0x7;
	s6 =	sshrl.u32 s0, $0x3  }
0x7: {  	s5 =	sor.u32 $0x4, s3;
	s2 =	sadd.s32 s1, s6;
	s6 =	sadd.s32 $0x800, s0  }
0x8: {  	s7 =	sshll.u32 s5, $0x4;
	[dreg:$0x3] =	wrdreg s2;
	s2 =	sor.u32 $0x8, s3  }
0x9: {  	s3 =	sor.u32 $0xC, s3;
	s8 =	sadd.s32 s1, s7;
	s9 =	sshll.u32 s2, $0x4  }
0xa: {  	s10 =	sshll.u32 s3, $0x4;
	[dreg:$0x4] =	wrdreg s8;
	s4 =	sadd.s32 s1, s9  }
0xb: {  	s7 =	sshrl.u32 s6, $0x3;
	[dreg:$0x5] =	wrdreg s4;
	s4 =	sadd.s32 s1, s10  }
0xc: {  	s12 =	sadd.s32 s1, s7;
	[dreg:$0x6] =	wrdreg s4;
	s4 =	sadd.s32 $0xA00, s0  }
0xd: {  	s8 =	sadd.s32 $0xC00, s0;
	s9 =	sadd.s32 $0xE00, s0;
	s13 =	sshrl.u32 s4, $0x3  }
0xe: {  	[dreg:$0x7] =	wrdreg s12;
	s14 =	sshrl.u32 s8, $0x3;
	s7 =	sadd.s32 s1, s13  }
0xf: {  	s10 =	sshrl.u32 s9, $0x3;
	[dreg:$0x8] =	wrdreg s7;
	s7 =	sadd.s32 s1, s14  }
0x10: {  	s12 =	sadd.s32 $0x1200, s0;
	[dreg:$0x9] =	wrdreg s7;
	s7 =	sadd.s32 $0x1000, s0  }
0x11: {  	s15 =	sadd.s32 s1, s10;
	s17 =	sshrl.u32 s12, $0x3;
	s16 =	sshrl.u32 s7, $0x3  }
0x12: {  	[dreg:$0xa] =	wrdreg s15;
	s15 =	sadd.s32 $0x1800, s0;
	s10 =	sadd.s32 s1, s16  }
0x13: {  	s13 =	sadd.s32 $0x1400, s0;
	[dreg:$0xb] =	wrdreg s10;
	s10 =	sadd.s32 s1, s17  }
0x14: {  	s14 =	sshrl.u32 s13, $0x3;
	[dreg:$0xc] =	wrdreg s10;
	s10 =	sadd.s32 $0x1600, s0  }
0x15: {  	s20 =	sshrl.u32 s15, $0x3;
	s18 =	sadd.s32 s1, s14;
	s19 =	sshrl.u32 s10, $0x3  }
0x16: {  	[dreg:$0xd] =	wrdreg s18;
	s18 =	sadd.s32 $0x1E00, s0;
	s14 =	sadd.s32 s1, s19  }
0x17: {  	s16 =	sadd.s32 $0x1A00, s0;
	[dreg:$0xe] =	wrdreg s14;
	s14 =	sadd.s32 s1, s20  }
0x18: {  	s17 =	sshrl.u32 s16, $0x3;
	[dreg:$0xf] =	wrdreg s14;
	s14 =	sadd.s32 $0x1C00, s0  }
0x19: {  	s23 =	sshrl.u32 s18, $0x3;
	s21 =	sadd.s32 s1, s17;
	s22 =	sshrl.u32 s14, $0x3  }
0x1a: {  	[dreg:$0x10] =	wrdreg s21;
	s21 =	sadd.s32 $0x2400, s0;
	s17 =	sadd.s32 s1, s22  }
0x1b: {  	s19 =	sadd.s32 $0x2000, s0;
	[dreg:$0x11] =	wrdreg s17;
	s17 =	sadd.s32 s1, s23  }
0x1c: {  	s20 =	sshrl.u32 s19, $0x3;
	[dreg:$0x12] =	wrdreg s17;
	s17 =	sadd.s32 $0x2200, s0  }
0x1d: {  	s26 =	sshrl.u32 s21, $0x3;
	s24 =	sadd.s32 s1, s20;
	s25 =	sshrl.u32 s17, $0x3  }
0x1e: {  	[dreg:$0x13] =	wrdreg s24;
	s22 =	sadd.s32 $0x2600, s0;
	s20 =	sadd.s32 s1, s25  }
0x1f: {  	s23 =	sshrl.u32 s22, $0x3;
	[dreg:$0x14] =	wrdreg s20;
	s20 =	sadd.s32 s1, s26  }
0x20: {  	s1 =	sadd.s32 s1, s23;
	[dreg:$0x15] =	wrdreg s20  }
0x21: {  	s11 =	smax.u32 s11, $0x1;
	s23 =	sshll.u32 s3, $0x7;
	[dreg:$0x16] =	wrdreg s1  }
0x22: {  	s20 =	rddreg [dreg:$0x1];
	s1 =	sshll.u32 s5, $0x7;
	s5 =	sshll.u32 s2, $0x7  }
0x23: {  	s25 =	sand.u32 $0x1FFFFE00, s23;
	s0 =	sadd.s32 s20, s0;
	s26 =	sadd.s32 s20, s6  }
0x24: {  	s28 =	sadd.s32 s20, s4;
	s29 =	sadd.s32 s20, s8;
	s30 =	sadd.s32 s20, s9  }
0x25: {  	s31 =	sadd.s32 s20, s7;
	s2 =	sadd.s32 s20, s10;
	s3 =	sadd.s32 s20, s15  }
0x26: {  	s4 =	sadd.s32 s20, s16;
	s6 =	sadd.s32 s20, s18;
	s7 =	sadd.s32 s20, s19  }
0x27: {  	s8 =	sadd.s32 s20, s17;
	s9 =	sadd.s32 s20, s21;
	s10 =	sadd.s32 s20, s22  }
0x28: {  	s15 =	simm.s32 $0x280000;
	s16 =	simm.s32 $0x200;
	s17 =	simm.s32 $0xD600  }
0x29: {  	s18 =	simm.s32 $0x400;
	s19 =	simm.s32 $0x1;
	s21 =	simm.s32 $0x0  }
0x2a: {  	[dreg:$0x17] =	wrdreg s0;
	s0 =	sand.u32 $0x1FFFFA00, s1;
	s1 =	sand.u32 $0x1FFFFC00, s5  }
0x2b: {  	[dreg:$0x1b] =	wrdreg s26;
	s5 =	sadd.s32 s20, s14;
	s0 =	sadd.s32 s20, s0  }
0x2c: {  	s14 =	simm.s32 $0x1000;
	s24 =	sadd.s32 s20, s1;
	[dreg:$0x18] =	wrdreg s0  }
0x2d: {  	s1 =	sadd.s32 s20, s13;
	[dreg:$0x19] =	wrdreg s24;
	s0 =	sadd.s32 s20, s25  }
0x2e: {  	s13 =	simm.s32 $0x3;
	[dreg:$0x1a] =	wrdreg s0;
	s0 =	sadd.s32 s20, s12  }
0x2f: {  	v0 =	vlaneseq.u32;
	v1 =	vimm.s32 $0x0;
	v2 =	vimm.s32 $0x1;
	s12 =	simm.s32 $0x600;
	s20 =	simm.s32 $0x2;
	_ =	strace $0x80000047  }
.LBB2_1:
0x30: {  	s22 =	simm.s32 $0x0  }
0x31: {  	s26 =	simm.s32 $0x10;
	s23 =	simm.s32 $0x20;
	v3 =	vor.u32 s22, v0  }
0x32: {  	s25 =	simm.s32 $0x40;
	v4 =	vmov s22;
	v6 =	vmov s26;
	v9 =	vor.u32 s23, v0  }
0x33: {  	v55 =	vor.u32 s26, v0;
	v56 =	vor.u32 s25, v0;
	v10 =	vmov s25  }
0x34: {  	v5 =	vand.u32 $0x1CF, v3;
	vm0 =	veq.s32 v4, v0;
	v3 =	vand.u32 $0x4F, v3  }
0x35: {  	s26 =	simm.s32 $0x60;
	v8 =	vshrl.u32 v6, $0x2;
	v54 =	vshll.u32 v6, $0x3;
	v12 =	vand.u32 $0x1CF, v56  }
0x36: {  	vm14 =	veq.s32 v10, v0;
	v58 =	vmov s26;
	vm1 =	vne.s32 v5, $0x0  }
0x37: {  	v16 =	vor.u32 s26, v0;
	v5 =	vshll.u32 v4, $0x3;
	vm0 =	vmand vm0, vm1  }
0x38: {  	v4 =	vshrl.u32 v4, $0x9;
	vm15 =	vne.s32 v12, $0x0;
	v7 =	vsel vm0, $0xFFFFFFFF, v1  }
0x39: {  	v59 =	vshll.u32 v58, $0x3;
	v60 =	vand.u32 $0xF000, v58;
	v4 =	vadd.s32 v7, v4  }
0x3a: {  	v61 =	vand.u32 $0x6F, v16;
	v5 =	vand.u32 $0xC00, v5;
	v7 =	vshll.u32 v4, $0x9  }
0x3b: {  	v3 =	vor.u32 v3, v5;
	v4 =	vshll.u32 v4, $0x7;
	v7 =	vand.u32 $0xFFFFF000, v7  }
0x3c: {  	v5 =	vmov s23;
	v4 =	vand.u32 $0x380, v4;
	v3 =	vor.u32 v7, v3  }
0x3d: {  	vm0 =	vmand vm14, vm15;
	v7 =	vshll.u32 v5, $0x3;
	v4 =	vor.u32 v4, v3  }
0x3e: {  	v3 =	vand.u32 $0xF000, v5;
	v7 =	vand.u32 $0xC00, v7;
	v5 =	vshrl.u32 v5, $0x2  }
0x3f: {  	v57 =	vsel vm0, $0xFFFFFFFF, v1;
	v3 =	vor.u32 v3, v7;
	v5 =	vand.u32 $0x380, v5  }
0x40: {  	v3 =	vor.u32 v5, v3;
	v5 =	vand.u32 $0xF000, v6;
	v6 =	vand.u32 $0xC00, v54  }
0x41: {  	s24 =	simm.s32 $0x30;
	v7 =	vand.u32 $0x6F, v9;
	v9 =	vand.u32 $0x4F, v56;
	v5 =	vor.u32 v5, v6  }
0x42: {  	v6 =	vand.u32 $0x380, v8;
	v8 =	vor.u32 v7, v3;
	v7 =	vor.u32 s24, v0  }
0x43: {  	v3 =	vor.u32 v6, v5;
	v5 =	vand.u32 $0x5F, v55;
	v6 =	vmov s24  }
0x44: {  	v11 =	vshll.u32 v6, $0x3;
	v13 =	vor.u32 v5, v3;
	v3 =	vshll.u32 v10, $0x3  }
0x45: {  	s24 =	simm.s32 $0x50;
	v5 =	vand.u32 $0x7F, v7;
	v7 =	vshrl.u32 v6, $0x2;
	v10 =	vshrl.u32 v10, $0x9  }
0x46: {  	v14 =	vmov s24;
	v6 =	vand.u32 $0xF000, v6;
	v7 =	vand.u32 $0x380, v7  }
0x47: {  	v10 =	vadd.s32 v57, v10;
	v3 =	vand.u32 $0xC00, v3;
	v15 =	vshrl.u32 v14, $0x2  }
0x48: {  	v11 =	vand.u32 $0xC00, v11;
	v62 =	vand.u32 $0xF000, v14;
	v12 =	vshll.u32 v10, $0x9  }
0x49: {  	v10 =	vshll.u32 v10, $0x7;
	v3 =	vor.u32 v9, v3;
	v9 =	vshrl.u32 v58, $0x2  }
0x4a: {  	v6 =	vor.u32 v6, v11;
	v12 =	vand.u32 $0xFFFFF000, v12;
	v10 =	vand.u32 $0x380, v10  }
0x4b: {  	v9 =	vand.u32 $0x380, v9;
	v6 =	vor.u32 v7, v6;
	v7 =	vshll.u32 v14, $0x3  }
0x4c: {  	[tilespmem:v4+s12+$0x0] =	vst.idx.msk $0xffff, v1;
	v3 =	vor.u32 v12, v3;
	v12 =	vand.u32 $0xC00, v59;
	v7 =	vand.u32 $0xC00, v7  }
0x4d: {  	v5 =	vor.u32 v5, v6;
	v3 =	vor.u32 v10, v3;
	v10 =	vor.u32 v60, v12  }
0x4e: {  	v63 =	vand.u32 $0x380, v15;
	v6 =	vor.u32 v62, v7;
	[tilespmem:v13+s12+$0x0] =	vst.idx.msk $0xffff, v1;
	v9 =	vor.u32 v9, v10  }
0x4f: {  	s22 =	simm.s32 $0x70;
	s23 =	simm.s32 $0xB0;
	v7 =	vor.u32 s24, v0;
	v6 =	vor.u32 v63, v6;
	[tilespmem:v8+s12+$0x0] =	vst.idx.msk $0xffff, v1;
	v4 =	vor.u32 v61, v9  }
.LBB2_2:
0x50: {  	s26 =	sadd.s32 $0xFFFFFFD0, s23  }
0x51: {  	s24 =	sadd.s32 $0xFFFFFFE0, s23;
	v7 =	vand.u32 $0x5F, v7;
	v8 =	vmov s22;
	v9 =	vor.u32 s22, v0;
	s22 =	smov.u32 s23;
	s25 =	sadd.s32 $0x40, s23  }
0x52: {  	p0 =	sne.s32 s23, $0xC7F0;
	v10 =	vmov s26;
	v11 =	vor.u32 s26, v0;
	v12 =	vshll.u32 v8, $0x3;
	[tilespmem:v5+s12+$0x0] =	vst.idx.msk $0xffff, v1  }
0x53: {  	v6 =	vor.u32 v7, v6;
	vm0 =	veq.s32 v10, v0;
	v5 =	vand.u32 $0x1CF, v11  }
0x54: {  	v7 =	vand.u32 $0x7F, v9;
	vm1 =	vne.s32 v5, $0x0;
	v5 =	vshll.u32 v10, $0x3  }
0x55: {  	v9 =	vmov s24;
	v13 =	vshrl.u32 v8, $0x2;
	vm0 =	vmand vm0, vm1  }
0x56: {  	v13 =	vand.u32 $0x380, v13;
	v10 =	vshrl.u32 v10, $0x9;
	v14 =	vsel vm0, $0xFFFFFFFF, v1  }
0x57: {  	v11 =	vand.u32 $0x4F, v11;
	v5 =	vand.u32 $0xC00, v5;
	v10 =	vadd.s32 v14, v10  }
0x58: {  	v15 =	vshrl.u32 v9, $0x2;
	v14 =	vshll.u32 v10, $0x9;
	v10 =	vshll.u32 v10, $0x7  }
0x59: {  	s23 =	sadd.s32 $0xFFFFFFF0, s22;
	v5 =	vor.u32 v11, v5;
	v14 =	vand.u32 $0xFFFFF000, v14;
	v10 =	vand.u32 $0x380, v10  }
0x5a: {  	v8 =	vand.u32 $0xF000, v8;
	v11 =	vmov s23;
	v5 =	vor.u32 v14, v5  }
0x5b: {  	v12 =	vand.u32 $0xC00, v12;
	v10 =	vor.u32 v10, v5;
	v5 =	vshll.u32 v11, $0x3  }
0x5c: {  	v16 =	vand.u32 $0xF000, v11;
	v14 =	vor.u32 s23, v0;
	v5 =	vand.u32 $0xC00, v5  }
0x5d: {  	v8 =	vor.u32 v8, v12;
	v11 =	vshrl.u32 v11, $0x2;
	v5 =	vor.u32 v16, v5  }
.Ltmp0:
0x5e: {  	v8 =	vor.u32 v13, v8;
	v12 =	vand.u32 $0x6F, v14;
	v11 =	vand.u32 $0x380, v11;
	(pc) =	sbr.rel @p0 .LBB2_2-.Ltmp0, $4  }
0x5f: {  	v13 =	vshll.u32 v9, $0x3;
	v11 =	vor.u32 v11, v5;
	v5 =	vor.u32 v7, v8  }
0x60: {  	v7 =	vor.u32 s24, v0;
	v8 =	vand.u32 $0xF000, v9;
	v9 =	vand.u32 $0xC00, v13;
	[tilespmem:v3+s12+$0x0] =	vst.idx.msk $0xffff, v1;
	v3 =	vmovc v10  }
0x61: {  	v8 =	vor.u32 v8, v9;
	v9 =	vand.u32 $0x380, v15;
	v10 =	vor.u32 v12, v11;
	[tilespmem:v6+s12+$0x0] =	vst.idx.msk $0xffff, v1  }
0x62: {  	s23 =	smov.u32 s25;
	v6 =	vor.u32 v9, v8;
	[tilespmem:v4+s12+$0x0] =	vst.idx.msk $0xffff, v1;
	v4 =	vmov v10  }
0x63: {  	v8 =	vmov s22  }
0x64: {  	v7 =	vand.u32 $0x5F, v7;
	v10 =	vor.u32 s22, v0;
	v9 =	vshll.u32 v8, $0x3  }
0x65: {  	v62 =	vshrl.u32 v8, $0x2;
	v8 =	vand.u32 $0xF000, v8;
	v9 =	vand.u32 $0xC00, v9  }
0x66: {  	v6 =	vor.u32 v7, v6;
	v7 =	vand.u32 $0x380, v62;
	v8 =	vor.u32 v8, v9  }
0x67: {  	v63 =	vand.u32 $0x7F, v10;
	v7 =	vor.u32 v7, v8  }
0x68: {  	v7 =	vor.u32 v63, v7  }
0x69: {  	[tilespmem:v5+s12+$0x0] =	vst.idx.msk $0xffff, v1  }
0x6a: {  	[tilespmem:v3+s12+$0x0] =	vst.idx.msk $0xffff, v1  }
0x6b: {  	[tilespmem:v6+s12+$0x0] =	vst.idx.msk $0xffff, v1  }
0x6c: {  	[tilespmem:v4+s12+$0x0] =	vst.idx.msk $0xffff, v1  }
0x6d: {  	s22 =	simm.s32 $0x0;
	s23 =	rddreg [dreg:$0x3];
	[tilespmem:v7+s12+$0x0] =	vst.idx.msk $0xffff, v1  }
0x6e: {  	[tilespmem:s22], [sflag:$0x3] =	stream.linear.gather [hbm4b:s23+s22], $0x200, $0x38;
	[tilespmem:$0x1A600] =	vst v63  }
0x6f: {  	_ =	swait.ge [sflag:s13], $0x200  }
0x70: {  	[sflag:s13] =	ssyncset.done $0x0  }
0x71: {  	s23 =	simm.s32 $0x20;
	[sflag:s13] =	ssyncadd.s32 $0xFFFFFE00  }
.LBB2_4:
0x72: {  	v3 =	vld [tilespmem:s23+$0xFFFFFFE0];
	_ =	sdelay $0x2  }
0x73: {  	v4 =	vmov s22  }
0x74: {  	v5 =	vor.u32 s22, v0;
	v4 =	vshll.u32 v4, $0x3  }
0x75: {  	v5 =	vand.u32 $0x4F, v5;
	v4 =	vand.u32 $0xC00, v4;
	v6 =	vshll.u32 v3, $0x9  }
0x76: {  	v4 =	vor.u32 v4, v5;
	v3 =	vshll.u32 v3, $0x7;
	v6 =	vand.u32 $0xFFFFF000, v6  }
0x77: {  	v3 =	vand.u32 $0x380, v3;
	v4 =	vor.u32 v6, v4  }
0x78: {  	v3 =	vor.u32 v3, v4;
	_ =	sdelay $0x4  }
0x79: {  	[tilespmem:v3+s12+$0x0] =	vst.idx.msk $0xffff, v2  }
0x7a: {  	v3 =	vld [tilespmem:s23+$0xFFFFFFF0];
	_ =	sdelay $0x1  }
0x7b: {  	s24 =	sadd.s32 $0x10, s22  }
0x7c: {  	v55 =	vmov s24  }
0x7d: {  	v56 =	vor.u32 s24, v0;
	v4 =	vshll.u32 v55, $0x3  }
0x7e: {  	v5 =	vand.u32 $0x5F, v56;
	v4 =	vand.u32 $0xC00, v4;
	v57 =	vshll.u32 v3, $0x9  }
0x7f: {  	v4 =	vor.u32 v4, v5;
	v3 =	vshll.u32 v3, $0x7;
	v6 =	vand.u32 $0xFFFFF000, v57  }
0x80: {  	v3 =	vand.u32 $0x380, v3;
	v4 =	vor.u32 v6, v4  }
0x81: {  	v3 =	vor.u32 v3, v4;
	_ =	sdelay $0x4  }
0x82: {  	[tilespmem:v3+s12+$0x0] =	vst.idx.msk $0xffff, v2  }
0x83: {  	v3 =	vld [tilespmem:s23+$0x0];
	_ =	sdelay $0x1  }
0x84: {  	s25 =	sadd.s32 $0x20, s22  }
0x85: {  	v58 =	vmov s25  }
0x86: {  	v59 =	vor.u32 s25, v0;
	v4 =	vshll.u32 v58, $0x3  }
0x87: {  	v5 =	vand.u32 $0x6F, v59;
	v4 =	vand.u32 $0xC00, v4;
	v60 =	vshll.u32 v3, $0x9  }
0x88: {  	v4 =	vor.u32 v4, v5;
	v3 =	vshll.u32 v3, $0x7;
	v6 =	vand.u32 $0xFFFFF000, v60  }
0x89: {  	v3 =	vand.u32 $0x380, v3;
	v4 =	vor.u32 v6, v4  }
0x8a: {  	v3 =	vor.u32 v3, v4;
	_ =	sdelay $0x4  }
0x8b: {  	[tilespmem:v3+s12+$0x0] =	vst.idx.msk $0xffff, v2  }
0x8c: {  	v3 =	vld [tilespmem:s23+$0x10];
	_ =	sdelay $0x1  }
0x8d: {  	s26 =	sadd.s32 $0x30, s22  }
0x8e: {  	v61 =	vmov s26  }
0x8f: {  	v62 =	vor.u32 s26, v0;
	v4 =	vshll.u32 v61, $0x3  }
0x90: {  	v5 =	vand.u32 $0x7F, v62;
	v4 =	vand.u32 $0xC00, v4;
	v63 =	vshll.u32 v3, $0x9  }
0x91: {  	v4 =	vor.u32 v4, v5;
	v3 =	vshll.u32 v3, $0x7;
	v6 =	vand.u32 $0xFFFFF000, v63  }
0x92: {  	v3 =	vand.u32 $0x380, v3;
	v4 =	vor.u32 v6, v4  }
0x93: {  	p0 =	sne.s32 s22, $0x1C0;
	v3 =	vor.u32 v3, v4  }
.Ltmp1:
0x94: {  	_ = 	snop;
	(pc) =	sbr.rel @p0 .LBB2_4-.Ltmp1, $2  }
0x95: {  	_ =	sdelay $0x2  }
0x96: {  	s22 =	sadd.s32 $0x40, s22;
	s23 =	sadd.s32 $0x40, s23;
	[tilespmem:v3+s12+$0x0] =	vst.idx.msk $0xffff, v2  }
0x97: {  	s22 =	simm.s32 $0x0  }
0x98: {  	s26 =	simm.s32 $0x10;
	s23 =	simm.s32 $0x20;
	v3 =	vor.u32 s22, v0  }
0x99: {  	s25 =	simm.s32 $0x40;
	v4 =	vmov s22;
	v6 =	vmov s26;
	v9 =	vor.u32 s23, v0  }
0x9a: {  	v55 =	vor.u32 s26, v0;
	v56 =	vor.u32 s25, v0;
	v10 =	vmov s25  }
0x9b: {  	v5 =	vand.u32 $0x1CF, v3;
	vm0 =	veq.s32 v4, v0;
	v3 =	vand.u32 $0x4F, v3  }
0x9c: {  	s22 =	simm.s32 $0x60;
	v8 =	vshrl.u32 v6, $0x2;
	v54 =	vshll.u32 v6, $0x3;
	v12 =	vand.u32 $0x1CF, v56  }
0x9d: {  	vm14 =	veq.s32 v10, v0;
	v58 =	vmov s22;
	v16 =	vor.u32 s22, v0  }
0x9e: {  	vm1 =	vne.s32 v5, $0x0;
	v5 =	vshll.u32 v4, $0x3;
	v4 =	vshrl.u32 v4, $0x9  }
0x9f: {  	vm15 =	vne.s32 v12, $0x0;
	v59 =	vshll.u32 v58, $0x3;
	vm0 =	vmand vm0, vm1  }
0xa0: {  	v60 =	vand.u32 $0xF000, v58;
	v5 =	vand.u32 $0xC00, v5;
	v7 =	vsel vm0, $0xFFFFFFFF, v1  }
0xa1: {  	v61 =	vand.u32 $0x6F, v16;
	v3 =	vor.u32 v3, v5;
	v4 =	vadd.s32 v7, v4  }
0xa2: {  	v5 =	vmov s23;
	vm0 =	vmand vm14, vm15;
	v7 =	vshll.u32 v4, $0x9  }
0xa3: {  	s23 =	simm.s32 $0x50;
	v57 =	vsel vm0, $0xFFFFFFFF, v1;
	v4 =	vshll.u32 v4, $0x7;
	v7 =	vand.u32 $0xFFFFF000, v7  }
0xa4: {  	v14 =	vmov s23;
	v4 =	vand.u32 $0x380, v4;
	v3 =	vor.u32 v7, v3  }
0xa5: {  	v15 =	vshrl.u32 v14, $0x2;
	v7 =	vshll.u32 v5, $0x3;
	v4 =	vor.u32 v4, v3  }
0xa6: {  	v3 =	vand.u32 $0xF000, v5;
	v7 =	vand.u32 $0xC00, v7;
	v5 =	vshrl.u32 v5, $0x2  }
0xa7: {  	v62 =	vand.u32 $0xF000, v14;
	v3 =	vor.u32 v3, v7;
	v5 =	vand.u32 $0x380, v5  }
0xa8: {  	v3 =	vor.u32 v5, v3;
	v5 =	vand.u32 $0xF000, v6;
	v6 =	vand.u32 $0xC00, v54  }
0xa9: {  	s24 =	simm.s32 $0x30;
	v7 =	vand.u32 $0x6F, v9;
	v9 =	vand.u32 $0x4F, v56;
	v5 =	vor.u32 v5, v6  }
0xaa: {  	v6 =	vand.u32 $0x380, v8;
	v8 =	vor.u32 v7, v3;
	v7 =	vor.u32 s24, v0  }
0xab: {  	v3 =	vor.u32 v6, v5;
	v5 =	vand.u32 $0x5F, v55;
	v6 =	vmov s24  }
0xac: {  	v11 =	vshll.u32 v6, $0x3;
	v13 =	vor.u32 v5, v3;
	v3 =	vshll.u32 v10, $0x3  }
0xad: {  	s24 =	rddreg [dreg:$0x17];
	v5 =	vand.u32 $0x7F, v7;
	v7 =	vshrl.u32 v6, $0x2;
	v10 =	vshrl.u32 v10, $0x9  }
0xae: {  	[hbm4b:s24+s14] =	stream.strided.scatter [tilespmem:s12], [sflag:$0x1], $0xD000, s15, s14, $0x38;
	v6 =	vand.u32 $0xF000, v6;
	v7 =	vand.u32 $0x380, v7;
	v10 =	vadd.s32 v57, v10;
	[tilespmem:$0x1A600] =	vst v63  }
0xaf: {  	s26 =	simm.s32 $0x0;
	s25 =	rddreg [dreg:$0x4];
	v3 =	vand.u32 $0xC00, v3;
	v11 =	vand.u32 $0xC00, v11;
	v12 =	vshll.u32 v10, $0x9  }
0xb0: {  	v10 =	vshll.u32 v10, $0x7;
	v3 =	vor.u32 v9, v3;
	[tilespmem:s16], [sflag:$0x3] =	stream.linear.gather [hbm4b:s25+s26], $0x200, $0x38;
	v9 =	vshrl.u32 v58, $0x2;
	[tilespmem:$0x1A600] =	vst v63  }
0xb1: {  	v6 =	vor.u32 v6, v11;
	v12 =	vand.u32 $0xFFFFF000, v12;
	v10 =	vand.u32 $0x380, v10;
	_ =	swait.ge [sflag:s13], $0x200  }
0xb2: {  	v9 =	vand.u32 $0x380, v9;
	v6 =	vor.u32 v7, v6;
	v7 =	vshll.u32 v14, $0x3;
	[sflag:s13] =	ssyncset.done $0x0  }
0xb3: {  	v3 =	vor.u32 v12, v3;
	v12 =	vand.u32 $0xC00, v59;
	v5 =	vor.u32 v5, v6;
	[sflag:s13] =	ssyncadd.s32 $0xFFFFFE00  }
0xb4: {  	v7 =	vand.u32 $0xC00, v7;
	v3 =	vor.u32 v10, v3;
	v10 =	vor.u32 v60, v12;
	[tilespmem:v4+s17+$0x0] =	vst.idx.msk $0xffff, v1  }
0xb5: {  	v63 =	vand.u32 $0x380, v15;
	v6 =	vor.u32 v62, v7;
	v9 =	vor.u32 v9, v10;
	[tilespmem:v13+s17+$0x0] =	vst.idx.msk $0xffff, v1  }
0xb6: {  	s22 =	simm.s32 $0x70;
	s25 =	simm.s32 $0xB0;
	v7 =	vor.u32 s23, v0;
	v6 =	vor.u32 v63, v6;
	v4 =	vor.u32 v61, v9;
	[tilespmem:v8+s17+$0x0] =	vst.idx.msk $0xffff, v1  }
.LBB2_6:
0xb7: {  	s26 =	sadd.s32 $0xFFFFFFD0, s25  }
0xb8: {  	s24 =	sadd.s32 $0xFFFFFFE0, s25;
	v7 =	vand.u32 $0x5F, v7;
	v8 =	vmov s22;
	v9 =	vor.u32 s22, v0;
	s22 =	smov.u32 s25;
	s23 =	sadd.s32 $0x40, s25  }
0xb9: {  	p0 =	sne.s32 s25, $0xC7F0;
	v10 =	vmov s26;
	v11 =	vor.u32 s26, v0;
	v12 =	vshll.u32 v8, $0x3;
	[tilespmem:v5+s17+$0x0] =	vst.idx.msk $0xffff, v1  }
0xba: {  	v6 =	vor.u32 v7, v6;
	vm0 =	veq.s32 v10, v0;
	v5 =	vand.u32 $0x1CF, v11  }
0xbb: {  	v7 =	vand.u32 $0x7F, v9;
	vm1 =	vne.s32 v5, $0x0;
	v5 =	vshll.u32 v10, $0x3  }
0xbc: {  	v9 =	vmov s24;
	v13 =	vshrl.u32 v8, $0x2;
	vm0 =	vmand vm0, vm1  }
0xbd: {  	v13 =	vand.u32 $0x380, v13;
	v10 =	vshrl.u32 v10, $0x9;
	v14 =	vsel vm0, $0xFFFFFFFF, v1  }
0xbe: {  	v11 =	vand.u32 $0x4F, v11;
	v5 =	vand.u32 $0xC00, v5;
	v10 =	vadd.s32 v14, v10  }
0xbf: {  	v15 =	vshrl.u32 v9, $0x2;
	v14 =	vshll.u32 v10, $0x9;
	v10 =	vshll.u32 v10, $0x7  }
0xc0: {  	s25 =	sadd.s32 $0xFFFFFFF0, s22;
	v5 =	vor.u32 v11, v5;
	v14 =	vand.u32 $0xFFFFF000, v14;
	v10 =	vand.u32 $0x380, v10  }
0xc1: {  	v8 =	vand.u32 $0xF000, v8;
	v11 =	vmov s25;
	v5 =	vor.u32 v14, v5  }
0xc2: {  	v12 =	vand.u32 $0xC00, v12;
	v10 =	vor.u32 v10, v5;
	v5 =	vshll.u32 v11, $0x3  }
0xc3: {  	v16 =	vand.u32 $0xF000, v11;
	v14 =	vor.u32 s25, v0;
	v5 =	vand.u32 $0xC00, v5  }
0xc4: {  	v8 =	vor.u32 v8, v12;
	v11 =	vshrl.u32 v11, $0x2;
	v5 =	vor.u32 v16, v5  }
.Ltmp2:
0xc5: {  	v8 =	vor.u32 v13, v8;
	v12 =	vand.u32 $0x6F, v14;
	v11 =	vand.u32 $0x380, v11;
	(pc) =	sbr.rel @p0 .LBB2_6-.Ltmp2, $4  }
0xc6: {  	v13 =	vshll.u32 v9, $0x3;
	v11 =	vor.u32 v11, v5;
	v5 =	vor.u32 v7, v8  }
0xc7: {  	v7 =	vor.u32 s24, v0;
	v8 =	vand.u32 $0xF000, v9;
	v9 =	vand.u32 $0xC00, v13;
	[tilespmem:v3+s17+$0x0] =	vst.idx.msk $0xffff, v1;
	v3 =	vmovc v10  }
0xc8: {  	v8 =	vor.u32 v8, v9;
	v9 =	vand.u32 $0x380, v15;
	v10 =	vor.u32 v12, v11;
	[tilespmem:v6+s17+$0x0] =	vst.idx.msk $0xffff, v1  }
0xc9: {  	s25 =	smov.u32 s23;
	v6 =	vor.u32 v9, v8;
	[tilespmem:v4+s17+$0x0] =	vst.idx.msk $0xffff, v1;
	v4 =	vmov v10  }
0xca: {  	v8 =	vmov s22  }
0xcb: {  	v7 =	vand.u32 $0x5F, v7;
	v10 =	vor.u32 s22, v0;
	v9 =	vshll.u32 v8, $0x3  }
0xcc: {  	v62 =	vshrl.u32 v8, $0x2;
	v8 =	vand.u32 $0xF000, v8;
	v9 =	vand.u32 $0xC00, v9  }
0xcd: {  	v6 =	vor.u32 v7, v6;
	v7 =	vand.u32 $0x380, v62;
	v8 =	vor.u32 v8, v9  }
0xce: {  	v63 =	vand.u32 $0x7F, v10;
	v7 =	vor.u32 v7, v8  }
0xcf: {  	v7 =	vor.u32 v63, v7  }
0xd0: {  	[tilespmem:v5+s17+$0x0] =	vst.idx.msk $0xffff, v1  }
0xd1: {  	[tilespmem:v3+s17+$0x0] =	vst.idx.msk $0xffff, v1  }
0xd2: {  	[tilespmem:v6+s17+$0x0] =	vst.idx.msk $0xffff, v1  }
0xd3: {  	[tilespmem:v4+s17+$0x0] =	vst.idx.msk $0xffff, v1  }
0xd4: {  	s22 =	simm.s32 $0x0;
	s23 =	simm.s32 $0x220;
	[tilespmem:v7+s17+$0x0] =	vst.idx.msk $0xffff, v1  }
.LBB2_8:
0xd5: {  	v3 =	vld [tilespmem:s23+$0xFFFFFFE0];
	_ =	sdelay $0x2  }
0xd6: {  	v4 =	vmov s22  }
0xd7: {  	v5 =	vor.u32 s22, v0;
	v4 =	vshll.u32 v4, $0x3  }
0xd8: {  	v5 =	vand.u32 $0x4F, v5;
	v4 =	vand.u32 $0xC00, v4;
	v6 =	vshll.u32 v3, $0x9  }
0xd9: {  	v4 =	vor.u32 v4, v5;
	v3 =	vshll.u32 v3, $0x7;
	v6 =	vand.u32 $0xFFFFF000, v6  }
0xda: {  	v3 =	vand.u32 $0x380, v3;
	v4 =	vor.u32 v6, v4  }
0xdb: {  	v3 =	vor.u32 v3, v4;
	_ =	sdelay $0x4  }
0xdc: {  	[tilespmem:v3+s17+$0x0] =	vst.idx.msk $0xffff, v2  }
0xdd: {  	v3 =	vld [tilespmem:s23+$0xFFFFFFF0];
	_ =	sdelay $0x1  }
0xde: {  	s24 =	sadd.s32 $0x10, s22  }
0xdf: {  	v55 =	vmov s24  }
0xe0: {  	v56 =	vor.u32 s24, v0;
	v4 =	vshll.u32 v55, $0x3  }
0xe1: {  	v5 =	vand.u32 $0x5F, v56;
	v4 =	vand.u32 $0xC00, v4;
	v57 =	vshll.u32 v3, $0x9  }
0xe2: {  	v4 =	vor.u32 v4, v5;
	v3 =	vshll.u32 v3, $0x7;
	v6 =	vand.u32 $0xFFFFF000, v57  }
0xe3: {  	v3 =	vand.u32 $0x380, v3;
	v4 =	vor.u32 v6, v4  }
0xe4: {  	v3 =	vor.u32 v3, v4;
	_ =	sdelay $0x4  }
0xe5: {  	[tilespmem:v3+s17+$0x0] =	vst.idx.msk $0xffff, v2  }
0xe6: {  	v3 =	vld [tilespmem:s23+$0x0];
	_ =	sdelay $0x1  }
0xe7: {  	s25 =	sadd.s32 $0x20, s22  }
0xe8: {  	v58 =	vmov s25  }
0xe9: {  	v59 =	vor.u32 s25, v0;
	v4 =	vshll.u32 v58, $0x3  }
0xea: {  	v5 =	vand.u32 $0x6F, v59;
	v4 =	vand.u32 $0xC00, v4;
	v60 =	vshll.u32 v3, $0x9  }
0xeb: {  	v4 =	vor.u32 v4, v5;
	v3 =	vshll.u32 v3, $0x7;
	v6 =	vand.u32 $0xFFFFF000, v60  }
0xec: {  	v3 =	vand.u32 $0x380, v3;
	v4 =	vor.u32 v6, v4  }
0xed: {  	v3 =	vor.u32 v3, v4;
	_ =	sdelay $0x4  }
0xee: {  	[tilespmem:v3+s17+$0x0] =	vst.idx.msk $0xffff, v2  }
0xef: {  	v3 =	vld [tilespmem:s23+$0x10];
	_ =	sdelay $0x1  }
0xf0: {  	s26 =	sadd.s32 $0x30, s22  }
0xf1: {  	v61 =	vmov s26  }
0xf2: {  	v62 =	vor.u32 s26, v0;
	v4 =	vshll.u32 v61, $0x3  }
0xf3: {  	v5 =	vand.u32 $0x7F, v62;
	v4 =	vand.u32 $0xC00, v4;
	v63 =	vshll.u32 v3, $0x9  }
0xf4: {  	v4 =	vor.u32 v4, v5;
	v3 =	vshll.u32 v3, $0x7;
	v6 =	vand.u32 $0xFFFFF000, v63  }
0xf5: {  	v3 =	vand.u32 $0x380, v3;
	v4 =	vor.u32 v6, v4  }
0xf6: {  	p0 =	sne.s32 s22, $0x1C0;
	v3 =	vor.u32 v3, v4  }
.Ltmp3:
0xf7: {  	_ = 	snop;
	(pc) =	sbr.rel @p0 .LBB2_8-.Ltmp3, $2  }
0xf8: {  	_ =	sdelay $0x2  }
0xf9: {  	s22 =	sadd.s32 $0x40, s22;
	s23 =	sadd.s32 $0x40, s23;
	[tilespmem:v3+s17+$0x0] =	vst.idx.msk $0xffff, v2  }
0xfa: {  	s22 =	rddreg [dreg:$0x18]  }
0xfb: {  	[hbm4b:s22+s14] =	stream.strided.scatter [tilespmem:s17], [sflag:$0x2], $0xD000, s15, s14, $0x38;
	[tilespmem:$0x1A600] =	vst v63  }
0xfc: {  	s23 =	rddreg [dreg:$0x5];
	s22 =	simm.s32 $0x0  }
0xfd: {  	[tilespmem:s18], [sflag:$0x3] =	stream.linear.gather [hbm4b:s23+s22], $0x200, $0x38;
	[tilespmem:$0x1A600] =	vst v63  }
0xfe: {  	_ =	swait.ge [sflag:s13], $0x200  }
0xff: {  	[sflag:s13] =	ssyncset.done $0x0  }
0x100: {  	[sflag:s13] =	ssyncadd.s32 $0xFFFFFE00  }
0x101: {  	_ =	swait.ge [sflag:s19], $0xD000  }
0x102: {  	[sflag:s19] =	ssyncset.done $0x0  }
0x103: {  	s24 =	simm.s32 $0x0;
	s23 =	simm.s32 $0x20;
	[sflag:s19] =	ssyncadd.s32 $0xFFFF3000  }
.LBB2_10:
0x104: {  	v3 =	vld [tilespmem:s23+$0xFFFFFFE0];
	_ =	sdelay $0x2  }
0x105: {  	v4 =	vmov s24  }
0x106: {  	v5 =	vor.u32 s24, v0;
	v4 =	vshll.u32 v4, $0x3  }
0x107: {  	v5 =	vand.u32 $0x4F, v5;
	v4 =	vand.u32 $0xC00, v4;
	v6 =	vshll.u32 v3, $0x9  }
0x108: {  	v4 =	vor.u32 v4, v5;
	v3 =	vshll.u32 v3, $0x7;
	v6 =	vand.u32 $0xFFFFF000, v6  }
0x109: {  	v3 =	vand.u32 $0x380, v3;
	v4 =	vor.u32 v6, v4  }
0x10a: {  	v3 =	vor.u32 v3, v4;
	_ =	sdelay $0x4  }
0x10b: {  	[tilespmem:v3+s12+$0x0] =	vst.idx.msk $0xffff, v1  }
0x10c: {  	v3 =	vld [tilespmem:s23+$0xFFFFFFF0];
	_ =	sdelay $0x1  }
0x10d: {  	s25 =	sadd.s32 $0x10, s24  }
0x10e: {  	v55 =	vmov s25  }
0x10f: {  	v56 =	vor.u32 s25, v0;
	v4 =	vshll.u32 v55, $0x3  }
0x110: {  	v5 =	vand.u32 $0x5F, v56;
	v4 =	vand.u32 $0xC00, v4;
	v57 =	vshll.u32 v3, $0x9  }
0x111: {  	v4 =	vor.u32 v4, v5;
	v3 =	vshll.u32 v3, $0x7;
	v6 =	vand.u32 $0xFFFFF000, v57  }
0x112: {  	v3 =	vand.u32 $0x380, v3;
	v4 =	vor.u32 v6, v4  }
0x113: {  	v3 =	vor.u32 v3, v4;
	_ =	sdelay $0x4  }
0x114: {  	[tilespmem:v3+s12+$0x0] =	vst.idx.msk $0xffff, v1  }
0x115: {  	v3 =	vld [tilespmem:s23+$0x0];
	_ =	sdelay $0x1  }
0x116: {  	s26 =	sadd.s32 $0x20, s24  }
0x117: {  	v58 =	vmov s26  }
0x118: {  	v59 =	vor.u32 s26, v0;
	v4 =	vshll.u32 v58, $0x3  }
0x119: {  	v5 =	vand.u32 $0x6F, v59;
	v4 =	vand.u32 $0xC00, v4;
	v60 =	vshll.u32 v3, $0x9  }
0x11a: {  	v4 =	vor.u32 v4, v5;
	v3 =	vshll.u32 v3, $0x7;
	v6 =	vand.u32 $0xFFFFF000, v60  }
0x11b: {  	v3 =	vand.u32 $0x380, v3;
	v4 =	vor.u32 v6, v4  }
0x11c: {  	v3 =	vor.u32 v3, v4;
	_ =	sdelay $0x4  }
0x11d: {  	[tilespmem:v3+s12+$0x0] =	vst.idx.msk $0xffff, v1  }
0x11e: {  	v3 =	vld [tilespmem:s23+$0x10];
	_ =	sdelay $0x1  }
0x11f: {  	s26 =	sadd.s32 $0x30, s24  }
0x120: {  	v61 =	vmov s26  }
0x121: {  	v62 =	vor.u32 s26, v0;
	v4 =	vshll.u32 v61, $0x3  }
0x122: {  	v5 =	vand.u32 $0x7F, v62;
	v4 =	vand.u32 $0xC00, v4;
	v63 =	vshll.u32 v3, $0x9  }
0x123: {  	v4 =	vor.u32 v4, v5;
	v3 =	vshll.u32 v3, $0x7;
	v6 =	vand.u32 $0xFFFFF000, v63  }
0x124: {  	v3 =	vand.u32 $0x380, v3;
	v4 =	vor.u32 v6, v4  }
0x125: {  	p0 =	sne.s32 s24, $0x1C0;
	v3 =	vor.u32 v3, v4  }
.Ltmp4:
0x126: {  	_ = 	snop;
	(pc) =	sbr.rel @p0 .LBB2_10-.Ltmp4, $2  }
0x127: {  	_ =	sdelay $0x2  }
0x128: {  	s24 =	sadd.s32 $0x40, s24;
	s23 =	sadd.s32 $0x40, s23;
	[tilespmem:v3+s12+$0x0] =	vst.idx.msk $0xffff, v1  }
0x129: {  	s23 =	simm.s32 $0x420  }
.LBB2_12:
0x12a: {  	v3 =	vld [tilespmem:s23+$0xFFFFFFE0];
	_ =	sdelay $0x2  }
0x12b: {  	v4 =	vmov s22  }
0x12c: {  	v5 =	vor.u32 s22, v0;
	v4 =	vshll.u32 v4, $0x3  }
0x12d: {  	v5 =	vand.u32 $0x4F, v5;
	v4 =	vand.u32 $0xC00, v4;
	v6 =	vshll.u32 v3, $0x9  }
0x12e: {  	v4 =	vor.u32 v4, v5;
	v3 =	vshll.u32 v3, $0x7;
	v6 =	vand.u32 $0xFFFFF000, v6  }
0x12f: {  	v3 =	vand.u32 $0x380, v3;
	v4 =	vor.u32 v6, v4  }
0x130: {  	v3 =	vor.u32 v3, v4;
	_ =	sdelay $0x4  }
0x131: {  	[tilespmem:v3+s12+$0x0] =	vst.idx.msk $0xffff, v2  }
0x132: {  	v3 =	vld [tilespmem:s23+$0xFFFFFFF0];
	_ =	sdelay $0x1  }
0x133: {  	s24 =	sadd.s32 $0x10, s22  }
0x134: {  	v55 =	vmov s24  }
0x135: {  	v56 =	vor.u32 s24, v0;
	v4 =	vshll.u32 v55, $0x3  }
0x136: {  	v5 =	vand.u32 $0x5F, v56;
	v4 =	vand.u32 $0xC00, v4;
	v57 =	vshll.u32 v3, $0x9  }
0x137: {  	v4 =	vor.u32 v4, v5;
	v3 =	vshll.u32 v3, $0x7;
	v6 =	vand.u32 $0xFFFFF000, v57  }
0x138: {  	v3 =	vand.u32 $0x380, v3;
	v4 =	vor.u32 v6, v4  }
0x139: {  	v3 =	vor.u32 v3, v4;
	_ =	sdelay $0x4  }
0x13a: {  	[tilespmem:v3+s12+$0x0] =	vst.idx.msk $0xffff, v2  }
0x13b: {  	v3 =	vld [tilespmem:s23+$0x0];
	_ =	sdelay $0x1  }
0x13c: {  	s25 =	sadd.s32 $0x20, s22  }
0x13d: {  	v58 =	vmov s25  }
0x13e: {  	v59 =	vor.u32 s25, v0;
	v4 =	vshll.u32 v58, $0x3  }
0x13f: {  	v5 =	vand.u32 $0x6F, v59;
	v4 =	vand.u32 $0xC00, v4;
	v60 =	vshll.u32 v3, $0x9  }
0x140: {  	v4 =	vor.u32 v4, v5;
	v3 =	vshll.u32 v3, $0x7;
	v6 =	vand.u32 $0xFFFFF000, v60  }
0x141: {  	v3 =	vand.u32 $0x380, v3;
	v4 =	vor.u32 v6, v4  }
0x142: {  	v3 =	vor.u32 v3, v4;
	_ =	sdelay $0x4  }
0x143: {  	[tilespmem:v3+s12+$0x0] =	vst.idx.msk $0xffff, v2  }
0x144: {  	v3 =	vld [tilespmem:s23+$0x10];
	_ =	sdelay $0x1  }
0x145: {  	s26 =	sadd.s32 $0x30, s22  }
0x146: {  	v61 =	vmov s26  }
0x147: {  	v62 =	vor.u32 s26, v0;
	v4 =	vshll.u32 v61, $0x3  }
0x148: {  	v5 =	vand.u32 $0x7F, v62;
	v4 =	vand.u32 $0xC00, v4;
	v63 =	vshll.u32 v3, $0x9  }
0x149: {  	v4 =	vor.u32 v4, v5;
	v3 =	vshll.u32 v3, $0x7;
	v6 =	vand.u32 $0xFFFFF000, v63  }
0x14a: {  	v3 =	vand.u32 $0x380, v3;
	v4 =	vor.u32 v6, v4  }
0x14b: {  	p0 =	sne.s32 s22, $0x1C0;
	v3 =	vor.u32 v3, v4  }
.Ltmp5:
0x14c: {  	_ = 	snop;
	(pc) =	sbr.rel @p0 .LBB2_12-.Ltmp5, $2  }
0x14d: {  	_ =	sdelay $0x2  }
0x14e: {  	s22 =	sadd.s32 $0x40, s22;
	s23 =	sadd.s32 $0x40, s23;
	[tilespmem:v3+s12+$0x0] =	vst.idx.msk $0xffff, v2  }
0x14f: {  	s22 =	rddreg [dreg:$0x19]  }
0x150: {  	[hbm4b:s22+s14] =	stream.strided.scatter [tilespmem:s12], [sflag:$0x1], $0xD000, s15, s14, $0x38;
	[tilespmem:$0x1A600] =	vst v63  }
0x151: {  	s23 =	rddreg [dreg:$0x6];
	s22 =	simm.s32 $0x0  }
0x152: {  	[tilespmem:s22], [sflag:$0x3] =	stream.linear.gather [hbm4b:s23+s22], $0x200, $0x38;
	[tilespmem:$0x1A600] =	vst v63  }
0x153: {  	_ =	swait.ge [sflag:s13], $0x200  }
0x154: {  	[sflag:s13] =	ssyncset.done $0x0  }
0x155: {  	[sflag:s13] =	ssyncadd.s32 $0xFFFFFE00  }
0x156: {  	_ =	swait.ge [sflag:s20], $0xD000  }
0x157: {  	[sflag:s20] =	ssyncset.done $0x0  }
0x158: {  	s24 =	simm.s32 $0x0;
	s23 =	simm.s32 $0x220;
	[sflag:s20] =	ssyncadd.s32 $0xFFFF3000  }
.LBB2_14:
0x159: {  	v3 =	vld [tilespmem:s23+$0xFFFFFFE0];
	_ =	sdelay $0x2  }
0x15a: {  	v4 =	vmov s24  }
0x15b: {  	v5 =	vor.u32 s24, v0;
	v4 =	vshll.u32 v4, $0x3  }
0x15c: {  	v5 =	vand.u32 $0x4F, v5;
	v4 =	vand.u32 $0xC00, v4;
	v6 =	vshll.u32 v3, $0x9  }
0x15d: {  	v4 =	vor.u32 v4, v5;
	v3 =	vshll.u32 v3, $0x7;
	v6 =	vand.u32 $0xFFFFF000, v6  }
0x15e: {  	v3 =	vand.u32 $0x380, v3;
	v4 =	vor.u32 v6, v4  }
0x15f: {  	v3 =	vor.u32 v3, v4;
	_ =	sdelay $0x4  }
0x160: {  	[tilespmem:v3+s17+$0x0] =	vst.idx.msk $0xffff, v1  }
0x161: {  	v3 =	vld [tilespmem:s23+$0xFFFFFFF0];
	_ =	sdelay $0x1  }
0x162: {  	s25 =	sadd.s32 $0x10, s24  }
0x163: {  	v55 =	vmov s25  }
0x164: {  	v56 =	vor.u32 s25, v0;
	v4 =	vshll.u32 v55, $0x3  }
0x165: {  	v5 =	vand.u32 $0x5F, v56;
	v4 =	vand.u32 $0xC00, v4;
	v57 =	vshll.u32 v3, $0x9  }
0x166: {  	v4 =	vor.u32 v4, v5;
	v3 =	vshll.u32 v3, $0x7;
	v6 =	vand.u32 $0xFFFFF000, v57  }
0x167: {  	v3 =	vand.u32 $0x380, v3;
	v4 =	vor.u32 v6, v4  }
0x168: {  	v3 =	vor.u32 v3, v4;
	_ =	sdelay $0x4  }
0x169: {  	[tilespmem:v3+s17+$0x0] =	vst.idx.msk $0xffff, v1  }
0x16a: {  	v3 =	vld [tilespmem:s23+$0x0];
	_ =	sdelay $0x1  }
0x16b: {  	s26 =	sadd.s32 $0x20, s24  }
0x16c: {  	v58 =	vmov s26  }
0x16d: {  	v59 =	vor.u32 s26, v0;
	v4 =	vshll.u32 v58, $0x3  }
0x16e: {  	v5 =	vand.u32 $0x6F, v59;
	v4 =	vand.u32 $0xC00, v4;
	v60 =	vshll.u32 v3, $0x9  }
0x16f: {  	v4 =	vor.u32 v4, v5;
	v3 =	vshll.u32 v3, $0x7;
	v6 =	vand.u32 $0xFFFFF000, v60  }
0x170: {  	v3 =	vand.u32 $0x380, v3;
	v4 =	vor.u32 v6, v4  }
0x171: {  	v3 =	vor.u32 v3, v4;
	_ =	sdelay $0x4  }
0x172: {  	[tilespmem:v3+s17+$0x0] =	vst.idx.msk $0xffff, v1  }
0x173: {  	v3 =	vld [tilespmem:s23+$0x10];
	_ =	sdelay $0x1  }
0x174: {  	s26 =	sadd.s32 $0x30, s24  }
0x175: {  	v61 =	vmov s26  }
0x176: {  	v62 =	vor.u32 s26, v0;
	v4 =	vshll.u32 v61, $0x3  }
0x177: {  	v5 =	vand.u32 $0x7F, v62;
	v4 =	vand.u32 $0xC00, v4;
	v63 =	vshll.u32 v3, $0x9  }
0x178: {  	v4 =	vor.u32 v4, v5;
	v3 =	vshll.u32 v3, $0x7;
	v6 =	vand.u32 $0xFFFFF000, v63  }
0x179: {  	v3 =	vand.u32 $0x380, v3;
	v4 =	vor.u32 v6, v4  }
0x17a: {  	p0 =	sne.s32 s24, $0x1C0;
	v3 =	vor.u32 v3, v4  }
.Ltmp6:
0x17b: {  	_ = 	snop;
	(pc) =	sbr.rel @p0 .LBB2_14-.Ltmp6, $2  }
0x17c: {  	_ =	sdelay $0x2  }
0x17d: {  	s24 =	sadd.s32 $0x40, s24;
	s23 =	sadd.s32 $0x40, s23;
	[tilespmem:v3+s17+$0x0] =	vst.idx.msk $0xffff, v1  }
0x17e: {  	s23 =	simm.s32 $0x20  }
.LBB2_16:
0x17f: {  	v3 =	vld [tilespmem:s23+$0xFFFFFFE0];
	_ =	sdelay $0x2  }
0x180: {  	v4 =	vmov s22  }
0x181: {  	v5 =	vor.u32 s22, v0;
	v4 =	vshll.u32 v4, $0x3  }
0x182: {  	v5 =	vand.u32 $0x4F, v5;
	v4 =	vand.u32 $0xC00, v4;
	v6 =	vshll.u32 v3, $0x9  }
0x183: {  	v4 =	vor.u32 v4, v5;
	v3 =	vshll.u32 v3, $0x7;
	v6 =	vand.u32 $0xFFFFF000, v6  }
0x184: {  	v3 =	vand.u32 $0x380, v3;
	v4 =	vor.u32 v6, v4  }
0x185: {  	v3 =	vor.u32 v3, v4;
	_ =	sdelay $0x4  }
0x186: {  	[tilespmem:v3+s17+$0x0] =	vst.idx.msk $0xffff, v2  }
0x187: {  	v3 =	vld [tilespmem:s23+$0xFFFFFFF0];
	_ =	sdelay $0x1  }
0x188: {  	s24 =	sadd.s32 $0x10, s22  }
0x189: {  	v55 =	vmov s24  }
0x18a: {  	v56 =	vor.u32 s24, v0;
	v4 =	vshll.u32 v55, $0x3  }
0x18b: {  	v5 =	vand.u32 $0x5F, v56;
	v4 =	vand.u32 $0xC00, v4;
	v57 =	vshll.u32 v3, $0x9  }
0x18c: {  	v4 =	vor.u32 v4, v5;
	v3 =	vshll.u32 v3, $0x7;
	v6 =	vand.u32 $0xFFFFF000, v57  }
0x18d: {  	v3 =	vand.u32 $0x380, v3;
	v4 =	vor.u32 v6, v4  }
0x18e: {  	v3 =	vor.u32 v3, v4;
	_ =	sdelay $0x4  }
0x18f: {  	[tilespmem:v3+s17+$0x0] =	vst.idx.msk $0xffff, v2  }
0x190: {  	v3 =	vld [tilespmem:s23+$0x0];
	_ =	sdelay $0x1  }
0x191: {  	s25 =	sadd.s32 $0x20, s22  }
0x192: {  	v58 =	vmov s25  }
0x193: {  	v59 =	vor.u32 s25, v0;
	v4 =	vshll.u32 v58, $0x3  }
0x194: {  	v5 =	vand.u32 $0x6F, v59;
	v4 =	vand.u32 $0xC00, v4;
	v60 =	vshll.u32 v3, $0x9  }
0x195: {  	v4 =	vor.u32 v4, v5;
	v3 =	vshll.u32 v3, $0x7;
	v6 =	vand.u32 $0xFFFFF000, v60  }
0x196: {  	v3 =	vand.u32 $0x380, v3;
	v4 =	vor.u32 v6, v4  }
0x197: {  	v3 =	vor.u32 v3, v4;
	_ =	sdelay $0x4  }
0x198: {  	[tilespmem:v3+s17+$0x0] =	vst.idx.msk $0xffff, v2  }
0x199: {  	v3 =	vld [tilespmem:s23+$0x10];
	_ =	sdelay $0x1  }
0x19a: {  	s26 =	sadd.s32 $0x30, s22  }
0x19b: {  	v61 =	vmov s26  }
0x19c: {  	v62 =	vor.u32 s26, v0;
	v4 =	vshll.u32 v61, $0x3  }
0x19d: {  	v5 =	vand.u32 $0x7F, v62;
	v4 =	vand.u32 $0xC00, v4;
	v63 =	vshll.u32 v3, $0x9  }
0x19e: {  	v4 =	vor.u32 v4, v5;
	v3 =	vshll.u32 v3, $0x7;
	v6 =	vand.u32 $0xFFFFF000, v63  }
0x19f: {  	v3 =	vand.u32 $0x380, v3;
	v4 =	vor.u32 v6, v4  }
0x1a0: {  	p0 =	sne.s32 s22, $0x1C0;
	v3 =	vor.u32 v3, v4  }
.Ltmp7:
0x1a1: {  	_ = 	snop;
	(pc) =	sbr.rel @p0 .LBB2_16-.Ltmp7, $2  }
0x1a2: {  	_ =	sdelay $0x2  }
0x1a3: {  	s22 =	sadd.s32 $0x40, s22;
	s23 =	sadd.s32 $0x40, s23;
	[tilespmem:v3+s17+$0x0] =	vst.idx.msk $0xffff, v2  }
0x1a4: {  	s22 =	rddreg [dreg:$0x1a]  }
0x1a5: {  	[hbm4b:s22+s14] =	stream.strided.scatter [tilespmem:s17], [sflag:$0x2], $0xD000, s15, s14, $0x38;
	[tilespmem:$0x1A600] =	vst v63  }
0x1a6: {  	s23 =	rddreg [dreg:$0x7];
	s22 =	simm.s32 $0x0  }
0x1a7: {  	[tilespmem:s16], [sflag:$0x3] =	stream.linear.gather [hbm4b:s23+s22], $0x200, $0x38;
	[tilespmem:$0x1A600] =	vst v63  }
0x1a8: {  	_ =	swait.ge [sflag:s13], $0x200  }
0x1a9: {  	[sflag:s13] =	ssyncset.done $0x0  }
0x1aa: {  	[sflag:s13] =	ssyncadd.s32 $0xFFFFFE00  }
0x1ab: {  	_ =	swait.ge [sflag:s19], $0xD000  }
0x1ac: {  	[sflag:s19] =	ssyncset.done $0x0  }
0x1ad: {  	s24 =	simm.s32 $0x0;
	s23 =	simm.s32 $0x420;
	[sflag:s19] =	ssyncadd.s32 $0xFFFF3000  }
.LBB2_18:
0x1ae: {  	v3 =	vld [tilespmem:s23+$0xFFFFFFE0];
	_ =	sdelay $0x2  }
0x1af: {  	v4 =	vmov s24  }
0x1b0: {  	v5 =	vor.u32 s24, v0;
	v4 =	vshll.u32 v4, $0x3  }
0x1b1: {  	v5 =	vand.u32 $0x4F, v5;
	v4 =	vand.u32 $0xC00, v4;
	v6 =	vshll.u32 v3, $0x9  }
0x1b2: {  	v4 =	vor.u32 v4, v5;
	v3 =	vshll.u32 v3, $0x7;
	v6 =	vand.u32 $0xFFFFF000, v6  }
0x1b3: {  	v3 =	vand.u32 $0x380, v3;
	v4 =	vor.u32 v6, v4  }
0x1b4: {  	v3 =	vor.u32 v3, v4;
	_ =	sdelay $0x4  }
0x1b5: {  	[tilespmem:v3+s12+$0x0] =	vst.idx.msk $0xffff, v1  }
0x1b6: {  	v3 =	vld [tilespmem:s23+$0xFFFFFFF0];
	_ =	sdelay $0x1  }
0x1b7: {  	s25 =	sadd.s32 $0x10, s24  }
0x1b8: {  	v55 =	vmov s25  }
0x1b9: {  	v56 =	vor.u32 s25, v0;
	v4 =	vshll.u32 v55, $0x3  }
0x1ba: {  	v5 =	vand.u32 $0x5F, v56;
	v4 =	vand.u32 $0xC00, v4;
	v57 =	vshll.u32 v3, $0x9  }
0x1bb: {  	v4 =	vor.u32 v4, v5;
	v3 =	vshll.u32 v3, $0x7;
	v6 =	vand.u32 $0xFFFFF000, v57  }
0x1bc: {  	v3 =	vand.u32 $0x380, v3;
	v4 =	vor.u32 v6, v4  }
0x1bd: {  	v3 =	vor.u32 v3, v4;
	_ =	sdelay $0x4  }
0x1be: {  	[tilespmem:v3+s12+$0x0] =	vst.idx.msk $0xffff, v1  }
0x1bf: {  	v3 =	vld [tilespmem:s23+$0x0];
	_ =	sdelay $0x1  }
0x1c0: {  	s26 =	sadd.s32 $0x20, s24  }
0x1c1: {  	v58 =	vmov s26  }
0x1c2: {  	v59 =	vor.u32 s26, v0;
	v4 =	vshll.u32 v58, $0x3  }
0x1c3: {  	v5 =	vand.u32 $0x6F, v59;
	v4 =	vand.u32 $0xC00, v4;
	v60 =	vshll.u32 v3, $0x9  }
0x1c4: {  	v4 =	vor.u32 v4, v5;
	v3 =	vshll.u32 v3, $0x7;
	v6 =	vand.u32 $0xFFFFF000, v60  }
0x1c5: {  	v3 =	vand.u32 $0x380, v3;
	v4 =	vor.u32 v6, v4  }
0x1c6: {  	v3 =	vor.u32 v3, v4;
	_ =	sdelay $0x4  }
0x1c7: {  	[tilespmem:v3+s12+$0x0] =	vst.idx.msk $0xffff, v1  }
0x1c8: {  	v3 =	vld [tilespmem:s23+$0x10];
	_ =	sdelay $0x1  }
0x1c9: {  	s26 =	sadd.s32 $0x30, s24  }
0x1ca: {  	v61 =	vmov s26  }
0x1cb: {  	v62 =	vor.u32 s26, v0;
	v4 =	vshll.u32 v61, $0x3  }
0x1cc: {  	v5 =	vand.u32 $0x7F, v62;
	v4 =	vand.u32 $0xC00, v4;
	v63 =	vshll.u32 v3, $0x9  }
0x1cd: {  	v4 =	vor.u32 v4, v5;
	v3 =	vshll.u32 v3, $0x7;
	v6 =	vand.u32 $0xFFFFF000, v63  }
0x1ce: {  	v3 =	vand.u32 $0x380, v3;
	v4 =	vor.u32 v6, v4  }
0x1cf: {  	p0 =	sne.s32 s24, $0x1C0;
	v3 =	vor.u32 v3, v4  }
.Ltmp8:
0x1d0: {  	_ = 	snop;
	(pc) =	sbr.rel @p0 .LBB2_18-.Ltmp8, $2  }
0x1d1: {  	_ =	sdelay $0x2  }
0x1d2: {  	s24 =	sadd.s32 $0x40, s24;
	s23 =	sadd.s32 $0x40, s23;
	[tilespmem:v3+s12+$0x0] =	vst.idx.msk $0xffff, v1  }
0x1d3: {  	s23 =	simm.s32 $0x220  }
.LBB2_20:
0x1d4: {  	v3 =	vld [tilespmem:s23+$0xFFFFFFE0];
	_ =	sdelay $0x2  }
0x1d5: {  	v4 =	vmov s22  }
0x1d6: {  	v5 =	vor.u32 s22, v0;
	v4 =	vshll.u32 v4, $0x3  }
0x1d7: {  	v5 =	vand.u32 $0x4F, v5;
	v4 =	vand.u32 $0xC00, v4;
	v6 =	vshll.u32 v3, $0x9  }
0x1d8: {  	v4 =	vor.u32 v4, v5;
	v3 =	vshll.u32 v3, $0x7;
	v6 =	vand.u32 $0xFFFFF000, v6  }
0x1d9: {  	v3 =	vand.u32 $0x380, v3;
	v4 =	vor.u32 v6, v4  }
0x1da: {  	v3 =	vor.u32 v3, v4;
	_ =	sdelay $0x4  }
0x1db: {  	[tilespmem:v3+s12+$0x0] =	vst.idx.msk $0xffff, v2  }
0x1dc: {  	v3 =	vld [tilespmem:s23+$0xFFFFFFF0];
	_ =	sdelay $0x1  }
0x1dd: {  	s24 =	sadd.s32 $0x10, s22  }
0x1de: {  	v55 =	vmov s24  }
0x1df: {  	v56 =	vor.u32 s24, v0;
	v4 =	vshll.u32 v55, $0x3  }
0x1e0: {  	v5 =	vand.u32 $0x5F, v56;
	v4 =	vand.u32 $0xC00, v4;
	v57 =	vshll.u32 v3, $0x9  }
0x1e1: {  	v4 =	vor.u32 v4, v5;
	v3 =	vshll.u32 v3, $0x7;
	v6 =	vand.u32 $0xFFFFF000, v57  }
0x1e2: {  	v3 =	vand.u32 $0x380, v3;
	v4 =	vor.u32 v6, v4  }
0x1e3: {  	v3 =	vor.u32 v3, v4;
	_ =	sdelay $0x4  }
0x1e4: {  	[tilespmem:v3+s12+$0x0] =	vst.idx.msk $0xffff, v2  }
0x1e5: {  	v3 =	vld [tilespmem:s23+$0x0];
	_ =	sdelay $0x1  }
0x1e6: {  	s25 =	sadd.s32 $0x20, s22  }
0x1e7: {  	v58 =	vmov s25  }
0x1e8: {  	v59 =	vor.u32 s25, v0;
	v4 =	vshll.u32 v58, $0x3  }
0x1e9: {  	v5 =	vand.u32 $0x6F, v59;
	v4 =	vand.u32 $0xC00, v4;
	v60 =	vshll.u32 v3, $0x9  }
0x1ea: {  	v4 =	vor.u32 v4, v5;
	v3 =	vshll.u32 v3, $0x7;
	v6 =	vand.u32 $0xFFFFF000, v60  }
0x1eb: {  	v3 =	vand.u32 $0x380, v3;
	v4 =	vor.u32 v6, v4  }
0x1ec: {  	v3 =	vor.u32 v3, v4;
	_ =	sdelay $0x4  }
0x1ed: {  	[tilespmem:v3+s12+$0x0] =	vst.idx.msk $0xffff, v2  }
0x1ee: {  	v3 =	vld [tilespmem:s23+$0x10];
	_ =	sdelay $0x1  }
0x1ef: {  	s26 =	sadd.s32 $0x30, s22  }
0x1f0: {  	v61 =	vmov s26  }
0x1f1: {  	v62 =	vor.u32 s26, v0;
	v4 =	vshll.u32 v61, $0x3  }
0x1f2: {  	v5 =	vand.u32 $0x7F, v62;
	v4 =	vand.u32 $0xC00, v4;
	v63 =	vshll.u32 v3, $0x9  }
0x1f3: {  	v4 =	vor.u32 v4, v5;
	v3 =	vshll.u32 v3, $0x7;
	v6 =	vand.u32 $0xFFFFF000, v63  }
0x1f4: {  	v3 =	vand.u32 $0x380, v3;
	v4 =	vor.u32 v6, v4  }
0x1f5: {  	p0 =	sne.s32 s22, $0x1C0;
	v3 =	vor.u32 v3, v4  }
.Ltmp9:
0x1f6: {  	_ = 	snop;
	(pc) =	sbr.rel @p0 .LBB2_20-.Ltmp9, $2  }
0x1f7: {  	_ =	sdelay $0x2  }
0x1f8: {  	s22 =	sadd.s32 $0x40, s22;
	s23 =	sadd.s32 $0x40, s23;
	[tilespmem:v3+s12+$0x0] =	vst.idx.msk $0xffff, v2  }
0x1f9: {  	s22 =	rddreg [dreg:$0x1b]  }
0x1fa: {  	[hbm4b:s22+s14] =	stream.strided.scatter [tilespmem:s12], [sflag:$0x1], $0xD000, s15, s14, $0x38;
	[tilespmem:$0x1A600] =	vst v63  }
0x1fb: {  	s23 =	rddreg [dreg:$0x8];
	s22 =	simm.s32 $0x0  }
0x1fc: {  	[tilespmem:s18], [sflag:$0x3] =	stream.linear.gather [hbm4b:s23+s22], $0x200, $0x38;
	[tilespmem:$0x1A600] =	vst v63  }
0x1fd: {  	_ =	swait.ge [sflag:s13], $0x200  }
0x1fe: {  	[sflag:s13] =	ssyncset.done $0x0  }
0x1ff: {  	[sflag:s13] =	ssyncadd.s32 $0xFFFFFE00  }
0x200: {  	_ =	swait.ge [sflag:s20], $0xD000  }
0x201: {  	[sflag:s20] =	ssyncset.done $0x0  }
0x202: {  	s24 =	simm.s32 $0x0;
	s23 =	simm.s32 $0x20;
	[sflag:s20] =	ssyncadd.s32 $0xFFFF3000  }
.LBB2_22:
0x203: {  	v3 =	vld [tilespmem:s23+$0xFFFFFFE0];
	_ =	sdelay $0x2  }
0x204: {  	v4 =	vmov s24  }
0x205: {  	v5 =	vor.u32 s24, v0;
	v4 =	vshll.u32 v4, $0x3  }
0x206: {  	v5 =	vand.u32 $0x4F, v5;
	v4 =	vand.u32 $0xC00, v4;
	v6 =	vshll.u32 v3, $0x9  }
0x207: {  	v4 =	vor.u32 v4, v5;
	v3 =	vshll.u32 v3, $0x7;
	v6 =	vand.u32 $0xFFFFF000, v6  }
0x208: {  	v3 =	vand.u32 $0x380, v3;
	v4 =	vor.u32 v6, v4  }
0x209: {  	v3 =	vor.u32 v3, v4;
	_ =	sdelay $0x4  }
0x20a: {  	[tilespmem:v3+s17+$0x0] =	vst.idx.msk $0xffff, v1  }
0x20b: {  	v3 =	vld [tilespmem:s23+$0xFFFFFFF0];
	_ =	sdelay $0x1  }
0x20c: {  	s25 =	sadd.s32 $0x10, s24  }
0x20d: {  	v55 =	vmov s25  }
0x20e: {  	v56 =	vor.u32 s25, v0;
	v4 =	vshll.u32 v55, $0x3  }
0x20f: {  	v5 =	vand.u32 $0x5F, v56;
	v4 =	vand.u32 $0xC00, v4;
	v57 =	vshll.u32 v3, $0x9  }
0x210: {  	v4 =	vor.u32 v4, v5;
	v3 =	vshll.u32 v3, $0x7;
	v6 =	vand.u32 $0xFFFFF000, v57  }
0x211: {  	v3 =	vand.u32 $0x380, v3;
	v4 =	vor.u32 v6, v4  }
0x212: {  	v3 =	vor.u32 v3, v4;
	_ =	sdelay $0x4  }
0x213: {  	[tilespmem:v3+s17+$0x0] =	vst.idx.msk $0xffff, v1  }
0x214: {  	v3 =	vld [tilespmem:s23+$0x0];
	_ =	sdelay $0x1  }
0x215: {  	s26 =	sadd.s32 $0x20, s24  }
0x216: {  	v58 =	vmov s26  }
0x217: {  	v59 =	vor.u32 s26, v0;
	v4 =	vshll.u32 v58, $0x3  }
0x218: {  	v5 =	vand.u32 $0x6F, v59;
	v4 =	vand.u32 $0xC00, v4;
	v60 =	vshll.u32 v3, $0x9  }
0x219: {  	v4 =	vor.u32 v4, v5;
	v3 =	vshll.u32 v3, $0x7;
	v6 =	vand.u32 $0xFFFFF000, v60  }
0x21a: {  	v3 =	vand.u32 $0x380, v3;
	v4 =	vor.u32 v6, v4  }
0x21b: {  	v3 =	vor.u32 v3, v4;
	_ =	sdelay $0x4  }
0x21c: {  	[tilespmem:v3+s17+$0x0] =	vst.idx.msk $0xffff, v1  }
0x21d: {  	v3 =	vld [tilespmem:s23+$0x10];
	_ =	sdelay $0x1  }
0x21e: {  	s26 =	sadd.s32 $0x30, s24  }
0x21f: {  	v61 =	vmov s26  }
0x220: {  	v62 =	vor.u32 s26, v0;
	v4 =	vshll.u32 v61, $0x3  }
0x221: {  	v5 =	vand.u32 $0x7F, v62;
	v4 =	vand.u32 $0xC00, v4;
	v63 =	vshll.u32 v3, $0x9  }
0x222: {  	v4 =	vor.u32 v4, v5;
	v3 =	vshll.u32 v3, $0x7;
	v6 =	vand.u32 $0xFFFFF000, v63  }
0x223: {  	v3 =	vand.u32 $0x380, v3;
	v4 =	vor.u32 v6, v4  }
0x224: {  	p0 =	sne.s32 s24, $0x1C0;
	v3 =	vor.u32 v3, v4  }
.Ltmp10:
0x225: {  	_ = 	snop;
	(pc) =	sbr.rel @p0 .LBB2_22-.Ltmp10, $2  }
0x226: {  	_ =	sdelay $0x2  }
0x227: {  	s24 =	sadd.s32 $0x40, s24;
	s23 =	sadd.s32 $0x40, s23;
	[tilespmem:v3+s17+$0x0] =	vst.idx.msk $0xffff, v1  }
0x228: {  	s23 =	simm.s32 $0x420  }
.LBB2_24:
0x229: {  	v3 =	vld [tilespmem:s23+$0xFFFFFFE0];
	_ =	sdelay $0x2  }
0x22a: {  	v4 =	vmov s22  }
0x22b: {  	v5 =	vor.u32 s22, v0;
	v4 =	vshll.u32 v4, $0x3  }
0x22c: {  	v5 =	vand.u32 $0x4F, v5;
	v4 =	vand.u32 $0xC00, v4;
	v6 =	vshll.u32 v3, $0x9  }
0x22d: {  	v4 =	vor.u32 v4, v5;
	v3 =	vshll.u32 v3, $0x7;
	v6 =	vand.u32 $0xFFFFF000, v6  }
0x22e: {  	v3 =	vand.u32 $0x380, v3;
	v4 =	vor.u32 v6, v4  }
0x22f: {  	v3 =	vor.u32 v3, v4;
	_ =	sdelay $0x4  }
0x230: {  	[tilespmem:v3+s17+$0x0] =	vst.idx.msk $0xffff, v2  }
0x231: {  	v3 =	vld [tilespmem:s23+$0xFFFFFFF0];
	_ =	sdelay $0x1  }
0x232: {  	s24 =	sadd.s32 $0x10, s22  }
0x233: {  	v55 =	vmov s24  }
0x234: {  	v56 =	vor.u32 s24, v0;
	v4 =	vshll.u32 v55, $0x3  }
0x235: {  	v5 =	vand.u32 $0x5F, v56;
	v4 =	vand.u32 $0xC00, v4;
	v57 =	vshll.u32 v3, $0x9  }
0x236: {  	v4 =	vor.u32 v4, v5;
	v3 =	vshll.u32 v3, $0x7;
	v6 =	vand.u32 $0xFFFFF000, v57  }
0x237: {  	v3 =	vand.u32 $0x380, v3;
	v4 =	vor.u32 v6, v4  }
0x238: {  	v3 =	vor.u32 v3, v4;
	_ =	sdelay $0x4  }
0x239: {  	[tilespmem:v3+s17+$0x0] =	vst.idx.msk $0xffff, v2  }
0x23a: {  	v3 =	vld [tilespmem:s23+$0x0];
	_ =	sdelay $0x1  }
0x23b: {  	s25 =	sadd.s32 $0x20, s22  }
0x23c: {  	v58 =	vmov s25  }
0x23d: {  	v59 =	vor.u32 s25, v0;
	v4 =	vshll.u32 v58, $0x3  }
0x23e: {  	v5 =	vand.u32 $0x6F, v59;
	v4 =	vand.u32 $0xC00, v4;
	v60 =	vshll.u32 v3, $0x9  }
0x23f: {  	v4 =	vor.u32 v4, v5;
	v3 =	vshll.u32 v3, $0x7;
	v6 =	vand.u32 $0xFFFFF000, v60  }
0x240: {  	v3 =	vand.u32 $0x380, v3;
	v4 =	vor.u32 v6, v4  }
0x241: {  	v3 =	vor.u32 v3, v4;
	_ =	sdelay $0x4  }
0x242: {  	[tilespmem:v3+s17+$0x0] =	vst.idx.msk $0xffff, v2  }
0x243: {  	v3 =	vld [tilespmem:s23+$0x10];
	_ =	sdelay $0x1  }
0x244: {  	s26 =	sadd.s32 $0x30, s22  }
0x245: {  	v61 =	vmov s26  }
0x246: {  	v62 =	vor.u32 s26, v0;
	v4 =	vshll.u32 v61, $0x3  }
0x247: {  	v5 =	vand.u32 $0x7F, v62;
	v4 =	vand.u32 $0xC00, v4;
	v63 =	vshll.u32 v3, $0x9  }
0x248: {  	v4 =	vor.u32 v4, v5;
	v3 =	vshll.u32 v3, $0x7;
	v6 =	vand.u32 $0xFFFFF000, v63  }
0x249: {  	v3 =	vand.u32 $0x380, v3;
	v4 =	vor.u32 v6, v4  }
0x24a: {  	p0 =	sne.s32 s22, $0x1C0;
	v3 =	vor.u32 v3, v4  }
.Ltmp11:
0x24b: {  	_ = 	snop;
	(pc) =	sbr.rel @p0 .LBB2_24-.Ltmp11, $2  }
0x24c: {  	_ =	sdelay $0x2  }
0x24d: {  	s22 =	sadd.s32 $0x40, s22;
	s23 =	sadd.s32 $0x40, s23;
	[tilespmem:v3+s17+$0x0] =	vst.idx.msk $0xffff, v2  }
0x24e: {  	[hbm4b:s28+s14] =	stream.strided.scatter [tilespmem:s17], [sflag:$0x2], $0xD000, s15, s14, $0x38;
	[tilespmem:$0x1A600] =	vst v63  }
0x24f: {  	s22 =	simm.s32 $0x0;
	s23 =	rddreg [dreg:$0x9]  }
0x250: {  	[tilespmem:s22], [sflag:$0x3] =	stream.linear.gather [hbm4b:s23+s22], $0x200, $0x38;
	[tilespmem:$0x1A600] =	vst v63  }
0x251: {  	_ =	swait.ge [sflag:s13], $0x200  }
0x252: {  	[sflag:s13] =	ssyncset.done $0x0  }
0x253: {  	[sflag:s13] =	ssyncadd.s32 $0xFFFFFE00  }
0x254: {  	_ =	swait.ge [sflag:s19], $0xD000  }
0x255: {  	[sflag:s19] =	ssyncset.done $0x0  }
0x256: {  	s24 =	simm.s32 $0x0;
	s23 =	simm.s32 $0x220;
	[sflag:s19] =	ssyncadd.s32 $0xFFFF3000  }
.LBB2_26:
0x257: {  	v3 =	vld [tilespmem:s23+$0xFFFFFFE0];
	_ =	sdelay $0x2  }
0x258: {  	v4 =	vmov s24  }
0x259: {  	v5 =	vor.u32 s24, v0;
	v4 =	vshll.u32 v4, $0x3  }
0x25a: {  	v5 =	vand.u32 $0x4F, v5;
	v4 =	vand.u32 $0xC00, v4;
	v6 =	vshll.u32 v3, $0x9  }
0x25b: {  	v4 =	vor.u32 v4, v5;
	v3 =	vshll.u32 v3, $0x7;
	v6 =	vand.u32 $0xFFFFF000, v6  }
0x25c: {  	v3 =	vand.u32 $0x380, v3;
	v4 =	vor.u32 v6, v4  }
0x25d: {  	v3 =	vor.u32 v3, v4;
	_ =	sdelay $0x4  }
0x25e: {  	[tilespmem:v3+s12+$0x0] =	vst.idx.msk $0xffff, v1  }
0x25f: {  	v3 =	vld [tilespmem:s23+$0xFFFFFFF0];
	_ =	sdelay $0x1  }
0x260: {  	s25 =	sadd.s32 $0x10, s24  }
0x261: {  	v55 =	vmov s25  }
0x262: {  	v56 =	vor.u32 s25, v0;
	v4 =	vshll.u32 v55, $0x3  }
0x263: {  	v5 =	vand.u32 $0x5F, v56;
	v4 =	vand.u32 $0xC00, v4;
	v57 =	vshll.u32 v3, $0x9  }
0x264: {  	v4 =	vor.u32 v4, v5;
	v3 =	vshll.u32 v3, $0x7;
	v6 =	vand.u32 $0xFFFFF000, v57  }
0x265: {  	v3 =	vand.u32 $0x380, v3;
	v4 =	vor.u32 v6, v4  }
0x266: {  	v3 =	vor.u32 v3, v4;
	_ =	sdelay $0x4  }
0x267: {  	[tilespmem:v3+s12+$0x0] =	vst.idx.msk $0xffff, v1  }
0x268: {  	v3 =	vld [tilespmem:s23+$0x0];
	_ =	sdelay $0x1  }
0x269: {  	s26 =	sadd.s32 $0x20, s24  }
0x26a: {  	v58 =	vmov s26  }
0x26b: {  	v59 =	vor.u32 s26, v0;
	v4 =	vshll.u32 v58, $0x3  }
0x26c: {  	v5 =	vand.u32 $0x6F, v59;
	v4 =	vand.u32 $0xC00, v4;
	v60 =	vshll.u32 v3, $0x9  }
0x26d: {  	v4 =	vor.u32 v4, v5;
	v3 =	vshll.u32 v3, $0x7;
	v6 =	vand.u32 $0xFFFFF000, v60  }
0x26e: {  	v3 =	vand.u32 $0x380, v3;
	v4 =	vor.u32 v6, v4  }
0x26f: {  	v3 =	vor.u32 v3, v4;
	_ =	sdelay $0x4  }
0x270: {  	[tilespmem:v3+s12+$0x0] =	vst.idx.msk $0xffff, v1  }
0x271: {  	v3 =	vld [tilespmem:s23+$0x10];
	_ =	sdelay $0x1  }
0x272: {  	s26 =	sadd.s32 $0x30, s24  }
0x273: {  	v61 =	vmov s26  }
0x274: {  	v62 =	vor.u32 s26, v0;
	v4 =	vshll.u32 v61, $0x3  }
0x275: {  	v5 =	vand.u32 $0x7F, v62;
	v4 =	vand.u32 $0xC00, v4;
	v63 =	vshll.u32 v3, $0x9  }
0x276: {  	v4 =	vor.u32 v4, v5;
	v3 =	vshll.u32 v3, $0x7;
	v6 =	vand.u32 $0xFFFFF000, v63  }
0x277: {  	v3 =	vand.u32 $0x380, v3;
	v4 =	vor.u32 v6, v4  }
0x278: {  	p0 =	sne.s32 s24, $0x1C0;
	v3 =	vor.u32 v3, v4  }
.Ltmp12:
0x279: {  	_ = 	snop;
	(pc) =	sbr.rel @p0 .LBB2_26-.Ltmp12, $2  }
0x27a: {  	_ =	sdelay $0x2  }
0x27b: {  	s24 =	sadd.s32 $0x40, s24;
	s23 =	sadd.s32 $0x40, s23;
	[tilespmem:v3+s12+$0x0] =	vst.idx.msk $0xffff, v1  }
0x27c: {  	s23 =	simm.s32 $0x20  }
.LBB2_28:
0x27d: {  	v3 =	vld [tilespmem:s23+$0xFFFFFFE0];
	_ =	sdelay $0x2  }
0x27e: {  	v4 =	vmov s22  }
0x27f: {  	v5 =	vor.u32 s22, v0;
	v4 =	vshll.u32 v4, $0x3  }
0x280: {  	v5 =	vand.u32 $0x4F, v5;
	v4 =	vand.u32 $0xC00, v4;
	v6 =	vshll.u32 v3, $0x9  }
0x281: {  	v4 =	vor.u32 v4, v5;
	v3 =	vshll.u32 v3, $0x7;
	v6 =	vand.u32 $0xFFFFF000, v6  }
0x282: {  	v3 =	vand.u32 $0x380, v3;
	v4 =	vor.u32 v6, v4  }
0x283: {  	v3 =	vor.u32 v3, v4;
	_ =	sdelay $0x4  }
0x284: {  	[tilespmem:v3+s12+$0x0] =	vst.idx.msk $0xffff, v2  }
0x285: {  	v3 =	vld [tilespmem:s23+$0xFFFFFFF0];
	_ =	sdelay $0x1  }
0x286: {  	s24 =	sadd.s32 $0x10, s22  }
0x287: {  	v55 =	vmov s24  }
0x288: {  	v56 =	vor.u32 s24, v0;
	v4 =	vshll.u32 v55, $0x3  }
0x289: {  	v5 =	vand.u32 $0x5F, v56;
	v4 =	vand.u32 $0xC00, v4;
	v57 =	vshll.u32 v3, $0x9  }
0x28a: {  	v4 =	vor.u32 v4, v5;
	v3 =	vshll.u32 v3, $0x7;
	v6 =	vand.u32 $0xFFFFF000, v57  }
0x28b: {  	v3 =	vand.u32 $0x380, v3;
	v4 =	vor.u32 v6, v4  }
0x28c: {  	v3 =	vor.u32 v3, v4;
	_ =	sdelay $0x4  }
0x28d: {  	[tilespmem:v3+s12+$0x0] =	vst.idx.msk $0xffff, v2  }
0x28e: {  	v3 =	vld [tilespmem:s23+$0x0];
	_ =	sdelay $0x1  }
0x28f: {  	s25 =	sadd.s32 $0x20, s22  }
0x290: {  	v58 =	vmov s25  }
0x291: {  	v59 =	vor.u32 s25, v0;
	v4 =	vshll.u32 v58, $0x3  }
0x292: {  	v5 =	vand.u32 $0x6F, v59;
	v4 =	vand.u32 $0xC00, v4;
	v60 =	vshll.u32 v3, $0x9  }
0x293: {  	v4 =	vor.u32 v4, v5;
	v3 =	vshll.u32 v3, $0x7;
	v6 =	vand.u32 $0xFFFFF000, v60  }
0x294: {  	v3 =	vand.u32 $0x380, v3;
	v4 =	vor.u32 v6, v4  }
0x295: {  	v3 =	vor.u32 v3, v4;
	_ =	sdelay $0x4  }
0x296: {  	[tilespmem:v3+s12+$0x0] =	vst.idx.msk $0xffff, v2  }
0x297: {  	v3 =	vld [tilespmem:s23+$0x10];
	_ =	sdelay $0x1  }
0x298: {  	s26 =	sadd.s32 $0x30, s22  }
0x299: {  	v61 =	vmov s26  }
0x29a: {  	v62 =	vor.u32 s26, v0;
	v4 =	vshll.u32 v61, $0x3  }
0x29b: {  	v5 =	vand.u32 $0x7F, v62;
	v4 =	vand.u32 $0xC00, v4;
	v63 =	vshll.u32 v3, $0x9  }
0x29c: {  	v4 =	vor.u32 v4, v5;
	v3 =	vshll.u32 v3, $0x7;
	v6 =	vand.u32 $0xFFFFF000, v63  }
0x29d: {  	v3 =	vand.u32 $0x380, v3;
	v4 =	vor.u32 v6, v4  }
0x29e: {  	p0 =	sne.s32 s22, $0x1C0;
	v3 =	vor.u32 v3, v4  }
.Ltmp13:
0x29f: {  	_ = 	snop;
	(pc) =	sbr.rel @p0 .LBB2_28-.Ltmp13, $2  }
0x2a0: {  	_ =	sdelay $0x2  }
0x2a1: {  	s22 =	sadd.s32 $0x40, s22;
	s23 =	sadd.s32 $0x40, s23;
	[tilespmem:v3+s12+$0x0] =	vst.idx.msk $0xffff, v2  }
0x2a2: {  	[hbm4b:s29+s14] =	stream.strided.scatter [tilespmem:s12], [sflag:$0x1], $0xD000, s15, s14, $0x38;
	[tilespmem:$0x1A600] =	vst v63  }
0x2a3: {  	s22 =	simm.s32 $0x0;
	s23 =	rddreg [dreg:$0xa]  }
0x2a4: {  	[tilespmem:s16], [sflag:$0x3] =	stream.linear.gather [hbm4b:s23+s22], $0x200, $0x38;
	[tilespmem:$0x1A600] =	vst v63  }
0x2a5: {  	_ =	swait.ge [sflag:s13], $0x200  }
0x2a6: {  	[sflag:s13] =	ssyncset.done $0x0  }
0x2a7: {  	[sflag:s13] =	ssyncadd.s32 $0xFFFFFE00  }
0x2a8: {  	_ =	swait.ge [sflag:s20], $0xD000  }
0x2a9: {  	[sflag:s20] =	ssyncset.done $0x0  }
0x2aa: {  	s24 =	simm.s32 $0x0;
	s23 =	simm.s32 $0x420;
	[sflag:s20] =	ssyncadd.s32 $0xFFFF3000  }
.LBB2_30:
0x2ab: {  	v3 =	vld [tilespmem:s23+$0xFFFFFFE0];
	_ =	sdelay $0x2  }
0x2ac: {  	v4 =	vmov s24  }
0x2ad: {  	v5 =	vor.u32 s24, v0;
	v4 =	vshll.u32 v4, $0x3  }
0x2ae: {  	v5 =	vand.u32 $0x4F, v5;
	v4 =	vand.u32 $0xC00, v4;
	v6 =	vshll.u32 v3, $0x9  }
0x2af: {  	v4 =	vor.u32 v4, v5;
	v3 =	vshll.u32 v3, $0x7;
	v6 =	vand.u32 $0xFFFFF000, v6  }
0x2b0: {  	v3 =	vand.u32 $0x380, v3;
	v4 =	vor.u32 v6, v4  }
0x2b1: {  	v3 =	vor.u32 v3, v4;
	_ =	sdelay $0x4  }
0x2b2: {  	[tilespmem:v3+s17+$0x0] =	vst.idx.msk $0xffff, v1  }
0x2b3: {  	v3 =	vld [tilespmem:s23+$0xFFFFFFF0];
	_ =	sdelay $0x1  }
0x2b4: {  	s25 =	sadd.s32 $0x10, s24  }
0x2b5: {  	v55 =	vmov s25  }
0x2b6: {  	v56 =	vor.u32 s25, v0;
	v4 =	vshll.u32 v55, $0x3  }
0x2b7: {  	v5 =	vand.u32 $0x5F, v56;
	v4 =	vand.u32 $0xC00, v4;
	v57 =	vshll.u32 v3, $0x9  }
0x2b8: {  	v4 =	vor.u32 v4, v5;
	v3 =	vshll.u32 v3, $0x7;
	v6 =	vand.u32 $0xFFFFF000, v57  }
0x2b9: {  	v3 =	vand.u32 $0x380, v3;
	v4 =	vor.u32 v6, v4  }
0x2ba: {  	v3 =	vor.u32 v3, v4;
	_ =	sdelay $0x4  }
0x2bb: {  	[tilespmem:v3+s17+$0x0] =	vst.idx.msk $0xffff, v1  }
0x2bc: {  	v3 =	vld [tilespmem:s23+$0x0];
	_ =	sdelay $0x1  }
0x2bd: {  	s26 =	sadd.s32 $0x20, s24  }
0x2be: {  	v58 =	vmov s26  }
0x2bf: {  	v59 =	vor.u32 s26, v0;
	v4 =	vshll.u32 v58, $0x3  }
0x2c0: {  	v5 =	vand.u32 $0x6F, v59;
	v4 =	vand.u32 $0xC00, v4;
	v60 =	vshll.u32 v3, $0x9  }
0x2c1: {  	v4 =	vor.u32 v4, v5;
	v3 =	vshll.u32 v3, $0x7;
	v6 =	vand.u32 $0xFFFFF000, v60  }
0x2c2: {  	v3 =	vand.u32 $0x380, v3;
	v4 =	vor.u32 v6, v4  }
0x2c3: {  	v3 =	vor.u32 v3, v4;
	_ =	sdelay $0x4  }
0x2c4: {  	[tilespmem:v3+s17+$0x0] =	vst.idx.msk $0xffff, v1  }
0x2c5: {  	v3 =	vld [tilespmem:s23+$0x10];
	_ =	sdelay $0x1  }
0x2c6: {  	s26 =	sadd.s32 $0x30, s24  }
0x2c7: {  	v61 =	vmov s26  }
0x2c8: {  	v62 =	vor.u32 s26, v0;
	v4 =	vshll.u32 v61, $0x3  }
0x2c9: {  	v5 =	vand.u32 $0x7F, v62;
	v4 =	vand.u32 $0xC00, v4;
	v63 =	vshll.u32 v3, $0x9  }
0x2ca: {  	v4 =	vor.u32 v4, v5;
	v3 =	vshll.u32 v3, $0x7;
	v6 =	vand.u32 $0xFFFFF000, v63  }
0x2cb: {  	v3 =	vand.u32 $0x380, v3;
	v4 =	vor.u32 v6, v4  }
0x2cc: {  	p0 =	sne.s32 s24, $0x1C0;
	v3 =	vor.u32 v3, v4  }
.Ltmp14:
0x2cd: {  	_ = 	snop;
	(pc) =	sbr.rel @p0 .LBB2_30-.Ltmp14, $2  }
0x2ce: {  	_ =	sdelay $0x2  }
0x2cf: {  	s24 =	sadd.s32 $0x40, s24;
	s23 =	sadd.s32 $0x40, s23;
	[tilespmem:v3+s17+$0x0] =	vst.idx.msk $0xffff, v1  }
0x2d0: {  	s23 =	simm.s32 $0x220  }
.LBB2_32:
0x2d1: {  	v3 =	vld [tilespmem:s23+$0xFFFFFFE0];
	_ =	sdelay $0x2  }
0x2d2: {  	v4 =	vmov s22  }
0x2d3: {  	v5 =	vor.u32 s22, v0;
	v4 =	vshll.u32 v4, $0x3  }
0x2d4: {  	v5 =	vand.u32 $0x4F, v5;
	v4 =	vand.u32 $0xC00, v4;
	v6 =	vshll.u32 v3, $0x9  }
0x2d5: {  	v4 =	vor.u32 v4, v5;
	v3 =	vshll.u32 v3, $0x7;
	v6 =	vand.u32 $0xFFFFF000, v6  }
0x2d6: {  	v3 =	vand.u32 $0x380, v3;
	v4 =	vor.u32 v6, v4  }
0x2d7: {  	v3 =	vor.u32 v3, v4;
	_ =	sdelay $0x4  }
0x2d8: {  	[tilespmem:v3+s17+$0x0] =	vst.idx.msk $0xffff, v2  }
0x2d9: {  	v3 =	vld [tilespmem:s23+$0xFFFFFFF0];
	_ =	sdelay $0x1  }
0x2da: {  	s24 =	sadd.s32 $0x10, s22  }
0x2db: {  	v55 =	vmov s24  }
0x2dc: {  	v56 =	vor.u32 s24, v0;
	v4 =	vshll.u32 v55, $0x3  }
0x2dd: {  	v5 =	vand.u32 $0x5F, v56;
	v4 =	vand.u32 $0xC00, v4;
	v57 =	vshll.u32 v3, $0x9  }
0x2de: {  	v4 =	vor.u32 v4, v5;
	v3 =	vshll.u32 v3, $0x7;
	v6 =	vand.u32 $0xFFFFF000, v57  }
0x2df: {  	v3 =	vand.u32 $0x380, v3;
	v4 =	vor.u32 v6, v4  }
0x2e0: {  	v3 =	vor.u32 v3, v4;
	_ =	sdelay $0x4  }
0x2e1: {  	[tilespmem:v3+s17+$0x0] =	vst.idx.msk $0xffff, v2  }
0x2e2: {  	v3 =	vld [tilespmem:s23+$0x0];
	_ =	sdelay $0x1  }
0x2e3: {  	s25 =	sadd.s32 $0x20, s22  }
0x2e4: {  	v58 =	vmov s25  }
0x2e5: {  	v59 =	vor.u32 s25, v0;
	v4 =	vshll.u32 v58, $0x3  }
0x2e6: {  	v5 =	vand.u32 $0x6F, v59;
	v4 =	vand.u32 $0xC00, v4;
	v60 =	vshll.u32 v3, $0x9  }
0x2e7: {  	v4 =	vor.u32 v4, v5;
	v3 =	vshll.u32 v3, $0x7;
	v6 =	vand.u32 $0xFFFFF000, v60  }
0x2e8: {  	v3 =	vand.u32 $0x380, v3;
	v4 =	vor.u32 v6, v4  }
0x2e9: {  	v3 =	vor.u32 v3, v4;
	_ =	sdelay $0x4  }
0x2ea: {  	[tilespmem:v3+s17+$0x0] =	vst.idx.msk $0xffff, v2  }
0x2eb: {  	v3 =	vld [tilespmem:s23+$0x10];
	_ =	sdelay $0x1  }
0x2ec: {  	s26 =	sadd.s32 $0x30, s22  }
0x2ed: {  	v61 =	vmov s26  }
0x2ee: {  	v62 =	vor.u32 s26, v0;
	v4 =	vshll.u32 v61, $0x3  }
0x2ef: {  	v5 =	vand.u32 $0x7F, v62;
	v4 =	vand.u32 $0xC00, v4;
	v63 =	vshll.u32 v3, $0x9  }
0x2f0: {  	v4 =	vor.u32 v4, v5;
	v3 =	vshll.u32 v3, $0x7;
	v6 =	vand.u32 $0xFFFFF000, v63  }
0x2f1: {  	v3 =	vand.u32 $0x380, v3;
	v4 =	vor.u32 v6, v4  }
0x2f2: {  	p0 =	sne.s32 s22, $0x1C0;
	v3 =	vor.u32 v3, v4  }
.Ltmp15:
0x2f3: {  	_ = 	snop;
	(pc) =	sbr.rel @p0 .LBB2_32-.Ltmp15, $2  }
0x2f4: {  	_ =	sdelay $0x2  }
0x2f5: {  	s22 =	sadd.s32 $0x40, s22;
	s23 =	sadd.s32 $0x40, s23;
	[tilespmem:v3+s17+$0x0] =	vst.idx.msk $0xffff, v2  }
0x2f6: {  	[hbm4b:s30+s14] =	stream.strided.scatter [tilespmem:s17], [sflag:$0x2], $0xD000, s15, s14, $0x38;
	[tilespmem:$0x1A600] =	vst v63  }
0x2f7: {  	s22 =	simm.s32 $0x0;
	s23 =	rddreg [dreg:$0xb]  }
0x2f8: {  	[tilespmem:s18], [sflag:$0x3] =	stream.linear.gather [hbm4b:s23+s22], $0x200, $0x38;
	[tilespmem:$0x1A600] =	vst v63  }
0x2f9: {  	_ =	swait.ge [sflag:s13], $0x200  }
0x2fa: {  	[sflag:s13] =	ssyncset.done $0x0  }
0x2fb: {  	[sflag:s13] =	ssyncadd.s32 $0xFFFFFE00  }
0x2fc: {  	_ =	swait.ge [sflag:s19], $0xD000  }
0x2fd: {  	[sflag:s19] =	ssyncset.done $0x0  }
0x2fe: {  	s24 =	simm.s32 $0x0;
	s23 =	simm.s32 $0x20;
	[sflag:s19] =	ssyncadd.s32 $0xFFFF3000  }
.LBB2_34:
0x2ff: {  	v3 =	vld [tilespmem:s23+$0xFFFFFFE0];
	_ =	sdelay $0x2  }
0x300: {  	v4 =	vmov s24  }
0x301: {  	v5 =	vor.u32 s24, v0;
	v4 =	vshll.u32 v4, $0x3  }
0x302: {  	v5 =	vand.u32 $0x4F, v5;
	v4 =	vand.u32 $0xC00, v4;
	v6 =	vshll.u32 v3, $0x9  }
0x303: {  	v4 =	vor.u32 v4, v5;
	v3 =	vshll.u32 v3, $0x7;
	v6 =	vand.u32 $0xFFFFF000, v6  }
0x304: {  	v3 =	vand.u32 $0x380, v3;
	v4 =	vor.u32 v6, v4  }
0x305: {  	v3 =	vor.u32 v3, v4;
	_ =	sdelay $0x4  }
0x306: {  	[tilespmem:v3+s12+$0x0] =	vst.idx.msk $0xffff, v1  }
0x307: {  	v3 =	vld [tilespmem:s23+$0xFFFFFFF0];
	_ =	sdelay $0x1  }
0x308: {  	s25 =	sadd.s32 $0x10, s24  }
0x309: {  	v55 =	vmov s25  }
0x30a: {  	v56 =	vor.u32 s25, v0;
	v4 =	vshll.u32 v55, $0x3  }
0x30b: {  	v5 =	vand.u32 $0x5F, v56;
	v4 =	vand.u32 $0xC00, v4;
	v57 =	vshll.u32 v3, $0x9  }
0x30c: {  	v4 =	vor.u32 v4, v5;
	v3 =	vshll.u32 v3, $0x7;
	v6 =	vand.u32 $0xFFFFF000, v57  }
0x30d: {  	v3 =	vand.u32 $0x380, v3;
	v4 =	vor.u32 v6, v4  }
0x30e: {  	v3 =	vor.u32 v3, v4;
	_ =	sdelay $0x4  }
0x30f: {  	[tilespmem:v3+s12+$0x0] =	vst.idx.msk $0xffff, v1  }
0x310: {  	v3 =	vld [tilespmem:s23+$0x0];
	_ =	sdelay $0x1  }
0x311: {  	s26 =	sadd.s32 $0x20, s24  }
0x312: {  	v58 =	vmov s26  }
0x313: {  	v59 =	vor.u32 s26, v0;
	v4 =	vshll.u32 v58, $0x3  }
0x314: {  	v5 =	vand.u32 $0x6F, v59;
	v4 =	vand.u32 $0xC00, v4;
	v60 =	vshll.u32 v3, $0x9  }
0x315: {  	v4 =	vor.u32 v4, v5;
	v3 =	vshll.u32 v3, $0x7;
	v6 =	vand.u32 $0xFFFFF000, v60  }
0x316: {  	v3 =	vand.u32 $0x380, v3;
	v4 =	vor.u32 v6, v4  }
0x317: {  	v3 =	vor.u32 v3, v4;
	_ =	sdelay $0x4  }
0x318: {  	[tilespmem:v3+s12+$0x0] =	vst.idx.msk $0xffff, v1  }
0x319: {  	v3 =	vld [tilespmem:s23+$0x10];
	_ =	sdelay $0x1  }
0x31a: {  	s26 =	sadd.s32 $0x30, s24  }
0x31b: {  	v61 =	vmov s26  }
0x31c: {  	v62 =	vor.u32 s26, v0;
	v4 =	vshll.u32 v61, $0x3  }
0x31d: {  	v5 =	vand.u32 $0x7F, v62;
	v4 =	vand.u32 $0xC00, v4;
	v63 =	vshll.u32 v3, $0x9  }
0x31e: {  	v4 =	vor.u32 v4, v5;
	v3 =	vshll.u32 v3, $0x7;
	v6 =	vand.u32 $0xFFFFF000, v63  }
0x31f: {  	v3 =	vand.u32 $0x380, v3;
	v4 =	vor.u32 v6, v4  }
0x320: {  	p0 =	sne.s32 s24, $0x1C0;
	v3 =	vor.u32 v3, v4  }
.Ltmp16:
0x321: {  	_ = 	snop;
	(pc) =	sbr.rel @p0 .LBB2_34-.Ltmp16, $2  }
0x322: {  	_ =	sdelay $0x2  }
0x323: {  	s24 =	sadd.s32 $0x40, s24;
	s23 =	sadd.s32 $0x40, s23;
	[tilespmem:v3+s12+$0x0] =	vst.idx.msk $0xffff, v1  }
0x324: {  	s23 =	simm.s32 $0x420  }
.LBB2_36:
0x325: {  	v3 =	vld [tilespmem:s23+$0xFFFFFFE0];
	_ =	sdelay $0x2  }
0x326: {  	v4 =	vmov s22  }
0x327: {  	v5 =	vor.u32 s22, v0;
	v4 =	vshll.u32 v4, $0x3  }
0x328: {  	v5 =	vand.u32 $0x4F, v5;
	v4 =	vand.u32 $0xC00, v4;
	v6 =	vshll.u32 v3, $0x9  }
0x329: {  	v4 =	vor.u32 v4, v5;
	v3 =	vshll.u32 v3, $0x7;
	v6 =	vand.u32 $0xFFFFF000, v6  }
0x32a: {  	v3 =	vand.u32 $0x380, v3;
	v4 =	vor.u32 v6, v4  }
0x32b: {  	v3 =	vor.u32 v3, v4;
	_ =	sdelay $0x4  }
0x32c: {  	[tilespmem:v3+s12+$0x0] =	vst.idx.msk $0xffff, v2  }
0x32d: {  	v3 =	vld [tilespmem:s23+$0xFFFFFFF0];
	_ =	sdelay $0x1  }
0x32e: {  	s24 =	sadd.s32 $0x10, s22  }
0x32f: {  	v55 =	vmov s24  }
0x330: {  	v56 =	vor.u32 s24, v0;
	v4 =	vshll.u32 v55, $0x3  }
0x331: {  	v5 =	vand.u32 $0x5F, v56;
	v4 =	vand.u32 $0xC00, v4;
	v57 =	vshll.u32 v3, $0x9  }
0x332: {  	v4 =	vor.u32 v4, v5;
	v3 =	vshll.u32 v3, $0x7;
	v6 =	vand.u32 $0xFFFFF000, v57  }
0x333: {  	v3 =	vand.u32 $0x380, v3;
	v4 =	vor.u32 v6, v4  }
0x334: {  	v3 =	vor.u32 v3, v4;
	_ =	sdelay $0x4  }
0x335: {  	[tilespmem:v3+s12+$0x0] =	vst.idx.msk $0xffff, v2  }
0x336: {  	v3 =	vld [tilespmem:s23+$0x0];
	_ =	sdelay $0x1  }
0x337: {  	s25 =	sadd.s32 $0x20, s22  }
0x338: {  	v58 =	vmov s25  }
0x339: {  	v59 =	vor.u32 s25, v0;
	v4 =	vshll.u32 v58, $0x3  }
0x33a: {  	v5 =	vand.u32 $0x6F, v59;
	v4 =	vand.u32 $0xC00, v4;
	v60 =	vshll.u32 v3, $0x9  }
0x33b: {  	v4 =	vor.u32 v4, v5;
	v3 =	vshll.u32 v3, $0x7;
	v6 =	vand.u32 $0xFFFFF000, v60  }
0x33c: {  	v3 =	vand.u32 $0x380, v3;
	v4 =	vor.u32 v6, v4  }
0x33d: {  	v3 =	vor.u32 v3, v4;
	_ =	sdelay $0x4  }
0x33e: {  	[tilespmem:v3+s12+$0x0] =	vst.idx.msk $0xffff, v2  }
0x33f: {  	v3 =	vld [tilespmem:s23+$0x10];
	_ =	sdelay $0x1  }
0x340: {  	s26 =	sadd.s32 $0x30, s22  }
0x341: {  	v61 =	vmov s26  }
0x342: {  	v62 =	vor.u32 s26, v0;
	v4 =	vshll.u32 v61, $0x3  }
0x343: {  	v5 =	vand.u32 $0x7F, v62;
	v4 =	vand.u32 $0xC00, v4;
	v63 =	vshll.u32 v3, $0x9  }
0x344: {  	v4 =	vor.u32 v4, v5;
	v3 =	vshll.u32 v3, $0x7;
	v6 =	vand.u32 $0xFFFFF000, v63  }
0x345: {  	v3 =	vand.u32 $0x380, v3;
	v4 =	vor.u32 v6, v4  }
0x346: {  	p0 =	sne.s32 s22, $0x1C0;
	v3 =	vor.u32 v3, v4  }
.Ltmp17:
0x347: {  	_ = 	snop;
	(pc) =	sbr.rel @p0 .LBB2_36-.Ltmp17, $2  }
0x348: {  	_ =	sdelay $0x2  }
0x349: {  	s22 =	sadd.s32 $0x40, s22;
	s23 =	sadd.s32 $0x40, s23;
	[tilespmem:v3+s12+$0x0] =	vst.idx.msk $0xffff, v2  }
0x34a: {  	[hbm4b:s31+s14] =	stream.strided.scatter [tilespmem:s12], [sflag:$0x1], $0xD000, s15, s14, $0x38;
	[tilespmem:$0x1A600] =	vst v63  }
0x34b: {  	s22 =	simm.s32 $0x0;
	s23 =	rddreg [dreg:$0xc]  }
0x34c: {  	[tilespmem:s22], [sflag:$0x3] =	stream.linear.gather [hbm4b:s23+s22], $0x200, $0x38;
	[tilespmem:$0x1A600] =	vst v63  }
0x34d: {  	_ =	swait.ge [sflag:s13], $0x200  }
0x34e: {  	[sflag:s13] =	ssyncset.done $0x0  }
0x34f: {  	[sflag:s13] =	ssyncadd.s32 $0xFFFFFE00  }
0x350: {  	_ =	swait.ge [sflag:s20], $0xD000  }
0x351: {  	[sflag:s20] =	ssyncset.done $0x0  }
0x352: {  	s24 =	simm.s32 $0x0;
	s23 =	simm.s32 $0x220;
	[sflag:s20] =	ssyncadd.s32 $0xFFFF3000  }
.LBB2_38:
0x353: {  	v3 =	vld [tilespmem:s23+$0xFFFFFFE0];
	_ =	sdelay $0x2  }
0x354: {  	v4 =	vmov s24  }
0x355: {  	v5 =	vor.u32 s24, v0;
	v4 =	vshll.u32 v4, $0x3  }
0x356: {  	v5 =	vand.u32 $0x4F, v5;
	v4 =	vand.u32 $0xC00, v4;
	v6 =	vshll.u32 v3, $0x9  }
0x357: {  	v4 =	vor.u32 v4, v5;
	v3 =	vshll.u32 v3, $0x7;
	v6 =	vand.u32 $0xFFFFF000, v6  }
0x358: {  	v3 =	vand.u32 $0x380, v3;
	v4 =	vor.u32 v6, v4  }
0x359: {  	v3 =	vor.u32 v3, v4;
	_ =	sdelay $0x4  }
0x35a: {  	[tilespmem:v3+s17+$0x0] =	vst.idx.msk $0xffff, v1  }
0x35b: {  	v3 =	vld [tilespmem:s23+$0xFFFFFFF0];
	_ =	sdelay $0x1  }
0x35c: {  	s25 =	sadd.s32 $0x10, s24  }
0x35d: {  	v55 =	vmov s25  }
0x35e: {  	v56 =	vor.u32 s25, v0;
	v4 =	vshll.u32 v55, $0x3  }
0x35f: {  	v5 =	vand.u32 $0x5F, v56;
	v4 =	vand.u32 $0xC00, v4;
	v57 =	vshll.u32 v3, $0x9  }
0x360: {  	v4 =	vor.u32 v4, v5;
	v3 =	vshll.u32 v3, $0x7;
	v6 =	vand.u32 $0xFFFFF000, v57  }
0x361: {  	v3 =	vand.u32 $0x380, v3;
	v4 =	vor.u32 v6, v4  }
0x362: {  	v3 =	vor.u32 v3, v4;
	_ =	sdelay $0x4  }
0x363: {  	[tilespmem:v3+s17+$0x0] =	vst.idx.msk $0xffff, v1  }
0x364: {  	v3 =	vld [tilespmem:s23+$0x0];
	_ =	sdelay $0x1  }
0x365: {  	s26 =	sadd.s32 $0x20, s24  }
0x366: {  	v58 =	vmov s26  }
0x367: {  	v59 =	vor.u32 s26, v0;
	v4 =	vshll.u32 v58, $0x3  }
0x368: {  	v5 =	vand.u32 $0x6F, v59;
	v4 =	vand.u32 $0xC00, v4;
	v60 =	vshll.u32 v3, $0x9  }
0x369: {  	v4 =	vor.u32 v4, v5;
	v3 =	vshll.u32 v3, $0x7;
	v6 =	vand.u32 $0xFFFFF000, v60  }
0x36a: {  	v3 =	vand.u32 $0x380, v3;
	v4 =	vor.u32 v6, v4  }
0x36b: {  	v3 =	vor.u32 v3, v4;
	_ =	sdelay $0x4  }
0x36c: {  	[tilespmem:v3+s17+$0x0] =	vst.idx.msk $0xffff, v1  }
0x36d: {  	v3 =	vld [tilespmem:s23+$0x10];
	_ =	sdelay $0x1  }
0x36e: {  	s26 =	sadd.s32 $0x30, s24  }
0x36f: {  	v61 =	vmov s26  }
0x370: {  	v62 =	vor.u32 s26, v0;
	v4 =	vshll.u32 v61, $0x3  }
0x371: {  	v5 =	vand.u32 $0x7F, v62;
	v4 =	vand.u32 $0xC00, v4;
	v63 =	vshll.u32 v3, $0x9  }
0x372: {  	v4 =	vor.u32 v4, v5;
	v3 =	vshll.u32 v3, $0x7;
	v6 =	vand.u32 $0xFFFFF000, v63  }
0x373: {  	v3 =	vand.u32 $0x380, v3;
	v4 =	vor.u32 v6, v4  }
0x374: {  	p0 =	sne.s32 s24, $0x1C0;
	v3 =	vor.u32 v3, v4  }
.Ltmp18:
0x375: {  	_ = 	snop;
	(pc) =	sbr.rel @p0 .LBB2_38-.Ltmp18, $2  }
0x376: {  	_ =	sdelay $0x2  }
0x377: {  	s24 =	sadd.s32 $0x40, s24;
	s23 =	sadd.s32 $0x40, s23;
	[tilespmem:v3+s17+$0x0] =	vst.idx.msk $0xffff, v1  }
0x378: {  	s23 =	simm.s32 $0x20  }
.LBB2_40:
0x379: {  	v3 =	vld [tilespmem:s23+$0xFFFFFFE0];
	_ =	sdelay $0x2  }
0x37a: {  	v4 =	vmov s22  }
0x37b: {  	v5 =	vor.u32 s22, v0;
	v4 =	vshll.u32 v4, $0x3  }
0x37c: {  	v5 =	vand.u32 $0x4F, v5;
	v4 =	vand.u32 $0xC00, v4;
	v6 =	vshll.u32 v3, $0x9  }
0x37d: {  	v4 =	vor.u32 v4, v5;
	v3 =	vshll.u32 v3, $0x7;
	v6 =	vand.u32 $0xFFFFF000, v6  }
0x37e: {  	v3 =	vand.u32 $0x380, v3;
	v4 =	vor.u32 v6, v4  }
0x37f: {  	v3 =	vor.u32 v3, v4;
	_ =	sdelay $0x4  }
0x380: {  	[tilespmem:v3+s17+$0x0] =	vst.idx.msk $0xffff, v2  }
0x381: {  	v3 =	vld [tilespmem:s23+$0xFFFFFFF0];
	_ =	sdelay $0x1  }
0x382: {  	s24 =	sadd.s32 $0x10, s22  }
0x383: {  	v55 =	vmov s24  }
0x384: {  	v56 =	vor.u32 s24, v0;
	v4 =	vshll.u32 v55, $0x3  }
0x385: {  	v5 =	vand.u32 $0x5F, v56;
	v4 =	vand.u32 $0xC00, v4;
	v57 =	vshll.u32 v3, $0x9  }
0x386: {  	v4 =	vor.u32 v4, v5;
	v3 =	vshll.u32 v3, $0x7;
	v6 =	vand.u32 $0xFFFFF000, v57  }
0x387: {  	v3 =	vand.u32 $0x380, v3;
	v4 =	vor.u32 v6, v4  }
0x388: {  	v3 =	vor.u32 v3, v4;
	_ =	sdelay $0x4  }
0x389: {  	[tilespmem:v3+s17+$0x0] =	vst.idx.msk $0xffff, v2  }
0x38a: {  	v3 =	vld [tilespmem:s23+$0x0];
	_ =	sdelay $0x1  }
0x38b: {  	s25 =	sadd.s32 $0x20, s22  }
0x38c: {  	v58 =	vmov s25  }
0x38d: {  	v59 =	vor.u32 s25, v0;
	v4 =	vshll.u32 v58, $0x3  }
0x38e: {  	v5 =	vand.u32 $0x6F, v59;
	v4 =	vand.u32 $0xC00, v4;
	v60 =	vshll.u32 v3, $0x9  }
0x38f: {  	v4 =	vor.u32 v4, v5;
	v3 =	vshll.u32 v3, $0x7;
	v6 =	vand.u32 $0xFFFFF000, v60  }
0x390: {  	v3 =	vand.u32 $0x380, v3;
	v4 =	vor.u32 v6, v4  }
0x391: {  	v3 =	vor.u32 v3, v4;
	_ =	sdelay $0x4  }
0x392: {  	[tilespmem:v3+s17+$0x0] =	vst.idx.msk $0xffff, v2  }
0x393: {  	v3 =	vld [tilespmem:s23+$0x10];
	_ =	sdelay $0x1  }
0x394: {  	s26 =	sadd.s32 $0x30, s22  }
0x395: {  	v61 =	vmov s26  }
0x396: {  	v62 =	vor.u32 s26, v0;
	v4 =	vshll.u32 v61, $0x3  }
0x397: {  	v5 =	vand.u32 $0x7F, v62;
	v4 =	vand.u32 $0xC00, v4;
	v63 =	vshll.u32 v3, $0x9  }
0x398: {  	v4 =	vor.u32 v4, v5;
	v3 =	vshll.u32 v3, $0x7;
	v6 =	vand.u32 $0xFFFFF000, v63  }
0x399: {  	v3 =	vand.u32 $0x380, v3;
	v4 =	vor.u32 v6, v4  }
0x39a: {  	p0 =	sne.s32 s22, $0x1C0;
	v3 =	vor.u32 v3, v4  }
.Ltmp19:
0x39b: {  	_ = 	snop;
	(pc) =	sbr.rel @p0 .LBB2_40-.Ltmp19, $2  }
0x39c: {  	_ =	sdelay $0x2  }
0x39d: {  	s22 =	sadd.s32 $0x40, s22;
	s23 =	sadd.s32 $0x40, s23;
	[tilespmem:v3+s17+$0x0] =	vst.idx.msk $0xffff, v2  }
0x39e: {  	[hbm4b:s0+s14] =	stream.strided.scatter [tilespmem:s17], [sflag:$0x2], $0xD000, s15, s14, $0x38;
	[tilespmem:$0x1A600] =	vst v63  }
0x39f: {  	s22 =	simm.s32 $0x0;
	s23 =	rddreg [dreg:$0xd]  }
0x3a0: {  	[tilespmem:s16], [sflag:$0x3] =	stream.linear.gather [hbm4b:s23+s22], $0x200, $0x38;
	[tilespmem:$0x1A600] =	vst v63  }
0x3a1: {  	_ =	swait.ge [sflag:s13], $0x200  }
0x3a2: {  	[sflag:s13] =	ssyncset.done $0x0  }
0x3a3: {  	[sflag:s13] =	ssyncadd.s32 $0xFFFFFE00  }
0x3a4: {  	_ =	swait.ge [sflag:s19], $0xD000  }
0x3a5: {  	[sflag:s19] =	ssyncset.done $0x0  }
0x3a6: {  	s24 =	simm.s32 $0x0;
	s23 =	simm.s32 $0x420;
	[sflag:s19] =	ssyncadd.s32 $0xFFFF3000  }
.LBB2_42:
0x3a7: {  	v3 =	vld [tilespmem:s23+$0xFFFFFFE0];
	_ =	sdelay $0x2  }
0x3a8: {  	v4 =	vmov s24  }
0x3a9: {  	v5 =	vor.u32 s24, v0;
	v4 =	vshll.u32 v4, $0x3  }
0x3aa: {  	v5 =	vand.u32 $0x4F, v5;
	v4 =	vand.u32 $0xC00, v4;
	v6 =	vshll.u32 v3, $0x9  }
0x3ab: {  	v4 =	vor.u32 v4, v5;
	v3 =	vshll.u32 v3, $0x7;
	v6 =	vand.u32 $0xFFFFF000, v6  }
0x3ac: {  	v3 =	vand.u32 $0x380, v3;
	v4 =	vor.u32 v6, v4  }
0x3ad: {  	v3 =	vor.u32 v3, v4;
	_ =	sdelay $0x4  }
0x3ae: {  	[tilespmem:v3+s12+$0x0] =	vst.idx.msk $0xffff, v1  }
0x3af: {  	v3 =	vld [tilespmem:s23+$0xFFFFFFF0];
	_ =	sdelay $0x1  }
0x3b0: {  	s25 =	sadd.s32 $0x10, s24  }
0x3b1: {  	v55 =	vmov s25  }
0x3b2: {  	v56 =	vor.u32 s25, v0;
	v4 =	vshll.u32 v55, $0x3  }
0x3b3: {  	v5 =	vand.u32 $0x5F, v56;
	v4 =	vand.u32 $0xC00, v4;
	v57 =	vshll.u32 v3, $0x9  }
0x3b4: {  	v4 =	vor.u32 v4, v5;
	v3 =	vshll.u32 v3, $0x7;
	v6 =	vand.u32 $0xFFFFF000, v57  }
0x3b5: {  	v3 =	vand.u32 $0x380, v3;
	v4 =	vor.u32 v6, v4  }
0x3b6: {  	v3 =	vor.u32 v3, v4;
	_ =	sdelay $0x4  }
0x3b7: {  	[tilespmem:v3+s12+$0x0] =	vst.idx.msk $0xffff, v1  }
0x3b8: {  	v3 =	vld [tilespmem:s23+$0x0];
	_ =	sdelay $0x1  }
0x3b9: {  	s26 =	sadd.s32 $0x20, s24  }
0x3ba: {  	v58 =	vmov s26  }
0x3bb: {  	v59 =	vor.u32 s26, v0;
	v4 =	vshll.u32 v58, $0x3  }
0x3bc: {  	v5 =	vand.u32 $0x6F, v59;
	v4 =	vand.u32 $0xC00, v4;
	v60 =	vshll.u32 v3, $0x9  }
0x3bd: {  	v4 =	vor.u32 v4, v5;
	v3 =	vshll.u32 v3, $0x7;
	v6 =	vand.u32 $0xFFFFF000, v60  }
0x3be: {  	v3 =	vand.u32 $0x380, v3;
	v4 =	vor.u32 v6, v4  }
0x3bf: {  	v3 =	vor.u32 v3, v4;
	_ =	sdelay $0x4  }
0x3c0: {  	[tilespmem:v3+s12+$0x0] =	vst.idx.msk $0xffff, v1  }
0x3c1: {  	v3 =	vld [tilespmem:s23+$0x10];
	_ =	sdelay $0x1  }
0x3c2: {  	s26 =	sadd.s32 $0x30, s24  }
0x3c3: {  	v61 =	vmov s26  }
0x3c4: {  	v62 =	vor.u32 s26, v0;
	v4 =	vshll.u32 v61, $0x3  }
0x3c5: {  	v5 =	vand.u32 $0x7F, v62;
	v4 =	vand.u32 $0xC00, v4;
	v63 =	vshll.u32 v3, $0x9  }
0x3c6: {  	v4 =	vor.u32 v4, v5;
	v3 =	vshll.u32 v3, $0x7;
	v6 =	vand.u32 $0xFFFFF000, v63  }
0x3c7: {  	v3 =	vand.u32 $0x380, v3;
	v4 =	vor.u32 v6, v4  }
0x3c8: {  	p0 =	sne.s32 s24, $0x1C0;
	v3 =	vor.u32 v3, v4  }
.Ltmp20:
0x3c9: {  	_ = 	snop;
	(pc) =	sbr.rel @p0 .LBB2_42-.Ltmp20, $2  }
0x3ca: {  	_ =	sdelay $0x2  }
0x3cb: {  	s24 =	sadd.s32 $0x40, s24;
	s23 =	sadd.s32 $0x40, s23;
	[tilespmem:v3+s12+$0x0] =	vst.idx.msk $0xffff, v1  }
0x3cc: {  	s23 =	simm.s32 $0x220  }
.LBB2_44:
0x3cd: {  	v3 =	vld [tilespmem:s23+$0xFFFFFFE0];
	_ =	sdelay $0x2  }
0x3ce: {  	v4 =	vmov s22  }
0x3cf: {  	v5 =	vor.u32 s22, v0;
	v4 =	vshll.u32 v4, $0x3  }
0x3d0: {  	v5 =	vand.u32 $0x4F, v5;
	v4 =	vand.u32 $0xC00, v4;
	v6 =	vshll.u32 v3, $0x9  }
0x3d1: {  	v4 =	vor.u32 v4, v5;
	v3 =	vshll.u32 v3, $0x7;
	v6 =	vand.u32 $0xFFFFF000, v6  }
0x3d2: {  	v3 =	vand.u32 $0x380, v3;
	v4 =	vor.u32 v6, v4  }
0x3d3: {  	v3 =	vor.u32 v3, v4;
	_ =	sdelay $0x4  }
0x3d4: {  	[tilespmem:v3+s12+$0x0] =	vst.idx.msk $0xffff, v2  }
0x3d5: {  	v3 =	vld [tilespmem:s23+$0xFFFFFFF0];
	_ =	sdelay $0x1  }
0x3d6: {  	s24 =	sadd.s32 $0x10, s22  }
0x3d7: {  	v55 =	vmov s24  }
0x3d8: {  	v56 =	vor.u32 s24, v0;
	v4 =	vshll.u32 v55, $0x3  }
0x3d9: {  	v5 =	vand.u32 $0x5F, v56;
	v4 =	vand.u32 $0xC00, v4;
	v57 =	vshll.u32 v3, $0x9  }
0x3da: {  	v4 =	vor.u32 v4, v5;
	v3 =	vshll.u32 v3, $0x7;
	v6 =	vand.u32 $0xFFFFF000, v57  }
0x3db: {  	v3 =	vand.u32 $0x380, v3;
	v4 =	vor.u32 v6, v4  }
0x3dc: {  	v3 =	vor.u32 v3, v4;
	_ =	sdelay $0x4  }
0x3dd: {  	[tilespmem:v3+s12+$0x0] =	vst.idx.msk $0xffff, v2  }
0x3de: {  	v3 =	vld [tilespmem:s23+$0x0];
	_ =	sdelay $0x1  }
0x3df: {  	s25 =	sadd.s32 $0x20, s22  }
0x3e0: {  	v58 =	vmov s25  }
0x3e1: {  	v59 =	vor.u32 s25, v0;
	v4 =	vshll.u32 v58, $0x3  }
0x3e2: {  	v5 =	vand.u32 $0x6F, v59;
	v4 =	vand.u32 $0xC00, v4;
	v60 =	vshll.u32 v3, $0x9  }
0x3e3: {  	v4 =	vor.u32 v4, v5;
	v3 =	vshll.u32 v3, $0x7;
	v6 =	vand.u32 $0xFFFFF000, v60  }
0x3e4: {  	v3 =	vand.u32 $0x380, v3;
	v4 =	vor.u32 v6, v4  }
0x3e5: {  	v3 =	vor.u32 v3, v4;
	_ =	sdelay $0x4  }
0x3e6: {  	[tilespmem:v3+s12+$0x0] =	vst.idx.msk $0xffff, v2  }
0x3e7: {  	v3 =	vld [tilespmem:s23+$0x10];
	_ =	sdelay $0x1  }
0x3e8: {  	s26 =	sadd.s32 $0x30, s22  }
0x3e9: {  	v61 =	vmov s26  }
0x3ea: {  	v62 =	vor.u32 s26, v0;
	v4 =	vshll.u32 v61, $0x3  }
0x3eb: {  	v5 =	vand.u32 $0x7F, v62;
	v4 =	vand.u32 $0xC00, v4;
	v63 =	vshll.u32 v3, $0x9  }
0x3ec: {  	v4 =	vor.u32 v4, v5;
	v3 =	vshll.u32 v3, $0x7;
	v6 =	vand.u32 $0xFFFFF000, v63  }
0x3ed: {  	v3 =	vand.u32 $0x380, v3;
	v4 =	vor.u32 v6, v4  }
0x3ee: {  	p0 =	sne.s32 s22, $0x1C0;
	v3 =	vor.u32 v3, v4  }
.Ltmp21:
0x3ef: {  	_ = 	snop;
	(pc) =	sbr.rel @p0 .LBB2_44-.Ltmp21, $2  }
0x3f0: {  	_ =	sdelay $0x2  }
0x3f1: {  	s22 =	sadd.s32 $0x40, s22;
	s23 =	sadd.s32 $0x40, s23;
	[tilespmem:v3+s12+$0x0] =	vst.idx.msk $0xffff, v2  }
0x3f2: {  	[hbm4b:s1+s14] =	stream.strided.scatter [tilespmem:s12], [sflag:$0x1], $0xD000, s15, s14, $0x38;
	[tilespmem:$0x1A600] =	vst v63  }
0x3f3: {  	s22 =	simm.s32 $0x0;
	s23 =	rddreg [dreg:$0xe]  }
0x3f4: {  	[tilespmem:s18], [sflag:$0x3] =	stream.linear.gather [hbm4b:s23+s22], $0x200, $0x38;
	[tilespmem:$0x1A600] =	vst v63  }
0x3f5: {  	_ =	swait.ge [sflag:s13], $0x200  }
0x3f6: {  	[sflag:s13] =	ssyncset.done $0x0  }
0x3f7: {  	[sflag:s13] =	ssyncadd.s32 $0xFFFFFE00  }
0x3f8: {  	_ =	swait.ge [sflag:s20], $0xD000  }
0x3f9: {  	[sflag:s20] =	ssyncset.done $0x0  }
0x3fa: {  	s24 =	simm.s32 $0x0;
	s23 =	simm.s32 $0x20;
	[sflag:s20] =	ssyncadd.s32 $0xFFFF3000  }
.LBB2_46:
0x3fb: {  	v3 =	vld [tilespmem:s23+$0xFFFFFFE0];
	_ =	sdelay $0x2  }
0x3fc: {  	v4 =	vmov s24  }
0x3fd: {  	v5 =	vor.u32 s24, v0;
	v4 =	vshll.u32 v4, $0x3  }
0x3fe: {  	v5 =	vand.u32 $0x4F, v5;
	v4 =	vand.u32 $0xC00, v4;
	v6 =	vshll.u32 v3, $0x9  }
0x3ff: {  	v4 =	vor.u32 v4, v5;
	v3 =	vshll.u32 v3, $0x7;
	v6 =	vand.u32 $0xFFFFF000, v6  }
0x400: {  	v3 =	vand.u32 $0x380, v3;
	v4 =	vor.u32 v6, v4  }
0x401: {  	v3 =	vor.u32 v3, v4;
	_ =	sdelay $0x4  }
0x402: {  	[tilespmem:v3+s17+$0x0] =	vst.idx.msk $0xffff, v1  }
0x403: {  	v3 =	vld [tilespmem:s23+$0xFFFFFFF0];
	_ =	sdelay $0x1  }
0x404: {  	s25 =	sadd.s32 $0x10, s24  }
0x405: {  	v55 =	vmov s25  }
0x406: {  	v56 =	vor.u32 s25, v0;
	v4 =	vshll.u32 v55, $0x3  }
0x407: {  	v5 =	vand.u32 $0x5F, v56;
	v4 =	vand.u32 $0xC00, v4;
	v57 =	vshll.u32 v3, $0x9  }
0x408: {  	v4 =	vor.u32 v4, v5;
	v3 =	vshll.u32 v3, $0x7;
	v6 =	vand.u32 $0xFFFFF000, v57  }
0x409: {  	v3 =	vand.u32 $0x380, v3;
	v4 =	vor.u32 v6, v4  }
0x40a: {  	v3 =	vor.u32 v3, v4;
	_ =	sdelay $0x4  }
0x40b: {  	[tilespmem:v3+s17+$0x0] =	vst.idx.msk $0xffff, v1  }
0x40c: {  	v3 =	vld [tilespmem:s23+$0x0];
	_ =	sdelay $0x1  }
0x40d: {  	s26 =	sadd.s32 $0x20, s24  }
0x40e: {  	v58 =	vmov s26  }
0x40f: {  	v59 =	vor.u32 s26, v0;
	v4 =	vshll.u32 v58, $0x3  }
0x410: {  	v5 =	vand.u32 $0x6F, v59;
	v4 =	vand.u32 $0xC00, v4;
	v60 =	vshll.u32 v3, $0x9  }
0x411: {  	v4 =	vor.u32 v4, v5;
	v3 =	vshll.u32 v3, $0x7;
	v6 =	vand.u32 $0xFFFFF000, v60  }
0x412: {  	v3 =	vand.u32 $0x380, v3;
	v4 =	vor.u32 v6, v4  }
0x413: {  	v3 =	vor.u32 v3, v4;
	_ =	sdelay $0x4  }
0x414: {  	[tilespmem:v3+s17+$0x0] =	vst.idx.msk $0xffff, v1  }
0x415: {  	v3 =	vld [tilespmem:s23+$0x10];
	_ =	sdelay $0x1  }
0x416: {  	s26 =	sadd.s32 $0x30, s24  }
0x417: {  	v61 =	vmov s26  }
0x418: {  	v62 =	vor.u32 s26, v0;
	v4 =	vshll.u32 v61, $0x3  }
0x419: {  	v5 =	vand.u32 $0x7F, v62;
	v4 =	vand.u32 $0xC00, v4;
	v63 =	vshll.u32 v3, $0x9  }
0x41a: {  	v4 =	vor.u32 v4, v5;
	v3 =	vshll.u32 v3, $0x7;
	v6 =	vand.u32 $0xFFFFF000, v63  }
0x41b: {  	v3 =	vand.u32 $0x380, v3;
	v4 =	vor.u32 v6, v4  }
0x41c: {  	p0 =	sne.s32 s24, $0x1C0;
	v3 =	vor.u32 v3, v4  }
.Ltmp22:
0x41d: {  	_ = 	snop;
	(pc) =	sbr.rel @p0 .LBB2_46-.Ltmp22, $2  }
0x41e: {  	_ =	sdelay $0x2  }
0x41f: {  	s24 =	sadd.s32 $0x40, s24;
	s23 =	sadd.s32 $0x40, s23;
	[tilespmem:v3+s17+$0x0] =	vst.idx.msk $0xffff, v1  }
0x420: {  	s23 =	simm.s32 $0x420  }
.LBB2_48:
0x421: {  	v3 =	vld [tilespmem:s23+$0xFFFFFFE0];
	_ =	sdelay $0x2  }
0x422: {  	v4 =	vmov s22  }
0x423: {  	v5 =	vor.u32 s22, v0;
	v4 =	vshll.u32 v4, $0x3  }
0x424: {  	v5 =	vand.u32 $0x4F, v5;
	v4 =	vand.u32 $0xC00, v4;
	v6 =	vshll.u32 v3, $0x9  }
0x425: {  	v4 =	vor.u32 v4, v5;
	v3 =	vshll.u32 v3, $0x7;
	v6 =	vand.u32 $0xFFFFF000, v6  }
0x426: {  	v3 =	vand.u32 $0x380, v3;
	v4 =	vor.u32 v6, v4  }
0x427: {  	v3 =	vor.u32 v3, v4;
	_ =	sdelay $0x4  }
0x428: {  	[tilespmem:v3+s17+$0x0] =	vst.idx.msk $0xffff, v2  }
0x429: {  	v3 =	vld [tilespmem:s23+$0xFFFFFFF0];
	_ =	sdelay $0x1  }
0x42a: {  	s24 =	sadd.s32 $0x10, s22  }
0x42b: {  	v55 =	vmov s24  }
0x42c: {  	v56 =	vor.u32 s24, v0;
	v4 =	vshll.u32 v55, $0x3  }
0x42d: {  	v5 =	vand.u32 $0x5F, v56;
	v4 =	vand.u32 $0xC00, v4;
	v57 =	vshll.u32 v3, $0x9  }
0x42e: {  	v4 =	vor.u32 v4, v5;
	v3 =	vshll.u32 v3, $0x7;
	v6 =	vand.u32 $0xFFFFF000, v57  }
0x42f: {  	v3 =	vand.u32 $0x380, v3;
	v4 =	vor.u32 v6, v4  }
0x430: {  	v3 =	vor.u32 v3, v4;
	_ =	sdelay $0x4  }
0x431: {  	[tilespmem:v3+s17+$0x0] =	vst.idx.msk $0xffff, v2  }
0x432: {  	v3 =	vld [tilespmem:s23+$0x0];
	_ =	sdelay $0x1  }
0x433: {  	s25 =	sadd.s32 $0x20, s22  }
0x434: {  	v58 =	vmov s25  }
0x435: {  	v59 =	vor.u32 s25, v0;
	v4 =	vshll.u32 v58, $0x3  }
0x436: {  	v5 =	vand.u32 $0x6F, v59;
	v4 =	vand.u32 $0xC00, v4;
	v60 =	vshll.u32 v3, $0x9  }
0x437: {  	v4 =	vor.u32 v4, v5;
	v3 =	vshll.u32 v3, $0x7;
	v6 =	vand.u32 $0xFFFFF000, v60  }
0x438: {  	v3 =	vand.u32 $0x380, v3;
	v4 =	vor.u32 v6, v4  }
0x439: {  	v3 =	vor.u32 v3, v4;
	_ =	sdelay $0x4  }
0x43a: {  	[tilespmem:v3+s17+$0x0] =	vst.idx.msk $0xffff, v2  }
0x43b: {  	v3 =	vld [tilespmem:s23+$0x10];
	_ =	sdelay $0x1  }
0x43c: {  	s26 =	sadd.s32 $0x30, s22  }
0x43d: {  	v61 =	vmov s26  }
0x43e: {  	v62 =	vor.u32 s26, v0;
	v4 =	vshll.u32 v61, $0x3  }
0x43f: {  	v5 =	vand.u32 $0x7F, v62;
	v4 =	vand.u32 $0xC00, v4;
	v63 =	vshll.u32 v3, $0x9  }
0x440: {  	v4 =	vor.u32 v4, v5;
	v3 =	vshll.u32 v3, $0x7;
	v6 =	vand.u32 $0xFFFFF000, v63  }
0x441: {  	v3 =	vand.u32 $0x380, v3;
	v4 =	vor.u32 v6, v4  }
0x442: {  	p0 =	sne.s32 s22, $0x1C0;
	v3 =	vor.u32 v3, v4  }
.Ltmp23:
0x443: {  	_ = 	snop;
	(pc) =	sbr.rel @p0 .LBB2_48-.Ltmp23, $2  }
0x444: {  	_ =	sdelay $0x2  }
0x445: {  	s22 =	sadd.s32 $0x40, s22;
	s23 =	sadd.s32 $0x40, s23;
	[tilespmem:v3+s17+$0x0] =	vst.idx.msk $0xffff, v2  }
0x446: {  	[hbm4b:s2+s14] =	stream.strided.scatter [tilespmem:s17], [sflag:$0x2], $0xD000, s15, s14, $0x38;
	[tilespmem:$0x1A600] =	vst v63  }
0x447: {  	s22 =	simm.s32 $0x0;
	s23 =	rddreg [dreg:$0xf]  }
0x448: {  	[tilespmem:s22], [sflag:$0x3] =	stream.linear.gather [hbm4b:s23+s22], $0x200, $0x38;
	[tilespmem:$0x1A600] =	vst v63  }
0x449: {  	_ =	swait.ge [sflag:s13], $0x200  }
0x44a: {  	[sflag:s13] =	ssyncset.done $0x0  }
0x44b: {  	[sflag:s13] =	ssyncadd.s32 $0xFFFFFE00  }
0x44c: {  	_ =	swait.ge [sflag:s19], $0xD000  }
0x44d: {  	[sflag:s19] =	ssyncset.done $0x0  }
0x44e: {  	s24 =	simm.s32 $0x0;
	s23 =	simm.s32 $0x220;
	[sflag:s19] =	ssyncadd.s32 $0xFFFF3000  }
.LBB2_50:
0x44f: {  	v3 =	vld [tilespmem:s23+$0xFFFFFFE0];
	_ =	sdelay $0x2  }
0x450: {  	v4 =	vmov s24  }
0x451: {  	v5 =	vor.u32 s24, v0;
	v4 =	vshll.u32 v4, $0x3  }
0x452: {  	v5 =	vand.u32 $0x4F, v5;
	v4 =	vand.u32 $0xC00, v4;
	v6 =	vshll.u32 v3, $0x9  }
0x453: {  	v4 =	vor.u32 v4, v5;
	v3 =	vshll.u32 v3, $0x7;
	v6 =	vand.u32 $0xFFFFF000, v6  }
0x454: {  	v3 =	vand.u32 $0x380, v3;
	v4 =	vor.u32 v6, v4  }
0x455: {  	v3 =	vor.u32 v3, v4;
	_ =	sdelay $0x4  }
0x456: {  	[tilespmem:v3+s12+$0x0] =	vst.idx.msk $0xffff, v1  }
0x457: {  	v3 =	vld [tilespmem:s23+$0xFFFFFFF0];
	_ =	sdelay $0x1  }
0x458: {  	s25 =	sadd.s32 $0x10, s24  }
0x459: {  	v55 =	vmov s25  }
0x45a: {  	v56 =	vor.u32 s25, v0;
	v4 =	vshll.u32 v55, $0x3  }
0x45b: {  	v5 =	vand.u32 $0x5F, v56;
	v4 =	vand.u32 $0xC00, v4;
	v57 =	vshll.u32 v3, $0x9  }
0x45c: {  	v4 =	vor.u32 v4, v5;
	v3 =	vshll.u32 v3, $0x7;
	v6 =	vand.u32 $0xFFFFF000, v57  }
0x45d: {  	v3 =	vand.u32 $0x380, v3;
	v4 =	vor.u32 v6, v4  }
0x45e: {  	v3 =	vor.u32 v3, v4;
	_ =	sdelay $0x4  }
0x45f: {  	[tilespmem:v3+s12+$0x0] =	vst.idx.msk $0xffff, v1  }
0x460: {  	v3 =	vld [tilespmem:s23+$0x0];
	_ =	sdelay $0x1  }
0x461: {  	s26 =	sadd.s32 $0x20, s24  }
0x462: {  	v58 =	vmov s26  }
0x463: {  	v59 =	vor.u32 s26, v0;
	v4 =	vshll.u32 v58, $0x3  }
0x464: {  	v5 =	vand.u32 $0x6F, v59;
	v4 =	vand.u32 $0xC00, v4;
	v60 =	vshll.u32 v3, $0x9  }
0x465: {  	v4 =	vor.u32 v4, v5;
	v3 =	vshll.u32 v3, $0x7;
	v6 =	vand.u32 $0xFFFFF000, v60  }
0x466: {  	v3 =	vand.u32 $0x380, v3;
	v4 =	vor.u32 v6, v4  }
0x467: {  	v3 =	vor.u32 v3, v4;
	_ =	sdelay $0x4  }
0x468: {  	[tilespmem:v3+s12+$0x0] =	vst.idx.msk $0xffff, v1  }
0x469: {  	v3 =	vld [tilespmem:s23+$0x10];
	_ =	sdelay $0x1  }
0x46a: {  	s26 =	sadd.s32 $0x30, s24  }
0x46b: {  	v61 =	vmov s26  }
0x46c: {  	v62 =	vor.u32 s26, v0;
	v4 =	vshll.u32 v61, $0x3  }
0x46d: {  	v5 =	vand.u32 $0x7F, v62;
	v4 =	vand.u32 $0xC00, v4;
	v63 =	vshll.u32 v3, $0x9  }
0x46e: {  	v4 =	vor.u32 v4, v5;
	v3 =	vshll.u32 v3, $0x7;
	v6 =	vand.u32 $0xFFFFF000, v63  }
0x46f: {  	v3 =	vand.u32 $0x380, v3;
	v4 =	vor.u32 v6, v4  }
0x470: {  	p0 =	sne.s32 s24, $0x1C0;
	v3 =	vor.u32 v3, v4  }
.Ltmp24:
0x471: {  	_ = 	snop;
	(pc) =	sbr.rel @p0 .LBB2_50-.Ltmp24, $2  }
0x472: {  	_ =	sdelay $0x2  }
0x473: {  	s24 =	sadd.s32 $0x40, s24;
	s23 =	sadd.s32 $0x40, s23;
	[tilespmem:v3+s12+$0x0] =	vst.idx.msk $0xffff, v1  }
0x474: {  	s23 =	simm.s32 $0x20  }
.LBB2_52:
0x475: {  	v3 =	vld [tilespmem:s23+$0xFFFFFFE0];
	_ =	sdelay $0x2  }
0x476: {  	v4 =	vmov s22  }
0x477: {  	v5 =	vor.u32 s22, v0;
	v4 =	vshll.u32 v4, $0x3  }
0x478: {  	v5 =	vand.u32 $0x4F, v5;
	v4 =	vand.u32 $0xC00, v4;
	v6 =	vshll.u32 v3, $0x9  }
0x479: {  	v4 =	vor.u32 v4, v5;
	v3 =	vshll.u32 v3, $0x7;
	v6 =	vand.u32 $0xFFFFF000, v6  }
0x47a: {  	v3 =	vand.u32 $0x380, v3;
	v4 =	vor.u32 v6, v4  }
0x47b: {  	v3 =	vor.u32 v3, v4;
	_ =	sdelay $0x4  }
0x47c: {  	[tilespmem:v3+s12+$0x0] =	vst.idx.msk $0xffff, v2  }
0x47d: {  	v3 =	vld [tilespmem:s23+$0xFFFFFFF0];
	_ =	sdelay $0x1  }
0x47e: {  	s24 =	sadd.s32 $0x10, s22  }
0x47f: {  	v55 =	vmov s24  }
0x480: {  	v56 =	vor.u32 s24, v0;
	v4 =	vshll.u32 v55, $0x3  }
0x481: {  	v5 =	vand.u32 $0x5F, v56;
	v4 =	vand.u32 $0xC00, v4;
	v57 =	vshll.u32 v3, $0x9  }
0x482: {  	v4 =	vor.u32 v4, v5;
	v3 =	vshll.u32 v3, $0x7;
	v6 =	vand.u32 $0xFFFFF000, v57  }
0x483: {  	v3 =	vand.u32 $0x380, v3;
	v4 =	vor.u32 v6, v4  }
0x484: {  	v3 =	vor.u32 v3, v4;
	_ =	sdelay $0x4  }
0x485: {  	[tilespmem:v3+s12+$0x0] =	vst.idx.msk $0xffff, v2  }
0x486: {  	v3 =	vld [tilespmem:s23+$0x0];
	_ =	sdelay $0x1  }
0x487: {  	s25 =	sadd.s32 $0x20, s22  }
0x488: {  	v58 =	vmov s25  }
0x489: {  	v59 =	vor.u32 s25, v0;
	v4 =	vshll.u32 v58, $0x3  }
0x48a: {  	v5 =	vand.u32 $0x6F, v59;
	v4 =	vand.u32 $0xC00, v4;
	v60 =	vshll.u32 v3, $0x9  }
0x48b: {  	v4 =	vor.u32 v4, v5;
	v3 =	vshll.u32 v3, $0x7;
	v6 =	vand.u32 $0xFFFFF000, v60  }
0x48c: {  	v3 =	vand.u32 $0x380, v3;
	v4 =	vor.u32 v6, v4  }
0x48d: {  	v3 =	vor.u32 v3, v4;
	_ =	sdelay $0x4  }
0x48e: {  	[tilespmem:v3+s12+$0x0] =	vst.idx.msk $0xffff, v2  }
0x48f: {  	v3 =	vld [tilespmem:s23+$0x10];
	_ =	sdelay $0x1  }
0x490: {  	s26 =	sadd.s32 $0x30, s22  }
0x491: {  	v61 =	vmov s26  }
0x492: {  	v62 =	vor.u32 s26, v0;
	v4 =	vshll.u32 v61, $0x3  }
0x493: {  	v5 =	vand.u32 $0x7F, v62;
	v4 =	vand.u32 $0xC00, v4;
	v63 =	vshll.u32 v3, $0x9  }
0x494: {  	v4 =	vor.u32 v4, v5;
	v3 =	vshll.u32 v3, $0x7;
	v6 =	vand.u32 $0xFFFFF000, v63  }
0x495: {  	v3 =	vand.u32 $0x380, v3;
	v4 =	vor.u32 v6, v4  }
0x496: {  	p0 =	sne.s32 s22, $0x1C0;
	v3 =	vor.u32 v3, v4  }
.Ltmp25:
0x497: {  	_ = 	snop;
	(pc) =	sbr.rel @p0 .LBB2_52-.Ltmp25, $2  }
0x498: {  	_ =	sdelay $0x2  }
0x499: {  	s22 =	sadd.s32 $0x40, s22;
	s23 =	sadd.s32 $0x40, s23;
	[tilespmem:v3+s12+$0x0] =	vst.idx.msk $0xffff, v2  }
0x49a: {  	[hbm4b:s3+s14] =	stream.strided.scatter [tilespmem:s12], [sflag:$0x1], $0xD000, s15, s14, $0x38;
	[tilespmem:$0x1A600] =	vst v63  }
0x49b: {  	s22 =	simm.s32 $0x0;
	s23 =	rddreg [dreg:$0x10]  }
0x49c: {  	[tilespmem:s16], [sflag:$0x3] =	stream.linear.gather [hbm4b:s23+s22], $0x200, $0x38;
	[tilespmem:$0x1A600] =	vst v63  }
0x49d: {  	_ =	swait.ge [sflag:s13], $0x200  }
0x49e: {  	[sflag:s13] =	ssyncset.done $0x0  }
0x49f: {  	[sflag:s13] =	ssyncadd.s32 $0xFFFFFE00  }
0x4a0: {  	_ =	swait.ge [sflag:s20], $0xD000  }
0x4a1: {  	[sflag:s20] =	ssyncset.done $0x0  }
0x4a2: {  	s24 =	simm.s32 $0x0;
	s23 =	simm.s32 $0x420;
	[sflag:s20] =	ssyncadd.s32 $0xFFFF3000  }
.LBB2_54:
0x4a3: {  	v3 =	vld [tilespmem:s23+$0xFFFFFFE0];
	_ =	sdelay $0x2  }
0x4a4: {  	v4 =	vmov s24  }
0x4a5: {  	v5 =	vor.u32 s24, v0;
	v4 =	vshll.u32 v4, $0x3  }
0x4a6: {  	v5 =	vand.u32 $0x4F, v5;
	v4 =	vand.u32 $0xC00, v4;
	v6 =	vshll.u32 v3, $0x9  }
0x4a7: {  	v4 =	vor.u32 v4, v5;
	v3 =	vshll.u32 v3, $0x7;
	v6 =	vand.u32 $0xFFFFF000, v6  }
0x4a8: {  	v3 =	vand.u32 $0x380, v3;
	v4 =	vor.u32 v6, v4  }
0x4a9: {  	v3 =	vor.u32 v3, v4;
	_ =	sdelay $0x4  }
0x4aa: {  	[tilespmem:v3+s17+$0x0] =	vst.idx.msk $0xffff, v1  }
0x4ab: {  	v3 =	vld [tilespmem:s23+$0xFFFFFFF0];
	_ =	sdelay $0x1  }
0x4ac: {  	s25 =	sadd.s32 $0x10, s24  }
0x4ad: {  	v55 =	vmov s25  }
0x4ae: {  	v56 =	vor.u32 s25, v0;
	v4 =	vshll.u32 v55, $0x3  }
0x4af: {  	v5 =	vand.u32 $0x5F, v56;
	v4 =	vand.u32 $0xC00, v4;
	v57 =	vshll.u32 v3, $0x9  }
0x4b0: {  	v4 =	vor.u32 v4, v5;
	v3 =	vshll.u32 v3, $0x7;
	v6 =	vand.u32 $0xFFFFF000, v57  }
0x4b1: {  	v3 =	vand.u32 $0x380, v3;
	v4 =	vor.u32 v6, v4  }
0x4b2: {  	v3 =	vor.u32 v3, v4;
	_ =	sdelay $0x4  }
0x4b3: {  	[tilespmem:v3+s17+$0x0] =	vst.idx.msk $0xffff, v1  }
0x4b4: {  	v3 =	vld [tilespmem:s23+$0x0];
	_ =	sdelay $0x1  }
0x4b5: {  	s26 =	sadd.s32 $0x20, s24  }
0x4b6: {  	v58 =	vmov s26  }
0x4b7: {  	v59 =	vor.u32 s26, v0;
	v4 =	vshll.u32 v58, $0x3  }
0x4b8: {  	v5 =	vand.u32 $0x6F, v59;
	v4 =	vand.u32 $0xC00, v4;
	v60 =	vshll.u32 v3, $0x9  }
0x4b9: {  	v4 =	vor.u32 v4, v5;
	v3 =	vshll.u32 v3, $0x7;
	v6 =	vand.u32 $0xFFFFF000, v60  }
0x4ba: {  	v3 =	vand.u32 $0x380, v3;
	v4 =	vor.u32 v6, v4  }
0x4bb: {  	v3 =	vor.u32 v3, v4;
	_ =	sdelay $0x4  }
0x4bc: {  	[tilespmem:v3+s17+$0x0] =	vst.idx.msk $0xffff, v1  }
0x4bd: {  	v3 =	vld [tilespmem:s23+$0x10];
	_ =	sdelay $0x1  }
0x4be: {  	s26 =	sadd.s32 $0x30, s24  }
0x4bf: {  	v61 =	vmov s26  }
0x4c0: {  	v62 =	vor.u32 s26, v0;
	v4 =	vshll.u32 v61, $0x3  }
0x4c1: {  	v5 =	vand.u32 $0x7F, v62;
	v4 =	vand.u32 $0xC00, v4;
	v63 =	vshll.u32 v3, $0x9  }
0x4c2: {  	v4 =	vor.u32 v4, v5;
	v3 =	vshll.u32 v3, $0x7;
	v6 =	vand.u32 $0xFFFFF000, v63  }
0x4c3: {  	v3 =	vand.u32 $0x380, v3;
	v4 =	vor.u32 v6, v4  }
0x4c4: {  	p0 =	sne.s32 s24, $0x1C0;
	v3 =	vor.u32 v3, v4  }
.Ltmp26:
0x4c5: {  	_ = 	snop;
	(pc) =	sbr.rel @p0 .LBB2_54-.Ltmp26, $2  }
0x4c6: {  	_ =	sdelay $0x2  }
0x4c7: {  	s24 =	sadd.s32 $0x40, s24;
	s23 =	sadd.s32 $0x40, s23;
	[tilespmem:v3+s17+$0x0] =	vst.idx.msk $0xffff, v1  }
0x4c8: {  	s23 =	simm.s32 $0x220  }
.LBB2_56:
0x4c9: {  	v3 =	vld [tilespmem:s23+$0xFFFFFFE0];
	_ =	sdelay $0x2  }
0x4ca: {  	v4 =	vmov s22  }
0x4cb: {  	v5 =	vor.u32 s22, v0;
	v4 =	vshll.u32 v4, $0x3  }
0x4cc: {  	v5 =	vand.u32 $0x4F, v5;
	v4 =	vand.u32 $0xC00, v4;
	v6 =	vshll.u32 v3, $0x9  }
0x4cd: {  	v4 =	vor.u32 v4, v5;
	v3 =	vshll.u32 v3, $0x7;
	v6 =	vand.u32 $0xFFFFF000, v6  }
0x4ce: {  	v3 =	vand.u32 $0x380, v3;
	v4 =	vor.u32 v6, v4  }
0x4cf: {  	v3 =	vor.u32 v3, v4;
	_ =	sdelay $0x4  }
0x4d0: {  	[tilespmem:v3+s17+$0x0] =	vst.idx.msk $0xffff, v2  }
0x4d1: {  	v3 =	vld [tilespmem:s23+$0xFFFFFFF0];
	_ =	sdelay $0x1  }
0x4d2: {  	s24 =	sadd.s32 $0x10, s22  }
0x4d3: {  	v55 =	vmov s24  }
0x4d4: {  	v56 =	vor.u32 s24, v0;
	v4 =	vshll.u32 v55, $0x3  }
0x4d5: {  	v5 =	vand.u32 $0x5F, v56;
	v4 =	vand.u32 $0xC00, v4;
	v57 =	vshll.u32 v3, $0x9  }
0x4d6: {  	v4 =	vor.u32 v4, v5;
	v3 =	vshll.u32 v3, $0x7;
	v6 =	vand.u32 $0xFFFFF000, v57  }
0x4d7: {  	v3 =	vand.u32 $0x380, v3;
	v4 =	vor.u32 v6, v4  }
0x4d8: {  	v3 =	vor.u32 v3, v4;
	_ =	sdelay $0x4  }
0x4d9: {  	[tilespmem:v3+s17+$0x0] =	vst.idx.msk $0xffff, v2  }
0x4da: {  	v3 =	vld [tilespmem:s23+$0x0];
	_ =	sdelay $0x1  }
0x4db: {  	s25 =	sadd.s32 $0x20, s22  }
0x4dc: {  	v58 =	vmov s25  }
0x4dd: {  	v59 =	vor.u32 s25, v0;
	v4 =	vshll.u32 v58, $0x3  }
0x4de: {  	v5 =	vand.u32 $0x6F, v59;
	v4 =	vand.u32 $0xC00, v4;
	v60 =	vshll.u32 v3, $0x9  }
0x4df: {  	v4 =	vor.u32 v4, v5;
	v3 =	vshll.u32 v3, $0x7;
	v6 =	vand.u32 $0xFFFFF000, v60  }
0x4e0: {  	v3 =	vand.u32 $0x380, v3;
	v4 =	vor.u32 v6, v4  }
0x4e1: {  	v3 =	vor.u32 v3, v4;
	_ =	sdelay $0x4  }
0x4e2: {  	[tilespmem:v3+s17+$0x0] =	vst.idx.msk $0xffff, v2  }
0x4e3: {  	v3 =	vld [tilespmem:s23+$0x10];
	_ =	sdelay $0x1  }
0x4e4: {  	s26 =	sadd.s32 $0x30, s22  }
0x4e5: {  	v61 =	vmov s26  }
0x4e6: {  	v62 =	vor.u32 s26, v0;
	v4 =	vshll.u32 v61, $0x3  }
0x4e7: {  	v5 =	vand.u32 $0x7F, v62;
	v4 =	vand.u32 $0xC00, v4;
	v63 =	vshll.u32 v3, $0x9  }
0x4e8: {  	v4 =	vor.u32 v4, v5;
	v3 =	vshll.u32 v3, $0x7;
	v6 =	vand.u32 $0xFFFFF000, v63  }
0x4e9: {  	v3 =	vand.u32 $0x380, v3;
	v4 =	vor.u32 v6, v4  }
0x4ea: {  	p0 =	sne.s32 s22, $0x1C0;
	v3 =	vor.u32 v3, v4  }
.Ltmp27:
0x4eb: {  	_ = 	snop;
	(pc) =	sbr.rel @p0 .LBB2_56-.Ltmp27, $2  }
0x4ec: {  	_ =	sdelay $0x2  }
0x4ed: {  	s22 =	sadd.s32 $0x40, s22;
	s23 =	sadd.s32 $0x40, s23;
	[tilespmem:v3+s17+$0x0] =	vst.idx.msk $0xffff, v2  }
0x4ee: {  	[hbm4b:s4+s14] =	stream.strided.scatter [tilespmem:s17], [sflag:$0x2], $0xD000, s15, s14, $0x38;
	[tilespmem:$0x1A600] =	vst v63  }
0x4ef: {  	s22 =	simm.s32 $0x0;
	s23 =	rddreg [dreg:$0x11]  }
0x4f0: {  	[tilespmem:s18], [sflag:$0x3] =	stream.linear.gather [hbm4b:s23+s22], $0x200, $0x38;
	[tilespmem:$0x1A600] =	vst v63  }
0x4f1: {  	_ =	swait.ge [sflag:s13], $0x200  }
0x4f2: {  	[sflag:s13] =	ssyncset.done $0x0  }
0x4f3: {  	[sflag:s13] =	ssyncadd.s32 $0xFFFFFE00  }
0x4f4: {  	_ =	swait.ge [sflag:s19], $0xD000  }
0x4f5: {  	[sflag:s19] =	ssyncset.done $0x0  }
0x4f6: {  	s24 =	simm.s32 $0x0;
	s23 =	simm.s32 $0x20;
	[sflag:s19] =	ssyncadd.s32 $0xFFFF3000  }
.LBB2_58:
0x4f7: {  	v3 =	vld [tilespmem:s23+$0xFFFFFFE0];
	_ =	sdelay $0x2  }
0x4f8: {  	v4 =	vmov s24  }
0x4f9: {  	v5 =	vor.u32 s24, v0;
	v4 =	vshll.u32 v4, $0x3  }
0x4fa: {  	v5 =	vand.u32 $0x4F, v5;
	v4 =	vand.u32 $0xC00, v4;
	v6 =	vshll.u32 v3, $0x9  }
0x4fb: {  	v4 =	vor.u32 v4, v5;
	v3 =	vshll.u32 v3, $0x7;
	v6 =	vand.u32 $0xFFFFF000, v6  }
0x4fc: {  	v3 =	vand.u32 $0x380, v3;
	v4 =	vor.u32 v6, v4  }
0x4fd: {  	v3 =	vor.u32 v3, v4;
	_ =	sdelay $0x4  }
0x4fe: {  	[tilespmem:v3+s12+$0x0] =	vst.idx.msk $0xffff, v1  }
0x4ff: {  	v3 =	vld [tilespmem:s23+$0xFFFFFFF0];
	_ =	sdelay $0x1  }
0x500: {  	s25 =	sadd.s32 $0x10, s24  }
0x501: {  	v55 =	vmov s25  }
0x502: {  	v56 =	vor.u32 s25, v0;
	v4 =	vshll.u32 v55, $0x3  }
0x503: {  	v5 =	vand.u32 $0x5F, v56;
	v4 =	vand.u32 $0xC00, v4;
	v57 =	vshll.u32 v3, $0x9  }
0x504: {  	v4 =	vor.u32 v4, v5;
	v3 =	vshll.u32 v3, $0x7;
	v6 =	vand.u32 $0xFFFFF000, v57  }
0x505: {  	v3 =	vand.u32 $0x380, v3;
	v4 =	vor.u32 v6, v4  }
0x506: {  	v3 =	vor.u32 v3, v4;
	_ =	sdelay $0x4  }
0x507: {  	[tilespmem:v3+s12+$0x0] =	vst.idx.msk $0xffff, v1  }
0x508: {  	v3 =	vld [tilespmem:s23+$0x0];
	_ =	sdelay $0x1  }
0x509: {  	s26 =	sadd.s32 $0x20, s24  }
0x50a: {  	v58 =	vmov s26  }
0x50b: {  	v59 =	vor.u32 s26, v0;
	v4 =	vshll.u32 v58, $0x3  }
0x50c: {  	v5 =	vand.u32 $0x6F, v59;
	v4 =	vand.u32 $0xC00, v4;
	v60 =	vshll.u32 v3, $0x9  }
0x50d: {  	v4 =	vor.u32 v4, v5;
	v3 =	vshll.u32 v3, $0x7;
	v6 =	vand.u32 $0xFFFFF000, v60  }
0x50e: {  	v3 =	vand.u32 $0x380, v3;
	v4 =	vor.u32 v6, v4  }
0x50f: {  	v3 =	vor.u32 v3, v4;
	_ =	sdelay $0x4  }
0x510: {  	[tilespmem:v3+s12+$0x0] =	vst.idx.msk $0xffff, v1  }
0x511: {  	v3 =	vld [tilespmem:s23+$0x10];
	_ =	sdelay $0x1  }
0x512: {  	s26 =	sadd.s32 $0x30, s24  }
0x513: {  	v61 =	vmov s26  }
0x514: {  	v62 =	vor.u32 s26, v0;
	v4 =	vshll.u32 v61, $0x3  }
0x515: {  	v5 =	vand.u32 $0x7F, v62;
	v4 =	vand.u32 $0xC00, v4;
	v63 =	vshll.u32 v3, $0x9  }
0x516: {  	v4 =	vor.u32 v4, v5;
	v3 =	vshll.u32 v3, $0x7;
	v6 =	vand.u32 $0xFFFFF000, v63  }
0x517: {  	v3 =	vand.u32 $0x380, v3;
	v4 =	vor.u32 v6, v4  }
0x518: {  	p0 =	sne.s32 s24, $0x1C0;
	v3 =	vor.u32 v3, v4  }
.Ltmp28:
0x519: {  	_ = 	snop;
	(pc) =	sbr.rel @p0 .LBB2_58-.Ltmp28, $2  }
0x51a: {  	_ =	sdelay $0x2  }
0x51b: {  	s24 =	sadd.s32 $0x40, s24;
	s23 =	sadd.s32 $0x40, s23;
	[tilespmem:v3+s12+$0x0] =	vst.idx.msk $0xffff, v1  }
0x51c: {  	s23 =	simm.s32 $0x420  }
.LBB2_60:
0x51d: {  	v3 =	vld [tilespmem:s23+$0xFFFFFFE0];
	_ =	sdelay $0x2  }
0x51e: {  	v4 =	vmov s22  }
0x51f: {  	v5 =	vor.u32 s22, v0;
	v4 =	vshll.u32 v4, $0x3  }
0x520: {  	v5 =	vand.u32 $0x4F, v5;
	v4 =	vand.u32 $0xC00, v4;
	v6 =	vshll.u32 v3, $0x9  }
0x521: {  	v4 =	vor.u32 v4, v5;
	v3 =	vshll.u32 v3, $0x7;
	v6 =	vand.u32 $0xFFFFF000, v6  }
0x522: {  	v3 =	vand.u32 $0x380, v3;
	v4 =	vor.u32 v6, v4  }
0x523: {  	v3 =	vor.u32 v3, v4;
	_ =	sdelay $0x4  }
0x524: {  	[tilespmem:v3+s12+$0x0] =	vst.idx.msk $0xffff, v2  }
0x525: {  	v3 =	vld [tilespmem:s23+$0xFFFFFFF0];
	_ =	sdelay $0x1  }
0x526: {  	s24 =	sadd.s32 $0x10, s22  }
0x527: {  	v55 =	vmov s24  }
0x528: {  	v56 =	vor.u32 s24, v0;
	v4 =	vshll.u32 v55, $0x3  }
0x529: {  	v5 =	vand.u32 $0x5F, v56;
	v4 =	vand.u32 $0xC00, v4;
	v57 =	vshll.u32 v3, $0x9  }
0x52a: {  	v4 =	vor.u32 v4, v5;
	v3 =	vshll.u32 v3, $0x7;
	v6 =	vand.u32 $0xFFFFF000, v57  }
0x52b: {  	v3 =	vand.u32 $0x380, v3;
	v4 =	vor.u32 v6, v4  }
0x52c: {  	v3 =	vor.u32 v3, v4;
	_ =	sdelay $0x4  }
0x52d: {  	[tilespmem:v3+s12+$0x0] =	vst.idx.msk $0xffff, v2  }
0x52e: {  	v3 =	vld [tilespmem:s23+$0x0];
	_ =	sdelay $0x1  }
0x52f: {  	s25 =	sadd.s32 $0x20, s22  }
0x530: {  	v58 =	vmov s25  }
0x531: {  	v59 =	vor.u32 s25, v0;
	v4 =	vshll.u32 v58, $0x3  }
0x532: {  	v5 =	vand.u32 $0x6F, v59;
	v4 =	vand.u32 $0xC00, v4;
	v60 =	vshll.u32 v3, $0x9  }
0x533: {  	v4 =	vor.u32 v4, v5;
	v3 =	vshll.u32 v3, $0x7;
	v6 =	vand.u32 $0xFFFFF000, v60  }
0x534: {  	v3 =	vand.u32 $0x380, v3;
	v4 =	vor.u32 v6, v4  }
0x535: {  	v3 =	vor.u32 v3, v4;
	_ =	sdelay $0x4  }
0x536: {  	[tilespmem:v3+s12+$0x0] =	vst.idx.msk $0xffff, v2  }
0x537: {  	v3 =	vld [tilespmem:s23+$0x10];
	_ =	sdelay $0x1  }
0x538: {  	s26 =	sadd.s32 $0x30, s22  }
0x539: {  	v61 =	vmov s26  }
0x53a: {  	v62 =	vor.u32 s26, v0;
	v4 =	vshll.u32 v61, $0x3  }
0x53b: {  	v5 =	vand.u32 $0x7F, v62;
	v4 =	vand.u32 $0xC00, v4;
	v63 =	vshll.u32 v3, $0x9  }
0x53c: {  	v4 =	vor.u32 v4, v5;
	v3 =	vshll.u32 v3, $0x7;
	v6 =	vand.u32 $0xFFFFF000, v63  }
0x53d: {  	v3 =	vand.u32 $0x380, v3;
	v4 =	vor.u32 v6, v4  }
0x53e: {  	p0 =	sne.s32 s22, $0x1C0;
	v3 =	vor.u32 v3, v4  }
.Ltmp29:
0x53f: {  	_ = 	snop;
	(pc) =	sbr.rel @p0 .LBB2_60-.Ltmp29, $2  }
0x540: {  	_ =	sdelay $0x2  }
0x541: {  	s22 =	sadd.s32 $0x40, s22;
	s23 =	sadd.s32 $0x40, s23;
	[tilespmem:v3+s12+$0x0] =	vst.idx.msk $0xffff, v2  }
0x542: {  	[hbm4b:s5+s14] =	stream.strided.scatter [tilespmem:s12], [sflag:$0x1], $0xD000, s15, s14, $0x38;
	[tilespmem:$0x1A600] =	vst v63  }
0x543: {  	s22 =	simm.s32 $0x0;
	s23 =	rddreg [dreg:$0x12]  }
0x544: {  	[tilespmem:s22], [sflag:$0x3] =	stream.linear.gather [hbm4b:s23+s22], $0x200, $0x38;
	[tilespmem:$0x1A600] =	vst v63  }
0x545: {  	_ =	swait.ge [sflag:s13], $0x200  }
0x546: {  	[sflag:s13] =	ssyncset.done $0x0  }
0x547: {  	[sflag:s13] =	ssyncadd.s32 $0xFFFFFE00  }
0x548: {  	_ =	swait.ge [sflag:s20], $0xD000  }
0x549: {  	[sflag:s20] =	ssyncset.done $0x0  }
0x54a: {  	s24 =	simm.s32 $0x0;
	s23 =	simm.s32 $0x220;
	[sflag:s20] =	ssyncadd.s32 $0xFFFF3000  }
.LBB2_62:
0x54b: {  	v3 =	vld [tilespmem:s23+$0xFFFFFFE0];
	_ =	sdelay $0x2  }
0x54c: {  	v4 =	vmov s24  }
0x54d: {  	v5 =	vor.u32 s24, v0;
	v4 =	vshll.u32 v4, $0x3  }
0x54e: {  	v5 =	vand.u32 $0x4F, v5;
	v4 =	vand.u32 $0xC00, v4;
	v6 =	vshll.u32 v3, $0x9  }
0x54f: {  	v4 =	vor.u32 v4, v5;
	v3 =	vshll.u32 v3, $0x7;
	v6 =	vand.u32 $0xFFFFF000, v6  }
0x550: {  	v3 =	vand.u32 $0x380, v3;
	v4 =	vor.u32 v6, v4  }
0x551: {  	v3 =	vor.u32 v3, v4;
	_ =	sdelay $0x4  }
0x552: {  	[tilespmem:v3+s17+$0x0] =	vst.idx.msk $0xffff, v1  }
0x553: {  	v3 =	vld [tilespmem:s23+$0xFFFFFFF0];
	_ =	sdelay $0x1  }
0x554: {  	s25 =	sadd.s32 $0x10, s24  }
0x555: {  	v55 =	vmov s25  }
0x556: {  	v56 =	vor.u32 s25, v0;
	v4 =	vshll.u32 v55, $0x3  }
0x557: {  	v5 =	vand.u32 $0x5F, v56;
	v4 =	vand.u32 $0xC00, v4;
	v57 =	vshll.u32 v3, $0x9  }
0x558: {  	v4 =	vor.u32 v4, v5;
	v3 =	vshll.u32 v3, $0x7;
	v6 =	vand.u32 $0xFFFFF000, v57  }
0x559: {  	v3 =	vand.u32 $0x380, v3;
	v4 =	vor.u32 v6, v4  }
0x55a: {  	v3 =	vor.u32 v3, v4;
	_ =	sdelay $0x4  }
0x55b: {  	[tilespmem:v3+s17+$0x0] =	vst.idx.msk $0xffff, v1  }
0x55c: {  	v3 =	vld [tilespmem:s23+$0x0];
	_ =	sdelay $0x1  }
0x55d: {  	s26 =	sadd.s32 $0x20, s24  }
0x55e: {  	v58 =	vmov s26  }
0x55f: {  	v59 =	vor.u32 s26, v0;
	v4 =	vshll.u32 v58, $0x3  }
0x560: {  	v5 =	vand.u32 $0x6F, v59;
	v4 =	vand.u32 $0xC00, v4;
	v60 =	vshll.u32 v3, $0x9  }
0x561: {  	v4 =	vor.u32 v4, v5;
	v3 =	vshll.u32 v3, $0x7;
	v6 =	vand.u32 $0xFFFFF000, v60  }
0x562: {  	v3 =	vand.u32 $0x380, v3;
	v4 =	vor.u32 v6, v4  }
0x563: {  	v3 =	vor.u32 v3, v4;
	_ =	sdelay $0x4  }
0x564: {  	[tilespmem:v3+s17+$0x0] =	vst.idx.msk $0xffff, v1  }
0x565: {  	v3 =	vld [tilespmem:s23+$0x10];
	_ =	sdelay $0x1  }
0x566: {  	s26 =	sadd.s32 $0x30, s24  }
0x567: {  	v61 =	vmov s26  }
0x568: {  	v62 =	vor.u32 s26, v0;
	v4 =	vshll.u32 v61, $0x3  }
0x569: {  	v5 =	vand.u32 $0x7F, v62;
	v4 =	vand.u32 $0xC00, v4;
	v63 =	vshll.u32 v3, $0x9  }
0x56a: {  	v4 =	vor.u32 v4, v5;
	v3 =	vshll.u32 v3, $0x7;
	v6 =	vand.u32 $0xFFFFF000, v63  }
0x56b: {  	v3 =	vand.u32 $0x380, v3;
	v4 =	vor.u32 v6, v4  }
0x56c: {  	p0 =	sne.s32 s24, $0x1C0;
	v3 =	vor.u32 v3, v4  }
.Ltmp30:
0x56d: {  	_ = 	snop;
	(pc) =	sbr.rel @p0 .LBB2_62-.Ltmp30, $2  }
0x56e: {  	_ =	sdelay $0x2  }
0x56f: {  	s24 =	sadd.s32 $0x40, s24;
	s23 =	sadd.s32 $0x40, s23;
	[tilespmem:v3+s17+$0x0] =	vst.idx.msk $0xffff, v1  }
0x570: {  	s23 =	simm.s32 $0x20  }
.LBB2_64:
0x571: {  	v3 =	vld [tilespmem:s23+$0xFFFFFFE0];
	_ =	sdelay $0x2  }
0x572: {  	v4 =	vmov s22  }
0x573: {  	v5 =	vor.u32 s22, v0;
	v4 =	vshll.u32 v4, $0x3  }
0x574: {  	v5 =	vand.u32 $0x4F, v5;
	v4 =	vand.u32 $0xC00, v4;
	v6 =	vshll.u32 v3, $0x9  }
0x575: {  	v4 =	vor.u32 v4, v5;
	v3 =	vshll.u32 v3, $0x7;
	v6 =	vand.u32 $0xFFFFF000, v6  }
0x576: {  	v3 =	vand.u32 $0x380, v3;
	v4 =	vor.u32 v6, v4  }
0x577: {  	v3 =	vor.u32 v3, v4;
	_ =	sdelay $0x4  }
0x578: {  	[tilespmem:v3+s17+$0x0] =	vst.idx.msk $0xffff, v2  }
0x579: {  	v3 =	vld [tilespmem:s23+$0xFFFFFFF0];
	_ =	sdelay $0x1  }
0x57a: {  	s24 =	sadd.s32 $0x10, s22  }
0x57b: {  	v55 =	vmov s24  }
0x57c: {  	v56 =	vor.u32 s24, v0;
	v4 =	vshll.u32 v55, $0x3  }
0x57d: {  	v5 =	vand.u32 $0x5F, v56;
	v4 =	vand.u32 $0xC00, v4;
	v57 =	vshll.u32 v3, $0x9  }
0x57e: {  	v4 =	vor.u32 v4, v5;
	v3 =	vshll.u32 v3, $0x7;
	v6 =	vand.u32 $0xFFFFF000, v57  }
0x57f: {  	v3 =	vand.u32 $0x380, v3;
	v4 =	vor.u32 v6, v4  }
0x580: {  	v3 =	vor.u32 v3, v4;
	_ =	sdelay $0x4  }
0x581: {  	[tilespmem:v3+s17+$0x0] =	vst.idx.msk $0xffff, v2  }
0x582: {  	v3 =	vld [tilespmem:s23+$0x0];
	_ =	sdelay $0x1  }
0x583: {  	s25 =	sadd.s32 $0x20, s22  }
0x584: {  	v58 =	vmov s25  }
0x585: {  	v59 =	vor.u32 s25, v0;
	v4 =	vshll.u32 v58, $0x3  }
0x586: {  	v5 =	vand.u32 $0x6F, v59;
	v4 =	vand.u32 $0xC00, v4;
	v60 =	vshll.u32 v3, $0x9  }
0x587: {  	v4 =	vor.u32 v4, v5;
	v3 =	vshll.u32 v3, $0x7;
	v6 =	vand.u32 $0xFFFFF000, v60  }
0x588: {  	v3 =	vand.u32 $0x380, v3;
	v4 =	vor.u32 v6, v4  }
0x589: {  	v3 =	vor.u32 v3, v4;
	_ =	sdelay $0x4  }
0x58a: {  	[tilespmem:v3+s17+$0x0] =	vst.idx.msk $0xffff, v2  }
0x58b: {  	v3 =	vld [tilespmem:s23+$0x10];
	_ =	sdelay $0x1  }
0x58c: {  	s26 =	sadd.s32 $0x30, s22  }
0x58d: {  	v61 =	vmov s26  }
0x58e: {  	v62 =	vor.u32 s26, v0;
	v4 =	vshll.u32 v61, $0x3  }
0x58f: {  	v5 =	vand.u32 $0x7F, v62;
	v4 =	vand.u32 $0xC00, v4;
	v63 =	vshll.u32 v3, $0x9  }
0x590: {  	v4 =	vor.u32 v4, v5;
	v3 =	vshll.u32 v3, $0x7;
	v6 =	vand.u32 $0xFFFFF000, v63  }
0x591: {  	v3 =	vand.u32 $0x380, v3;
	v4 =	vor.u32 v6, v4  }
0x592: {  	p0 =	sne.s32 s22, $0x1C0;
	v3 =	vor.u32 v3, v4  }
.Ltmp31:
0x593: {  	_ = 	snop;
	(pc) =	sbr.rel @p0 .LBB2_64-.Ltmp31, $2  }
0x594: {  	_ =	sdelay $0x2  }
0x595: {  	s22 =	sadd.s32 $0x40, s22;
	s23 =	sadd.s32 $0x40, s23;
	[tilespmem:v3+s17+$0x0] =	vst.idx.msk $0xffff, v2  }
0x596: {  	[hbm4b:s6+s14] =	stream.strided.scatter [tilespmem:s17], [sflag:$0x2], $0xD000, s15, s14, $0x38;
	[tilespmem:$0x1A600] =	vst v63  }
0x597: {  	s22 =	simm.s32 $0x0;
	s23 =	rddreg [dreg:$0x13]  }
0x598: {  	[tilespmem:s16], [sflag:$0x3] =	stream.linear.gather [hbm4b:s23+s22], $0x200, $0x38;
	[tilespmem:$0x1A600] =	vst v63  }
0x599: {  	_ =	swait.ge [sflag:s13], $0x200  }
0x59a: {  	[sflag:s13] =	ssyncset.done $0x0  }
0x59b: {  	[sflag:s13] =	ssyncadd.s32 $0xFFFFFE00  }
0x59c: {  	_ =	swait.ge [sflag:s19], $0xD000  }
0x59d: {  	[sflag:s19] =	ssyncset.done $0x0  }
0x59e: {  	s24 =	simm.s32 $0x0;
	s23 =	simm.s32 $0x420;
	[sflag:s19] =	ssyncadd.s32 $0xFFFF3000  }
.LBB2_66:
0x59f: {  	v3 =	vld [tilespmem:s23+$0xFFFFFFE0];
	_ =	sdelay $0x2  }
0x5a0: {  	v4 =	vmov s24  }
0x5a1: {  	v5 =	vor.u32 s24, v0;
	v4 =	vshll.u32 v4, $0x3  }
0x5a2: {  	v5 =	vand.u32 $0x4F, v5;
	v4 =	vand.u32 $0xC00, v4;
	v6 =	vshll.u32 v3, $0x9  }
0x5a3: {  	v4 =	vor.u32 v4, v5;
	v3 =	vshll.u32 v3, $0x7;
	v6 =	vand.u32 $0xFFFFF000, v6  }
0x5a4: {  	v3 =	vand.u32 $0x380, v3;
	v4 =	vor.u32 v6, v4  }
0x5a5: {  	v3 =	vor.u32 v3, v4;
	_ =	sdelay $0x4  }
0x5a6: {  	[tilespmem:v3+s12+$0x0] =	vst.idx.msk $0xffff, v1  }
0x5a7: {  	v3 =	vld [tilespmem:s23+$0xFFFFFFF0];
	_ =	sdelay $0x1  }
0x5a8: {  	s25 =	sadd.s32 $0x10, s24  }
0x5a9: {  	v55 =	vmov s25  }
0x5aa: {  	v56 =	vor.u32 s25, v0;
	v4 =	vshll.u32 v55, $0x3  }
0x5ab: {  	v5 =	vand.u32 $0x5F, v56;
	v4 =	vand.u32 $0xC00, v4;
	v57 =	vshll.u32 v3, $0x9  }
0x5ac: {  	v4 =	vor.u32 v4, v5;
	v3 =	vshll.u32 v3, $0x7;
	v6 =	vand.u32 $0xFFFFF000, v57  }
0x5ad: {  	v3 =	vand.u32 $0x380, v3;
	v4 =	vor.u32 v6, v4  }
0x5ae: {  	v3 =	vor.u32 v3, v4;
	_ =	sdelay $0x4  }
0x5af: {  	[tilespmem:v3+s12+$0x0] =	vst.idx.msk $0xffff, v1  }
0x5b0: {  	v3 =	vld [tilespmem:s23+$0x0];
	_ =	sdelay $0x1  }
0x5b1: {  	s26 =	sadd.s32 $0x20, s24  }
0x5b2: {  	v58 =	vmov s26  }
0x5b3: {  	v59 =	vor.u32 s26, v0;
	v4 =	vshll.u32 v58, $0x3  }
0x5b4: {  	v5 =	vand.u32 $0x6F, v59;
	v4 =	vand.u32 $0xC00, v4;
	v60 =	vshll.u32 v3, $0x9  }
0x5b5: {  	v4 =	vor.u32 v4, v5;
	v3 =	vshll.u32 v3, $0x7;
	v6 =	vand.u32 $0xFFFFF000, v60  }
0x5b6: {  	v3 =	vand.u32 $0x380, v3;
	v4 =	vor.u32 v6, v4  }
0x5b7: {  	v3 =	vor.u32 v3, v4;
	_ =	sdelay $0x4  }
0x5b8: {  	[tilespmem:v3+s12+$0x0] =	vst.idx.msk $0xffff, v1  }
0x5b9: {  	v3 =	vld [tilespmem:s23+$0x10];
	_ =	sdelay $0x1  }
0x5ba: {  	s26 =	sadd.s32 $0x30, s24  }
0x5bb: {  	v61 =	vmov s26  }
0x5bc: {  	v62 =	vor.u32 s26, v0;
	v4 =	vshll.u32 v61, $0x3  }
0x5bd: {  	v5 =	vand.u32 $0x7F, v62;
	v4 =	vand.u32 $0xC00, v4;
	v63 =	vshll.u32 v3, $0x9  }
0x5be: {  	v4 =	vor.u32 v4, v5;
	v3 =	vshll.u32 v3, $0x7;
	v6 =	vand.u32 $0xFFFFF000, v63  }
0x5bf: {  	v3 =	vand.u32 $0x380, v3;
	v4 =	vor.u32 v6, v4  }
0x5c0: {  	p0 =	sne.s32 s24, $0x1C0;
	v3 =	vor.u32 v3, v4  }
.Ltmp32:
0x5c1: {  	_ = 	snop;
	(pc) =	sbr.rel @p0 .LBB2_66-.Ltmp32, $2  }
0x5c2: {  	_ =	sdelay $0x2  }
0x5c3: {  	s24 =	sadd.s32 $0x40, s24;
	s23 =	sadd.s32 $0x40, s23;
	[tilespmem:v3+s12+$0x0] =	vst.idx.msk $0xffff, v1  }
0x5c4: {  	s23 =	simm.s32 $0x220  }
.LBB2_68:
0x5c5: {  	v3 =	vld [tilespmem:s23+$0xFFFFFFE0];
	_ =	sdelay $0x2  }
0x5c6: {  	v4 =	vmov s22  }
0x5c7: {  	v5 =	vor.u32 s22, v0;
	v4 =	vshll.u32 v4, $0x3  }
0x5c8: {  	v5 =	vand.u32 $0x4F, v5;
	v4 =	vand.u32 $0xC00, v4;
	v6 =	vshll.u32 v3, $0x9  }
0x5c9: {  	v4 =	vor.u32 v4, v5;
	v3 =	vshll.u32 v3, $0x7;
	v6 =	vand.u32 $0xFFFFF000, v6  }
0x5ca: {  	v3 =	vand.u32 $0x380, v3;
	v4 =	vor.u32 v6, v4  }
0x5cb: {  	v3 =	vor.u32 v3, v4;
	_ =	sdelay $0x4  }
0x5cc: {  	[tilespmem:v3+s12+$0x0] =	vst.idx.msk $0xffff, v2  }
0x5cd: {  	v3 =	vld [tilespmem:s23+$0xFFFFFFF0];
	_ =	sdelay $0x1  }
0x5ce: {  	s24 =	sadd.s32 $0x10, s22  }
0x5cf: {  	v55 =	vmov s24  }
0x5d0: {  	v56 =	vor.u32 s24, v0;
	v4 =	vshll.u32 v55, $0x3  }
0x5d1: {  	v5 =	vand.u32 $0x5F, v56;
	v4 =	vand.u32 $0xC00, v4;
	v57 =	vshll.u32 v3, $0x9  }
0x5d2: {  	v4 =	vor.u32 v4, v5;
	v3 =	vshll.u32 v3, $0x7;
	v6 =	vand.u32 $0xFFFFF000, v57  }
0x5d3: {  	v3 =	vand.u32 $0x380, v3;
	v4 =	vor.u32 v6, v4  }
0x5d4: {  	v3 =	vor.u32 v3, v4;
	_ =	sdelay $0x4  }
0x5d5: {  	[tilespmem:v3+s12+$0x0] =	vst.idx.msk $0xffff, v2  }
0x5d6: {  	v3 =	vld [tilespmem:s23+$0x0];
	_ =	sdelay $0x1  }
0x5d7: {  	s25 =	sadd.s32 $0x20, s22  }
0x5d8: {  	v58 =	vmov s25  }
0x5d9: {  	v59 =	vor.u32 s25, v0;
	v4 =	vshll.u32 v58, $0x3  }
0x5da: {  	v5 =	vand.u32 $0x6F, v59;
	v4 =	vand.u32 $0xC00, v4;
	v60 =	vshll.u32 v3, $0x9  }
0x5db: {  	v4 =	vor.u32 v4, v5;
	v3 =	vshll.u32 v3, $0x7;
	v6 =	vand.u32 $0xFFFFF000, v60  }
0x5dc: {  	v3 =	vand.u32 $0x380, v3;
	v4 =	vor.u32 v6, v4  }
0x5dd: {  	v3 =	vor.u32 v3, v4;
	_ =	sdelay $0x4  }
0x5de: {  	[tilespmem:v3+s12+$0x0] =	vst.idx.msk $0xffff, v2  }
0x5df: {  	v3 =	vld [tilespmem:s23+$0x10];
	_ =	sdelay $0x1  }
0x5e0: {  	s26 =	sadd.s32 $0x30, s22  }
0x5e1: {  	v61 =	vmov s26  }
0x5e2: {  	v62 =	vor.u32 s26, v0;
	v4 =	vshll.u32 v61, $0x3  }
0x5e3: {  	v5 =	vand.u32 $0x7F, v62;
	v4 =	vand.u32 $0xC00, v4;
	v63 =	vshll.u32 v3, $0x9  }
0x5e4: {  	v4 =	vor.u32 v4, v5;
	v3 =	vshll.u32 v3, $0x7;
	v6 =	vand.u32 $0xFFFFF000, v63  }
0x5e5: {  	v3 =	vand.u32 $0x380, v3;
	v4 =	vor.u32 v6, v4  }
0x5e6: {  	p0 =	sne.s32 s22, $0x1C0;
	v3 =	vor.u32 v3, v4  }
.Ltmp33:
0x5e7: {  	_ = 	snop;
	(pc) =	sbr.rel @p0 .LBB2_68-.Ltmp33, $2  }
0x5e8: {  	_ =	sdelay $0x2  }
0x5e9: {  	s22 =	sadd.s32 $0x40, s22;
	s23 =	sadd.s32 $0x40, s23;
	[tilespmem:v3+s12+$0x0] =	vst.idx.msk $0xffff, v2  }
0x5ea: {  	[hbm4b:s7+s14] =	stream.strided.scatter [tilespmem:s12], [sflag:$0x1], $0xD000, s15, s14, $0x38;
	[tilespmem:$0x1A600] =	vst v63  }
0x5eb: {  	s22 =	simm.s32 $0x0;
	s23 =	rddreg [dreg:$0x14]  }
0x5ec: {  	[tilespmem:s18], [sflag:$0x3] =	stream.linear.gather [hbm4b:s23+s22], $0x200, $0x38;
	[tilespmem:$0x1A600] =	vst v63  }
0x5ed: {  	_ =	swait.ge [sflag:s13], $0x200  }
0x5ee: {  	[sflag:s13] =	ssyncset.done $0x0  }
0x5ef: {  	[sflag:s13] =	ssyncadd.s32 $0xFFFFFE00  }
0x5f0: {  	_ =	swait.ge [sflag:s20], $0xD000  }
0x5f1: {  	[sflag:s20] =	ssyncset.done $0x0  }
0x5f2: {  	s24 =	simm.s32 $0x0;
	s23 =	simm.s32 $0x20;
	[sflag:s20] =	ssyncadd.s32 $0xFFFF3000  }
.LBB2_70:
0x5f3: {  	v3 =	vld [tilespmem:s23+$0xFFFFFFE0];
	_ =	sdelay $0x2  }
0x5f4: {  	v4 =	vmov s24  }
0x5f5: {  	v5 =	vor.u32 s24, v0;
	v4 =	vshll.u32 v4, $0x3  }
0x5f6: {  	v5 =	vand.u32 $0x4F, v5;
	v4 =	vand.u32 $0xC00, v4;
	v6 =	vshll.u32 v3, $0x9  }
0x5f7: {  	v4 =	vor.u32 v4, v5;
	v3 =	vshll.u32 v3, $0x7;
	v6 =	vand.u32 $0xFFFFF000, v6  }
0x5f8: {  	v3 =	vand.u32 $0x380, v3;
	v4 =	vor.u32 v6, v4  }
0x5f9: {  	v3 =	vor.u32 v3, v4;
	_ =	sdelay $0x4  }
0x5fa: {  	[tilespmem:v3+s17+$0x0] =	vst.idx.msk $0xffff, v1  }
0x5fb: {  	v3 =	vld [tilespmem:s23+$0xFFFFFFF0];
	_ =	sdelay $0x1  }
0x5fc: {  	s25 =	sadd.s32 $0x10, s24  }
0x5fd: {  	v55 =	vmov s25  }
0x5fe: {  	v56 =	vor.u32 s25, v0;
	v4 =	vshll.u32 v55, $0x3  }
0x5ff: {  	v5 =	vand.u32 $0x5F, v56;
	v4 =	vand.u32 $0xC00, v4;
	v57 =	vshll.u32 v3, $0x9  }
0x600: {  	v4 =	vor.u32 v4, v5;
	v3 =	vshll.u32 v3, $0x7;
	v6 =	vand.u32 $0xFFFFF000, v57  }
0x601: {  	v3 =	vand.u32 $0x380, v3;
	v4 =	vor.u32 v6, v4  }
0x602: {  	v3 =	vor.u32 v3, v4;
	_ =	sdelay $0x4  }
0x603: {  	[tilespmem:v3+s17+$0x0] =	vst.idx.msk $0xffff, v1  }
0x604: {  	v3 =	vld [tilespmem:s23+$0x0];
	_ =	sdelay $0x1  }
0x605: {  	s26 =	sadd.s32 $0x20, s24  }
0x606: {  	v58 =	vmov s26  }
0x607: {  	v59 =	vor.u32 s26, v0;
	v4 =	vshll.u32 v58, $0x3  }
0x608: {  	v5 =	vand.u32 $0x6F, v59;
	v4 =	vand.u32 $0xC00, v4;
	v60 =	vshll.u32 v3, $0x9  }
0x609: {  	v4 =	vor.u32 v4, v5;
	v3 =	vshll.u32 v3, $0x7;
	v6 =	vand.u32 $0xFFFFF000, v60  }
0x60a: {  	v3 =	vand.u32 $0x380, v3;
	v4 =	vor.u32 v6, v4  }
0x60b: {  	v3 =	vor.u32 v3, v4;
	_ =	sdelay $0x4  }
0x60c: {  	[tilespmem:v3+s17+$0x0] =	vst.idx.msk $0xffff, v1  }
0x60d: {  	v3 =	vld [tilespmem:s23+$0x10];
	_ =	sdelay $0x1  }
0x60e: {  	s26 =	sadd.s32 $0x30, s24  }
0x60f: {  	v61 =	vmov s26  }
0x610: {  	v62 =	vor.u32 s26, v0;
	v4 =	vshll.u32 v61, $0x3  }
0x611: {  	v5 =	vand.u32 $0x7F, v62;
	v4 =	vand.u32 $0xC00, v4;
	v63 =	vshll.u32 v3, $0x9  }
0x612: {  	v4 =	vor.u32 v4, v5;
	v3 =	vshll.u32 v3, $0x7;
	v6 =	vand.u32 $0xFFFFF000, v63  }
0x613: {  	v3 =	vand.u32 $0x380, v3;
	v4 =	vor.u32 v6, v4  }
0x614: {  	p0 =	sne.s32 s24, $0x1C0;
	v3 =	vor.u32 v3, v4  }
.Ltmp34:
0x615: {  	_ = 	snop;
	(pc) =	sbr.rel @p0 .LBB2_70-.Ltmp34, $2  }
0x616: {  	_ =	sdelay $0x2  }
0x617: {  	s24 =	sadd.s32 $0x40, s24;
	s23 =	sadd.s32 $0x40, s23;
	[tilespmem:v3+s17+$0x0] =	vst.idx.msk $0xffff, v1  }
0x618: {  	s23 =	simm.s32 $0x420  }
.LBB2_72:
0x619: {  	v3 =	vld [tilespmem:s23+$0xFFFFFFE0];
	_ =	sdelay $0x2  }
0x61a: {  	v4 =	vmov s22  }
0x61b: {  	v5 =	vor.u32 s22, v0;
	v4 =	vshll.u32 v4, $0x3  }
0x61c: {  	v5 =	vand.u32 $0x4F, v5;
	v4 =	vand.u32 $0xC00, v4;
	v6 =	vshll.u32 v3, $0x9  }
0x61d: {  	v4 =	vor.u32 v4, v5;
	v3 =	vshll.u32 v3, $0x7;
	v6 =	vand.u32 $0xFFFFF000, v6  }
0x61e: {  	v3 =	vand.u32 $0x380, v3;
	v4 =	vor.u32 v6, v4  }
0x61f: {  	v3 =	vor.u32 v3, v4;
	_ =	sdelay $0x4  }
0x620: {  	[tilespmem:v3+s17+$0x0] =	vst.idx.msk $0xffff, v2  }
0x621: {  	v3 =	vld [tilespmem:s23+$0xFFFFFFF0];
	_ =	sdelay $0x1  }
0x622: {  	s24 =	sadd.s32 $0x10, s22  }
0x623: {  	v55 =	vmov s24  }
0x624: {  	v56 =	vor.u32 s24, v0;
	v4 =	vshll.u32 v55, $0x3  }
0x625: {  	v5 =	vand.u32 $0x5F, v56;
	v4 =	vand.u32 $0xC00, v4;
	v57 =	vshll.u32 v3, $0x9  }
0x626: {  	v4 =	vor.u32 v4, v5;
	v3 =	vshll.u32 v3, $0x7;
	v6 =	vand.u32 $0xFFFFF000, v57  }
0x627: {  	v3 =	vand.u32 $0x380, v3;
	v4 =	vor.u32 v6, v4  }
0x628: {  	v3 =	vor.u32 v3, v4;
	_ =	sdelay $0x4  }
0x629: {  	[tilespmem:v3+s17+$0x0] =	vst.idx.msk $0xffff, v2  }
0x62a: {  	v3 =	vld [tilespmem:s23+$0x0];
	_ =	sdelay $0x1  }
0x62b: {  	s25 =	sadd.s32 $0x20, s22  }
0x62c: {  	v58 =	vmov s25  }
0x62d: {  	v59 =	vor.u32 s25, v0;
	v4 =	vshll.u32 v58, $0x3  }
0x62e: {  	v5 =	vand.u32 $0x6F, v59;
	v4 =	vand.u32 $0xC00, v4;
	v60 =	vshll.u32 v3, $0x9  }
0x62f: {  	v4 =	vor.u32 v4, v5;
	v3 =	vshll.u32 v3, $0x7;
	v6 =	vand.u32 $0xFFFFF000, v60  }
0x630: {  	v3 =	vand.u32 $0x380, v3;
	v4 =	vor.u32 v6, v4  }
0x631: {  	v3 =	vor.u32 v3, v4;
	_ =	sdelay $0x4  }
0x632: {  	[tilespmem:v3+s17+$0x0] =	vst.idx.msk $0xffff, v2  }
0x633: {  	v3 =	vld [tilespmem:s23+$0x10];
	_ =	sdelay $0x1  }
0x634: {  	s26 =	sadd.s32 $0x30, s22  }
0x635: {  	v61 =	vmov s26  }
0x636: {  	v62 =	vor.u32 s26, v0;
	v4 =	vshll.u32 v61, $0x3  }
0x637: {  	v5 =	vand.u32 $0x7F, v62;
	v4 =	vand.u32 $0xC00, v4;
	v63 =	vshll.u32 v3, $0x9  }
0x638: {  	v4 =	vor.u32 v4, v5;
	v3 =	vshll.u32 v3, $0x7;
	v6 =	vand.u32 $0xFFFFF000, v63  }
0x639: {  	v3 =	vand.u32 $0x380, v3;
	v4 =	vor.u32 v6, v4  }
0x63a: {  	p0 =	sne.s32 s22, $0x1C0;
	v3 =	vor.u32 v3, v4  }
.Ltmp35:
0x63b: {  	_ = 	snop;
	(pc) =	sbr.rel @p0 .LBB2_72-.Ltmp35, $2  }
0x63c: {  	_ =	sdelay $0x2  }
0x63d: {  	s22 =	sadd.s32 $0x40, s22;
	s23 =	sadd.s32 $0x40, s23;
	[tilespmem:v3+s17+$0x0] =	vst.idx.msk $0xffff, v2  }
0x63e: {  	[hbm4b:s8+s14] =	stream.strided.scatter [tilespmem:s17], [sflag:$0x2], $0xD000, s15, s14, $0x38;
	[tilespmem:$0x1A600] =	vst v63  }
0x63f: {  	s22 =	simm.s32 $0x0;
	s23 =	rddreg [dreg:$0x15]  }
0x640: {  	[tilespmem:s22], [sflag:$0x3] =	stream.linear.gather [hbm4b:s23+s22], $0x200, $0x38;
	[tilespmem:$0x1A600] =	vst v63  }
0x641: {  	_ =	swait.ge [sflag:s13], $0x200  }
0x642: {  	[sflag:s13] =	ssyncset.done $0x0  }
0x643: {  	[sflag:s13] =	ssyncadd.s32 $0xFFFFFE00  }
0x644: {  	_ =	swait.ge [sflag:s19], $0xD000  }
0x645: {  	[sflag:s19] =	ssyncset.done $0x0  }
0x646: {  	s24 =	simm.s32 $0x0;
	s23 =	simm.s32 $0x220;
	[sflag:s19] =	ssyncadd.s32 $0xFFFF3000  }
.LBB2_74:
0x647: {  	v3 =	vld [tilespmem:s23+$0xFFFFFFE0];
	_ =	sdelay $0x2  }
0x648: {  	v4 =	vmov s24  }
0x649: {  	v5 =	vor.u32 s24, v0;
	v4 =	vshll.u32 v4, $0x3  }
0x64a: {  	v5 =	vand.u32 $0x4F, v5;
	v4 =	vand.u32 $0xC00, v4;
	v6 =	vshll.u32 v3, $0x9  }
0x64b: {  	v4 =	vor.u32 v4, v5;
	v3 =	vshll.u32 v3, $0x7;
	v6 =	vand.u32 $0xFFFFF000, v6  }
0x64c: {  	v3 =	vand.u32 $0x380, v3;
	v4 =	vor.u32 v6, v4  }
0x64d: {  	v3 =	vor.u32 v3, v4;
	_ =	sdelay $0x4  }
0x64e: {  	[tilespmem:v3+s12+$0x0] =	vst.idx.msk $0xffff, v1  }
0x64f: {  	v3 =	vld [tilespmem:s23+$0xFFFFFFF0];
	_ =	sdelay $0x1  }
0x650: {  	s25 =	sadd.s32 $0x10, s24  }
0x651: {  	v55 =	vmov s25  }
0x652: {  	v56 =	vor.u32 s25, v0;
	v4 =	vshll.u32 v55, $0x3  }
0x653: {  	v5 =	vand.u32 $0x5F, v56;
	v4 =	vand.u32 $0xC00, v4;
	v57 =	vshll.u32 v3, $0x9  }
0x654: {  	v4 =	vor.u32 v4, v5;
	v3 =	vshll.u32 v3, $0x7;
	v6 =	vand.u32 $0xFFFFF000, v57  }
0x655: {  	v3 =	vand.u32 $0x380, v3;
	v4 =	vor.u32 v6, v4  }
0x656: {  	v3 =	vor.u32 v3, v4;
	_ =	sdelay $0x4  }
0x657: {  	[tilespmem:v3+s12+$0x0] =	vst.idx.msk $0xffff, v1  }
0x658: {  	v3 =	vld [tilespmem:s23+$0x0];
	_ =	sdelay $0x1  }
0x659: {  	s26 =	sadd.s32 $0x20, s24  }
0x65a: {  	v58 =	vmov s26  }
0x65b: {  	v59 =	vor.u32 s26, v0;
	v4 =	vshll.u32 v58, $0x3  }
0x65c: {  	v5 =	vand.u32 $0x6F, v59;
	v4 =	vand.u32 $0xC00, v4;
	v60 =	vshll.u32 v3, $0x9  }
0x65d: {  	v4 =	vor.u32 v4, v5;
	v3 =	vshll.u32 v3, $0x7;
	v6 =	vand.u32 $0xFFFFF000, v60  }
0x65e: {  	v3 =	vand.u32 $0x380, v3;
	v4 =	vor.u32 v6, v4  }
0x65f: {  	v3 =	vor.u32 v3, v4;
	_ =	sdelay $0x4  }
0x660: {  	[tilespmem:v3+s12+$0x0] =	vst.idx.msk $0xffff, v1  }
0x661: {  	v3 =	vld [tilespmem:s23+$0x10];
	_ =	sdelay $0x1  }
0x662: {  	s26 =	sadd.s32 $0x30, s24  }
0x663: {  	v61 =	vmov s26  }
0x664: {  	v62 =	vor.u32 s26, v0;
	v4 =	vshll.u32 v61, $0x3  }
0x665: {  	v5 =	vand.u32 $0x7F, v62;
	v4 =	vand.u32 $0xC00, v4;
	v63 =	vshll.u32 v3, $0x9  }
0x666: {  	v4 =	vor.u32 v4, v5;
	v3 =	vshll.u32 v3, $0x7;
	v6 =	vand.u32 $0xFFFFF000, v63  }
0x667: {  	v3 =	vand.u32 $0x380, v3;
	v4 =	vor.u32 v6, v4  }
0x668: {  	p0 =	sne.s32 s24, $0x1C0;
	v3 =	vor.u32 v3, v4  }
.Ltmp36:
0x669: {  	_ = 	snop;
	(pc) =	sbr.rel @p0 .LBB2_74-.Ltmp36, $2  }
0x66a: {  	_ =	sdelay $0x2  }
0x66b: {  	s24 =	sadd.s32 $0x40, s24;
	s23 =	sadd.s32 $0x40, s23;
	[tilespmem:v3+s12+$0x0] =	vst.idx.msk $0xffff, v1  }
0x66c: {  	s23 =	simm.s32 $0x20  }
.LBB2_76:
0x66d: {  	v3 =	vld [tilespmem:s23+$0xFFFFFFE0];
	_ =	sdelay $0x2  }
0x66e: {  	v4 =	vmov s22  }
0x66f: {  	v5 =	vor.u32 s22, v0;
	v4 =	vshll.u32 v4, $0x3  }
0x670: {  	v5 =	vand.u32 $0x4F, v5;
	v4 =	vand.u32 $0xC00, v4;
	v6 =	vshll.u32 v3, $0x9  }
0x671: {  	v4 =	vor.u32 v4, v5;
	v3 =	vshll.u32 v3, $0x7;
	v6 =	vand.u32 $0xFFFFF000, v6  }
0x672: {  	v3 =	vand.u32 $0x380, v3;
	v4 =	vor.u32 v6, v4  }
0x673: {  	v3 =	vor.u32 v3, v4;
	_ =	sdelay $0x4  }
0x674: {  	[tilespmem:v3+s12+$0x0] =	vst.idx.msk $0xffff, v2  }
0x675: {  	v3 =	vld [tilespmem:s23+$0xFFFFFFF0];
	_ =	sdelay $0x1  }
0x676: {  	s24 =	sadd.s32 $0x10, s22  }
0x677: {  	v55 =	vmov s24  }
0x678: {  	v56 =	vor.u32 s24, v0;
	v4 =	vshll.u32 v55, $0x3  }
0x679: {  	v5 =	vand.u32 $0x5F, v56;
	v4 =	vand.u32 $0xC00, v4;
	v57 =	vshll.u32 v3, $0x9  }
0x67a: {  	v4 =	vor.u32 v4, v5;
	v3 =	vshll.u32 v3, $0x7;
	v6 =	vand.u32 $0xFFFFF000, v57  }
0x67b: {  	v3 =	vand.u32 $0x380, v3;
	v4 =	vor.u32 v6, v4  }
0x67c: {  	v3 =	vor.u32 v3, v4;
	_ =	sdelay $0x4  }
0x67d: {  	[tilespmem:v3+s12+$0x0] =	vst.idx.msk $0xffff, v2  }
0x67e: {  	v3 =	vld [tilespmem:s23+$0x0];
	_ =	sdelay $0x1  }
0x67f: {  	s25 =	sadd.s32 $0x20, s22  }
0x680: {  	v58 =	vmov s25  }
0x681: {  	v59 =	vor.u32 s25, v0;
	v4 =	vshll.u32 v58, $0x3  }
0x682: {  	v5 =	vand.u32 $0x6F, v59;
	v4 =	vand.u32 $0xC00, v4;
	v60 =	vshll.u32 v3, $0x9  }
0x683: {  	v4 =	vor.u32 v4, v5;
	v3 =	vshll.u32 v3, $0x7;
	v6 =	vand.u32 $0xFFFFF000, v60  }
0x684: {  	v3 =	vand.u32 $0x380, v3;
	v4 =	vor.u32 v6, v4  }
0x685: {  	v3 =	vor.u32 v3, v4;
	_ =	sdelay $0x4  }
0x686: {  	[tilespmem:v3+s12+$0x0] =	vst.idx.msk $0xffff, v2  }
0x687: {  	v3 =	vld [tilespmem:s23+$0x10];
	_ =	sdelay $0x1  }
0x688: {  	s26 =	sadd.s32 $0x30, s22  }
0x689: {  	v61 =	vmov s26  }
0x68a: {  	v62 =	vor.u32 s26, v0;
	v4 =	vshll.u32 v61, $0x3  }
0x68b: {  	v5 =	vand.u32 $0x7F, v62;
	v4 =	vand.u32 $0xC00, v4;
	v63 =	vshll.u32 v3, $0x9  }
0x68c: {  	v4 =	vor.u32 v4, v5;
	v3 =	vshll.u32 v3, $0x7;
	v6 =	vand.u32 $0xFFFFF000, v63  }
0x68d: {  	v3 =	vand.u32 $0x380, v3;
	v4 =	vor.u32 v6, v4  }
0x68e: {  	p0 =	sne.s32 s22, $0x1C0;
	v3 =	vor.u32 v3, v4  }
.Ltmp37:
0x68f: {  	_ = 	snop;
	(pc) =	sbr.rel @p0 .LBB2_76-.Ltmp37, $2  }
0x690: {  	_ =	sdelay $0x2  }
0x691: {  	s22 =	sadd.s32 $0x40, s22;
	s23 =	sadd.s32 $0x40, s23;
	[tilespmem:v3+s12+$0x0] =	vst.idx.msk $0xffff, v2  }
0x692: {  	[hbm4b:s9+s14] =	stream.strided.scatter [tilespmem:s12], [sflag:$0x1], $0xD000, s15, s14, $0x38;
	[tilespmem:$0x1A600] =	vst v63  }
0x693: {  	s22 =	simm.s32 $0x0;
	s23 =	rddreg [dreg:$0x16]  }
0x694: {  	[tilespmem:s16], [sflag:$0x3] =	stream.linear.gather [hbm4b:s23+s22], $0x200, $0x38;
	[tilespmem:$0x1A600] =	vst v63  }
0x695: {  	_ =	swait.ge [sflag:s13], $0x200  }
0x696: {  	[sflag:s13] =	ssyncset.done $0x0  }
0x697: {  	[sflag:s13] =	ssyncadd.s32 $0xFFFFFE00  }
0x698: {  	_ =	swait.ge [sflag:s20], $0xD000  }
0x699: {  	[sflag:s20] =	ssyncset.done $0x0  }
0x69a: {  	s24 =	simm.s32 $0x0;
	s23 =	simm.s32 $0x420;
	[sflag:s20] =	ssyncadd.s32 $0xFFFF3000  }
.LBB2_78:
0x69b: {  	v3 =	vld [tilespmem:s23+$0xFFFFFFE0];
	_ =	sdelay $0x2  }
0x69c: {  	v4 =	vmov s24  }
0x69d: {  	v5 =	vor.u32 s24, v0;
	v4 =	vshll.u32 v4, $0x3  }
0x69e: {  	v5 =	vand.u32 $0x4F, v5;
	v4 =	vand.u32 $0xC00, v4;
	v6 =	vshll.u32 v3, $0x9  }
0x69f: {  	v4 =	vor.u32 v4, v5;
	v3 =	vshll.u32 v3, $0x7;
	v6 =	vand.u32 $0xFFFFF000, v6  }
0x6a0: {  	v3 =	vand.u32 $0x380, v3;
	v4 =	vor.u32 v6, v4  }
0x6a1: {  	v3 =	vor.u32 v3, v4;
	_ =	sdelay $0x4  }
0x6a2: {  	[tilespmem:v3+s17+$0x0] =	vst.idx.msk $0xffff, v1  }
0x6a3: {  	v3 =	vld [tilespmem:s23+$0xFFFFFFF0];
	_ =	sdelay $0x1  }
0x6a4: {  	s25 =	sadd.s32 $0x10, s24  }
0x6a5: {  	v55 =	vmov s25  }
0x6a6: {  	v56 =	vor.u32 s25, v0;
	v4 =	vshll.u32 v55, $0x3  }
0x6a7: {  	v5 =	vand.u32 $0x5F, v56;
	v4 =	vand.u32 $0xC00, v4;
	v57 =	vshll.u32 v3, $0x9  }
0x6a8: {  	v4 =	vor.u32 v4, v5;
	v3 =	vshll.u32 v3, $0x7;
	v6 =	vand.u32 $0xFFFFF000, v57  }
0x6a9: {  	v3 =	vand.u32 $0x380, v3;
	v4 =	vor.u32 v6, v4  }
0x6aa: {  	v3 =	vor.u32 v3, v4;
	_ =	sdelay $0x4  }
0x6ab: {  	[tilespmem:v3+s17+$0x0] =	vst.idx.msk $0xffff, v1  }
0x6ac: {  	v3 =	vld [tilespmem:s23+$0x0];
	_ =	sdelay $0x1  }
0x6ad: {  	s26 =	sadd.s32 $0x20, s24  }
0x6ae: {  	v58 =	vmov s26  }
0x6af: {  	v59 =	vor.u32 s26, v0;
	v4 =	vshll.u32 v58, $0x3  }
0x6b0: {  	v5 =	vand.u32 $0x6F, v59;
	v4 =	vand.u32 $0xC00, v4;
	v60 =	vshll.u32 v3, $0x9  }
0x6b1: {  	v4 =	vor.u32 v4, v5;
	v3 =	vshll.u32 v3, $0x7;
	v6 =	vand.u32 $0xFFFFF000, v60  }
0x6b2: {  	v3 =	vand.u32 $0x380, v3;
	v4 =	vor.u32 v6, v4  }
0x6b3: {  	v3 =	vor.u32 v3, v4;
	_ =	sdelay $0x4  }
0x6b4: {  	[tilespmem:v3+s17+$0x0] =	vst.idx.msk $0xffff, v1  }
0x6b5: {  	v3 =	vld [tilespmem:s23+$0x10];
	_ =	sdelay $0x1  }
0x6b6: {  	s26 =	sadd.s32 $0x30, s24  }
0x6b7: {  	v61 =	vmov s26  }
0x6b8: {  	v62 =	vor.u32 s26, v0;
	v4 =	vshll.u32 v61, $0x3  }
0x6b9: {  	v5 =	vand.u32 $0x7F, v62;
	v4 =	vand.u32 $0xC00, v4;
	v63 =	vshll.u32 v3, $0x9  }
0x6ba: {  	v4 =	vor.u32 v4, v5;
	v3 =	vshll.u32 v3, $0x7;
	v6 =	vand.u32 $0xFFFFF000, v63  }
0x6bb: {  	v3 =	vand.u32 $0x380, v3;
	v4 =	vor.u32 v6, v4  }
0x6bc: {  	p0 =	sne.s32 s24, $0x1C0;
	v3 =	vor.u32 v3, v4  }
.Ltmp38:
0x6bd: {  	_ = 	snop;
	(pc) =	sbr.rel @p0 .LBB2_78-.Ltmp38, $2  }
0x6be: {  	_ =	sdelay $0x2  }
0x6bf: {  	s24 =	sadd.s32 $0x40, s24;
	s23 =	sadd.s32 $0x40, s23;
	[tilespmem:v3+s17+$0x0] =	vst.idx.msk $0xffff, v1  }
0x6c0: {  	s23 =	simm.s32 $0x220  }
.LBB2_80:
0x6c1: {  	v3 =	vld [tilespmem:s23+$0xFFFFFFE0];
	_ =	sdelay $0x2  }
0x6c2: {  	v4 =	vmov s22  }
0x6c3: {  	v5 =	vor.u32 s22, v0;
	v4 =	vshll.u32 v4, $0x3  }
0x6c4: {  	v5 =	vand.u32 $0x4F, v5;
	v4 =	vand.u32 $0xC00, v4;
	v6 =	vshll.u32 v3, $0x9  }
0x6c5: {  	v4 =	vor.u32 v4, v5;
	v3 =	vshll.u32 v3, $0x7;
	v6 =	vand.u32 $0xFFFFF000, v6  }
0x6c6: {  	v3 =	vand.u32 $0x380, v3;
	v4 =	vor.u32 v6, v4  }
0x6c7: {  	v3 =	vor.u32 v3, v4;
	_ =	sdelay $0x4  }
0x6c8: {  	[tilespmem:v3+s17+$0x0] =	vst.idx.msk $0xffff, v2  }
0x6c9: {  	v3 =	vld [tilespmem:s23+$0xFFFFFFF0];
	_ =	sdelay $0x1  }
0x6ca: {  	s24 =	sadd.s32 $0x10, s22  }
0x6cb: {  	v55 =	vmov s24  }
0x6cc: {  	v56 =	vor.u32 s24, v0;
	v4 =	vshll.u32 v55, $0x3  }
0x6cd: {  	v5 =	vand.u32 $0x5F, v56;
	v4 =	vand.u32 $0xC00, v4;
	v57 =	vshll.u32 v3, $0x9  }
0x6ce: {  	v4 =	vor.u32 v4, v5;
	v3 =	vshll.u32 v3, $0x7;
	v6 =	vand.u32 $0xFFFFF000, v57  }
0x6cf: {  	v3 =	vand.u32 $0x380, v3;
	v4 =	vor.u32 v6, v4  }
0x6d0: {  	v3 =	vor.u32 v3, v4;
	_ =	sdelay $0x4  }
0x6d1: {  	[tilespmem:v3+s17+$0x0] =	vst.idx.msk $0xffff, v2  }
0x6d2: {  	v3 =	vld [tilespmem:s23+$0x0];
	_ =	sdelay $0x1  }
0x6d3: {  	s25 =	sadd.s32 $0x20, s22  }
0x6d4: {  	v58 =	vmov s25  }
0x6d5: {  	v59 =	vor.u32 s25, v0;
	v4 =	vshll.u32 v58, $0x3  }
0x6d6: {  	v5 =	vand.u32 $0x6F, v59;
	v4 =	vand.u32 $0xC00, v4;
	v60 =	vshll.u32 v3, $0x9  }
0x6d7: {  	v4 =	vor.u32 v4, v5;
	v3 =	vshll.u32 v3, $0x7;
	v6 =	vand.u32 $0xFFFFF000, v60  }
0x6d8: {  	v3 =	vand.u32 $0x380, v3;
	v4 =	vor.u32 v6, v4  }
0x6d9: {  	v3 =	vor.u32 v3, v4;
	_ =	sdelay $0x4  }
0x6da: {  	[tilespmem:v3+s17+$0x0] =	vst.idx.msk $0xffff, v2  }
0x6db: {  	v3 =	vld [tilespmem:s23+$0x10];
	_ =	sdelay $0x1  }
0x6dc: {  	s26 =	sadd.s32 $0x30, s22  }
0x6dd: {  	v61 =	vmov s26  }
0x6de: {  	v62 =	vor.u32 s26, v0;
	v4 =	vshll.u32 v61, $0x3  }
0x6df: {  	v5 =	vand.u32 $0x7F, v62;
	v4 =	vand.u32 $0xC00, v4;
	v63 =	vshll.u32 v3, $0x9  }
0x6e0: {  	v4 =	vor.u32 v4, v5;
	v3 =	vshll.u32 v3, $0x7;
	v6 =	vand.u32 $0xFFFFF000, v63  }
0x6e1: {  	v3 =	vand.u32 $0x380, v3;
	v4 =	vor.u32 v6, v4  }
0x6e2: {  	p0 =	sne.s32 s22, $0x1C0;
	v3 =	vor.u32 v3, v4  }
.Ltmp39:
0x6e3: {  	_ = 	snop;
	(pc) =	sbr.rel @p0 .LBB2_80-.Ltmp39, $2  }
0x6e4: {  	_ =	sdelay $0x2  }
0x6e5: {  	s22 =	sadd.s32 $0x40, s22;
	s23 =	sadd.s32 $0x40, s23;
	[tilespmem:v3+s17+$0x0] =	vst.idx.msk $0xffff, v2  }
0x6e6: {  	[hbm4b:s10+s14] =	stream.strided.scatter [tilespmem:s17], [sflag:$0x2], $0xD000, s15, s14, $0x38;
	[tilespmem:$0x1A600] =	vst v63  }
0x6e7: {  	s21 =	sadd.s32 $0x1, s21  }
0x6e8: {  	_ =	swait.ge [sflag:s19], $0xD000;
	p0 =	sne.s32 s21, s11  }
.Ltmp40:
0x6e9: {  	[sflag:s19] =	ssyncset.done $0x0;
	(pc) =	sbr.rel @p0 .LBB2_1-.Ltmp40, $4  }
0x6ea: {  	[sflag:s19] =	ssyncadd.s32 $0xFFFF3000  }
0x6eb: {  	_ =	swait.ge [sflag:s20], $0xD000  }
0x6ec: {  	[sflag:s20] =	ssyncset.done $0x0  }
0x6ed: {  	[sflag:s20] =	ssyncadd.s32 $0xFFFF3000  }
0x6ee: {  	_ =	sfence.sel $0x180000  }
0x6ef: {  	[bflag:$0x0] =	sbarrier.arrive $0xFFFF  }
0x6f0: {  	_ =	strace $0x90000047  }
0x6f1: {  	s0 =	stileid.u32;
	[bflag:$0x2] =	sbarrier.arrive $0xFFFF  }
0x6f2: {  	p0 =	sne.s32 s0, $0x0;
	s0 =	rddreg [dreg:$0x2]  }
0x6f3: {  	s0 =	sadd.s32 @!p0 $0x100000, s0  }
0x6f4: {  	[sflag:s0] =	ssyncadd.tile.s32 @!p0 $0x1;
	_ =	shalt  }
.Lfunc_end2:
_tile_overlayer_lowered:
.L_overlay_start_2:
0x6f5: {  	(tag) =	ssettag $0x2  }
0x6f6: {  	s0 =	rddreg [dreg:$0x0];
	s2 =	stileid.u32  }
0x6f7: {  	s1 =	rddreg [dreg:$0x1];
	p0 =	sne.s32 s2, $0x0  }
0x6f8: {  	s3 =	rddreg [dreg:$0x2];
	[bflag:$0x3] =	sbarrier.arrive $0xFFFF;
	s2 =	simm.s32 @!p0 $0x1C03  }
0x6f9: {  	[timem:s3], [sflag:s2] =	dma.local @!p0 [hbm:s0], s1  }
0x6fa: {  	s0 =	simm.s32 @!p0 $0x3  }
0x6fb: {  	_ =	swait.ge @!p0 [sflag:s0], s1  }
0x6fc: {  	s1 =	ssub.s32 @!p0 $0x0, s1;
	[sflag:s0] =	ssyncset.done @!p0 $0x0  }
0x6fd: {  	[sflag:s0] =	ssyncadd.s32 @!p0 s1  }
0x6fe: {  	[bflag:$0x3] =	sbarrier.arrive $0xFFFF  }
0x6ff: {  	_ =	shalt  }

</sc_bundles>
